<compile_context>
chip_gen: v7x
topology: tpu7x:2x2x1
jax: 0.10.2.dev20260603
libtpu: 0.0.44.dev20260713+nightly
codegen_flags: <defaults>
</compile_context>

<pallas_src>
import functools

import jax
import jax.numpy as jnp
from jax import lax
from jax.experimental import pallas as pl
from jax.experimental.pallas import tpu as pltpu
from jax.experimental.pallas import tpu_sc as plsc

N = 10000
D = 128
HEADS = 8
C1 = 16
OUT = 40
E = 320000

NPAD = 10016
DUMMY = N
W1W = D + 8
W2W = 48
NW = 32
CH = 82
CHUNK = 128
NPW = CH * CHUNK
EP = NW * NPW
ROWS_PER_TILE = NPAD // 16
TCBLK = 2504


def _mesh():
    return plsc.VectorSubcoreMesh(core_axis_name="c", subcore_axis_name="s")



def _tc1_body(x_ref, w_ref, ones_ref, cab_ref, cba_ref,
              h_ref, ab_ref, ba_ref, g_ref):
    xb = x_ref[...]
    hb = jnp.dot(xb, w_ref[...], preferred_element_type=jnp.float32)
    hb = hb + ones_ref[...]
    h_ref[...] = hb
    ab = jnp.dot(hb, cab_ref[...], preferred_element_type=jnp.float32)
    ba = jnp.dot(hb, cba_ref[...], preferred_element_type=jnp.float32)
    ab_ref[...] = ab
    ba_ref[...] = ba
    m = jnp.max(ab, axis=0, keepdims=True)
    i = pl.program_id(0)

    @pl.when(i == 0)
    def _():
        g_ref[...] = m

    @pl.when(i > 0)
    def _():
        g_ref[...] = jnp.maximum(g_ref[...], m)


def _tc1(xpad, W1e, ones1, cab, cba):
    grid = NPAD // TCBLK
    return pl.pallas_call(
        _tc1_body,
        grid=(grid,),
        in_specs=[
            pl.BlockSpec((TCBLK, D), lambda i: (i, 0)),
            pl.BlockSpec((D, W1W), lambda i: (0, 0)),
            pl.BlockSpec((1, W1W), lambda i: (0, 0)),
            pl.BlockSpec((W1W, 16), lambda i: (0, 0)),
            pl.BlockSpec((W1W, 16), lambda i: (0, 0)),
        ],
        out_specs=[
            pl.BlockSpec((TCBLK, W1W), lambda i: (i, 0)),
            pl.BlockSpec((TCBLK, 16), lambda i: (i, 0)),
            pl.BlockSpec((TCBLK, 16), lambda i: (i, 0)),
            pl.BlockSpec((1, 16), lambda i: (0, 0)),
        ],
        out_shape=[
            jax.ShapeDtypeStruct((NPAD, W1W), jnp.float32),
            jax.ShapeDtypeStruct((NPAD, 16), jnp.float32),
            jax.ShapeDtypeStruct((NPAD, 16), jnp.float32),
            jax.ShapeDtypeStruct((1, 16), jnp.float32),
        ],
    )(xpad, W1e, ones1, cab, cba)


def _tc2_body(a_ref, b_ref, rexp_ref, bias_ref, w2_ref, ones_ref,
              t2_ref, t2b_ref, g2_ref, ab_ref, ba_ref, gm_ref):
    acc = a_ref[...] + b_ref[...]
    msg = acc[:, :D]
    den = jnp.dot(acc[:, D:], rexp_ref[...], preferred_element_type=jnp.float32)
    hb = msg / (den + 1e-16) + bias_ref[...]
    hb = jnp.where(hb > 0, hb, jnp.exp(hb) - 1.0)
    g2 = jnp.dot(hb, w2_ref[...], preferred_element_type=jnp.float32)
    g2 = g2 + ones_ref[...]
    g2_ref[...] = g2
    ab = jnp.dot(g2, t2_ref[...], preferred_element_type=jnp.float32)
    ba = jnp.dot(g2, t2b_ref[...], preferred_element_type=jnp.float32)
    ab_ref[...] = ab
    ba_ref[...] = ba
    m = jnp.max(ab, axis=0, keepdims=True)
    i = pl.program_id(0)

    @pl.when(i == 0)
    def _():
        gm_ref[...] = m

    @pl.when(i > 0)
    def _():
        gm_ref[...] = jnp.maximum(gm_ref[...], m)


def _tc2(accA, accB, rexp, b1r, W2e, ones2, t2, t2b):
    grid = NPAD // TCBLK
    return pl.pallas_call(
        _tc2_body,
        grid=(grid,),
        in_specs=[
            pl.BlockSpec((TCBLK, W1W), lambda i: (i, 0)),
            pl.BlockSpec((TCBLK, W1W), lambda i: (i, 0)),
            pl.BlockSpec((8, D), lambda i: (0, 0)),
            pl.BlockSpec((1, D), lambda i: (0, 0)),
            pl.BlockSpec((D, W2W), lambda i: (0, 0)),
            pl.BlockSpec((1, W2W), lambda i: (0, 0)),
            pl.BlockSpec((W2W, 16), lambda i: (0, 0)),
            pl.BlockSpec((W2W, 16), lambda i: (0, 0)),
        ],
        out_specs=[
            pl.BlockSpec((TCBLK, W2W), lambda i: (i, 0)),
            pl.BlockSpec((TCBLK, 16), lambda i: (i, 0)),
            pl.BlockSpec((TCBLK, 16), lambda i: (i, 0)),
            pl.BlockSpec((1, 16), lambda i: (0, 0)),
        ],
        out_shape=[
            jax.ShapeDtypeStruct((NPAD, W2W), jnp.float32),
            jax.ShapeDtypeStruct((NPAD, 16), jnp.float32),
            jax.ShapeDtypeStruct((NPAD, 16), jnp.float32),
            jax.ShapeDtypeStruct((1, 16), jnp.float32),
        ],
    )(accA, accB, rexp, b1r, W2e, ones2, t2, t2b)


def _tc3_body(a_ref, b_ref, r2_ref, bias_ref, o_ref):
    acc = a_ref[...] + b_ref[...]
    den = jnp.dot(acc[:, OUT:], r2_ref[...], preferred_element_type=jnp.float32)
    o_ref[...] = acc / (den + 1e-16) + bias_ref[...]


def _tc3(accA, accB, r2, b2p):
    grid = NPAD // TCBLK
    return pl.pallas_call(
        _tc3_body,
        grid=(grid,),
        in_specs=[
            pl.BlockSpec((TCBLK, W2W), lambda i: (i, 0)),
            pl.BlockSpec((TCBLK, W2W), lambda i: (i, 0)),
            pl.BlockSpec((8, W2W), lambda i: (0, 0)),
            pl.BlockSpec((1, W2W), lambda i: (0, 0)),
        ],
        out_specs=pl.BlockSpec((TCBLK, W2W), lambda i: (i, 0)),
        out_shape=jax.ShapeDtypeStruct((NPAD, W2W), jnp.float32),
    )(accA, accB, r2, b2p)



def _sc_edge_body(nheads, width, ab_hbm, ba_hbm, src_hbm, dst_hbm, g_hbm,
                  tab_hbm, zw_hbm, acc_hbm,
                  sidxA, didxA, raA, rbA, rowA,
                  sidxB, didxB, raB, rbB, rowB,
                  gv, acc, semA, semB):
    cid = lax.axis_index("c")
    sid = lax.axis_index("s")
    wid = sid * 2 + cid
    row0 = sid * ROWS_PER_TILE
    pltpu.sync_copy(zw_hbm.at[pl.ds(row0, ROWS_PER_TILE)],
                    acc.at[pl.ds(row0, ROWS_PER_TILE)])
    pltpu.sync_copy(g_hbm, gv)
    plsc.subcore_barrier()
    g = gv[...]
    lane = lax.iota(jnp.int32, 16)
    shift_idx = jnp.where(lane >= 8, lane - 8, 0)

    def issue(c, sidx, didx, ra, rb, row, sem):
        base = pl.multiple_of((wid * CH + jnp.minimum(c, CH - 1)) * CHUNK, CHUNK)
        pltpu.sync_copy(src_hbm.at[pl.ds(base, CHUNK)], sidx)
        pltpu.sync_copy(dst_hbm.at[pl.ds(base, CHUNK)], didx)
        cp1 = pltpu.async_copy(ab_hbm.at[sidx], ra, sem)
        cp2 = pltpu.async_copy(ba_hbm.at[didx], rb, sem)
        cp3 = pltpu.async_copy(tab_hbm.at[sidx], row, sem)
        return cp1, cp2, cp3

    def compute(didx, ra, rb, row, cps):
        for cp in cps:
            cp.wait()

        def inner(k, c2):
            e = ra[k, :] + rb[k, :]
            e = jnp.maximum(e, 0.2 * e)
            p = jnp.exp(e - g)
            if nheads == 1:
                p0 = p[0]
                for j in range(width // 16):
                    row[k, j * 16:(j + 1) * 16] = row[k, j * 16:(j + 1) * 16] * p0
            else:
                for h in range(nheads):
                    row[k, h * 16:(h + 1) * 16] = (
                        row[k, h * 16:(h + 1) * 16] * p[h])
                ps = jnp.where(lane >= 8, jnp.take(p, shift_idx), 1.0)
                row[k, width - 16:width] = row[k, width - 16:width] * ps
            return c2

        lax.fori_loop(0, CHUNK, inner, 0, unroll=4)
        pltpu.sync_copy(row, acc.at[didx], add=True)
        return None

    cpsA = issue(0, sidxA, didxA, raA, rbA, rowA, semA)
    cpsB = issue(1, sidxB, didxB, raB, rbB, rowB, semB)

    def outer(j, carry):
        compute(didxA, raA, rbA, rowA, cpsA)
        issue(2 * j + 2, sidxA, didxA, raA, rbA, rowA, semA)
        compute(didxB, raB, rbB, rowB, cpsB)
        issue(2 * j + 3, sidxB, didxB, raB, rbB, rowB, semB)
        return carry

    lax.fori_loop(0, CH // 2, outer, 0)
    for cps in (cpsA, cpsB):
        for cp in cps:
            cp.wait()
    plsc.subcore_barrier()
    pltpu.sync_copy(acc.at[pl.ds(row0, ROWS_PER_TILE)],
                    acc_hbm.at[cid].at[pl.ds(row0, ROWS_PER_TILE)])


def _sc_edge(nheads, width, ab, ba, src, dst, gvec, table, zw):
    bufs = []
    for _ in range(2):
        bufs += [
            pltpu.VMEM((CHUNK,), jnp.int32),
            pltpu.VMEM((CHUNK,), jnp.int32),
            pltpu.VMEM((CHUNK, 16), jnp.float32),
            pltpu.VMEM((CHUNK, 16), jnp.float32),
            pltpu.VMEM((CHUNK, width), jnp.float32),
        ]
    f = pl.kernel(
        functools.partial(_sc_edge_body, nheads, width),
        out_type=jax.ShapeDtypeStruct((2, NPAD, width), jnp.float32),
        mesh=_mesh(),
        compiler_params=pltpu.CompilerParams(use_tc_tiling_on_sc=False),
        scratch_types=bufs + [
            pltpu.VMEM((16,), jnp.float32),
            pltpu.VMEM_SHARED((NPAD, width), jnp.float32),
            pltpu.SemaphoreType.DMA,
            pltpu.SemaphoreType.DMA,
        ],
    )
    return f(ab, ba, src, dst, gvec, table, zw)



def kernel(x, edge_index, W1, att_src1, att_dst1, b1, W2, att_src2, att_dst2, b2):
    f32 = jnp.float32
    xpad = jnp.zeros((NPAD, D), f32).at[:N].set(x)
    loop = jnp.arange(N, dtype=jnp.int32)
    padi = jnp.full((EP - E - N,), DUMMY, dtype=jnp.int32)
    src = jnp.concatenate([edge_index[0].astype(jnp.int32), loop, padi])
    dst = jnp.concatenate([edge_index[1].astype(jnp.int32), loop, padi])

    eye8 = jnp.eye(HEADS, dtype=f32)
    As = (att_src1[:, :, None] * eye8[:, None, :]).reshape(D, HEADS)
    Ad = (att_dst1[:, :, None] * eye8[:, None, :]).reshape(D, HEADS)
    zero8 = jnp.zeros((8, 16), f32)
    cab = jnp.concatenate([jnp.concatenate([As, Ad], axis=1), zero8], axis=0)
    cba = jnp.concatenate([jnp.concatenate([Ad, As], axis=1), zero8], axis=0)

    W1e = jnp.concatenate([W1, jnp.zeros((D, 8), f32)], axis=1)
    ones1 = jnp.zeros((1, W1W), f32).at[0, D:].set(1.0)
    W2e = jnp.zeros((D, W2W), f32).at[:, :OUT].set(W2)
    ones2 = jnp.zeros((1, W2W), f32).at[0, OUT:].set(1.0)
    t2 = jnp.zeros((W2W, 16), f32).at[:OUT, 0].set(att_src2[0]).at[:OUT, 1].set(att_dst2[0])
    t2b = jnp.zeros((W2W, 16), f32).at[:OUT, 0].set(att_dst2[0]).at[:OUT, 1].set(att_src2[0])
    b1r = b1.reshape(1, D)
    b2p = jnp.zeros((1, W2W), f32).at[0, :OUT].set(b2)

    rexp = jnp.zeros((8, D), f32)
    for h in range(HEADS):
        rexp = rexp.at[h, h * 16:(h + 1) * 16].set(1.0)
    r2 = jnp.zeros((8, W2W), f32).at[0, :].set(1.0)

    zw1 = jnp.zeros((NPAD, W1W), f32)
    zw2 = jnp.zeros((NPAD, W2W), f32)

    h, ab1, ba1, gm1 = _tc1(xpad, W1e, ones1, cab, cba)
    g8 = gm1[0, :8] + gm1[0, 8:]
    g1vec = jnp.concatenate([g8, g8])
    acc1 = _sc_edge(HEADS, W1W, ab1, ba1, src, dst, g1vec, h, zw1)

    g2, ab2, ba2, gm2 = _tc2(acc1[0], acc1[1], rexp, b1r, W2e, ones2, t2, t2b)
    g2vec = jnp.full((16,), gm2[0, 0] + gm2[0, 1], f32)
    acc2 = _sc_edge(1, W2W, ab2, ba2, src, dst, g2vec, g2, zw2)

    out = _tc3(acc2[0], acc2[1], r2, b2p)
    return out[:N, :OUT]

# --- scband reference (transcript-rebuilt; emitter-appended) ---
"""Pipeline reference for scband-gatclassifier-58780922413864 (READ-ONLY COPY).

The authoritative reference and input builder live on the scoring server;
editing this copy changes nothing except your own understanding.
"""

import jax, jax.numpy as jnp
import numpy as np

N, D, H, C1, OUT, E = 10000, 128, 8, 16, 40, 320000


def gat_conv(x, edge_index, W, att_src, att_dst, bias, heads, out_ch, concat, negative_slope=0.2):
    n = x.shape[0]
    loop = jnp.arange(n, dtype=edge_index.dtype)
    src = jnp.concatenate([edge_index[0], loop])
    dst = jnp.concatenate([edge_index[1], loop])
    h = (x @ W).reshape(n, heads, out_ch)
    a_src = (h * att_src[None, :, :]).sum(-1)  # [n, H]
    a_dst = (h * att_dst[None, :, :]).sum(-1)  # [n, H]
    e = a_src[src] + a_dst[dst]  # [E', H]
    e = jax.nn.leaky_relu(e, negative_slope)
    e_max = jax.ops.segment_max(e, dst, num_segments=n)
    e_exp = jnp.exp(e - e_max[dst])
    denom = jax.ops.segment_sum(e_exp, dst, num_segments=n)
    alpha = e_exp / (denom[dst] + 1e-16)
    msg = h[src] * alpha[..., None]  # [E', H, C]
    out = jax.ops.segment_sum(msg, dst, num_segments=n)
    if concat:
        out = out.reshape(n, heads * out_ch)
    else:
        out = out.mean(axis=1)
    return out + bias


def setup_inputs(seed: int = 0):
    key = jax.random.key(seed)
    ks = jax.random.split(key, 10)
    x = jax.random.normal(ks[0], (N, D), dtype=jnp.float32)
    edge_index = jax.random.randint(ks[1], (2, E), 0, N, dtype=jnp.int32)
    W1 = jax.random.normal(ks[2], (D, H * C1), dtype=jnp.float32) * 0.1
    att_src1 = jax.random.normal(ks[3], (H, C1), dtype=jnp.float32) * 0.1
    att_dst1 = jax.random.normal(ks[4], (H, C1), dtype=jnp.float32) * 0.1
    b1 = jnp.zeros((H * C1,), dtype=jnp.float32)
    W2 = jax.random.normal(ks[5], (H * C1, OUT), dtype=jnp.float32) * 0.1
    att_src2 = jax.random.normal(ks[6], (1, OUT), dtype=jnp.float32) * 0.1
    att_dst2 = jax.random.normal(ks[7], (1, OUT), dtype=jnp.float32) * 0.1
    b2 = jnp.zeros((OUT,), dtype=jnp.float32)
    return {"x": x, "edge_index": edge_index, "W1": W1, "att_src1": att_src1,
            "att_dst1": att_dst1, "b1": b1, "W2": W2, "att_src2": att_src2,
            "att_dst2": att_dst2, "b2": b2}


def reference(x, edge_index, W1, att_src1, att_dst1, b1, W2, att_src2, att_dst2, b2):
    # dropout layers are identity in eval mode (p=0.6, training=False)
    h = gat_conv(x, edge_index, W1, att_src1, att_dst1, b1, H, C1, True)
    h = jax.nn.elu(h)
    out = gat_conv(h, edge_index, W2, att_src2, att_dst2, b2, 1, OUT, False)
    return out

if __name__ == "__main__":
    import jax
    _d = setup_inputs()
    print(jax.jit(kernel)(*tuple(_d.values())))

</pallas_src>

<mosaic_0001>
#map = affine_map<(d0, d1) -> (0, 0)>
#map1 = affine_map<(d0, d1) -> (0)>
#map2 = affine_map<(d0, d1) -> (0, 0, 0)>
module attributes {stable_mosaic.version = 14 : i64} {
  func.func @_sc_edge_body(%arg0: i32, %arg1: i32, %arg2: memref<10016x16xf32, #tpu.memory_space<hbm>>, %arg3: memref<10016x16xf32, #tpu.memory_space<hbm>>, %arg4: memref<335872xi32, #tpu.memory_space<hbm>>, %arg5: memref<335872xi32, #tpu.memory_space<hbm>>, %arg6: memref<16xf32, #tpu.memory_space<hbm>>, %arg7: memref<10016x48xf32, #tpu.memory_space<hbm>>, %arg8: memref<10016x48xf32, #tpu.memory_space<hbm>>, %arg9: memref<2x10016x48xf32, #tpu.memory_space<hbm>>, %arg10: memref<128xi32, #tpu.memory_space<vmem>>, %arg11: memref<128xi32, #tpu.memory_space<vmem>>, %arg12: memref<128x16xf32, #tpu.memory_space<vmem>>, %arg13: memref<128x16xf32, #tpu.memory_space<vmem>>, %arg14: memref<128x48xf32, #tpu.memory_space<vmem>>, %arg15: memref<128xi32, #tpu.memory_space<vmem>>, %arg16: memref<128xi32, #tpu.memory_space<vmem>>, %arg17: memref<128x16xf32, #tpu.memory_space<vmem>>, %arg18: memref<128x16xf32, #tpu.memory_space<vmem>>, %arg19: memref<128x48xf32, #tpu.memory_space<vmem>>, %arg20: memref<16xf32, #tpu.memory_space<vmem>>, %arg21: memref<10016x48xf32, #tpu.memory_space<vmem_shared>>, %arg22: memref<!tpu.dma_semaphore, #tpu.memory_space<semaphore_mem>>, %arg23: memref<!tpu.dma_semaphore, #tpu.memory_space<semaphore_mem>>) attributes {dimension_semantics = [#tpu.dimension_semantics<core_parallel>, #tpu.dimension_semantics<subcore_parallel>], iteration_bounds = array<i64: 2, 16>, scalar_prefetch = 0 : i64, scratch_operands = 14 : i64, tpu.core_type = #tpu.core_type<sc_vector_subcore>, window_params = [{transform_indices = #map}, {transform_indices = #map}, {transform_indices = #map1}, {transform_indices = #map1}, {transform_indices = #map1}, {transform_indices = #map}, {transform_indices = #map}, {transform_indices = #map2}]} {
    %mul3A = arith.constant 2 : i32
    %mul3A_0 = arith.muli %arg1, %mul3A : i32
    %add3A = arith.addi %mul3A_0, %arg0 : i32
    %mul3A_1 = arith.constant 626 : i32
    %mul3A_2 = arith.muli %arg1, %mul3A_1 : i32
    "tpu.region"() ({
      %run_scoped3A = tpu.sem_alloc : memref<!tpu.dma_semaphore, #tpu.memory_space<semaphore_mem>>
      %dma_start3A_65 = arith.constant 0 : i32
      %dma_start3A_66 = tpu.memref_slice %arg21[%mul3A_2, %dma_start3A_65] : memref<10016x48xf32, #tpu.memory_space<vmem_shared>> -> memref<626x48xf32, #tpu.memory_space<vmem_shared>>
      %dma_start3A_67 = arith.constant 0 : i32
      %dma_start3A_68 = tpu.memref_slice %arg8[%mul3A_2, %dma_start3A_67] : memref<10016x48xf32, #tpu.memory_space<hbm>> -> memref<626x48xf32, #tpu.memory_space<hbm>>
      tpu.enqueue_dma source(%dma_start3A_68 : memref<626x48xf32, #tpu.memory_space<hbm>>) target(%dma_start3A_66 : memref<626x48xf32, #tpu.memory_space<vmem_shared>>) target_semaphore(%run_scoped3A : memref<!tpu.dma_semaphore, #tpu.memory_space<semaphore_mem>>)
      %dma_wait3A_69 = arith.constant 0 : i32
      %dma_wait3A_70 = tpu.memref_slice %arg21[%mul3A_2, %dma_wait3A_69] : memref<10016x48xf32, #tpu.memory_space<vmem_shared>> -> memref<626x48xf32, #tpu.memory_space<vmem_shared>>
      %dma_wait3A_71 = arith.constant 0 : i32
      %dma_wait3A_72 = tpu.memref_slice %arg8[%mul3A_2, %dma_wait3A_71] : memref<10016x48xf32, #tpu.memory_space<hbm>> -> memref<626x48xf32, #tpu.memory_space<hbm>>
      tpu.wait_dma2 semaphore(%run_scoped3A : memref<!tpu.dma_semaphore, #tpu.memory_space<semaphore_mem>>) src(%dma_wait3A_72 : memref<626x48xf32, #tpu.memory_space<hbm>>) dst(%dma_wait3A_70 : memref<626x48xf32, #tpu.memory_space<vmem_shared>>)
      tpu.yield
    }) : () -> ()
    "tpu.region"() ({
      %run_scoped3A = tpu.sem_alloc : memref<!tpu.dma_semaphore, #tpu.memory_space<semaphore_mem>>
      tpu.enqueue_dma source(%arg6 : memref<16xf32, #tpu.memory_space<hbm>>) target(%arg20 : memref<16xf32, #tpu.memory_space<vmem>>) target_semaphore(%run_scoped3A : memref<!tpu.dma_semaphore, #tpu.memory_space<semaphore_mem>>)
      tpu.wait_dma2 semaphore(%run_scoped3A : memref<!tpu.dma_semaphore, #tpu.memory_space<semaphore_mem>>) src(%arg6 : memref<16xf32, #tpu.memory_space<hbm>>) dst(%arg20 : memref<16xf32, #tpu.memory_space<vmem>>)
      tpu.yield
    }) : () -> ()
    %barrier3A = arith.constant 0 : index
    tpu.barrier barrier_id(%barrier3A)
    %get3A = arith.constant 0 : index
    %get3A_3 = tpu.vector_load %arg20[%get3A] {strides = array<i32>} : memref<16xf32, #tpu.memory_space<vmem>>, vector<16xf32>,
    %get3A_4 = vector.shape_cast %get3A_3 : vector<16xf32> to vector<16xf32>
    %iota3A = tpu.iota {dimensions = array<i32: 0>} : vector<16xi32>
    %ge3A = arith.constant 8 : i32
    %ge3A_5 = vector.broadcast %ge3A : i32 to vector<16xi32>
    %ge3A_6 = arith.cmpi sge, %iota3A, %ge3A_5 : vector<16xi32>
    %sub3A = arith.constant 8 : i32
    %sub3A_7 = vector.broadcast %sub3A : i32 to vector<16xi32>
    %sub3A_8 = arith.subi %iota3A, %sub3A_7 : vector<16xi32>
    %jit3A = arith.constant 0 : i32
    %broadcast_in_dim3A = vector.broadcast %jit3A : i32 to vector<16xi32>
    %select_n3A = arith.select %ge3A_6, %sub3A_8, %broadcast_in_dim3A : vector<16xi1>, vector<16xi32>
    %mul3A_9 = arith.constant 82 : i32
    %mul3A_10 = arith.muli %add3A, %mul3A_9 : i32
    %min3A = arith.constant 0 : i32
    %min3A_11 = arith.constant 81 : i32
    %min3A_12 = arith.minsi %min3A, %min3A_11 : i32
    %add3A_13 = arith.addi %mul3A_10, %min3A_12 : i32
    %mul3A_14 = arith.constant 128 : i32
    %mul3A_15 = arith.muli %add3A_13, %mul3A_14 : i32
    %multiple_of3A = tpu.assume_multiple %mul3A_15, 128 : i32
    "tpu.region"() ({
      %run_scoped3A = tpu.sem_alloc : memref<!tpu.dma_semaphore, #tpu.memory_space<semaphore_mem>>
      %dma_start3A_65 = tpu.memref_slice %arg4[%multiple_of3A] : memref<335872xi32, #tpu.memory_space<hbm>> -> memref<128xi32, #tpu.memory_space<hbm>>
      %dma_start3A_66 = tpu.memref_slice %arg4[%multiple_of3A] : memref<335872xi32, #tpu.memory_space<hbm>> -> memref<128xi32, #tpu.memory_space<hbm>>
      tpu.enqueue_dma source(%dma_start3A_66 : memref<128xi32, #tpu.memory_space<hbm>>) target(%arg10 : memref<128xi32, #tpu.memory_space<vmem>>) target_semaphore(%run_scoped3A : memref<!tpu.dma_semaphore, #tpu.memory_space<semaphore_mem>>)
      %dma_wait3A_67 = tpu.memref_slice %arg4[%multiple_of3A] : memref<335872xi32, #tpu.memory_space<hbm>> -> memref<128xi32, #tpu.memory_space<hbm>>
      %dma_wait3A_68 = tpu.memref_slice %arg4[%multiple_of3A] : memref<335872xi32, #tpu.memory_space<hbm>> -> memref<128xi32, #tpu.memory_space<hbm>>
      tpu.wait_dma2 semaphore(%run_scoped3A : memref<!tpu.dma_semaphore, #tpu.memory_space<semaphore_mem>>) src(%dma_wait3A_68 : memref<128xi32, #tpu.memory_space<hbm>>) dst(%arg10 : memref<128xi32, #tpu.memory_space<vmem>>)
      tpu.yield
    }) : () -> ()
    "tpu.region"() ({
      %run_scoped3A = tpu.sem_alloc : memref<!tpu.dma_semaphore, #tpu.memory_space<semaphore_mem>>
      %dma_start3A_65 = tpu.memref_slice %arg5[%multiple_of3A] : memref<335872xi32, #tpu.memory_space<hbm>> -> memref<128xi32, #tpu.memory_space<hbm>>
      %dma_start3A_66 = tpu.memref_slice %arg5[%multiple_of3A] : memref<335872xi32, #tpu.memory_space<hbm>> -> memref<128xi32, #tpu.memory_space<hbm>>
      tpu.enqueue_dma source(%dma_start3A_66 : memref<128xi32, #tpu.memory_space<hbm>>) target(%arg11 : memref<128xi32, #tpu.memory_space<vmem>>) target_semaphore(%run_scoped3A : memref<!tpu.dma_semaphore, #tpu.memory_space<semaphore_mem>>)
      %dma_wait3A_67 = tpu.memref_slice %arg5[%multiple_of3A] : memref<335872xi32, #tpu.memory_space<hbm>> -> memref<128xi32, #tpu.memory_space<hbm>>
      %dma_wait3A_68 = tpu.memref_slice %arg5[%multiple_of3A] : memref<335872xi32, #tpu.memory_space<hbm>> -> memref<128xi32, #tpu.memory_space<hbm>>
      tpu.wait_dma2 semaphore(%run_scoped3A : memref<!tpu.dma_semaphore, #tpu.memory_space<semaphore_mem>>) src(%dma_wait3A_68 : memref<128xi32, #tpu.memory_space<hbm>>) dst(%arg11 : memref<128xi32, #tpu.memory_space<vmem>>)
      tpu.yield
    }) : () -> ()
    %dma_start3A = arith.constant 0 : i32
    %dma_start3A_16 = arith.constant 0 : i32
    %dma_start3A_17 = tpu.memref_slice %arg2[%dma_start3A, %dma_start3A_16] : memref<10016x16xf32, #tpu.memory_space<hbm>> -> memref<10016x16xf32, #tpu.memory_space<hbm>>
    tpu.enqueue_indirect_dma source(%dma_start3A_17 : memref<10016x16xf32, #tpu.memory_space<hbm>>) target(%arg12 : memref<128x16xf32, #tpu.memory_space<vmem>>) offsets(%arg10 : memref<128xi32, #tpu.memory_space<vmem>>) semaphore(%arg22 : memref<!tpu.dma_semaphore, #tpu.memory_space<semaphore_mem>>)
    %dma_start3A_18 = arith.constant 0 : i32
    %dma_start3A_19 = arith.constant 0 : i32
    %dma_start3A_20 = tpu.memref_slice %arg3[%dma_start3A_18, %dma_start3A_19] : memref<10016x16xf32, #tpu.memory_space<hbm>> -> memref<10016x16xf32, #tpu.memory_space<hbm>>
    tpu.enqueue_indirect_dma source(%dma_start3A_20 : memref<10016x16xf32, #tpu.memory_space<hbm>>) target(%arg13 : memref<128x16xf32, #tpu.memory_space<vmem>>) offsets(%arg11 : memref<128xi32, #tpu.memory_space<vmem>>) semaphore(%arg22 : memref<!tpu.dma_semaphore, #tpu.memory_space<semaphore_mem>>)
    %dma_start3A_21 = arith.constant 0 : i32
    %dma_start3A_22 = arith.constant 0 : i32
    %dma_start3A_23 = tpu.memref_slice %arg7[%dma_start3A_21, %dma_start3A_22] : memref<10016x48xf32, #tpu.memory_space<hbm>> -> memref<10016x48xf32, #tpu.memory_space<hbm>>
    tpu.enqueue_indirect_dma source(%dma_start3A_23 : memref<10016x48xf32, #tpu.memory_space<hbm>>) target(%arg14 : memref<128x48xf32, #tpu.memory_space<vmem>>) offsets(%arg10 : memref<128xi32, #tpu.memory_space<vmem>>) semaphore(%arg22 : memref<!tpu.dma_semaphore, #tpu.memory_space<semaphore_mem>>)
    %mul3A_24 = arith.constant 82 : i32
    %mul3A_25 = arith.muli %add3A, %mul3A_24 : i32
    %min3A_26 = arith.constant 1 : i32
    %min3A_27 = arith.constant 81 : i32
    %min3A_28 = arith.minsi %min3A_26, %min3A_27 : i32
    %add3A_29 = arith.addi %mul3A_25, %min3A_28 : i32
    %mul3A_30 = arith.constant 128 : i32
    %mul3A_31 = arith.muli %add3A_29, %mul3A_30 : i32
    %multiple_of3A_32 = tpu.assume_multiple %mul3A_31, 128 : i32
    "tpu.region"() ({
      %run_scoped3A = tpu.sem_alloc : memref<!tpu.dma_semaphore, #tpu.memory_space<semaphore_mem>>
      %dma_start3A_65 = tpu.memref_slice %arg4[%multiple_of3A_32] : memref<335872xi32, #tpu.memory_space<hbm>> -> memref<128xi32, #tpu.memory_space<hbm>>
      %dma_start3A_66 = tpu.memref_slice %arg4[%multiple_of3A_32] : memref<335872xi32, #tpu.memory_space<hbm>> -> memref<128xi32, #tpu.memory_space<hbm>>
      tpu.enqueue_dma source(%dma_start3A_66 : memref<128xi32, #tpu.memory_space<hbm>>) target(%arg15 : memref<128xi32, #tpu.memory_space<vmem>>) target_semaphore(%run_scoped3A : memref<!tpu.dma_semaphore, #tpu.memory_space<semaphore_mem>>)
      %dma_wait3A_67 = tpu.memref_slice %arg4[%multiple_of3A_32] : memref<335872xi32, #tpu.memory_space<hbm>> -> memref<128xi32, #tpu.memory_space<hbm>>
      %dma_wait3A_68 = tpu.memref_slice %arg4[%multiple_of3A_32] : memref<335872xi32, #tpu.memory_space<hbm>> -> memref<128xi32, #tpu.memory_space<hbm>>
      tpu.wait_dma2 semaphore(%run_scoped3A : memref<!tpu.dma_semaphore, #tpu.memory_space<semaphore_mem>>) src(%dma_wait3A_68 : memref<128xi32, #tpu.memory_space<hbm>>) dst(%arg15 : memref<128xi32, #tpu.memory_space<vmem>>)
      tpu.yield
    }) : () -> ()
    "tpu.region"() ({
      %run_scoped3A = tpu.sem_alloc : memref<!tpu.dma_semaphore, #tpu.memory_space<semaphore_mem>>
      %dma_start3A_65 = tpu.memref_slice %arg5[%multiple_of3A_32] : memref<335872xi32, #tpu.memory_space<hbm>> -> memref<128xi32, #tpu.memory_space<hbm>>
      %dma_start3A_66 = tpu.memref_slice %arg5[%multiple_of3A_32] : memref<335872xi32, #tpu.memory_space<hbm>> -> memref<128xi32, #tpu.memory_space<hbm>>
      tpu.enqueue_dma source(%dma_start3A_66 : memref<128xi32, #tpu.memory_space<hbm>>) target(%arg16 : memref<128xi32, #tpu.memory_space<vmem>>) target_semaphore(%run_scoped3A : memref<!tpu.dma_semaphore, #tpu.memory_space<semaphore_mem>>)
      %dma_wait3A_67 = tpu.memref_slice %arg5[%multiple_of3A_32] : memref<335872xi32, #tpu.memory_space<hbm>> -> memref<128xi32, #tpu.memory_space<hbm>>
      %dma_wait3A_68 = tpu.memref_slice %arg5[%multiple_of3A_32] : memref<335872xi32, #tpu.memory_space<hbm>> -> memref<128xi32, #tpu.memory_space<hbm>>
      tpu.wait_dma2 semaphore(%run_scoped3A : memref<!tpu.dma_semaphore, #tpu.memory_space<semaphore_mem>>) src(%dma_wait3A_68 : memref<128xi32, #tpu.memory_space<hbm>>) dst(%arg16 : memref<128xi32, #tpu.memory_space<vmem>>)
      tpu.yield
    }) : () -> ()
    %dma_start3A_33 = arith.constant 0 : i32
    %dma_start3A_34 = arith.constant 0 : i32
    %dma_start3A_35 = tpu.memref_slice %arg2[%dma_start3A_33, %dma_start3A_34] : memref<10016x16xf32, #tpu.memory_space<hbm>> -> memref<10016x16xf32, #tpu.memory_space<hbm>>
    tpu.enqueue_indirect_dma source(%dma_start3A_35 : memref<10016x16xf32, #tpu.memory_space<hbm>>) target(%arg17 : memref<128x16xf32, #tpu.memory_space<vmem>>) offsets(%arg15 : memref<128xi32, #tpu.memory_space<vmem>>) semaphore(%arg23 : memref<!tpu.dma_semaphore, #tpu.memory_space<semaphore_mem>>)
    %dma_start3A_36 = arith.constant 0 : i32
    %dma_start3A_37 = arith.constant 0 : i32
    %dma_start3A_38 = tpu.memref_slice %arg3[%dma_start3A_36, %dma_start3A_37] : memref<10016x16xf32, #tpu.memory_space<hbm>> -> memref<10016x16xf32, #tpu.memory_space<hbm>>
    tpu.enqueue_indirect_dma source(%dma_start3A_38 : memref<10016x16xf32, #tpu.memory_space<hbm>>) target(%arg18 : memref<128x16xf32, #tpu.memory_space<vmem>>) offsets(%arg16 : memref<128xi32, #tpu.memory_space<vmem>>) semaphore(%arg23 : memref<!tpu.dma_semaphore, #tpu.memory_space<semaphore_mem>>)
    %dma_start3A_39 = arith.constant 0 : i32
    %dma_start3A_40 = arith.constant 0 : i32
    %dma_start3A_41 = tpu.memref_slice %arg7[%dma_start3A_39, %dma_start3A_40] : memref<10016x48xf32, #tpu.memory_space<hbm>> -> memref<10016x48xf32, #tpu.memory_space<hbm>>
    tpu.enqueue_indirect_dma source(%dma_start3A_41 : memref<10016x48xf32, #tpu.memory_space<hbm>>) target(%arg19 : memref<128x48xf32, #tpu.memory_space<vmem>>) offsets(%arg15 : memref<128xi32, #tpu.memory_space<vmem>>) semaphore(%arg23 : memref<!tpu.dma_semaphore, #tpu.memory_space<semaphore_mem>>)
    %scan3A = arith.constant 0 : i32
    %scan3A_42 = arith.constant 0 : i32
    %scan3A_43 = arith.constant 41 : i32
    %scan3A_44 = arith.addi %scan3A_42, %scan3A_43 : i32
    %scan3A_45 = arith.constant 1 : i32
    scf.for %scan3A_65 = %scan3A_42 to %scan3A_44 step %scan3A_45  : i32 {
      %dma_wait3A_66 = arith.constant 0 : i32
      %dma_wait3A_67 = arith.constant 0 : i32
      %dma_wait3A_68 = tpu.memref_slice %arg2[%dma_wait3A_66, %dma_wait3A_67] : memref<10016x16xf32, #tpu.memory_space<hbm>> -> memref<10016x16xf32, #tpu.memory_space<hbm>>
      tpu.wait_indirect_dma semaphore(%arg22 : memref<!tpu.dma_semaphore, #tpu.memory_space<semaphore_mem>>) src(%dma_wait3A_68 : memref<10016x16xf32, #tpu.memory_space<hbm>>) dst(%arg12 : memref<128x16xf32, #tpu.memory_space<vmem>>)
      %dma_wait3A_69 = arith.constant 0 : i32
      %dma_wait3A_70 = arith.constant 0 : i32
      %dma_wait3A_71 = tpu.memref_slice %arg3[%dma_wait3A_69, %dma_wait3A_70] : memref<10016x16xf32, #tpu.memory_space<hbm>> -> memref<10016x16xf32, #tpu.memory_space<hbm>>
      tpu.wait_indirect_dma semaphore(%arg22 : memref<!tpu.dma_semaphore, #tpu.memory_space<semaphore_mem>>) src(%dma_wait3A_71 : memref<10016x16xf32, #tpu.memory_space<hbm>>) dst(%arg13 : memref<128x16xf32, #tpu.memory_space<vmem>>)
      %dma_wait3A_72 = arith.constant 0 : i32
      %dma_wait3A_73 = arith.constant 0 : i32
      %dma_wait3A_74 = tpu.memref_slice %arg7[%dma_wait3A_72, %dma_wait3A_73] : memref<10016x48xf32, #tpu.memory_space<hbm>> -> memref<10016x48xf32, #tpu.memory_space<hbm>>
      tpu.wait_indirect_dma semaphore(%arg22 : memref<!tpu.dma_semaphore, #tpu.memory_space<semaphore_mem>>) src(%dma_wait3A_74 : memref<10016x48xf32, #tpu.memory_space<hbm>>) dst(%arg14 : memref<128x48xf32, #tpu.memory_space<vmem>>)
      %scan3A_75 = arith.constant 0 : i32
      %scan3A_76 = arith.constant 0 : i32
      %scan3A_77 = arith.constant 128 : i32
      %scan3A_78 = arith.addi %scan3A_76, %scan3A_77 : i32
      %scan3A_79 = arith.constant 4 : i32
      scf.for %scan3A_138 = %scan3A_76 to %scan3A_78 step %scan3A_79  : i32 {
        %get3A_139 = arith.index_cast %scan3A_138 : i32 to index
        %get3A_140 = arith.constant 0 : index
        %get3A_141 = tpu.vector_load %arg12[%get3A_139, %get3A_140] {strides = array<i32>} : memref<128x16xf32, #tpu.memory_space<vmem>>, vector<1x16xf32>,
        %get3A_142 = vector.shape_cast %get3A_141 : vector<1x16xf32> to vector<16xf32>
        %get3A_143 = arith.index_cast %scan3A_138 : i32 to index
        %get3A_144 = arith.constant 0 : index
        %get3A_145 = tpu.vector_load %arg13[%get3A_143, %get3A_144] {strides = array<i32>} : memref<128x16xf32, #tpu.memory_space<vmem>>, vector<1x16xf32>,
        %get3A_146 = vector.shape_cast %get3A_145 : vector<1x16xf32> to vector<16xf32>
        %add3A_147 = arith.addf %get3A_142, %get3A_146 : vector<16xf32>
        %mul3A_148 = arith.constant 2.000000e-01 : f32
        %mul3A_149 = vector.broadcast %mul3A_148 : f32 to vector<16xf32>
        %mul3A_150 = arith.mulf %mul3A_149, %add3A_147 : vector<16xf32>
        %max3A = arith.maximumf %add3A_147, %mul3A_150 : vector<16xf32>
        %sub3A_151 = arith.subf %max3A, %get3A_4 : vector<16xf32>
        %exp3A = math.exp %sub3A_151 : vector<16xf32>
        %slice3A = vector.extract_strided_slice %exp3A {offsets = [0], sizes = [1], strides = [1]} : vector<16xf32> to vector<1xf32>
        %squeeze3A = vector.extract %slice3A[0] : f32 from vector<1xf32>
        %get3A_152 = arith.index_cast %scan3A_138 : i32 to index
        %get3A_153 = arith.constant 0 : index
        %get3A_154 = tpu.vector_load %arg14[%get3A_152, %get3A_153] {strides = array<i32>} : memref<128x48xf32, #tpu.memory_space<vmem>>, vector<1x16xf32>,
        %get3A_155 = vector.shape_cast %get3A_154 : vector<1x16xf32> to vector<16xf32>
        %mul3A_156 = vector.broadcast %squeeze3A : f32 to vector<16xf32>
        %mul3A_157 = arith.mulf %get3A_155, %mul3A_156 : vector<16xf32>
        %swap3A = arith.index_cast %scan3A_138 : i32 to index
        %swap3A_158 = arith.constant 0 : index
        %swap3A_159 = tpu.vector_load %arg14[%swap3A, %swap3A_158] {strides = array<i32>} : memref<128x48xf32, #tpu.memory_space<vmem>>, vector<1x16xf32>,
        %swap3A_160 = vector.shape_cast %swap3A_159 : vector<1x16xf32> to vector<16xf32>
        %swap3A_161 = vector.shape_cast %mul3A_157 : vector<16xf32> to vector<1x16xf32>
        tpu.vector_store %arg14[%swap3A, %swap3A_158], %swap3A_161 {strides = array<i32>} : memref<128x48xf32, #tpu.memory_space<vmem>>, vector<1x16xf32>,
        %get3A_162 = arith.index_cast %scan3A_138 : i32 to index
        %get3A_163 = arith.constant 16 : index
        %get3A_164 = tpu.vector_load %arg14[%get3A_162, %get3A_163] {strides = array<i32>} : memref<128x48xf32, #tpu.memory_space<vmem>>, vector<1x16xf32>,
        %get3A_165 = vector.shape_cast %get3A_164 : vector<1x16xf32> to vector<16xf32>
        %mul3A_166 = vector.broadcast %squeeze3A : f32 to vector<16xf32>
        %mul3A_167 = arith.mulf %get3A_165, %mul3A_166 : vector<16xf32>
        %swap3A_168 = arith.index_cast %scan3A_138 : i32 to index
        %swap3A_169 = arith.constant 16 : index
        %swap3A_170 = tpu.vector_load %arg14[%swap3A_168, %swap3A_169] {strides = array<i32>} : memref<128x48xf32, #tpu.memory_space<vmem>>, vector<1x16xf32>,
        %swap3A_171 = vector.shape_cast %swap3A_170 : vector<1x16xf32> to vector<16xf32>
        %swap3A_172 = vector.shape_cast %mul3A_167 : vector<16xf32> to vector<1x16xf32>
        tpu.vector_store %arg14[%swap3A_168, %swap3A_169], %swap3A_172 {strides = array<i32>} : memref<128x48xf32, #tpu.memory_space<vmem>>, vector<1x16xf32>,
        %get3A_173 = arith.index_cast %scan3A_138 : i32 to index
        %get3A_174 = arith.constant 32 : index
        %get3A_175 = tpu.vector_load %arg14[%get3A_173, %get3A_174] {strides = array<i32>} : memref<128x48xf32, #tpu.memory_space<vmem>>, vector<1x16xf32>,
        %get3A_176 = vector.shape_cast %get3A_175 : vector<1x16xf32> to vector<16xf32>
        %mul3A_177 = vector.broadcast %squeeze3A : f32 to vector<16xf32>
        %mul3A_178 = arith.mulf %get3A_176, %mul3A_177 : vector<16xf32>
        %swap3A_179 = arith.index_cast %scan3A_138 : i32 to index
        %swap3A_180 = arith.constant 32 : index
        %swap3A_181 = tpu.vector_load %arg14[%swap3A_179, %swap3A_180] {strides = array<i32>} : memref<128x48xf32, #tpu.memory_space<vmem>>, vector<1x16xf32>,
        %swap3A_182 = vector.shape_cast %swap3A_181 : vector<1x16xf32> to vector<16xf32>
        %swap3A_183 = vector.shape_cast %mul3A_178 : vector<16xf32> to vector<1x16xf32>
        tpu.vector_store %arg14[%swap3A_179, %swap3A_180], %swap3A_183 {strides = array<i32>} : memref<128x48xf32, #tpu.memory_space<vmem>>, vector<1x16xf32>,
        %scan3A_184 = arith.constant 1 : i32
        %scan3A_185 = arith.addi %scan3A_138, %scan3A_184 : i32
        %get3A_186 = arith.index_cast %scan3A_185 : i32 to index
        %get3A_187 = arith.constant 0 : index
        %get3A_188 = tpu.vector_load %arg12[%get3A_186, %get3A_187] {strides = array<i32>} : memref<128x16xf32, #tpu.memory_space<vmem>>, vector<1x16xf32>,
        %get3A_189 = vector.shape_cast %get3A_188 : vector<1x16xf32> to vector<16xf32>
        %get3A_190 = arith.index_cast %scan3A_185 : i32 to index
        %get3A_191 = arith.constant 0 : index
        %get3A_192 = tpu.vector_load %arg13[%get3A_190, %get3A_191] {strides = array<i32>} : memref<128x16xf32, #tpu.memory_space<vmem>>, vector<1x16xf32>,
        %get3A_193 = vector.shape_cast %get3A_192 : vector<1x16xf32> to vector<16xf32>
        %add3A_194 = arith.addf %get3A_189, %get3A_193 : vector<16xf32>
        %mul3A_195 = arith.constant 2.000000e-01 : f32
        %mul3A_196 = vector.broadcast %mul3A_195 : f32 to vector<16xf32>
        %mul3A_197 = arith.mulf %mul3A_196, %add3A_194 : vector<16xf32>
        %max3A_198 = arith.maximumf %add3A_194, %mul3A_197 : vector<16xf32>
        %sub3A_199 = arith.subf %max3A_198, %get3A_4 : vector<16xf32>
        %exp3A_200 = math.exp %sub3A_199 : vector<16xf32>
        %slice3A_201 = vector.extract_strided_slice %exp3A_200 {offsets = [0], sizes = [1], strides = [1]} : vector<16xf32> to vector<1xf32>
        %squeeze3A_202 = vector.extract %slice3A_201[0] : f32 from vector<1xf32>
        %get3A_203 = arith.index_cast %scan3A_185 : i32 to index
        %get3A_204 = arith.constant 0 : index
        %get3A_205 = tpu.vector_load %arg14[%get3A_203, %get3A_204] {strides = array<i32>} : memref<128x48xf32, #tpu.memory_space<vmem>>, vector<1x16xf32>,
        %get3A_206 = vector.shape_cast %get3A_205 : vector<1x16xf32> to vector<16xf32>
        %mul3A_207 = vector.broadcast %squeeze3A_202 : f32 to vector<16xf32>
        %mul3A_208 = arith.mulf %get3A_206, %mul3A_207 : vector<16xf32>
        %swap3A_209 = arith.index_cast %scan3A_185 : i32 to index
        %swap3A_210 = arith.constant 0 : index
        %swap3A_211 = tpu.vector_load %arg14[%swap3A_209, %swap3A_210] {strides = array<i32>} : memref<128x48xf32, #tpu.memory_space<vmem>>, vector<1x16xf32>,
        %swap3A_212 = vector.shape_cast %swap3A_211 : vector<1x16xf32> to vector<16xf32>
        %swap3A_213 = vector.shape_cast %mul3A_208 : vector<16xf32> to vector<1x16xf32>
        tpu.vector_store %arg14[%swap3A_209, %swap3A_210], %swap3A_213 {strides = array<i32>} : memref<128x48xf32, #tpu.memory_space<vmem>>, vector<1x16xf32>,
        %get3A_214 = arith.index_cast %scan3A_185 : i32 to index
        %get3A_215 = arith.constant 16 : index
        %get3A_216 = tpu.vector_load %arg14[%get3A_214, %get3A_215] {strides = array<i32>} : memref<128x48xf32, #tpu.memory_space<vmem>>, vector<1x16xf32>,
        %get3A_217 = vector.shape_cast %get3A_216 : vector<1x16xf32> to vector<16xf32>
        %mul3A_218 = vector.broadcast %squeeze3A_202 : f32 to vector<16xf32>
        %mul3A_219 = arith.mulf %get3A_217, %mul3A_218 : vector<16xf32>
        %swap3A_220 = arith.index_cast %scan3A_185 : i32 to index
        %swap3A_221 = arith.constant 16 : index
        %swap3A_222 = tpu.vector_load %arg14[%swap3A_220, %swap3A_221] {strides = array<i32>} : memref<128x48xf32, #tpu.memory_space<vmem>>, vector<1x16xf32>,
        %swap3A_223 = vector.shape_cast %swap3A_222 : vector<1x16xf32> to vector<16xf32>
        %swap3A_224 = vector.shape_cast %mul3A_219 : vector<16xf32> to vector<1x16xf32>
        tpu.vector_store %arg14[%swap3A_220, %swap3A_221], %swap3A_224 {strides = array<i32>} : memref<128x48xf32, #tpu.memory_space<vmem>>, vector<1x16xf32>,
        %get3A_225 = arith.index_cast %scan3A_185 : i32 to index
        %get3A_226 = arith.constant 32 : index
        %get3A_227 = tpu.vector_load %arg14[%get3A_225, %get3A_226] {strides = array<i32>} : memref<128x48xf32, #tpu.memory_space<vmem>>, vector<1x16xf32>,
        %get3A_228 = vector.shape_cast %get3A_227 : vector<1x16xf32> to vector<16xf32>
        %mul3A_229 = vector.broadcast %squeeze3A_202 : f32 to vector<16xf32>
        %mul3A_230 = arith.mulf %get3A_228, %mul3A_229 : vector<16xf32>
        %swap3A_231 = arith.index_cast %scan3A_185 : i32 to index
        %swap3A_232 = arith.constant 32 : index
        %swap3A_233 = tpu.vector_load %arg14[%swap3A_231, %swap3A_232] {strides = array<i32>} : memref<128x48xf32, #tpu.memory_space<vmem>>, vector<1x16xf32>,
        %swap3A_234 = vector.shape_cast %swap3A_233 : vector<1x16xf32> to vector<16xf32>
        %swap3A_235 = vector.shape_cast %mul3A_230 : vector<16xf32> to vector<1x16xf32>
        tpu.vector_store %arg14[%swap3A_231, %swap3A_232], %swap3A_235 {strides = array<i32>} : memref<128x48xf32, #tpu.memory_space<vmem>>, vector<1x16xf32>,
        %scan3A_236 = arith.constant 2 : i32
        %scan3A_237 = arith.addi %scan3A_138, %scan3A_236 : i32
        %get3A_238 = arith.index_cast %scan3A_237 : i32 to index
        %get3A_239 = arith.constant 0 : index
        %get3A_240 = tpu.vector_load %arg12[%get3A_238, %get3A_239] {strides = array<i32>} : memref<128x16xf32, #tpu.memory_space<vmem>>, vector<1x16xf32>,
        %get3A_241 = vector.shape_cast %get3A_240 : vector<1x16xf32> to vector<16xf32>
        %get3A_242 = arith.index_cast %scan3A_237 : i32 to index
        %get3A_243 = arith.constant 0 : index
        %get3A_244 = tpu.vector_load %arg13[%get3A_242, %get3A_243] {strides = array<i32>} : memref<128x16xf32, #tpu.memory_space<vmem>>, vector<1x16xf32>,
        %get3A_245 = vector.shape_cast %get3A_244 : vector<1x16xf32> to vector<16xf32>
        %add3A_246 = arith.addf %get3A_241, %get3A_245 : vector<16xf32>
        %mul3A_247 = arith.constant 2.000000e-01 : f32
        %mul3A_248 = vector.broadcast %mul3A_247 : f32 to vector<16xf32>
        %mul3A_249 = arith.mulf %mul3A_248, %add3A_246 : vector<16xf32>
        %max3A_250 = arith.maximumf %add3A_246, %mul3A_249 : vector<16xf32>
        %sub3A_251 = arith.subf %max3A_250, %get3A_4 : vector<16xf32>
        %exp3A_252 = math.exp %sub3A_251 : vector<16xf32>
        %slice3A_253 = vector.extract_strided_slice %exp3A_252 {offsets = [0], sizes = [1], strides = [1]} : vector<16xf32> to vector<1xf32>
        %squeeze3A_254 = vector.extract %slice3A_253[0] : f32 from vector<1xf32>
        %get3A_255 = arith.index_cast %scan3A_237 : i32 to index
        %get3A_256 = arith.constant 0 : index
        %get3A_257 = tpu.vector_load %arg14[%get3A_255, %get3A_256] {strides = array<i32>} : memref<128x48xf32, #tpu.memory_space<vmem>>, vector<1x16xf32>,
        %get3A_258 = vector.shape_cast %get3A_257 : vector<1x16xf32> to vector<16xf32>
        %mul3A_259 = vector.broadcast %squeeze3A_254 : f32 to vector<16xf32>
        %mul3A_260 = arith.mulf %get3A_258, %mul3A_259 : vector<16xf32>
        %swap3A_261 = arith.index_cast %scan3A_237 : i32 to index
        %swap3A_262 = arith.constant 0 : index
        %swap3A_263 = tpu.vector_load %arg14[%swap3A_261, %swap3A_262] {strides = array<i32>} : memref<128x48xf32, #tpu.memory_space<vmem>>, vector<1x16xf32>,
        %swap3A_264 = vector.shape_cast %swap3A_263 : vector<1x16xf32> to vector<16xf32>
        %swap3A_265 = vector.shape_cast %mul3A_260 : vector<16xf32> to vector<1x16xf32>
        tpu.vector_store %arg14[%swap3A_261, %swap3A_262], %swap3A_265 {strides = array<i32>} : memref<128x48xf32, #tpu.memory_space<vmem>>, vector<1x16xf32>,
        %get3A_266 = arith.index_cast %scan3A_237 : i32 to index
        %get3A_267 = arith.constant 16 : index
        %get3A_268 = tpu.vector_load %arg14[%get3A_266, %get3A_267] {strides = array<i32>} : memref<128x48xf32, #tpu.memory_space<vmem>>, vector<1x16xf32>,
        %get3A_269 = vector.shape_cast %get3A_268 : vector<1x16xf32> to vector<16xf32>
        %mul3A_270 = vector.broadcast %squeeze3A_254 : f32 to vector<16xf32>
        %mul3A_271 = arith.mulf %get3A_269, %mul3A_270 : vector<16xf32>
        %swap3A_272 = arith.index_cast %scan3A_237 : i32 to index
        %swap3A_273 = arith.constant 16 : index
        %swap3A_274 = tpu.vector_load %arg14[%swap3A_272, %swap3A_273] {strides = array<i32>} : memref<128x48xf32, #tpu.memory_space<vmem>>, vector<1x16xf32>,
        %swap3A_275 = vector.shape_cast %swap3A_274 : vector<1x16xf32> to vector<16xf32>
        %swap3A_276 = vector.shape_cast %mul3A_271 : vector<16xf32> to vector<1x16xf32>
        tpu.vector_store %arg14[%swap3A_272, %swap3A_273], %swap3A_276 {strides = array<i32>} : memref<128x48xf32, #tpu.memory_space<vmem>>, vector<1x16xf32>,
        %get3A_277 = arith.index_cast %scan3A_237 : i32 to index
        %get3A_278 = arith.constant 32 : index
        %get3A_279 = tpu.vector_load %arg14[%get3A_277, %get3A_278] {strides = array<i32>} : memref<128x48xf32, #tpu.memory_space<vmem>>, vector<1x16xf32>,
        %get3A_280 = vector.shape_cast %get3A_279 : vector<1x16xf32> to vector<16xf32>
        %mul3A_281 = vector.broadcast %squeeze3A_254 : f32 to vector<16xf32>
        %mul3A_282 = arith.mulf %get3A_280, %mul3A_281 : vector<16xf32>
        %swap3A_283 = arith.index_cast %scan3A_237 : i32 to index
        %swap3A_284 = arith.constant 32 : index
        %swap3A_285 = tpu.vector_load %arg14[%swap3A_283, %swap3A_284] {strides = array<i32>} : memref<128x48xf32, #tpu.memory_space<vmem>>, vector<1x16xf32>,
        %swap3A_286 = vector.shape_cast %swap3A_285 : vector<1x16xf32> to vector<16xf32>
        %swap3A_287 = vector.shape_cast %mul3A_282 : vector<16xf32> to vector<1x16xf32>
        tpu.vector_store %arg14[%swap3A_283, %swap3A_284], %swap3A_287 {strides = array<i32>} : memref<128x48xf32, #tpu.memory_space<vmem>>, vector<1x16xf32>,
        %scan3A_288 = arith.constant 3 : i32
        %scan3A_289 = arith.addi %scan3A_138, %scan3A_288 : i32
        %get3A_290 = arith.index_cast %scan3A_289 : i32 to index
        %get3A_291 = arith.constant 0 : index
        %get3A_292 = tpu.vector_load %arg12[%get3A_290, %get3A_291] {strides = array<i32>} : memref<128x16xf32, #tpu.memory_space<vmem>>, vector<1x16xf32>,
        %get3A_293 = vector.shape_cast %get3A_292 : vector<1x16xf32> to vector<16xf32>
        %get3A_294 = arith.index_cast %scan3A_289 : i32 to index
        %get3A_295 = arith.constant 0 : index
        %get3A_296 = tpu.vector_load %arg13[%get3A_294, %get3A_295] {strides = array<i32>} : memref<128x16xf32, #tpu.memory_space<vmem>>, vector<1x16xf32>,
        %get3A_297 = vector.shape_cast %get3A_296 : vector<1x16xf32> to vector<16xf32>
        %add3A_298 = arith.addf %get3A_293, %get3A_297 : vector<16xf32>
        %mul3A_299 = arith.constant 2.000000e-01 : f32
        %mul3A_300 = vector.broadcast %mul3A_299 : f32 to vector<16xf32>
        %mul3A_301 = arith.mulf %mul3A_300, %add3A_298 : vector<16xf32>
        %max3A_302 = arith.maximumf %add3A_298, %mul3A_301 : vector<16xf32>
        %sub3A_303 = arith.subf %max3A_302, %get3A_4 : vector<16xf32>
        %exp3A_304 = math.exp %sub3A_303 : vector<16xf32>
        %slice3A_305 = vector.extract_strided_slice %exp3A_304 {offsets = [0], sizes = [1], strides = [1]} : vector<16xf32> to vector<1xf32>
        %squeeze3A_306 = vector.extract %slice3A_305[0] : f32 from vector<1xf32>
        %get3A_307 = arith.index_cast %scan3A_289 : i32 to index
        %get3A_308 = arith.constant 0 : index
        %get3A_309 = tpu.vector_load %arg14[%get3A_307, %get3A_308] {strides = array<i32>} : memref<128x48xf32, #tpu.memory_space<vmem>>, vector<1x16xf32>,
        %get3A_310 = vector.shape_cast %get3A_309 : vector<1x16xf32> to vector<16xf32>
        %mul3A_311 = vector.broadcast %squeeze3A_306 : f32 to vector<16xf32>
        %mul3A_312 = arith.mulf %get3A_310, %mul3A_311 : vector<16xf32>
        %swap3A_313 = arith.index_cast %scan3A_289 : i32 to index
        %swap3A_314 = arith.constant 0 : index
        %swap3A_315 = tpu.vector_load %arg14[%swap3A_313, %swap3A_314] {strides = array<i32>} : memref<128x48xf32, #tpu.memory_space<vmem>>, vector<1x16xf32>,
        %swap3A_316 = vector.shape_cast %swap3A_315 : vector<1x16xf32> to vector<16xf32>
        %swap3A_317 = vector.shape_cast %mul3A_312 : vector<16xf32> to vector<1x16xf32>
        tpu.vector_store %arg14[%swap3A_313, %swap3A_314], %swap3A_317 {strides = array<i32>} : memref<128x48xf32, #tpu.memory_space<vmem>>, vector<1x16xf32>,
        %get3A_318 = arith.index_cast %scan3A_289 : i32 to index
        %get3A_319 = arith.constant 16 : index
        %get3A_320 = tpu.vector_load %arg14[%get3A_318, %get3A_319] {strides = array<i32>} : memref<128x48xf32, #tpu.memory_space<vmem>>, vector<1x16xf32>,
        %get3A_321 = vector.shape_cast %get3A_320 : vector<1x16xf32> to vector<16xf32>
        %mul3A_322 = vector.broadcast %squeeze3A_306 : f32 to vector<16xf32>
        %mul3A_323 = arith.mulf %get3A_321, %mul3A_322 : vector<16xf32>
        %swap3A_324 = arith.index_cast %scan3A_289 : i32 to index
        %swap3A_325 = arith.constant 16 : index
        %swap3A_326 = tpu.vector_load %arg14[%swap3A_324, %swap3A_325] {strides = array<i32>} : memref<128x48xf32, #tpu.memory_space<vmem>>, vector<1x16xf32>,
        %swap3A_327 = vector.shape_cast %swap3A_326 : vector<1x16xf32> to vector<16xf32>
        %swap3A_328 = vector.shape_cast %mul3A_323 : vector<16xf32> to vector<1x16xf32>
        tpu.vector_store %arg14[%swap3A_324, %swap3A_325], %swap3A_328 {strides = array<i32>} : memref<128x48xf32, #tpu.memory_space<vmem>>, vector<1x16xf32>,
        %get3A_329 = arith.index_cast %scan3A_289 : i32 to index
        %get3A_330 = arith.constant 32 : index
        %get3A_331 = tpu.vector_load %arg14[%get3A_329, %get3A_330] {strides = array<i32>} : memref<128x48xf32, #tpu.memory_space<vmem>>, vector<1x16xf32>,
        %get3A_332 = vector.shape_cast %get3A_331 : vector<1x16xf32> to vector<16xf32>
        %mul3A_333 = vector.broadcast %squeeze3A_306 : f32 to vector<16xf32>
        %mul3A_334 = arith.mulf %get3A_332, %mul3A_333 : vector<16xf32>
        %swap3A_335 = arith.index_cast %scan3A_289 : i32 to index
        %swap3A_336 = arith.constant 32 : index
        %swap3A_337 = tpu.vector_load %arg14[%swap3A_335, %swap3A_336] {strides = array<i32>} : memref<128x48xf32, #tpu.memory_space<vmem>>, vector<1x16xf32>,
        %swap3A_338 = vector.shape_cast %swap3A_337 : vector<1x16xf32> to vector<16xf32>
        %swap3A_339 = vector.shape_cast %mul3A_334 : vector<16xf32> to vector<1x16xf32>
        tpu.vector_store %arg14[%swap3A_335, %swap3A_336], %swap3A_339 {strides = array<i32>} : memref<128x48xf32, #tpu.memory_space<vmem>>, vector<1x16xf32>,
      }
      %scan3A_80 = arith.constant 128 : i32
      "tpu.region"() ({
        %run_scoped3A = tpu.sem_alloc : memref<!tpu.dma_semaphore, #tpu.memory_space<semaphore_mem>>
        %dma_start3A_138 = arith.constant 0 : i32
        %dma_start3A_139 = arith.constant 0 : i32
        %dma_start3A_140 = tpu.memref_slice %arg21[%dma_start3A_138, %dma_start3A_139] : memref<10016x48xf32, #tpu.memory_space<vmem_shared>> -> memref<10016x48xf32, #tpu.memory_space<vmem_shared>>
        tpu.enqueue_indirect_dma source(%arg14 : memref<128x48xf32, #tpu.memory_space<vmem>>) target(%dma_start3A_140 : memref<10016x48xf32, #tpu.memory_space<vmem_shared>>) offsets(%arg11 : memref<128xi32, #tpu.memory_space<vmem>>) semaphore(%run_scoped3A : memref<!tpu.dma_semaphore, #tpu.memory_space<semaphore_mem>>) {add = true}
        %dma_wait3A_141 = arith.constant 0 : i32
        %dma_wait3A_142 = arith.constant 0 : i32
        %dma_wait3A_143 = tpu.memref_slice %arg21[%dma_wait3A_141, %dma_wait3A_142] : memref<10016x48xf32, #tpu.memory_space<vmem_shared>> -> memref<10016x48xf32, #tpu.memory_space<vmem_shared>>
        tpu.wait_indirect_dma semaphore(%run_scoped3A : memref<!tpu.dma_semaphore, #tpu.memory_space<semaphore_mem>>) src(%arg14 : memref<128x48xf32, #tpu.memory_space<vmem>>) dst(%dma_wait3A_143 : memref<10016x48xf32, #tpu.memory_space<vmem_shared>>)
        tpu.yield
      }) : () -> ()
      %mul3A_81 = arith.constant 2 : i32
      %mul3A_82 = arith.muli %mul3A_81, %scan3A_65 : i32
      %add3A_83 = arith.constant 2 : i32
      %add3A_84 = arith.addi %mul3A_82, %add3A_83 : i32
      %mul3A_85 = arith.constant 82 : i32
      %mul3A_86 = arith.muli %add3A, %mul3A_85 : i32
      %min3A_87 = arith.constant 81 : i32
      %min3A_88 = arith.minsi %add3A_84, %min3A_87 : i32
      %add3A_89 = arith.addi %mul3A_86, %min3A_88 : i32
      %mul3A_90 = arith.constant 128 : i32
      %mul3A_91 = arith.muli %add3A_89, %mul3A_90 : i32
      %multiple_of3A_92 = tpu.assume_multiple %mul3A_91, 128 : i32
      "tpu.region"() ({
        %run_scoped3A = tpu.sem_alloc : memref<!tpu.dma_semaphore, #tpu.memory_space<semaphore_mem>>
        %dma_start3A_138 = tpu.memref_slice %arg4[%multiple_of3A_92] : memref<335872xi32, #tpu.memory_space<hbm>> -> memref<128xi32, #tpu.memory_space<hbm>>
        %dma_start3A_139 = tpu.memref_slice %arg4[%multiple_of3A_92] : memref<335872xi32, #tpu.memory_space<hbm>> -> memref<128xi32, #tpu.memory_space<hbm>>
        tpu.enqueue_dma source(%dma_start3A_139 : memref<128xi32, #tpu.memory_space<hbm>>) target(%arg10 : memref<128xi32, #tpu.memory_space<vmem>>) target_semaphore(%run_scoped3A : memref<!tpu.dma_semaphore, #tpu.memory_space<semaphore_mem>>)
        %dma_wait3A_140 = tpu.memref_slice %arg4[%multiple_of3A_92] : memref<335872xi32, #tpu.memory_space<hbm>> -> memref<128xi32, #tpu.memory_space<hbm>>
        %dma_wait3A_141 = tpu.memref_slice %arg4[%multiple_of3A_92] : memref<335872xi32, #tpu.memory_space<hbm>> -> memref<128xi32, #tpu.memory_space<hbm>>
        tpu.wait_dma2 semaphore(%run_scoped3A : memref<!tpu.dma_semaphore, #tpu.memory_space<semaphore_mem>>) src(%dma_wait3A_141 : memref<128xi32, #tpu.memory_space<hbm>>) dst(%arg10 : memref<128xi32, #tpu.memory_space<vmem>>)
        tpu.yield
      }) : () -> ()
      "tpu.region"() ({
        %run_scoped3A = tpu.sem_alloc : memref<!tpu.dma_semaphore, #tpu.memory_space<semaphore_mem>>
        %dma_start3A_138 = tpu.memref_slice %arg5[%multiple_of3A_92] : memref<335872xi32, #tpu.memory_space<hbm>> -> memref<128xi32, #tpu.memory_space<hbm>>
        %dma_start3A_139 = tpu.memref_slice %arg5[%multiple_of3A_92] : memref<335872xi32, #tpu.memory_space<hbm>> -> memref<128xi32, #tpu.memory_space<hbm>>
        tpu.enqueue_dma source(%dma_start3A_139 : memref<128xi32, #tpu.memory_space<hbm>>) target(%arg11 : memref<128xi32, #tpu.memory_space<vmem>>) target_semaphore(%run_scoped3A : memref<!tpu.dma_semaphore, #tpu.memory_space<semaphore_mem>>)
        %dma_wait3A_140 = tpu.memref_slice %arg5[%multiple_of3A_92] : memref<335872xi32, #tpu.memory_space<hbm>> -> memref<128xi32, #tpu.memory_space<hbm>>
        %dma_wait3A_141 = tpu.memref_slice %arg5[%multiple_of3A_92] : memref<335872xi32, #tpu.memory_space<hbm>> -> memref<128xi32, #tpu.memory_space<hbm>>
        tpu.wait_dma2 semaphore(%run_scoped3A : memref<!tpu.dma_semaphore, #tpu.memory_space<semaphore_mem>>) src(%dma_wait3A_141 : memref<128xi32, #tpu.memory_space<hbm>>) dst(%arg11 : memref<128xi32, #tpu.memory_space<vmem>>)
        tpu.yield
      }) : () -> ()
      %dma_start3A_93 = arith.constant 0 : i32
      %dma_start3A_94 = arith.constant 0 : i32
      %dma_start3A_95 = tpu.memref_slice %arg2[%dma_start3A_93, %dma_start3A_94] : memref<10016x16xf32, #tpu.memory_space<hbm>> -> memref<10016x16xf32, #tpu.memory_space<hbm>>
      tpu.enqueue_indirect_dma source(%dma_start3A_95 : memref<10016x16xf32, #tpu.memory_space<hbm>>) target(%arg12 : memref<128x16xf32, #tpu.memory_space<vmem>>) offsets(%arg10 : memref<128xi32, #tpu.memory_space<vmem>>) semaphore(%arg22 : memref<!tpu.dma_semaphore, #tpu.memory_space<semaphore_mem>>)
      %dma_start3A_96 = arith.constant 0 : i32
      %dma_start3A_97 = arith.constant 0 : i32
      %dma_start3A_98 = tpu.memref_slice %arg3[%dma_start3A_96, %dma_start3A_97] : memref<10016x16xf32, #tpu.memory_space<hbm>> -> memref<10016x16xf32, #tpu.memory_space<hbm>>
      tpu.enqueue_indirect_dma source(%dma_start3A_98 : memref<10016x16xf32, #tpu.memory_space<hbm>>) target(%arg13 : memref<128x16xf32, #tpu.memory_space<vmem>>) offsets(%arg11 : memref<128xi32, #tpu.memory_space<vmem>>) semaphore(%arg22 : memref<!tpu.dma_semaphore, #tpu.memory_space<semaphore_mem>>)
      %dma_start3A_99 = arith.constant 0 : i32
      %dma_start3A_100 = arith.constant 0 : i32
      %dma_start3A_101 = tpu.memref_slice %arg7[%dma_start3A_99, %dma_start3A_100] : memref<10016x48xf32, #tpu.memory_space<hbm>> -> memref<10016x48xf32, #tpu.memory_space<hbm>>
      tpu.enqueue_indirect_dma source(%dma_start3A_101 : memref<10016x48xf32, #tpu.memory_space<hbm>>) target(%arg14 : memref<128x48xf32, #tpu.memory_space<vmem>>) offsets(%arg10 : memref<128xi32, #tpu.memory_space<vmem>>) semaphore(%arg22 : memref<!tpu.dma_semaphore, #tpu.memory_space<semaphore_mem>>)
      %dma_wait3A_102 = arith.constant 0 : i32
      %dma_wait3A_103 = arith.constant 0 : i32
      %dma_wait3A_104 = tpu.memref_slice %arg2[%dma_wait3A_102, %dma_wait3A_103] : memref<10016x16xf32, #tpu.memory_space<hbm>> -> memref<10016x16xf32, #tpu.memory_space<hbm>>
      tpu.wait_indirect_dma semaphore(%arg23 : memref<!tpu.dma_semaphore, #tpu.memory_space<semaphore_mem>>) src(%dma_wait3A_104 : memref<10016x16xf32, #tpu.memory_space<hbm>>) dst(%arg17 : memref<128x16xf32, #tpu.memory_space<vmem>>)
      %dma_wait3A_105 = arith.constant 0 : i32
      %dma_wait3A_106 = arith.constant 0 : i32
      %dma_wait3A_107 = tpu.memref_slice %arg3[%dma_wait3A_105, %dma_wait3A_106] : memref<10016x16xf32, #tpu.memory_space<hbm>> -> memref<10016x16xf32, #tpu.memory_space<hbm>>
      tpu.wait_indirect_dma semaphore(%arg23 : memref<!tpu.dma_semaphore, #tpu.memory_space<semaphore_mem>>) src(%dma_wait3A_107 : memref<10016x16xf32, #tpu.memory_space<hbm>>) dst(%arg18 : memref<128x16xf32, #tpu.memory_space<vmem>>)
      %dma_wait3A_108 = arith.constant 0 : i32
      %dma_wait3A_109 = arith.constant 0 : i32
      %dma_wait3A_110 = tpu.memref_slice %arg7[%dma_wait3A_108, %dma_wait3A_109] : memref<10016x48xf32, #tpu.memory_space<hbm>> -> memref<10016x48xf32, #tpu.memory_space<hbm>>
      tpu.wait_indirect_dma semaphore(%arg23 : memref<!tpu.dma_semaphore, #tpu.memory_space<semaphore_mem>>) src(%dma_wait3A_110 : memref<10016x48xf32, #tpu.memory_space<hbm>>) dst(%arg19 : memref<128x48xf32, #tpu.memory_space<vmem>>)
      %scan3A_111 = arith.constant 0 : i32
      %scan3A_112 = arith.constant 0 : i32
      %scan3A_113 = arith.constant 128 : i32
      %scan3A_114 = arith.addi %scan3A_112, %scan3A_113 : i32
      %scan3A_115 = arith.constant 4 : i32
      scf.for %scan3A_138 = %scan3A_112 to %scan3A_114 step %scan3A_115  : i32 {
        %get3A_139 = arith.index_cast %scan3A_138 : i32 to index
        %get3A_140 = arith.constant 0 : index
        %get3A_141 = tpu.vector_load %arg17[%get3A_139, %get3A_140] {strides = array<i32>} : memref<128x16xf32, #tpu.memory_space<vmem>>, vector<1x16xf32>,
        %get3A_142 = vector.shape_cast %get3A_141 : vector<1x16xf32> to vector<16xf32>
        %get3A_143 = arith.index_cast %scan3A_138 : i32 to index
        %get3A_144 = arith.constant 0 : index
        %get3A_145 = tpu.vector_load %arg18[%get3A_143, %get3A_144] {strides = array<i32>} : memref<128x16xf32, #tpu.memory_space<vmem>>, vector<1x16xf32>,
        %get3A_146 = vector.shape_cast %get3A_145 : vector<1x16xf32> to vector<16xf32>
        %add3A_147 = arith.addf %get3A_142, %get3A_146 : vector<16xf32>
        %mul3A_148 = arith.constant 2.000000e-01 : f32
        %mul3A_149 = vector.broadcast %mul3A_148 : f32 to vector<16xf32>
        %mul3A_150 = arith.mulf %mul3A_149, %add3A_147 : vector<16xf32>
        %max3A = arith.maximumf %add3A_147, %mul3A_150 : vector<16xf32>
        %sub3A_151 = arith.subf %max3A, %get3A_4 : vector<16xf32>
        %exp3A = math.exp %sub3A_151 : vector<16xf32>
        %slice3A = vector.extract_strided_slice %exp3A {offsets = [0], sizes = [1], strides = [1]} : vector<16xf32> to vector<1xf32>
        %squeeze3A = vector.extract %slice3A[0] : f32 from vector<1xf32>
        %get3A_152 = arith.index_cast %scan3A_138 : i32 to index
        %get3A_153 = arith.constant 0 : index
        %get3A_154 = tpu.vector_load %arg19[%get3A_152, %get3A_153] {strides = array<i32>} : memref<128x48xf32, #tpu.memory_space<vmem>>, vector<1x16xf32>,
        %get3A_155 = vector.shape_cast %get3A_154 : vector<1x16xf32> to vector<16xf32>
        %mul3A_156 = vector.broadcast %squeeze3A : f32 to vector<16xf32>
        %mul3A_157 = arith.mulf %get3A_155, %mul3A_156 : vector<16xf32>
        %swap3A = arith.index_cast %scan3A_138 : i32 to index
        %swap3A_158 = arith.constant 0 : index
        %swap3A_159 = tpu.vector_load %arg19[%swap3A, %swap3A_158] {strides = array<i32>} : memref<128x48xf32, #tpu.memory_space<vmem>>, vector<1x16xf32>,
        %swap3A_160 = vector.shape_cast %swap3A_159 : vector<1x16xf32> to vector<16xf32>
        %swap3A_161 = vector.shape_cast %mul3A_157 : vector<16xf32> to vector<1x16xf32>
        tpu.vector_store %arg19[%swap3A, %swap3A_158], %swap3A_161 {strides = array<i32>} : memref<128x48xf32, #tpu.memory_space<vmem>>, vector<1x16xf32>,
        %get3A_162 = arith.index_cast %scan3A_138 : i32 to index
        %get3A_163 = arith.constant 16 : index
        %get3A_164 = tpu.vector_load %arg19[%get3A_162, %get3A_163] {strides = array<i32>} : memref<128x48xf32, #tpu.memory_space<vmem>>, vector<1x16xf32>,
        %get3A_165 = vector.shape_cast %get3A_164 : vector<1x16xf32> to vector<16xf32>
        %mul3A_166 = vector.broadcast %squeeze3A : f32 to vector<16xf32>
        %mul3A_167 = arith.mulf %get3A_165, %mul3A_166 : vector<16xf32>
        %swap3A_168 = arith.index_cast %scan3A_138 : i32 to index
        %swap3A_169 = arith.constant 16 : index
        %swap3A_170 = tpu.vector_load %arg19[%swap3A_168, %swap3A_169] {strides = array<i32>} : memref<128x48xf32, #tpu.memory_space<vmem>>, vector<1x16xf32>,
        %swap3A_171 = vector.shape_cast %swap3A_170 : vector<1x16xf32> to vector<16xf32>
        %swap3A_172 = vector.shape_cast %mul3A_167 : vector<16xf32> to vector<1x16xf32>
        tpu.vector_store %arg19[%swap3A_168, %swap3A_169], %swap3A_172 {strides = array<i32>} : memref<128x48xf32, #tpu.memory_space<vmem>>, vector<1x16xf32>,
        %get3A_173 = arith.index_cast %scan3A_138 : i32 to index
        %get3A_174 = arith.constant 32 : index
        %get3A_175 = tpu.vector_load %arg19[%get3A_173, %get3A_174] {strides = array<i32>} : memref<128x48xf32, #tpu.memory_space<vmem>>, vector<1x16xf32>,
        %get3A_176 = vector.shape_cast %get3A_175 : vector<1x16xf32> to vector<16xf32>
        %mul3A_177 = vector.broadcast %squeeze3A : f32 to vector<16xf32>
        %mul3A_178 = arith.mulf %get3A_176, %mul3A_177 : vector<16xf32>
        %swap3A_179 = arith.index_cast %scan3A_138 : i32 to index
        %swap3A_180 = arith.constant 32 : index
        %swap3A_181 = tpu.vector_load %arg19[%swap3A_179, %swap3A_180] {strides = array<i32>} : memref<128x48xf32, #tpu.memory_space<vmem>>, vector<1x16xf32>,
        %swap3A_182 = vector.shape_cast %swap3A_181 : vector<1x16xf32> to vector<16xf32>
        %swap3A_183 = vector.shape_cast %mul3A_178 : vector<16xf32> to vector<1x16xf32>
        tpu.vector_store %arg19[%swap3A_179, %swap3A_180], %swap3A_183 {strides = array<i32>} : memref<128x48xf32, #tpu.memory_space<vmem>>, vector<1x16xf32>,
        %scan3A_184 = arith.constant 1 : i32
        %scan3A_185 = arith.addi %scan3A_138, %scan3A_184 : i32
        %get3A_186 = arith.index_cast %scan3A_185 : i32 to index
        %get3A_187 = arith.constant 0 : index
        %get3A_188 = tpu.vector_load %arg17[%get3A_186, %get3A_187] {strides = array<i32>} : memref<128x16xf32, #tpu.memory_space<vmem>>, vector<1x16xf32>,
        %get3A_189 = vector.shape_cast %get3A_188 : vector<1x16xf32> to vector<16xf32>
        %get3A_190 = arith.index_cast %scan3A_185 : i32 to index
        %get3A_191 = arith.constant 0 : index
        %get3A_192 = tpu.vector_load %arg18[%get3A_190, %get3A_191] {strides = array<i32>} : memref<128x16xf32, #tpu.memory_space<vmem>>, vector<1x16xf32>,
        %get3A_193 = vector.shape_cast %get3A_192 : vector<1x16xf32> to vector<16xf32>
        %add3A_194 = arith.addf %get3A_189, %get3A_193 : vector<16xf32>
        %mul3A_195 = arith.constant 2.000000e-01 : f32
        %mul3A_196 = vector.broadcast %mul3A_195 : f32 to vector<16xf32>
        %mul3A_197 = arith.mulf %mul3A_196, %add3A_194 : vector<16xf32>
        %max3A_198 = arith.maximumf %add3A_194, %mul3A_197 : vector<16xf32>
        %sub3A_199 = arith.subf %max3A_198, %get3A_4 : vector<16xf32>
        %exp3A_200 = math.exp %sub3A_199 : vector<16xf32>
        %slice3A_201 = vector.extract_strided_slice %exp3A_200 {offsets = [0], sizes = [1], strides = [1]} : vector<16xf32> to vector<1xf32>
        %squeeze3A_202 = vector.extract %slice3A_201[0] : f32 from vector<1xf32>
        %get3A_203 = arith.index_cast %scan3A_185 : i32 to index
        %get3A_204 = arith.constant 0 : index
        %get3A_205 = tpu.vector_load %arg19[%get3A_203, %get3A_204] {strides = array<i32>} : memref<128x48xf32, #tpu.memory_space<vmem>>, vector<1x16xf32>,
        %get3A_206 = vector.shape_cast %get3A_205 : vector<1x16xf32> to vector<16xf32>
        %mul3A_207 = vector.broadcast %squeeze3A_202 : f32 to vector<16xf32>
        %mul3A_208 = arith.mulf %get3A_206, %mul3A_207 : vector<16xf32>
        %swap3A_209 = arith.index_cast %scan3A_185 : i32 to index
        %swap3A_210 = arith.constant 0 : index
        %swap3A_211 = tpu.vector_load %arg19[%swap3A_209, %swap3A_210] {strides = array<i32>} : memref<128x48xf32, #tpu.memory_space<vmem>>, vector<1x16xf32>,
        %swap3A_212 = vector.shape_cast %swap3A_211 : vector<1x16xf32> to vector<16xf32>
        %swap3A_213 = vector.shape_cast %mul3A_208 : vector<16xf32> to vector<1x16xf32>
        tpu.vector_store %arg19[%swap3A_209, %swap3A_210], %swap3A_213 {strides = array<i32>} : memref<128x48xf32, #tpu.memory_space<vmem>>, vector<1x16xf32>,
        %get3A_214 = arith.index_cast %scan3A_185 : i32 to index
        %get3A_215 = arith.constant 16 : index
        %get3A_216 = tpu.vector_load %arg19[%get3A_214, %get3A_215] {strides = array<i32>} : memref<128x48xf32, #tpu.memory_space<vmem>>, vector<1x16xf32>,
        %get3A_217 = vector.shape_cast %get3A_216 : vector<1x16xf32> to vector<16xf32>
        %mul3A_218 = vector.broadcast %squeeze3A_202 : f32 to vector<16xf32>
        %mul3A_219 = arith.mulf %get3A_217, %mul3A_218 : vector<16xf32>
        %swap3A_220 = arith.index_cast %scan3A_185 : i32 to index
        %swap3A_221 = arith.constant 16 : index
        %swap3A_222 = tpu.vector_load %arg19[%swap3A_220, %swap3A_221] {strides = array<i32>} : memref<128x48xf32, #tpu.memory_space<vmem>>, vector<1x16xf32>,
        %swap3A_223 = vector.shape_cast %swap3A_222 : vector<1x16xf32> to vector<16xf32>
        %swap3A_224 = vector.shape_cast %mul3A_219 : vector<16xf32> to vector<1x16xf32>
        tpu.vector_store %arg19[%swap3A_220, %swap3A_221], %swap3A_224 {strides = array<i32>} : memref<128x48xf32, #tpu.memory_space<vmem>>, vector<1x16xf32>,
        %get3A_225 = arith.index_cast %scan3A_185 : i32 to index
        %get3A_226 = arith.constant 32 : index
        %get3A_227 = tpu.vector_load %arg19[%get3A_225, %get3A_226] {strides = array<i32>} : memref<128x48xf32, #tpu.memory_space<vmem>>, vector<1x16xf32>,
        %get3A_228 = vector.shape_cast %get3A_227 : vector<1x16xf32> to vector<16xf32>
        %mul3A_229 = vector.broadcast %squeeze3A_202 : f32 to vector<16xf32>
        %mul3A_230 = arith.mulf %get3A_228, %mul3A_229 : vector<16xf32>
        %swap3A_231 = arith.index_cast %scan3A_185 : i32 to index
        %swap3A_232 = arith.constant 32 : index
        %swap3A_233 = tpu.vector_load %arg19[%swap3A_231, %swap3A_232] {strides = array<i32>} : memref<128x48xf32, #tpu.memory_space<vmem>>, vector<1x16xf32>,
        %swap3A_234 = vector.shape_cast %swap3A_233 : vector<1x16xf32> to vector<16xf32>
        %swap3A_235 = vector.shape_cast %mul3A_230 : vector<16xf32> to vector<1x16xf32>
        tpu.vector_store %arg19[%swap3A_231, %swap3A_232], %swap3A_235 {strides = array<i32>} : memref<128x48xf32, #tpu.memory_space<vmem>>, vector<1x16xf32>,
        %scan3A_236 = arith.constant 2 : i32
        %scan3A_237 = arith.addi %scan3A_138, %scan3A_236 : i32
        %get3A_238 = arith.index_cast %scan3A_237 : i32 to index
        %get3A_239 = arith.constant 0 : index
        %get3A_240 = tpu.vector_load %arg17[%get3A_238, %get3A_239] {strides = array<i32>} : memref<128x16xf32, #tpu.memory_space<vmem>>, vector<1x16xf32>,
        %get3A_241 = vector.shape_cast %get3A_240 : vector<1x16xf32> to vector<16xf32>
        %get3A_242 = arith.index_cast %scan3A_237 : i32 to index
        %get3A_243 = arith.constant 0 : index
        %get3A_244 = tpu.vector_load %arg18[%get3A_242, %get3A_243] {strides = array<i32>} : memref<128x16xf32, #tpu.memory_space<vmem>>, vector<1x16xf32>,
        %get3A_245 = vector.shape_cast %get3A_244 : vector<1x16xf32> to vector<16xf32>
        %add3A_246 = arith.addf %get3A_241, %get3A_245 : vector<16xf32>
        %mul3A_247 = arith.constant 2.000000e-01 : f32
        %mul3A_248 = vector.broadcast %mul3A_247 : f32 to vector<16xf32>
        %mul3A_249 = arith.mulf %mul3A_248, %add3A_246 : vector<16xf32>
        %max3A_250 = arith.maximumf %add3A_246, %mul3A_249 : vector<16xf32>
        %sub3A_251 = arith.subf %max3A_250, %get3A_4 : vector<16xf32>
        %exp3A_252 = math.exp %sub3A_251 : vector<16xf32>
        %slice3A_253 = vector.extract_strided_slice %exp3A_252 {offsets = [0], sizes = [1], strides = [1]} : vector<16xf32> to vector<1xf32>
        %squeeze3A_254 = vector.extract %slice3A_253[0] : f32 from vector<1xf32>
        %get3A_255 = arith.index_cast %scan3A_237 : i32 to index
        %get3A_256 = arith.constant 0 : index
        %get3A_257 = tpu.vector_load %arg19[%get3A_255, %get3A_256] {strides = array<i32>} : memref<128x48xf32, #tpu.memory_space<vmem>>, vector<1x16xf32>,
        %get3A_258 = vector.shape_cast %get3A_257 : vector<1x16xf32> to vector<16xf32>
        %mul3A_259 = vector.broadcast %squeeze3A_254 : f32 to vector<16xf32>
        %mul3A_260 = arith.mulf %get3A_258, %mul3A_259 : vector<16xf32>
        %swap3A_261 = arith.index_cast %scan3A_237 : i32 to index
        %swap3A_262 = arith.constant 0 : index
        %swap3A_263 = tpu.vector_load %arg19[%swap3A_261, %swap3A_262] {strides = array<i32>} : memref<128x48xf32, #tpu.memory_space<vmem>>, vector<1x16xf32>,
        %swap3A_264 = vector.shape_cast %swap3A_263 : vector<1x16xf32> to vector<16xf32>
        %swap3A_265 = vector.shape_cast %mul3A_260 : vector<16xf32> to vector<1x16xf32>
        tpu.vector_store %arg19[%swap3A_261, %swap3A_262], %swap3A_265 {strides = array<i32>} : memref<128x48xf32, #tpu.memory_space<vmem>>, vector<1x16xf32>,
        %get3A_266 = arith.index_cast %scan3A_237 : i32 to index
        %get3A_267 = arith.constant 16 : index
        %get3A_268 = tpu.vector_load %arg19[%get3A_266, %get3A_267] {strides = array<i32>} : memref<128x48xf32, #tpu.memory_space<vmem>>, vector<1x16xf32>,
        %get3A_269 = vector.shape_cast %get3A_268 : vector<1x16xf32> to vector<16xf32>
        %mul3A_270 = vector.broadcast %squeeze3A_254 : f32 to vector<16xf32>
        %mul3A_271 = arith.mulf %get3A_269, %mul3A_270 : vector<16xf32>
        %swap3A_272 = arith.index_cast %scan3A_237 : i32 to index
        %swap3A_273 = arith.constant 16 : index
        %swap3A_274 = tpu.vector_load %arg19[%swap3A_272, %swap3A_273] {strides = array<i32>} : memref<128x48xf32, #tpu.memory_space<vmem>>, vector<1x16xf32>,
        %swap3A_275 = vector.shape_cast %swap3A_274 : vector<1x16xf32> to vector<16xf32>
        %swap3A_276 = vector.shape_cast %mul3A_271 : vector<16xf32> to vector<1x16xf32>
        tpu.vector_store %arg19[%swap3A_272, %swap3A_273], %swap3A_276 {strides = array<i32>} : memref<128x48xf32, #tpu.memory_space<vmem>>, vector<1x16xf32>,
        %get3A_277 = arith.index_cast %scan3A_237 : i32 to index
        %get3A_278 = arith.constant 32 : index
        %get3A_279 = tpu.vector_load %arg19[%get3A_277, %get3A_278] {strides = array<i32>} : memref<128x48xf32, #tpu.memory_space<vmem>>, vector<1x16xf32>,
        %get3A_280 = vector.shape_cast %get3A_279 : vector<1x16xf32> to vector<16xf32>
        %mul3A_281 = vector.broadcast %squeeze3A_254 : f32 to vector<16xf32>
        %mul3A_282 = arith.mulf %get3A_280, %mul3A_281 : vector<16xf32>
        %swap3A_283 = arith.index_cast %scan3A_237 : i32 to index
        %swap3A_284 = arith.constant 32 : index
        %swap3A_285 = tpu.vector_load %arg19[%swap3A_283, %swap3A_284] {strides = array<i32>} : memref<128x48xf32, #tpu.memory_space<vmem>>, vector<1x16xf32>,
        %swap3A_286 = vector.shape_cast %swap3A_285 : vector<1x16xf32> to vector<16xf32>
        %swap3A_287 = vector.shape_cast %mul3A_282 : vector<16xf32> to vector<1x16xf32>
        tpu.vector_store %arg19[%swap3A_283, %swap3A_284], %swap3A_287 {strides = array<i32>} : memref<128x48xf32, #tpu.memory_space<vmem>>, vector<1x16xf32>,
        %scan3A_288 = arith.constant 3 : i32
        %scan3A_289 = arith.addi %scan3A_138, %scan3A_288 : i32
        %get3A_290 = arith.index_cast %scan3A_289 : i32 to index
        %get3A_291 = arith.constant 0 : index
        %get3A_292 = tpu.vector_load %arg17[%get3A_290, %get3A_291] {strides = array<i32>} : memref<128x16xf32, #tpu.memory_space<vmem>>, vector<1x16xf32>,
        %get3A_293 = vector.shape_cast %get3A_292 : vector<1x16xf32> to vector<16xf32>
        %get3A_294 = arith.index_cast %scan3A_289 : i32 to index
        %get3A_295 = arith.constant 0 : index
        %get3A_296 = tpu.vector_load %arg18[%get3A_294, %get3A_295] {strides = array<i32>} : memref<128x16xf32, #tpu.memory_space<vmem>>, vector<1x16xf32>,
        %get3A_297 = vector.shape_cast %get3A_296 : vector<1x16xf32> to vector<16xf32>
        %add3A_298 = arith.addf %get3A_293, %get3A_297 : vector<16xf32>
        %mul3A_299 = arith.constant 2.000000e-01 : f32
        %mul3A_300 = vector.broadcast %mul3A_299 : f32 to vector<16xf32>
        %mul3A_301 = arith.mulf %mul3A_300, %add3A_298 : vector<16xf32>
        %max3A_302 = arith.maximumf %add3A_298, %mul3A_301 : vector<16xf32>
        %sub3A_303 = arith.subf %max3A_302, %get3A_4 : vector<16xf32>
        %exp3A_304 = math.exp %sub3A_303 : vector<16xf32>
        %slice3A_305 = vector.extract_strided_slice %exp3A_304 {offsets = [0], sizes = [1], strides = [1]} : vector<16xf32> to vector<1xf32>
        %squeeze3A_306 = vector.extract %slice3A_305[0] : f32 from vector<1xf32>
        %get3A_307 = arith.index_cast %scan3A_289 : i32 to index
        %get3A_308 = arith.constant 0 : index
        %get3A_309 = tpu.vector_load %arg19[%get3A_307, %get3A_308] {strides = array<i32>} : memref<128x48xf32, #tpu.memory_space<vmem>>, vector<1x16xf32>,
        %get3A_310 = vector.shape_cast %get3A_309 : vector<1x16xf32> to vector<16xf32>
        %mul3A_311 = vector.broadcast %squeeze3A_306 : f32 to vector<16xf32>
        %mul3A_312 = arith.mulf %get3A_310, %mul3A_311 : vector<16xf32>
        %swap3A_313 = arith.index_cast %scan3A_289 : i32 to index
        %swap3A_314 = arith.constant 0 : index
        %swap3A_315 = tpu.vector_load %arg19[%swap3A_313, %swap3A_314] {strides = array<i32>} : memref<128x48xf32, #tpu.memory_space<vmem>>, vector<1x16xf32>,
        %swap3A_316 = vector.shape_cast %swap3A_315 : vector<1x16xf32> to vector<16xf32>
        %swap3A_317 = vector.shape_cast %mul3A_312 : vector<16xf32> to vector<1x16xf32>
        tpu.vector_store %arg19[%swap3A_313, %swap3A_314], %swap3A_317 {strides = array<i32>} : memref<128x48xf32, #tpu.memory_space<vmem>>, vector<1x16xf32>,
        %get3A_318 = arith.index_cast %scan3A_289 : i32 to index
        %get3A_319 = arith.constant 16 : index
        %get3A_320 = tpu.vector_load %arg19[%get3A_318, %get3A_319] {strides = array<i32>} : memref<128x48xf32, #tpu.memory_space<vmem>>, vector<1x16xf32>,
        %get3A_321 = vector.shape_cast %get3A_320 : vector<1x16xf32> to vector<16xf32>
        %mul3A_322 = vector.broadcast %squeeze3A_306 : f32 to vector<16xf32>
        %mul3A_323 = arith.mulf %get3A_321, %mul3A_322 : vector<16xf32>
        %swap3A_324 = arith.index_cast %scan3A_289 : i32 to index
        %swap3A_325 = arith.constant 16 : index
        %swap3A_326 = tpu.vector_load %arg19[%swap3A_324, %swap3A_325] {strides = array<i32>} : memref<128x48xf32, #tpu.memory_space<vmem>>, vector<1x16xf32>,
        %swap3A_327 = vector.shape_cast %swap3A_326 : vector<1x16xf32> to vector<16xf32>
        %swap3A_328 = vector.shape_cast %mul3A_323 : vector<16xf32> to vector<1x16xf32>
        tpu.vector_store %arg19[%swap3A_324, %swap3A_325], %swap3A_328 {strides = array<i32>} : memref<128x48xf32, #tpu.memory_space<vmem>>, vector<1x16xf32>,
        %get3A_329 = arith.index_cast %scan3A_289 : i32 to index
        %get3A_330 = arith.constant 32 : index
        %get3A_331 = tpu.vector_load %arg19[%get3A_329, %get3A_330] {strides = array<i32>} : memref<128x48xf32, #tpu.memory_space<vmem>>, vector<1x16xf32>,
        %get3A_332 = vector.shape_cast %get3A_331 : vector<1x16xf32> to vector<16xf32>
        %mul3A_333 = vector.broadcast %squeeze3A_306 : f32 to vector<16xf32>
        %mul3A_334 = arith.mulf %get3A_332, %mul3A_333 : vector<16xf32>
        %swap3A_335 = arith.index_cast %scan3A_289 : i32 to index
        %swap3A_336 = arith.constant 32 : index
        %swap3A_337 = tpu.vector_load %arg19[%swap3A_335, %swap3A_336] {strides = array<i32>} : memref<128x48xf32, #tpu.memory_space<vmem>>, vector<1x16xf32>,
        %swap3A_338 = vector.shape_cast %swap3A_337 : vector<1x16xf32> to vector<16xf32>
        %swap3A_339 = vector.shape_cast %mul3A_334 : vector<16xf32> to vector<1x16xf32>
        tpu.vector_store %arg19[%swap3A_335, %swap3A_336], %swap3A_339 {strides = array<i32>} : memref<128x48xf32, #tpu.memory_space<vmem>>, vector<1x16xf32>,
      }
      %scan3A_116 = arith.constant 128 : i32
      "tpu.region"() ({
        %run_scoped3A = tpu.sem_alloc : memref<!tpu.dma_semaphore, #tpu.memory_space<semaphore_mem>>
        %dma_start3A_138 = arith.constant 0 : i32
        %dma_start3A_139 = arith.constant 0 : i32
        %dma_start3A_140 = tpu.memref_slice %arg21[%dma_start3A_138, %dma_start3A_139] : memref<10016x48xf32, #tpu.memory_space<vmem_shared>> -> memref<10016x48xf32, #tpu.memory_space<vmem_shared>>
        tpu.enqueue_indirect_dma source(%arg19 : memref<128x48xf32, #tpu.memory_space<vmem>>) target(%dma_start3A_140 : memref<10016x48xf32, #tpu.memory_space<vmem_shared>>) offsets(%arg16 : memref<128xi32, #tpu.memory_space<vmem>>) semaphore(%run_scoped3A : memref<!tpu.dma_semaphore, #tpu.memory_space<semaphore_mem>>) {add = true}
        %dma_wait3A_141 = arith.constant 0 : i32
        %dma_wait3A_142 = arith.constant 0 : i32
        %dma_wait3A_143 = tpu.memref_slice %arg21[%dma_wait3A_141, %dma_wait3A_142] : memref<10016x48xf32, #tpu.memory_space<vmem_shared>> -> memref<10016x48xf32, #tpu.memory_space<vmem_shared>>
        tpu.wait_indirect_dma semaphore(%run_scoped3A : memref<!tpu.dma_semaphore, #tpu.memory_space<semaphore_mem>>) src(%arg19 : memref<128x48xf32, #tpu.memory_space<vmem>>) dst(%dma_wait3A_143 : memref<10016x48xf32, #tpu.memory_space<vmem_shared>>)
        tpu.yield
      }) : () -> ()
      %mul3A_117 = arith.constant 2 : i32
      %mul3A_118 = arith.muli %mul3A_117, %scan3A_65 : i32
      %add3A_119 = arith.constant 3 : i32
      %add3A_120 = arith.addi %mul3A_118, %add3A_119 : i32
      %mul3A_121 = arith.constant 82 : i32
      %mul3A_122 = arith.muli %add3A, %mul3A_121 : i32
      %min3A_123 = arith.constant 81 : i32
      %min3A_124 = arith.minsi %add3A_120, %min3A_123 : i32
      %add3A_125 = arith.addi %mul3A_122, %min3A_124 : i32
      %mul3A_126 = arith.constant 128 : i32
      %mul3A_127 = arith.muli %add3A_125, %mul3A_126 : i32
      %multiple_of3A_128 = tpu.assume_multiple %mul3A_127, 128 : i32
      "tpu.region"() ({
        %run_scoped3A = tpu.sem_alloc : memref<!tpu.dma_semaphore, #tpu.memory_space<semaphore_mem>>
        %dma_start3A_138 = tpu.memref_slice %arg4[%multiple_of3A_128] : memref<335872xi32, #tpu.memory_space<hbm>> -> memref<128xi32, #tpu.memory_space<hbm>>
        %dma_start3A_139 = tpu.memref_slice %arg4[%multiple_of3A_128] : memref<335872xi32, #tpu.memory_space<hbm>> -> memref<128xi32, #tpu.memory_space<hbm>>
        tpu.enqueue_dma source(%dma_start3A_139 : memref<128xi32, #tpu.memory_space<hbm>>) target(%arg15 : memref<128xi32, #tpu.memory_space<vmem>>) target_semaphore(%run_scoped3A : memref<!tpu.dma_semaphore, #tpu.memory_space<semaphore_mem>>)
        %dma_wait3A_140 = tpu.memref_slice %arg4[%multiple_of3A_128] : memref<335872xi32, #tpu.memory_space<hbm>> -> memref<128xi32, #tpu.memory_space<hbm>>
        %dma_wait3A_141 = tpu.memref_slice %arg4[%multiple_of3A_128] : memref<335872xi32, #tpu.memory_space<hbm>> -> memref<128xi32, #tpu.memory_space<hbm>>
        tpu.wait_dma2 semaphore(%run_scoped3A : memref<!tpu.dma_semaphore, #tpu.memory_space<semaphore_mem>>) src(%dma_wait3A_141 : memref<128xi32, #tpu.memory_space<hbm>>) dst(%arg15 : memref<128xi32, #tpu.memory_space<vmem>>)
        tpu.yield
      }) : () -> ()
      "tpu.region"() ({
        %run_scoped3A = tpu.sem_alloc : memref<!tpu.dma_semaphore, #tpu.memory_space<semaphore_mem>>
        %dma_start3A_138 = tpu.memref_slice %arg5[%multiple_of3A_128] : memref<335872xi32, #tpu.memory_space<hbm>> -> memref<128xi32, #tpu.memory_space<hbm>>
        %dma_start3A_139 = tpu.memref_slice %arg5[%multiple_of3A_128] : memref<335872xi32, #tpu.memory_space<hbm>> -> memref<128xi32, #tpu.memory_space<hbm>>
        tpu.enqueue_dma source(%dma_start3A_139 : memref<128xi32, #tpu.memory_space<hbm>>) target(%arg16 : memref<128xi32, #tpu.memory_space<vmem>>) target_semaphore(%run_scoped3A : memref<!tpu.dma_semaphore, #tpu.memory_space<semaphore_mem>>)
        %dma_wait3A_140 = tpu.memref_slice %arg5[%multiple_of3A_128] : memref<335872xi32, #tpu.memory_space<hbm>> -> memref<128xi32, #tpu.memory_space<hbm>>
        %dma_wait3A_141 = tpu.memref_slice %arg5[%multiple_of3A_128] : memref<335872xi32, #tpu.memory_space<hbm>> -> memref<128xi32, #tpu.memory_space<hbm>>
        tpu.wait_dma2 semaphore(%run_scoped3A : memref<!tpu.dma_semaphore, #tpu.memory_space<semaphore_mem>>) src(%dma_wait3A_141 : memref<128xi32, #tpu.memory_space<hbm>>) dst(%arg16 : memref<128xi32, #tpu.memory_space<vmem>>)
        tpu.yield
      }) : () -> ()
      %dma_start3A_129 = arith.constant 0 : i32
      %dma_start3A_130 = arith.constant 0 : i32
      %dma_start3A_131 = tpu.memref_slice %arg2[%dma_start3A_129, %dma_start3A_130] : memref<10016x16xf32, #tpu.memory_space<hbm>> -> memref<10016x16xf32, #tpu.memory_space<hbm>>
      tpu.enqueue_indirect_dma source(%dma_start3A_131 : memref<10016x16xf32, #tpu.memory_space<hbm>>) target(%arg17 : memref<128x16xf32, #tpu.memory_space<vmem>>) offsets(%arg15 : memref<128xi32, #tpu.memory_space<vmem>>) semaphore(%arg23 : memref<!tpu.dma_semaphore, #tpu.memory_space<semaphore_mem>>)
      %dma_start3A_132 = arith.constant 0 : i32
      %dma_start3A_133 = arith.constant 0 : i32
      %dma_start3A_134 = tpu.memref_slice %arg3[%dma_start3A_132, %dma_start3A_133] : memref<10016x16xf32, #tpu.memory_space<hbm>> -> memref<10016x16xf32, #tpu.memory_space<hbm>>
      tpu.enqueue_indirect_dma source(%dma_start3A_134 : memref<10016x16xf32, #tpu.memory_space<hbm>>) target(%arg18 : memref<128x16xf32, #tpu.memory_space<vmem>>) offsets(%arg16 : memref<128xi32, #tpu.memory_space<vmem>>) semaphore(%arg23 : memref<!tpu.dma_semaphore, #tpu.memory_space<semaphore_mem>>)
      %dma_start3A_135 = arith.constant 0 : i32
      %dma_start3A_136 = arith.constant 0 : i32
      %dma_start3A_137 = tpu.memref_slice %arg7[%dma_start3A_135, %dma_start3A_136] : memref<10016x48xf32, #tpu.memory_space<hbm>> -> memref<10016x48xf32, #tpu.memory_space<hbm>>
      tpu.enqueue_indirect_dma source(%dma_start3A_137 : memref<10016x48xf32, #tpu.memory_space<hbm>>) target(%arg19 : memref<128x48xf32, #tpu.memory_space<vmem>>) offsets(%arg15 : memref<128xi32, #tpu.memory_space<vmem>>) semaphore(%arg23 : memref<!tpu.dma_semaphore, #tpu.memory_space<semaphore_mem>>)
    }
    %scan3A_46 = arith.constant 41 : i32
    %dma_wait3A = arith.constant 0 : i32
    %dma_wait3A_47 = arith.constant 0 : i32
    %dma_wait3A_48 = tpu.memref_slice %arg2[%dma_wait3A, %dma_wait3A_47] : memref<10016x16xf32, #tpu.memory_space<hbm>> -> memref<10016x16xf32, #tpu.memory_space<hbm>>
    tpu.wait_indirect_dma semaphore(%arg22 : memref<!tpu.dma_semaphore, #tpu.memory_space<semaphore_mem>>) src(%dma_wait3A_48 : memref<10016x16xf32, #tpu.memory_space<hbm>>) dst(%arg12 : memref<128x16xf32, #tpu.memory_space<vmem>>)
    %dma_wait3A_49 = arith.constant 0 : i32
    %dma_wait3A_50 = arith.constant 0 : i32
    %dma_wait3A_51 = tpu.memref_slice %arg3[%dma_wait3A_49, %dma_wait3A_50] : memref<10016x16xf32, #tpu.memory_space<hbm>> -> memref<10016x16xf32, #tpu.memory_space<hbm>>
    tpu.wait_indirect_dma semaphore(%arg22 : memref<!tpu.dma_semaphore, #tpu.memory_space<semaphore_mem>>) src(%dma_wait3A_51 : memref<10016x16xf32, #tpu.memory_space<hbm>>) dst(%arg13 : memref<128x16xf32, #tpu.memory_space<vmem>>)
    %dma_wait3A_52 = arith.constant 0 : i32
    %dma_wait3A_53 = arith.constant 0 : i32
    %dma_wait3A_54 = tpu.memref_slice %arg7[%dma_wait3A_52, %dma_wait3A_53] : memref<10016x48xf32, #tpu.memory_space<hbm>> -> memref<10016x48xf32, #tpu.memory_space<hbm>>
    tpu.wait_indirect_dma semaphore(%arg22 : memref<!tpu.dma_semaphore, #tpu.memory_space<semaphore_mem>>) src(%dma_wait3A_54 : memref<10016x48xf32, #tpu.memory_space<hbm>>) dst(%arg14 : memref<128x48xf32, #tpu.memory_space<vmem>>)
    %dma_wait3A_55 = arith.constant 0 : i32
    %dma_wait3A_56 = arith.constant 0 : i32
    %dma_wait3A_57 = tpu.memref_slice %arg2[%dma_wait3A_55, %dma_wait3A_56] : memref<10016x16xf32, #tpu.memory_space<hbm>> -> memref<10016x16xf32, #tpu.memory_space<hbm>>
    tpu.wait_indirect_dma semaphore(%arg23 : memref<!tpu.dma_semaphore, #tpu.memory_space<semaphore_mem>>) src(%dma_wait3A_57 : memref<10016x16xf32, #tpu.memory_space<hbm>>) dst(%arg17 : memref<128x16xf32, #tpu.memory_space<vmem>>)
    %dma_wait3A_58 = arith.constant 0 : i32
    %dma_wait3A_59 = arith.constant 0 : i32
    %dma_wait3A_60 = tpu.memref_slice %arg3[%dma_wait3A_58, %dma_wait3A_59] : memref<10016x16xf32, #tpu.memory_space<hbm>> -> memref<10016x16xf32, #tpu.memory_space<hbm>>
    tpu.wait_indirect_dma semaphore(%arg23 : memref<!tpu.dma_semaphore, #tpu.memory_space<semaphore_mem>>) src(%dma_wait3A_60 : memref<10016x16xf32, #tpu.memory_space<hbm>>) dst(%arg18 : memref<128x16xf32, #tpu.memory_space<vmem>>)
    %dma_wait3A_61 = arith.constant 0 : i32
    %dma_wait3A_62 = arith.constant 0 : i32
    %dma_wait3A_63 = tpu.memref_slice %arg7[%dma_wait3A_61, %dma_wait3A_62] : memref<10016x48xf32, #tpu.memory_space<hbm>> -> memref<10016x48xf32, #tpu.memory_space<hbm>>
    tpu.wait_indirect_dma semaphore(%arg23 : memref<!tpu.dma_semaphore, #tpu.memory_space<semaphore_mem>>) src(%dma_wait3A_63 : memref<10016x48xf32, #tpu.memory_space<hbm>>) dst(%arg19 : memref<128x48xf32, #tpu.memory_space<vmem>>)
    %barrier3A_64 = arith.constant 0 : index
    tpu.barrier barrier_id(%barrier3A_64)
    "tpu.region"() ({
      %run_scoped3A = tpu.sem_alloc : memref<!tpu.dma_semaphore, #tpu.memory_space<semaphore_mem>>
      %dma_start3A_65 = arith.constant 0 : i32
      %dma_start3A_66 = arith.constant 0 : i32
      %dma_start3A_67 = tpu.memref_slice %arg9[%arg0, %dma_start3A_65, %dma_start3A_66] : memref<2x10016x48xf32, #tpu.memory_space<hbm>> -> memref<1x10016x48xf32, #tpu.memory_space<hbm>>
      %dma_start3A_68 = tpu.memref_squeeze %dma_start3A_67 : memref<1x10016x48xf32, #tpu.memory_space<hbm>> -> memref<10016x48xf32, #tpu.memory_space<hbm>>
      %dma_start3A_69 = arith.constant 0 : i32
      %dma_start3A_70 = tpu.memref_slice %dma_start3A_68[%mul3A_2, %dma_start3A_69] : memref<10016x48xf32, #tpu.memory_space<hbm>> -> memref<626x48xf32, #tpu.memory_space<hbm>>
      %dma_start3A_71 = arith.constant 0 : i32
      %dma_start3A_72 = tpu.memref_slice %arg21[%mul3A_2, %dma_start3A_71] : memref<10016x48xf32, #tpu.memory_space<vmem_shared>> -> memref<626x48xf32, #tpu.memory_space<vmem_shared>>
      tpu.enqueue_dma source(%dma_start3A_72 : memref<626x48xf32, #tpu.memory_space<vmem_shared>>) target(%dma_start3A_70 : memref<626x48xf32, #tpu.memory_space<hbm>>) target_semaphore(%run_scoped3A : memref<!tpu.dma_semaphore, #tpu.memory_space<semaphore_mem>>)
      %dma_wait3A_73 = arith.constant 0 : i32
      %dma_wait3A_74 = arith.constant 0 : i32
      %dma_wait3A_75 = tpu.memref_slice %arg9[%arg0, %dma_wait3A_73, %dma_wait3A_74] : memref<2x10016x48xf32, #tpu.memory_space<hbm>> -> memref<1x10016x48xf32, #tpu.memory_space<hbm>>
      %dma_wait3A_76 = tpu.memref_squeeze %dma_wait3A_75 : memref<1x10016x48xf32, #tpu.memory_space<hbm>> -> memref<10016x48xf32, #tpu.memory_space<hbm>>
      %dma_wait3A_77 = arith.constant 0 : i32
      %dma_wait3A_78 = tpu.memref_slice %dma_wait3A_76[%mul3A_2, %dma_wait3A_77] : memref<10016x48xf32, #tpu.memory_space<hbm>> -> memref<626x48xf32, #tpu.memory_space<hbm>>
      %dma_wait3A_79 = arith.constant 0 : i32
      %dma_wait3A_80 = tpu.memref_slice %arg21[%mul3A_2, %dma_wait3A_79] : memref<10016x48xf32, #tpu.memory_space<vmem_shared>> -> memref<626x48xf32, #tpu.memory_space<vmem_shared>>
      tpu.wait_dma2 semaphore(%run_scoped3A : memref<!tpu.dma_semaphore, #tpu.memory_space<semaphore_mem>>) src(%dma_wait3A_80 : memref<626x48xf32, #tpu.memory_space<vmem_shared>>) dst(%dma_wait3A_78 : memref<626x48xf32, #tpu.memory_space<hbm>>)
      tpu.yield
    }) : () -> ()
    return
  }
}

#map = affine_map<(d0, d1) -> (0, 0)>
#map1 = affine_map<(d0, d1) -> (0)>
#map2 = affine_map<(d0, d1) -> (0, 0, 0)>
module attributes {stable_mosaic.version = 14 : i64} {
  func.func @_sc_edge_body(%arg0: i32, %arg1: i32, %arg2: memref<10016x16xf32, #tpu.memory_space<hbm>>, %arg3: memref<10016x16xf32, #tpu.memory_space<hbm>>, %arg4: memref<335872xi32, #tpu.memory_space<hbm>>, %arg5: memref<335872xi32, #tpu.memory_space<hbm>>, %arg6: memref<16xf32, #tpu.memory_space<hbm>>, %arg7: memref<10016x136xf32, #tpu.memory_space<hbm>>, %arg8: memref<10016x136xf32, #tpu.memory_space<hbm>>, %arg9: memref<2x10016x136xf32, #tpu.memory_space<hbm>>, %arg10: memref<128xi32, #tpu.memory_space<vmem>>, %arg11: memref<128xi32, #tpu.memory_space<vmem>>, %arg12: memref<128x16xf32, #tpu.memory_space<vmem>>, %arg13: memref<128x16xf32, #tpu.memory_space<vmem>>, %arg14: memref<128x136xf32, #tpu.memory_space<vmem>>, %arg15: memref<128xi32, #tpu.memory_space<vmem>>, %arg16: memref<128xi32, #tpu.memory_space<vmem>>, %arg17: memref<128x16xf32, #tpu.memory_space<vmem>>, %arg18: memref<128x16xf32, #tpu.memory_space<vmem>>, %arg19: memref<128x136xf32, #tpu.memory_space<vmem>>, %arg20: memref<16xf32, #tpu.memory_space<vmem>>, %arg21: memref<10016x136xf32, #tpu.memory_space<vmem_shared>>, %arg22: memref<!tpu.dma_semaphore, #tpu.memory_space<semaphore_mem>>, %arg23: memref<!tpu.dma_semaphore, #tpu.memory_space<semaphore_mem>>) attributes {dimension_semantics = [#tpu.dimension_semantics<core_parallel>, #tpu.dimension_semantics<subcore_parallel>], iteration_bounds = array<i64: 2, 16>, scalar_prefetch = 0 : i64, scratch_operands = 14 : i64, tpu.core_type = #tpu.core_type<sc_vector_subcore>, window_params = [{transform_indices = #map}, {transform_indices = #map}, {transform_indices = #map1}, {transform_indices = #map1}, {transform_indices = #map1}, {transform_indices = #map}, {transform_indices = #map}, {transform_indices = #map2}]} {
    %mul3A = arith.constant 2 : i32
    %mul3A_0 = arith.muli %arg1, %mul3A : i32
    %add3A = arith.addi %mul3A_0, %arg0 : i32
    %mul3A_1 = arith.constant 626 : i32
    %mul3A_2 = arith.muli %arg1, %mul3A_1 : i32
    "tpu.region"() ({
      %run_scoped3A = tpu.sem_alloc : memref<!tpu.dma_semaphore, #tpu.memory_space<semaphore_mem>>
      %dma_start3A_65 = arith.constant 0 : i32
      %dma_start3A_66 = tpu.memref_slice %arg21[%mul3A_2, %dma_start3A_65] : memref<10016x136xf32, #tpu.memory_space<vmem_shared>> -> memref<626x136xf32, #tpu.memory_space<vmem_shared>>
      %dma_start3A_67 = arith.constant 0 : i32
      %dma_start3A_68 = tpu.memref_slice %arg8[%mul3A_2, %dma_start3A_67] : memref<10016x136xf32, #tpu.memory_space<hbm>> -> memref<626x136xf32, #tpu.memory_space<hbm>>
      tpu.enqueue_dma source(%dma_start3A_68 : memref<626x136xf32, #tpu.memory_space<hbm>>) target(%dma_start3A_66 : memref<626x136xf32, #tpu.memory_space<vmem_shared>>) target_semaphore(%run_scoped3A : memref<!tpu.dma_semaphore, #tpu.memory_space<semaphore_mem>>)
      %dma_wait3A_69 = arith.constant 0 : i32
      %dma_wait3A_70 = tpu.memref_slice %arg21[%mul3A_2, %dma_wait3A_69] : memref<10016x136xf32, #tpu.memory_space<vmem_shared>> -> memref<626x136xf32, #tpu.memory_space<vmem_shared>>
      %dma_wait3A_71 = arith.constant 0 : i32
      %dma_wait3A_72 = tpu.memref_slice %arg8[%mul3A_2, %dma_wait3A_71] : memref<10016x136xf32, #tpu.memory_space<hbm>> -> memref<626x136xf32, #tpu.memory_space<hbm>>
      tpu.wait_dma2 semaphore(%run_scoped3A : memref<!tpu.dma_semaphore, #tpu.memory_space<semaphore_mem>>) src(%dma_wait3A_72 : memref<626x136xf32, #tpu.memory_space<hbm>>) dst(%dma_wait3A_70 : memref<626x136xf32, #tpu.memory_space<vmem_shared>>)
      tpu.yield
    }) : () -> ()
    "tpu.region"() ({
      %run_scoped3A = tpu.sem_alloc : memref<!tpu.dma_semaphore, #tpu.memory_space<semaphore_mem>>
      tpu.enqueue_dma source(%arg6 : memref<16xf32, #tpu.memory_space<hbm>>) target(%arg20 : memref<16xf32, #tpu.memory_space<vmem>>) target_semaphore(%run_scoped3A : memref<!tpu.dma_semaphore, #tpu.memory_space<semaphore_mem>>)
      tpu.wait_dma2 semaphore(%run_scoped3A : memref<!tpu.dma_semaphore, #tpu.memory_space<semaphore_mem>>) src(%arg6 : memref<16xf32, #tpu.memory_space<hbm>>) dst(%arg20 : memref<16xf32, #tpu.memory_space<vmem>>)
      tpu.yield
    }) : () -> ()
    %barrier3A = arith.constant 0 : index
    tpu.barrier barrier_id(%barrier3A)
    %get3A = arith.constant 0 : index
    %get3A_3 = tpu.vector_load %arg20[%get3A] {strides = array<i32>} : memref<16xf32, #tpu.memory_space<vmem>>, vector<16xf32>,
    %get3A_4 = vector.shape_cast %get3A_3 : vector<16xf32> to vector<16xf32>
    %iota3A = tpu.iota {dimensions = array<i32: 0>} : vector<16xi32>
    %ge3A = arith.constant 8 : i32
    %ge3A_5 = vector.broadcast %ge3A : i32 to vector<16xi32>
    %ge3A_6 = arith.cmpi sge, %iota3A, %ge3A_5 : vector<16xi32>
    %sub3A = arith.constant 8 : i32
    %sub3A_7 = vector.broadcast %sub3A : i32 to vector<16xi32>
    %sub3A_8 = arith.subi %iota3A, %sub3A_7 : vector<16xi32>
    %jit3A = arith.constant 0 : i32
    %broadcast_in_dim3A = vector.broadcast %jit3A : i32 to vector<16xi32>
    %select_n3A = arith.select %ge3A_6, %sub3A_8, %broadcast_in_dim3A : vector<16xi1>, vector<16xi32>
    %mul3A_9 = arith.constant 82 : i32
    %mul3A_10 = arith.muli %add3A, %mul3A_9 : i32
    %min3A = arith.constant 0 : i32
    %min3A_11 = arith.constant 81 : i32
    %min3A_12 = arith.minsi %min3A, %min3A_11 : i32
    %add3A_13 = arith.addi %mul3A_10, %min3A_12 : i32
    %mul3A_14 = arith.constant 128 : i32
    %mul3A_15 = arith.muli %add3A_13, %mul3A_14 : i32
    %multiple_of3A = tpu.assume_multiple %mul3A_15, 128 : i32
    "tpu.region"() ({
      %run_scoped3A = tpu.sem_alloc : memref<!tpu.dma_semaphore, #tpu.memory_space<semaphore_mem>>
      %dma_start3A_65 = tpu.memref_slice %arg4[%multiple_of3A] : memref<335872xi32, #tpu.memory_space<hbm>> -> memref<128xi32, #tpu.memory_space<hbm>>
      %dma_start3A_66 = tpu.memref_slice %arg4[%multiple_of3A] : memref<335872xi32, #tpu.memory_space<hbm>> -> memref<128xi32, #tpu.memory_space<hbm>>
      tpu.enqueue_dma source(%dma_start3A_66 : memref<128xi32, #tpu.memory_space<hbm>>) target(%arg10 : memref<128xi32, #tpu.memory_space<vmem>>) target_semaphore(%run_scoped3A : memref<!tpu.dma_semaphore, #tpu.memory_space<semaphore_mem>>)
      %dma_wait3A_67 = tpu.memref_slice %arg4[%multiple_of3A] : memref<335872xi32, #tpu.memory_space<hbm>> -> memref<128xi32, #tpu.memory_space<hbm>>
      %dma_wait3A_68 = tpu.memref_slice %arg4[%multiple_of3A] : memref<335872xi32, #tpu.memory_space<hbm>> -> memref<128xi32, #tpu.memory_space<hbm>>
      tpu.wait_dma2 semaphore(%run_scoped3A : memref<!tpu.dma_semaphore, #tpu.memory_space<semaphore_mem>>) src(%dma_wait3A_68 : memref<128xi32, #tpu.memory_space<hbm>>) dst(%arg10 : memref<128xi32, #tpu.memory_space<vmem>>)
      tpu.yield
    }) : () -> ()
    "tpu.region"() ({
      %run_scoped3A = tpu.sem_alloc : memref<!tpu.dma_semaphore, #tpu.memory_space<semaphore_mem>>
      %dma_start3A_65 = tpu.memref_slice %arg5[%multiple_of3A] : memref<335872xi32, #tpu.memory_space<hbm>> -> memref<128xi32, #tpu.memory_space<hbm>>
      %dma_start3A_66 = tpu.memref_slice %arg5[%multiple_of3A] : memref<335872xi32, #tpu.memory_space<hbm>> -> memref<128xi32, #tpu.memory_space<hbm>>
      tpu.enqueue_dma source(%dma_start3A_66 : memref<128xi32, #tpu.memory_space<hbm>>) target(%arg11 : memref<128xi32, #tpu.memory_space<vmem>>) target_semaphore(%run_scoped3A : memref<!tpu.dma_semaphore, #tpu.memory_space<semaphore_mem>>)
      %dma_wait3A_67 = tpu.memref_slice %arg5[%multiple_of3A] : memref<335872xi32, #tpu.memory_space<hbm>> -> memref<128xi32, #tpu.memory_space<hbm>>
      %dma_wait3A_68 = tpu.memref_slice %arg5[%multiple_of3A] : memref<335872xi32, #tpu.memory_space<hbm>> -> memref<128xi32, #tpu.memory_space<hbm>>
      tpu.wait_dma2 semaphore(%run_scoped3A : memref<!tpu.dma_semaphore, #tpu.memory_space<semaphore_mem>>) src(%dma_wait3A_68 : memref<128xi32, #tpu.memory_space<hbm>>) dst(%arg11 : memref<128xi32, #tpu.memory_space<vmem>>)
      tpu.yield
    }) : () -> ()
    %dma_start3A = arith.constant 0 : i32
    %dma_start3A_16 = arith.constant 0 : i32
    %dma_start3A_17 = tpu.memref_slice %arg2[%dma_start3A, %dma_start3A_16] : memref<10016x16xf32, #tpu.memory_space<hbm>> -> memref<10016x16xf32, #tpu.memory_space<hbm>>
    tpu.enqueue_indirect_dma source(%dma_start3A_17 : memref<10016x16xf32, #tpu.memory_space<hbm>>) target(%arg12 : memref<128x16xf32, #tpu.memory_space<vmem>>) offsets(%arg10 : memref<128xi32, #tpu.memory_space<vmem>>) semaphore(%arg22 : memref<!tpu.dma_semaphore, #tpu.memory_space<semaphore_mem>>)
    %dma_start3A_18 = arith.constant 0 : i32
    %dma_start3A_19 = arith.constant 0 : i32
    %dma_start3A_20 = tpu.memref_slice %arg3[%dma_start3A_18, %dma_start3A_19] : memref<10016x16xf32, #tpu.memory_space<hbm>> -> memref<10016x16xf32, #tpu.memory_space<hbm>>
    tpu.enqueue_indirect_dma source(%dma_start3A_20 : memref<10016x16xf32, #tpu.memory_space<hbm>>) target(%arg13 : memref<128x16xf32, #tpu.memory_space<vmem>>) offsets(%arg11 : memref<128xi32, #tpu.memory_space<vmem>>) semaphore(%arg22 : memref<!tpu.dma_semaphore, #tpu.memory_space<semaphore_mem>>)
    %dma_start3A_21 = arith.constant 0 : i32
    %dma_start3A_22 = arith.constant 0 : i32
    %dma_start3A_23 = tpu.memref_slice %arg7[%dma_start3A_21, %dma_start3A_22] : memref<10016x136xf32, #tpu.memory_space<hbm>> -> memref<10016x136xf32, #tpu.memory_space<hbm>>
    tpu.enqueue_indirect_dma source(%dma_start3A_23 : memref<10016x136xf32, #tpu.memory_space<hbm>>) target(%arg14 : memref<128x136xf32, #tpu.memory_space<vmem>>) offsets(%arg10 : memref<128xi32, #tpu.memory_space<vmem>>) semaphore(%arg22 : memref<!tpu.dma_semaphore, #tpu.memory_space<semaphore_mem>>)
    %mul3A_24 = arith.constant 82 : i32
    %mul3A_25 = arith.muli %add3A, %mul3A_24 : i32
    %min3A_26 = arith.constant 1 : i32
    %min3A_27 = arith.constant 81 : i32
    %min3A_28 = arith.minsi %min3A_26, %min3A_27 : i32
    %add3A_29 = arith.addi %mul3A_25, %min3A_28 : i32
    %mul3A_30 = arith.constant 128 : i32
    %mul3A_31 = arith.muli %add3A_29, %mul3A_30 : i32
    %multiple_of3A_32 = tpu.assume_multiple %mul3A_31, 128 : i32
    "tpu.region"() ({
      %run_scoped3A = tpu.sem_alloc : memref<!tpu.dma_semaphore, #tpu.memory_space<semaphore_mem>>
      %dma_start3A_65 = tpu.memref_slice %arg4[%multiple_of3A_32] : memref<335872xi32, #tpu.memory_space<hbm>> -> memref<128xi32, #tpu.memory_space<hbm>>
      %dma_start3A_66 = tpu.memref_slice %arg4[%multiple_of3A_32] : memref<335872xi32, #tpu.memory_space<hbm>> -> memref<128xi32, #tpu.memory_space<hbm>>
      tpu.enqueue_dma source(%dma_start3A_66 : memref<128xi32, #tpu.memory_space<hbm>>) target(%arg15 : memref<128xi32, #tpu.memory_space<vmem>>) target_semaphore(%run_scoped3A : memref<!tpu.dma_semaphore, #tpu.memory_space<semaphore_mem>>)
      %dma_wait3A_67 = tpu.memref_slice %arg4[%multiple_of3A_32] : memref<335872xi32, #tpu.memory_space<hbm>> -> memref<128xi32, #tpu.memory_space<hbm>>
      %dma_wait3A_68 = tpu.memref_slice %arg4[%multiple_of3A_32] : memref<335872xi32, #tpu.memory_space<hbm>> -> memref<128xi32, #tpu.memory_space<hbm>>
      tpu.wait_dma2 semaphore(%run_scoped3A : memref<!tpu.dma_semaphore, #tpu.memory_space<semaphore_mem>>) src(%dma_wait3A_68 : memref<128xi32, #tpu.memory_space<hbm>>) dst(%arg15 : memref<128xi32, #tpu.memory_space<vmem>>)
      tpu.yield
    }) : () -> ()
    "tpu.region"() ({
      %run_scoped3A = tpu.sem_alloc : memref<!tpu.dma_semaphore, #tpu.memory_space<semaphore_mem>>
      %dma_start3A_65 = tpu.memref_slice %arg5[%multiple_of3A_32] : memref<335872xi32, #tpu.memory_space<hbm>> -> memref<128xi32, #tpu.memory_space<hbm>>
      %dma_start3A_66 = tpu.memref_slice %arg5[%multiple_of3A_32] : memref<335872xi32, #tpu.memory_space<hbm>> -> memref<128xi32, #tpu.memory_space<hbm>>
      tpu.enqueue_dma source(%dma_start3A_66 : memref<128xi32, #tpu.memory_space<hbm>>) target(%arg16 : memref<128xi32, #tpu.memory_space<vmem>>) target_semaphore(%run_scoped3A : memref<!tpu.dma_semaphore, #tpu.memory_space<semaphore_mem>>)
      %dma_wait3A_67 = tpu.memref_slice %arg5[%multiple_of3A_32] : memref<335872xi32, #tpu.memory_space<hbm>> -> memref<128xi32, #tpu.memory_space<hbm>>
      %dma_wait3A_68 = tpu.memref_slice %arg5[%multiple_of3A_32] : memref<335872xi32, #tpu.memory_space<hbm>> -> memref<128xi32, #tpu.memory_space<hbm>>
      tpu.wait_dma2 semaphore(%run_scoped3A : memref<!tpu.dma_semaphore, #tpu.memory_space<semaphore_mem>>) src(%dma_wait3A_68 : memref<128xi32, #tpu.memory_space<hbm>>) dst(%arg16 : memref<128xi32, #tpu.memory_space<vmem>>)
      tpu.yield
    }) : () -> ()
    %dma_start3A_33 = arith.constant 0 : i32
    %dma_start3A_34 = arith.constant 0 : i32
    %dma_start3A_35 = tpu.memref_slice %arg2[%dma_start3A_33, %dma_start3A_34] : memref<10016x16xf32, #tpu.memory_space<hbm>> -> memref<10016x16xf32, #tpu.memory_space<hbm>>
    tpu.enqueue_indirect_dma source(%dma_start3A_35 : memref<10016x16xf32, #tpu.memory_space<hbm>>) target(%arg17 : memref<128x16xf32, #tpu.memory_space<vmem>>) offsets(%arg15 : memref<128xi32, #tpu.memory_space<vmem>>) semaphore(%arg23 : memref<!tpu.dma_semaphore, #tpu.memory_space<semaphore_mem>>)
    %dma_start3A_36 = arith.constant 0 : i32
    %dma_start3A_37 = arith.constant 0 : i32
    %dma_start3A_38 = tpu.memref_slice %arg3[%dma_start3A_36, %dma_start3A_37] : memref<10016x16xf32, #tpu.memory_space<hbm>> -> memref<10016x16xf32, #tpu.memory_space<hbm>>
    tpu.enqueue_indirect_dma source(%dma_start3A_38 : memref<10016x16xf32, #tpu.memory_space<hbm>>) target(%arg18 : memref<128x16xf32, #tpu.memory_space<vmem>>) offsets(%arg16 : memref<128xi32, #tpu.memory_space<vmem>>) semaphore(%arg23 : memref<!tpu.dma_semaphore, #tpu.memory_space<semaphore_mem>>)
    %dma_start3A_39 = arith.constant 0 : i32
    %dma_start3A_40 = arith.constant 0 : i32
    %dma_start3A_41 = tpu.memref_slice %arg7[%dma_start3A_39, %dma_start3A_40] : memref<10016x136xf32, #tpu.memory_space<hbm>> -> memref<10016x136xf32, #tpu.memory_space<hbm>>
    tpu.enqueue_indirect_dma source(%dma_start3A_41 : memref<10016x136xf32, #tpu.memory_space<hbm>>) target(%arg19 : memref<128x136xf32, #tpu.memory_space<vmem>>) offsets(%arg15 : memref<128xi32, #tpu.memory_space<vmem>>) semaphore(%arg23 : memref<!tpu.dma_semaphore, #tpu.memory_space<semaphore_mem>>)
    %scan3A = arith.constant 0 : i32
    %scan3A_42 = arith.constant 0 : i32
    %scan3A_43 = arith.constant 41 : i32
    %scan3A_44 = arith.addi %scan3A_42, %scan3A_43 : i32
    %scan3A_45 = arith.constant 1 : i32
    scf.for %scan3A_65 = %scan3A_42 to %scan3A_44 step %scan3A_45  : i32 {
      %dma_wait3A_66 = arith.constant 0 : i32
      %dma_wait3A_67 = arith.constant 0 : i32
      %dma_wait3A_68 = tpu.memref_slice %arg2[%dma_wait3A_66, %dma_wait3A_67] : memref<10016x16xf32, #tpu.memory_space<hbm>> -> memref<10016x16xf32, #tpu.memory_space<hbm>>
      tpu.wait_indirect_dma semaphore(%arg22 : memref<!tpu.dma_semaphore, #tpu.memory_space<semaphore_mem>>) src(%dma_wait3A_68 : memref<10016x16xf32, #tpu.memory_space<hbm>>) dst(%arg12 : memref<128x16xf32, #tpu.memory_space<vmem>>)
      %dma_wait3A_69 = arith.constant 0 : i32
      %dma_wait3A_70 = arith.constant 0 : i32
      %dma_wait3A_71 = tpu.memref_slice %arg3[%dma_wait3A_69, %dma_wait3A_70] : memref<10016x16xf32, #tpu.memory_space<hbm>> -> memref<10016x16xf32, #tpu.memory_space<hbm>>
      tpu.wait_indirect_dma semaphore(%arg22 : memref<!tpu.dma_semaphore, #tpu.memory_space<semaphore_mem>>) src(%dma_wait3A_71 : memref<10016x16xf32, #tpu.memory_space<hbm>>) dst(%arg13 : memref<128x16xf32, #tpu.memory_space<vmem>>)
      %dma_wait3A_72 = arith.constant 0 : i32
      %dma_wait3A_73 = arith.constant 0 : i32
      %dma_wait3A_74 = tpu.memref_slice %arg7[%dma_wait3A_72, %dma_wait3A_73] : memref<10016x136xf32, #tpu.memory_space<hbm>> -> memref<10016x136xf32, #tpu.memory_space<hbm>>
      tpu.wait_indirect_dma semaphore(%arg22 : memref<!tpu.dma_semaphore, #tpu.memory_space<semaphore_mem>>) src(%dma_wait3A_74 : memref<10016x136xf32, #tpu.memory_space<hbm>>) dst(%arg14 : memref<128x136xf32, #tpu.memory_space<vmem>>)
      %scan3A_75 = arith.constant 0 : i32
      %scan3A_76 = arith.constant 0 : i32
      %scan3A_77 = arith.constant 128 : i32
      %scan3A_78 = arith.addi %scan3A_76, %scan3A_77 : i32
      %scan3A_79 = arith.constant 4 : i32
      scf.for %scan3A_138 = %scan3A_76 to %scan3A_78 step %scan3A_79  : i32 {
        %get3A_139 = arith.index_cast %scan3A_138 : i32 to index
        %get3A_140 = arith.constant 0 : index
        %get3A_141 = tpu.vector_load %arg12[%get3A_139, %get3A_140] {strides = array<i32>} : memref<128x16xf32, #tpu.memory_space<vmem>>, vector<1x16xf32>,
        %get3A_142 = vector.shape_cast %get3A_141 : vector<1x16xf32> to vector<16xf32>
        %get3A_143 = arith.index_cast %scan3A_138 : i32 to index
        %get3A_144 = arith.constant 0 : index
        %get3A_145 = tpu.vector_load %arg13[%get3A_143, %get3A_144] {strides = array<i32>} : memref<128x16xf32, #tpu.memory_space<vmem>>, vector<1x16xf32>,
        %get3A_146 = vector.shape_cast %get3A_145 : vector<1x16xf32> to vector<16xf32>
        %add3A_147 = arith.addf %get3A_142, %get3A_146 : vector<16xf32>
        %mul3A_148 = arith.constant 2.000000e-01 : f32
        %mul3A_149 = vector.broadcast %mul3A_148 : f32 to vector<16xf32>
        %mul3A_150 = arith.mulf %mul3A_149, %add3A_147 : vector<16xf32>
        %max3A = arith.maximumf %add3A_147, %mul3A_150 : vector<16xf32>
        %sub3A_151 = arith.subf %max3A, %get3A_4 : vector<16xf32>
        %exp3A = math.exp %sub3A_151 : vector<16xf32>
        %get3A_152 = arith.index_cast %scan3A_138 : i32 to index
        %get3A_153 = arith.constant 0 : index
        %get3A_154 = tpu.vector_load %arg14[%get3A_152, %get3A_153] {strides = array<i32>} : memref<128x136xf32, #tpu.memory_space<vmem>>, vector<1x16xf32>,
        %get3A_155 = vector.shape_cast %get3A_154 : vector<1x16xf32> to vector<16xf32>
        %slice3A = vector.extract_strided_slice %exp3A {offsets = [0], sizes = [1], strides = [1]} : vector<16xf32> to vector<1xf32>
        %squeeze3A = vector.extract %slice3A[0] : f32 from vector<1xf32>
        %mul3A_156 = vector.broadcast %squeeze3A : f32 to vector<16xf32>
        %mul3A_157 = arith.mulf %get3A_155, %mul3A_156 : vector<16xf32>
        %swap3A = arith.index_cast %scan3A_138 : i32 to index
        %swap3A_158 = arith.constant 0 : index
        %swap3A_159 = tpu.vector_load %arg14[%swap3A, %swap3A_158] {strides = array<i32>} : memref<128x136xf32, #tpu.memory_space<vmem>>, vector<1x16xf32>,
        %swap3A_160 = vector.shape_cast %swap3A_159 : vector<1x16xf32> to vector<16xf32>
        %swap3A_161 = vector.shape_cast %mul3A_157 : vector<16xf32> to vector<1x16xf32>
        tpu.vector_store %arg14[%swap3A, %swap3A_158], %swap3A_161 {strides = array<i32>} : memref<128x136xf32, #tpu.memory_space<vmem>>, vector<1x16xf32>,
        %get3A_162 = arith.index_cast %scan3A_138 : i32 to index
        %get3A_163 = arith.constant 16 : index
        %get3A_164 = tpu.vector_load %arg14[%get3A_162, %get3A_163] {strides = array<i32>} : memref<128x136xf32, #tpu.memory_space<vmem>>, vector<1x16xf32>,
        %get3A_165 = vector.shape_cast %get3A_164 : vector<1x16xf32> to vector<16xf32>
        %slice3A_166 = vector.extract_strided_slice %exp3A {offsets = [1], sizes = [1], strides = [1]} : vector<16xf32> to vector<1xf32>
        %squeeze3A_167 = vector.extract %slice3A_166[0] : f32 from vector<1xf32>
        %mul3A_168 = vector.broadcast %squeeze3A_167 : f32 to vector<16xf32>
        %mul3A_169 = arith.mulf %get3A_165, %mul3A_168 : vector<16xf32>
        %swap3A_170 = arith.index_cast %scan3A_138 : i32 to index
        %swap3A_171 = arith.constant 16 : index
        %swap3A_172 = tpu.vector_load %arg14[%swap3A_170, %swap3A_171] {strides = array<i32>} : memref<128x136xf32, #tpu.memory_space<vmem>>, vector<1x16xf32>,
        %swap3A_173 = vector.shape_cast %swap3A_172 : vector<1x16xf32> to vector<16xf32>
        %swap3A_174 = vector.shape_cast %mul3A_169 : vector<16xf32> to vector<1x16xf32>
        tpu.vector_store %arg14[%swap3A_170, %swap3A_171], %swap3A_174 {strides = array<i32>} : memref<128x136xf32, #tpu.memory_space<vmem>>, vector<1x16xf32>,
        %get3A_175 = arith.index_cast %scan3A_138 : i32 to index
        %get3A_176 = arith.constant 32 : index
        %get3A_177 = tpu.vector_load %arg14[%get3A_175, %get3A_176] {strides = array<i32>} : memref<128x136xf32, #tpu.memory_space<vmem>>, vector<1x16xf32>,
        %get3A_178 = vector.shape_cast %get3A_177 : vector<1x16xf32> to vector<16xf32>
        %slice3A_179 = vector.extract_strided_slice %exp3A {offsets = [2], sizes = [1], strides = [1]} : vector<16xf32> to vector<1xf32>
        %squeeze3A_180 = vector.extract %slice3A_179[0] : f32 from vector<1xf32>
        %mul3A_181 = vector.broadcast %squeeze3A_180 : f32 to vector<16xf32>
        %mul3A_182 = arith.mulf %get3A_178, %mul3A_181 : vector<16xf32>
        %swap3A_183 = arith.index_cast %scan3A_138 : i32 to index
        %swap3A_184 = arith.constant 32 : index
        %swap3A_185 = tpu.vector_load %arg14[%swap3A_183, %swap3A_184] {strides = array<i32>} : memref<128x136xf32, #tpu.memory_space<vmem>>, vector<1x16xf32>,
        %swap3A_186 = vector.shape_cast %swap3A_185 : vector<1x16xf32> to vector<16xf32>
        %swap3A_187 = vector.shape_cast %mul3A_182 : vector<16xf32> to vector<1x16xf32>
        tpu.vector_store %arg14[%swap3A_183, %swap3A_184], %swap3A_187 {strides = array<i32>} : memref<128x136xf32, #tpu.memory_space<vmem>>, vector<1x16xf32>,
        %get3A_188 = arith.index_cast %scan3A_138 : i32 to index
        %get3A_189 = arith.constant 48 : index
        %get3A_190 = tpu.vector_load %arg14[%get3A_188, %get3A_189] {strides = array<i32>} : memref<128x136xf32, #tpu.memory_space<vmem>>, vector<1x16xf32>,
        %get3A_191 = vector.shape_cast %get3A_190 : vector<1x16xf32> to vector<16xf32>
        %slice3A_192 = vector.extract_strided_slice %exp3A {offsets = [3], sizes = [1], strides = [1]} : vector<16xf32> to vector<1xf32>
        %squeeze3A_193 = vector.extract %slice3A_192[0] : f32 from vector<1xf32>
        %mul3A_194 = vector.broadcast %squeeze3A_193 : f32 to vector<16xf32>
        %mul3A_195 = arith.mulf %get3A_191, %mul3A_194 : vector<16xf32>
        %swap3A_196 = arith.index_cast %scan3A_138 : i32 to index
        %swap3A_197 = arith.constant 48 : index
        %swap3A_198 = tpu.vector_load %arg14[%swap3A_196, %swap3A_197] {strides = array<i32>} : memref<128x136xf32, #tpu.memory_space<vmem>>, vector<1x16xf32>,
        %swap3A_199 = vector.shape_cast %swap3A_198 : vector<1x16xf32> to vector<16xf32>
        %swap3A_200 = vector.shape_cast %mul3A_195 : vector<16xf32> to vector<1x16xf32>
        tpu.vector_store %arg14[%swap3A_196, %swap3A_197], %swap3A_200 {strides = array<i32>} : memref<128x136xf32, #tpu.memory_space<vmem>>, vector<1x16xf32>,
        %get3A_201 = arith.index_cast %scan3A_138 : i32 to index
        %get3A_202 = arith.constant 64 : index
        %get3A_203 = tpu.vector_load %arg14[%get3A_201, %get3A_202] {strides = array<i32>} : memref<128x136xf32, #tpu.memory_space<vmem>>, vector<1x16xf32>,
        %get3A_204 = vector.shape_cast %get3A_203 : vector<1x16xf32> to vector<16xf32>
        %slice3A_205 = vector.extract_strided_slice %exp3A {offsets = [4], sizes = [1], strides = [1]} : vector<16xf32> to vector<1xf32>
        %squeeze3A_206 = vector.extract %slice3A_205[0] : f32 from vector<1xf32>
        %mul3A_207 = vector.broadcast %squeeze3A_206 : f32 to vector<16xf32>
        %mul3A_208 = arith.mulf %get3A_204, %mul3A_207 : vector<16xf32>
        %swap3A_209 = arith.index_cast %scan3A_138 : i32 to index
        %swap3A_210 = arith.constant 64 : index
        %swap3A_211 = tpu.vector_load %arg14[%swap3A_209, %swap3A_210] {strides = array<i32>} : memref<128x136xf32, #tpu.memory_space<vmem>>, vector<1x16xf32>,
        %swap3A_212 = vector.shape_cast %swap3A_211 : vector<1x16xf32> to vector<16xf32>
        %swap3A_213 = vector.shape_cast %mul3A_208 : vector<16xf32> to vector<1x16xf32>
        tpu.vector_store %arg14[%swap3A_209, %swap3A_210], %swap3A_213 {strides = array<i32>} : memref<128x136xf32, #tpu.memory_space<vmem>>, vector<1x16xf32>,
        %get3A_214 = arith.index_cast %scan3A_138 : i32 to index
        %get3A_215 = arith.constant 80 : index
        %get3A_216 = tpu.vector_load %arg14[%get3A_214, %get3A_215] {strides = array<i32>} : memref<128x136xf32, #tpu.memory_space<vmem>>, vector<1x16xf32>,
        %get3A_217 = vector.shape_cast %get3A_216 : vector<1x16xf32> to vector<16xf32>
        %slice3A_218 = vector.extract_strided_slice %exp3A {offsets = [5], sizes = [1], strides = [1]} : vector<16xf32> to vector<1xf32>
        %squeeze3A_219 = vector.extract %slice3A_218[0] : f32 from vector<1xf32>
        %mul3A_220 = vector.broadcast %squeeze3A_219 : f32 to vector<16xf32>
        %mul3A_221 = arith.mulf %get3A_217, %mul3A_220 : vector<16xf32>
        %swap3A_222 = arith.index_cast %scan3A_138 : i32 to index
        %swap3A_223 = arith.constant 80 : index
        %swap3A_224 = tpu.vector_load %arg14[%swap3A_222, %swap3A_223] {strides = array<i32>} : memref<128x136xf32, #tpu.memory_space<vmem>>, vector<1x16xf32>,
        %swap3A_225 = vector.shape_cast %swap3A_224 : vector<1x16xf32> to vector<16xf32>
        %swap3A_226 = vector.shape_cast %mul3A_221 : vector<16xf32> to vector<1x16xf32>
        tpu.vector_store %arg14[%swap3A_222, %swap3A_223], %swap3A_226 {strides = array<i32>} : memref<128x136xf32, #tpu.memory_space<vmem>>, vector<1x16xf32>,
        %get3A_227 = arith.index_cast %scan3A_138 : i32 to index
        %get3A_228 = arith.constant 96 : index
        %get3A_229 = tpu.vector_load %arg14[%get3A_227, %get3A_228] {strides = array<i32>} : memref<128x136xf32, #tpu.memory_space<vmem>>, vector<1x16xf32>,
        %get3A_230 = vector.shape_cast %get3A_229 : vector<1x16xf32> to vector<16xf32>
        %slice3A_231 = vector.extract_strided_slice %exp3A {offsets = [6], sizes = [1], strides = [1]} : vector<16xf32> to vector<1xf32>
        %squeeze3A_232 = vector.extract %slice3A_231[0] : f32 from vector<1xf32>
        %mul3A_233 = vector.broadcast %squeeze3A_232 : f32 to vector<16xf32>
        %mul3A_234 = arith.mulf %get3A_230, %mul3A_233 : vector<16xf32>
        %swap3A_235 = arith.index_cast %scan3A_138 : i32 to index
        %swap3A_236 = arith.constant 96 : index
        %swap3A_237 = tpu.vector_load %arg14[%swap3A_235, %swap3A_236] {strides = array<i32>} : memref<128x136xf32, #tpu.memory_space<vmem>>, vector<1x16xf32>,
        %swap3A_238 = vector.shape_cast %swap3A_237 : vector<1x16xf32> to vector<16xf32>
        %swap3A_239 = vector.shape_cast %mul3A_234 : vector<16xf32> to vector<1x16xf32>
        tpu.vector_store %arg14[%swap3A_235, %swap3A_236], %swap3A_239 {strides = array<i32>} : memref<128x136xf32, #tpu.memory_space<vmem>>, vector<1x16xf32>,
        %get3A_240 = arith.index_cast %scan3A_138 : i32 to index
        %get3A_241 = arith.constant 112 : index
        %get3A_242 = tpu.vector_load %arg14[%get3A_240, %get3A_241] {strides = array<i32>} : memref<128x136xf32, #tpu.memory_space<vmem>>, vector<1x16xf32>,
        %get3A_243 = vector.shape_cast %get3A_242 : vector<1x16xf32> to vector<16xf32>
        %slice3A_244 = vector.extract_strided_slice %exp3A {offsets = [7], sizes = [1], strides = [1]} : vector<16xf32> to vector<1xf32>
        %squeeze3A_245 = vector.extract %slice3A_244[0] : f32 from vector<1xf32>
        %mul3A_246 = vector.broadcast %squeeze3A_245 : f32 to vector<16xf32>
        %mul3A_247 = arith.mulf %get3A_243, %mul3A_246 : vector<16xf32>
        %swap3A_248 = arith.index_cast %scan3A_138 : i32 to index
        %swap3A_249 = arith.constant 112 : index
        %swap3A_250 = tpu.vector_load %arg14[%swap3A_248, %swap3A_249] {strides = array<i32>} : memref<128x136xf32, #tpu.memory_space<vmem>>, vector<1x16xf32>,
        %swap3A_251 = vector.shape_cast %swap3A_250 : vector<1x16xf32> to vector<16xf32>
        %swap3A_252 = vector.shape_cast %mul3A_247 : vector<16xf32> to vector<1x16xf32>
        tpu.vector_store %arg14[%swap3A_248, %swap3A_249], %swap3A_252 {strides = array<i32>} : memref<128x136xf32, #tpu.memory_space<vmem>>, vector<1x16xf32>,
        %ge3A_253 = arith.constant 8 : i32
        %ge3A_254 = vector.broadcast %ge3A_253 : i32 to vector<16xi32>
        %ge3A_255 = arith.cmpi sge, %iota3A, %ge3A_254 : vector<16xi32>
        %lt3A = arith.constant 0 : i32
        %lt3A_256 = vector.broadcast %lt3A : i32 to vector<16xi32>
        %lt3A_257 = arith.cmpi slt, %select_n3A, %lt3A_256 : vector<16xi32>
        %add3A_258 = arith.constant 16 : i32
        %add3A_259 = vector.broadcast %add3A_258 : i32 to vector<16xi32>
        %add3A_260 = arith.addi %select_n3A, %add3A_259 : vector<16xi32>
        %select_n3A_261 = arith.select %lt3A_257, %add3A_260, %select_n3A : vector<16xi1>, vector<16xi32>
        %broadcast_in_dim3A_262 = vector.shape_cast %select_n3A_261 : vector<16xi32> to vector<16x1xi32>
        %gather3A = vector.shape_cast %broadcast_in_dim3A_262 : vector<16x1xi32> to vector<16xi32>
        %gather3A_263 = tpu.dynamic_gather %exp3A[%gather3A] in [0] : vector<16xf32>, vector<16xi32> -> vector<16xf32>
        %jit3A_264 = arith.constant 1.000000e+00 : f32
        %broadcast_in_dim3A_265 = vector.broadcast %jit3A_264 : f32 to vector<16xf32>
        %select_n3A_266 = arith.select %ge3A_255, %gather3A_263, %broadcast_in_dim3A_265 : vector<16xi1>, vector<16xf32>
        %get3A_267 = arith.index_cast %scan3A_138 : i32 to index
        %get3A_268 = arith.constant 120 : index
        %get3A_269 = tpu.vector_load %arg14[%get3A_267, %get3A_268] {strides = array<i32>} : memref<128x136xf32, #tpu.memory_space<vmem>>, vector<1x16xf32>,
        %get3A_270 = vector.shape_cast %get3A_269 : vector<1x16xf32> to vector<16xf32>
        %mul3A_271 = arith.mulf %get3A_270, %select_n3A_266 : vector<16xf32>
        %swap3A_272 = arith.index_cast %scan3A_138 : i32 to index
        %swap3A_273 = arith.constant 120 : index
        %swap3A_274 = tpu.vector_load %arg14[%swap3A_272, %swap3A_273] {strides = array<i32>} : memref<128x136xf32, #tpu.memory_space<vmem>>, vector<1x16xf32>,
        %swap3A_275 = vector.shape_cast %swap3A_274 : vector<1x16xf32> to vector<16xf32>
        %swap3A_276 = vector.shape_cast %mul3A_271 : vector<16xf32> to vector<1x16xf32>
        tpu.vector_store %arg14[%swap3A_272, %swap3A_273], %swap3A_276 {strides = array<i32>} : memref<128x136xf32, #tpu.memory_space<vmem>>, vector<1x16xf32>,
        %scan3A_277 = arith.constant 1 : i32
        %scan3A_278 = arith.addi %scan3A_138, %scan3A_277 : i32
        %get3A_279 = arith.index_cast %scan3A_278 : i32 to index
        %get3A_280 = arith.constant 0 : index
        %get3A_281 = tpu.vector_load %arg12[%get3A_279, %get3A_280] {strides = array<i32>} : memref<128x16xf32, #tpu.memory_space<vmem>>, vector<1x16xf32>,
        %get3A_282 = vector.shape_cast %get3A_281 : vector<1x16xf32> to vector<16xf32>
        %get3A_283 = arith.index_cast %scan3A_278 : i32 to index
        %get3A_284 = arith.constant 0 : index
        %get3A_285 = tpu.vector_load %arg13[%get3A_283, %get3A_284] {strides = array<i32>} : memref<128x16xf32, #tpu.memory_space<vmem>>, vector<1x16xf32>,
        %get3A_286 = vector.shape_cast %get3A_285 : vector<1x16xf32> to vector<16xf32>
        %add3A_287 = arith.addf %get3A_282, %get3A_286 : vector<16xf32>
        %mul3A_288 = arith.constant 2.000000e-01 : f32
        %mul3A_289 = vector.broadcast %mul3A_288 : f32 to vector<16xf32>
        %mul3A_290 = arith.mulf %mul3A_289, %add3A_287 : vector<16xf32>
        %max3A_291 = arith.maximumf %add3A_287, %mul3A_290 : vector<16xf32>
        %sub3A_292 = arith.subf %max3A_291, %get3A_4 : vector<16xf32>
        %exp3A_293 = math.exp %sub3A_292 : vector<16xf32>
        %get3A_294 = arith.index_cast %scan3A_278 : i32 to index
        %get3A_295 = arith.constant 0 : index
        %get3A_296 = tpu.vector_load %arg14[%get3A_294, %get3A_295] {strides = array<i32>} : memref<128x136xf32, #tpu.memory_space<vmem>>, vector<1x16xf32>,
        %get3A_297 = vector.shape_cast %get3A_296 : vector<1x16xf32> to vector<16xf32>
        %slice3A_298 = vector.extract_strided_slice %exp3A_293 {offsets = [0], sizes = [1], strides = [1]} : vector<16xf32> to vector<1xf32>
        %squeeze3A_299 = vector.extract %slice3A_298[0] : f32 from vector<1xf32>
        %mul3A_300 = vector.broadcast %squeeze3A_299 : f32 to vector<16xf32>
        %mul3A_301 = arith.mulf %get3A_297, %mul3A_300 : vector<16xf32>
        %swap3A_302 = arith.index_cast %scan3A_278 : i32 to index
        %swap3A_303 = arith.constant 0 : index
        %swap3A_304 = tpu.vector_load %arg14[%swap3A_302, %swap3A_303] {strides = array<i32>} : memref<128x136xf32, #tpu.memory_space<vmem>>, vector<1x16xf32>,
        %swap3A_305 = vector.shape_cast %swap3A_304 : vector<1x16xf32> to vector<16xf32>
        %swap3A_306 = vector.shape_cast %mul3A_301 : vector<16xf32> to vector<1x16xf32>
        tpu.vector_store %arg14[%swap3A_302, %swap3A_303], %swap3A_306 {strides = array<i32>} : memref<128x136xf32, #tpu.memory_space<vmem>>, vector<1x16xf32>,
        %get3A_307 = arith.index_cast %scan3A_278 : i32 to index
        %get3A_308 = arith.constant 16 : index
        %get3A_309 = tpu.vector_load %arg14[%get3A_307, %get3A_308] {strides = array<i32>} : memref<128x136xf32, #tpu.memory_space<vmem>>, vector<1x16xf32>,
        %get3A_310 = vector.shape_cast %get3A_309 : vector<1x16xf32> to vector<16xf32>
        %slice3A_311 = vector.extract_strided_slice %exp3A_293 {offsets = [1], sizes = [1], strides = [1]} : vector<16xf32> to vector<1xf32>
        %squeeze3A_312 = vector.extract %slice3A_311[0] : f32 from vector<1xf32>
        %mul3A_313 = vector.broadcast %squeeze3A_312 : f32 to vector<16xf32>
        %mul3A_314 = arith.mulf %get3A_310, %mul3A_313 : vector<16xf32>
        %swap3A_315 = arith.index_cast %scan3A_278 : i32 to index
        %swap3A_316 = arith.constant 16 : index
        %swap3A_317 = tpu.vector_load %arg14[%swap3A_315, %swap3A_316] {strides = array<i32>} : memref<128x136xf32, #tpu.memory_space<vmem>>, vector<1x16xf32>,
        %swap3A_318 = vector.shape_cast %swap3A_317 : vector<1x16xf32> to vector<16xf32>
        %swap3A_319 = vector.shape_cast %mul3A_314 : vector<16xf32> to vector<1x16xf32>
        tpu.vector_store %arg14[%swap3A_315, %swap3A_316], %swap3A_319 {strides = array<i32>} : memref<128x136xf32, #tpu.memory_space<vmem>>, vector<1x16xf32>,
        %get3A_320 = arith.index_cast %scan3A_278 : i32 to index
        %get3A_321 = arith.constant 32 : index
        %get3A_322 = tpu.vector_load %arg14[%get3A_320, %get3A_321] {strides = array<i32>} : memref<128x136xf32, #tpu.memory_space<vmem>>, vector<1x16xf32>,
        %get3A_323 = vector.shape_cast %get3A_322 : vector<1x16xf32> to vector<16xf32>
        %slice3A_324 = vector.extract_strided_slice %exp3A_293 {offsets = [2], sizes = [1], strides = [1]} : vector<16xf32> to vector<1xf32>
        %squeeze3A_325 = vector.extract %slice3A_324[0] : f32 from vector<1xf32>
        %mul3A_326 = vector.broadcast %squeeze3A_325 : f32 to vector<16xf32>
        %mul3A_327 = arith.mulf %get3A_323, %mul3A_326 : vector<16xf32>
        %swap3A_328 = arith.index_cast %scan3A_278 : i32 to index
        %swap3A_329 = arith.constant 32 : index
        %swap3A_330 = tpu.vector_load %arg14[%swap3A_328, %swap3A_329] {strides = array<i32>} : memref<128x136xf32, #tpu.memory_space<vmem>>, vector<1x16xf32>,
        %swap3A_331 = vector.shape_cast %swap3A_330 : vector<1x16xf32> to vector<16xf32>
        %swap3A_332 = vector.shape_cast %mul3A_327 : vector<16xf32> to vector<1x16xf32>
        tpu.vector_store %arg14[%swap3A_328, %swap3A_329], %swap3A_332 {strides = array<i32>} : memref<128x136xf32, #tpu.memory_space<vmem>>, vector<1x16xf32>,
        %get3A_333 = arith.index_cast %scan3A_278 : i32 to index
        %get3A_334 = arith.constant 48 : index
        %get3A_335 = tpu.vector_load %arg14[%get3A_333, %get3A_334] {strides = array<i32>} : memref<128x136xf32, #tpu.memory_space<vmem>>, vector<1x16xf32>,
        %get3A_336 = vector.shape_cast %get3A_335 : vector<1x16xf32> to vector<16xf32>
        %slice3A_337 = vector.extract_strided_slice %exp3A_293 {offsets = [3], sizes = [1], strides = [1]} : vector<16xf32> to vector<1xf32>
        %squeeze3A_338 = vector.extract %slice3A_337[0] : f32 from vector<1xf32>
        %mul3A_339 = vector.broadcast %squeeze3A_338 : f32 to vector<16xf32>
        %mul3A_340 = arith.mulf %get3A_336, %mul3A_339 : vector<16xf32>
        %swap3A_341 = arith.index_cast %scan3A_278 : i32 to index
        %swap3A_342 = arith.constant 48 : index
        %swap3A_343 = tpu.vector_load %arg14[%swap3A_341, %swap3A_342] {strides = array<i32>} : memref<128x136xf32, #tpu.memory_space<vmem>>, vector<1x16xf32>,
        %swap3A_344 = vector.shape_cast %swap3A_343 : vector<1x16xf32> to vector<16xf32>
        %swap3A_345 = vector.shape_cast %mul3A_340 : vector<16xf32> to vector<1x16xf32>
        tpu.vector_store %arg14[%swap3A_341, %swap3A_342], %swap3A_345 {strides = array<i32>} : memref<128x136xf32, #tpu.memory_space<vmem>>, vector<1x16xf32>,
        %get3A_346 = arith.index_cast %scan3A_278 : i32 to index
        %get3A_347 = arith.constant 64 : index
        %get3A_348 = tpu.vector_load %arg14[%get3A_346, %get3A_347] {strides = array<i32>} : memref<128x136xf32, #tpu.memory_space<vmem>>, vector<1x16xf32>,
        %get3A_349 = vector.shape_cast %get3A_348 : vector<1x16xf32> to vector<16xf32>
        %slice3A_350 = vector.extract_strided_slice %exp3A_293 {offsets = [4], sizes = [1], strides = [1]} : vector<16xf32> to vector<1xf32>
        %squeeze3A_351 = vector.extract %slice3A_350[0] : f32 from vector<1xf32>
        %mul3A_352 = vector.broadcast %squeeze3A_351 : f32 to vector<16xf32>
        %mul3A_353 = arith.mulf %get3A_349, %mul3A_352 : vector<16xf32>
        %swap3A_354 = arith.index_cast %scan3A_278 : i32 to index
        %swap3A_355 = arith.constant 64 : index
        %swap3A_356 = tpu.vector_load %arg14[%swap3A_354, %swap3A_355] {strides = array<i32>} : memref<128x136xf32, #tpu.memory_space<vmem>>, vector<1x16xf32>,
        %swap3A_357 = vector.shape_cast %swap3A_356 : vector<1x16xf32> to vector<16xf32>
        %swap3A_358 = vector.shape_cast %mul3A_353 : vector<16xf32> to vector<1x16xf32>
        tpu.vector_store %arg14[%swap3A_354, %swap3A_355], %swap3A_358 {strides = array<i32>} : memref<128x136xf32, #tpu.memory_space<vmem>>, vector<1x16xf32>,
        %get3A_359 = arith.index_cast %scan3A_278 : i32 to index
        %get3A_360 = arith.constant 80 : index
        %get3A_361 = tpu.vector_load %arg14[%get3A_359, %get3A_360] {strides = array<i32>} : memref<128x136xf32, #tpu.memory_space<vmem>>, vector<1x16xf32>,
        %get3A_362 = vector.shape_cast %get3A_361 : vector<1x16xf32> to vector<16xf32>
        %slice3A_363 = vector.extract_strided_slice %exp3A_293 {offsets = [5], sizes = [1], strides = [1]} : vector<16xf32> to vector<1xf32>
        %squeeze3A_364 = vector.extract %slice3A_363[0] : f32 from vector<1xf32>
        %mul3A_365 = vector.broadcast %squeeze3A_364 : f32 to vector<16xf32>
        %mul3A_366 = arith.mulf %get3A_362, %mul3A_365 : vector<16xf32>
        %swap3A_367 = arith.index_cast %scan3A_278 : i32 to index
        %swap3A_368 = arith.constant 80 : index
        %swap3A_369 = tpu.vector_load %arg14[%swap3A_367, %swap3A_368] {strides = array<i32>} : memref<128x136xf32, #tpu.memory_space<vmem>>, vector<1x16xf32>,
        %swap3A_370 = vector.shape_cast %swap3A_369 : vector<1x16xf32> to vector<16xf32>
        %swap3A_371 = vector.shape_cast %mul3A_366 : vector<16xf32> to vector<1x16xf32>
        tpu.vector_store %arg14[%swap3A_367, %swap3A_368], %swap3A_371 {strides = array<i32>} : memref<128x136xf32, #tpu.memory_space<vmem>>, vector<1x16xf32>,
        %get3A_372 = arith.index_cast %scan3A_278 : i32 to index
        %get3A_373 = arith.constant 96 : index
        %get3A_374 = tpu.vector_load %arg14[%get3A_372, %get3A_373] {strides = array<i32>} : memref<128x136xf32, #tpu.memory_space<vmem>>, vector<1x16xf32>,
        %get3A_375 = vector.shape_cast %get3A_374 : vector<1x16xf32> to vector<16xf32>
        %slice3A_376 = vector.extract_strided_slice %exp3A_293 {offsets = [6], sizes = [1], strides = [1]} : vector<16xf32> to vector<1xf32>
        %squeeze3A_377 = vector.extract %slice3A_376[0] : f32 from vector<1xf32>
        %mul3A_378 = vector.broadcast %squeeze3A_377 : f32 to vector<16xf32>
        %mul3A_379 = arith.mulf %get3A_375, %mul3A_378 : vector<16xf32>
        %swap3A_380 = arith.index_cast %scan3A_278 : i32 to index
        %swap3A_381 = arith.constant 96 : index
        %swap3A_382 = tpu.vector_load %arg14[%swap3A_380, %swap3A_381] {strides = array<i32>} : memref<128x136xf32, #tpu.memory_space<vmem>>, vector<1x16xf32>,
        %swap3A_383 = vector.shape_cast %swap3A_382 : vector<1x16xf32> to vector<16xf32>
        %swap3A_384 = vector.shape_cast %mul3A_379 : vector<16xf32> to vector<1x16xf32>
        tpu.vector_store %arg14[%swap3A_380, %swap3A_381], %swap3A_384 {strides = array<i32>} : memref<128x136xf32, #tpu.memory_space<vmem>>, vector<1x16xf32>,
        %get3A_385 = arith.index_cast %scan3A_278 : i32 to index
        %get3A_386 = arith.constant 112 : index
        %get3A_387 = tpu.vector_load %arg14[%get3A_385, %get3A_386] {strides = array<i32>} : memref<128x136xf32, #tpu.memory_space<vmem>>, vector<1x16xf32>,
        %get3A_388 = vector.shape_cast %get3A_387 : vector<1x16xf32> to vector<16xf32>
        %slice3A_389 = vector.extract_strided_slice %exp3A_293 {offsets = [7], sizes = [1], strides = [1]} : vector<16xf32> to vector<1xf32>
        %squeeze3A_390 = vector.extract %slice3A_389[0] : f32 from vector<1xf32>
        %mul3A_391 = vector.broadcast %squeeze3A_390 : f32 to vector<16xf32>
        %mul3A_392 = arith.mulf %get3A_388, %mul3A_391 : vector<16xf32>
        %swap3A_393 = arith.index_cast %scan3A_278 : i32 to index
        %swap3A_394 = arith.constant 112 : index
        %swap3A_395 = tpu.vector_load %arg14[%swap3A_393, %swap3A_394] {strides = array<i32>} : memref<128x136xf32, #tpu.memory_space<vmem>>, vector<1x16xf32>,
        %swap3A_396 = vector.shape_cast %swap3A_395 : vector<1x16xf32> to vector<16xf32>
        %swap3A_397 = vector.shape_cast %mul3A_392 : vector<16xf32> to vector<1x16xf32>
        tpu.vector_store %arg14[%swap3A_393, %swap3A_394], %swap3A_397 {strides = array<i32>} : memref<128x136xf32, #tpu.memory_space<vmem>>, vector<1x16xf32>,
        %ge3A_398 = arith.constant 8 : i32
        %ge3A_399 = vector.broadcast %ge3A_398 : i32 to vector<16xi32>
        %ge3A_400 = arith.cmpi sge, %iota3A, %ge3A_399 : vector<16xi32>
        %lt3A_401 = arith.constant 0 : i32
        %lt3A_402 = vector.broadcast %lt3A_401 : i32 to vector<16xi32>
        %lt3A_403 = arith.cmpi slt, %select_n3A, %lt3A_402 : vector<16xi32>
        %add3A_404 = arith.constant 16 : i32
        %add3A_405 = vector.broadcast %add3A_404 : i32 to vector<16xi32>
        %add3A_406 = arith.addi %select_n3A, %add3A_405 : vector<16xi32>
        %select_n3A_407 = arith.select %lt3A_403, %add3A_406, %select_n3A : vector<16xi1>, vector<16xi32>
        %broadcast_in_dim3A_408 = vector.shape_cast %select_n3A_407 : vector<16xi32> to vector<16x1xi32>
        %gather3A_409 = vector.shape_cast %broadcast_in_dim3A_408 : vector<16x1xi32> to vector<16xi32>
        %gather3A_410 = tpu.dynamic_gather %exp3A_293[%gather3A_409] in [0] : vector<16xf32>, vector<16xi32> -> vector<16xf32>
        %jit3A_411 = arith.constant 1.000000e+00 : f32
        %broadcast_in_dim3A_412 = vector.broadcast %jit3A_411 : f32 to vector<16xf32>
        %select_n3A_413 = arith.select %ge3A_400, %gather3A_410, %broadcast_in_dim3A_412 : vector<16xi1>, vector<16xf32>
        %get3A_414 = arith.index_cast %scan3A_278 : i32 to index
        %get3A_415 = arith.constant 120 : index
        %get3A_416 = tpu.vector_load %arg14[%get3A_414, %get3A_415] {strides = array<i32>} : memref<128x136xf32, #tpu.memory_space<vmem>>, vector<1x16xf32>,
        %get3A_417 = vector.shape_cast %get3A_416 : vector<1x16xf32> to vector<16xf32>
        %mul3A_418 = arith.mulf %get3A_417, %select_n3A_413 : vector<16xf32>
        %swap3A_419 = arith.index_cast %scan3A_278 : i32 to index
        %swap3A_420 = arith.constant 120 : index
        %swap3A_421 = tpu.vector_load %arg14[%swap3A_419, %swap3A_420] {strides = array<i32>} : memref<128x136xf32, #tpu.memory_space<vmem>>, vector<1x16xf32>,
        %swap3A_422 = vector.shape_cast %swap3A_421 : vector<1x16xf32> to vector<16xf32>
        %swap3A_423 = vector.shape_cast %mul3A_418 : vector<16xf32> to vector<1x16xf32>
        tpu.vector_store %arg14[%swap3A_419, %swap3A_420], %swap3A_423 {strides = array<i32>} : memref<128x136xf32, #tpu.memory_space<vmem>>, vector<1x16xf32>,
        %scan3A_424 = arith.constant 2 : i32
        %scan3A_425 = arith.addi %scan3A_138, %scan3A_424 : i32
        %get3A_426 = arith.index_cast %scan3A_425 : i32 to index
        %get3A_427 = arith.constant 0 : index
        %get3A_428 = tpu.vector_load %arg12[%get3A_426, %get3A_427] {strides = array<i32>} : memref<128x16xf32, #tpu.memory_space<vmem>>, vector<1x16xf32>,
        %get3A_429 = vector.shape_cast %get3A_428 : vector<1x16xf32> to vector<16xf32>
        %get3A_430 = arith.index_cast %scan3A_425 : i32 to index
        %get3A_431 = arith.constant 0 : index
        %get3A_432 = tpu.vector_load %arg13[%get3A_430, %get3A_431] {strides = array<i32>} : memref<128x16xf32, #tpu.memory_space<vmem>>, vector<1x16xf32>,
        %get3A_433 = vector.shape_cast %get3A_432 : vector<1x16xf32> to vector<16xf32>
        %add3A_434 = arith.addf %get3A_429, %get3A_433 : vector<16xf32>
        %mul3A_435 = arith.constant 2.000000e-01 : f32
        %mul3A_436 = vector.broadcast %mul3A_435 : f32 to vector<16xf32>
        %mul3A_437 = arith.mulf %mul3A_436, %add3A_434 : vector<16xf32>
        %max3A_438 = arith.maximumf %add3A_434, %mul3A_437 : vector<16xf32>
        %sub3A_439 = arith.subf %max3A_438, %get3A_4 : vector<16xf32>
        %exp3A_440 = math.exp %sub3A_439 : vector<16xf32>
        %get3A_441 = arith.index_cast %scan3A_425 : i32 to index
        %get3A_442 = arith.constant 0 : index
        %get3A_443 = tpu.vector_load %arg14[%get3A_441, %get3A_442] {strides = array<i32>} : memref<128x136xf32, #tpu.memory_space<vmem>>, vector<1x16xf32>,
        %get3A_444 = vector.shape_cast %get3A_443 : vector<1x16xf32> to vector<16xf32>
        %slice3A_445 = vector.extract_strided_slice %exp3A_440 {offsets = [0], sizes = [1], strides = [1]} : vector<16xf32> to vector<1xf32>
        %squeeze3A_446 = vector.extract %slice3A_445[0] : f32 from vector<1xf32>
        %mul3A_447 = vector.broadcast %squeeze3A_446 : f32 to vector<16xf32>
        %mul3A_448 = arith.mulf %get3A_444, %mul3A_447 : vector<16xf32>
        %swap3A_449 = arith.index_cast %scan3A_425 : i32 to index
        %swap3A_450 = arith.constant 0 : index
        %swap3A_451 = tpu.vector_load %arg14[%swap3A_449, %swap3A_450] {strides = array<i32>} : memref<128x136xf32, #tpu.memory_space<vmem>>, vector<1x16xf32>,
        %swap3A_452 = vector.shape_cast %swap3A_451 : vector<1x16xf32> to vector<16xf32>
        %swap3A_453 = vector.shape_cast %mul3A_448 : vector<16xf32> to vector<1x16xf32>
        tpu.vector_store %arg14[%swap3A_449, %swap3A_450], %swap3A_453 {strides = array<i32>} : memref<128x136xf32, #tpu.memory_space<vmem>>, vector<1x16xf32>,
        %get3A_454 = arith.index_cast %scan3A_425 : i32 to index
        %get3A_455 = arith.constant 16 : index
        %get3A_456 = tpu.vector_load %arg14[%get3A_454, %get3A_455] {strides = array<i32>} : memref<128x136xf32, #tpu.memory_space<vmem>>, vector<1x16xf32>,
        %get3A_457 = vector.shape_cast %get3A_456 : vector<1x16xf32> to vector<16xf32>
        %slice3A_458 = vector.extract_strided_slice %exp3A_440 {offsets = [1], sizes = [1], strides = [1]} : vector<16xf32> to vector<1xf32>
        %squeeze3A_459 = vector.extract %slice3A_458[0] : f32 from vector<1xf32>
        %mul3A_460 = vector.broadcast %squeeze3A_459 : f32 to vector<16xf32>
        %mul3A_461 = arith.mulf %get3A_457, %mul3A_460 : vector<16xf32>
        %swap3A_462 = arith.index_cast %scan3A_425 : i32 to index
        %swap3A_463 = arith.constant 16 : index
        %swap3A_464 = tpu.vector_load %arg14[%swap3A_462, %swap3A_463] {strides = array<i32>} : memref<128x136xf32, #tpu.memory_space<vmem>>, vector<1x16xf32>,
        %swap3A_465 = vector.shape_cast %swap3A_464 : vector<1x16xf32> to vector<16xf32>
        %swap3A_466 = vector.shape_cast %mul3A_461 : vector<16xf32> to vector<1x16xf32>
        tpu.vector_store %arg14[%swap3A_462, %swap3A_463], %swap3A_466 {strides = array<i32>} : memref<128x136xf32, #tpu.memory_space<vmem>>, vector<1x16xf32>,
        %get3A_467 = arith.index_cast %scan3A_425 : i32 to index
        %get3A_468 = arith.constant 32 : index
        %get3A_469 = tpu.vector_load %arg14[%get3A_467, %get3A_468] {strides = array<i32>} : memref<128x136xf32, #tpu.memory_space<vmem>>, vector<1x16xf32>,
        %get3A_470 = vector.shape_cast %get3A_469 : vector<1x16xf32> to vector<16xf32>
        %slice3A_471 = vector.extract_strided_slice %exp3A_440 {offsets = [2], sizes = [1], strides = [1]} : vector<16xf32> to vector<1xf32>
        %squeeze3A_472 = vector.extract %slice3A_471[0] : f32 from vector<1xf32>
        %mul3A_473 = vector.broadcast %squeeze3A_472 : f32 to vector<16xf32>
        %mul3A_474 = arith.mulf %get3A_470, %mul3A_473 : vector<16xf32>
        %swap3A_475 = arith.index_cast %scan3A_425 : i32 to index
        %swap3A_476 = arith.constant 32 : index
        %swap3A_477 = tpu.vector_load %arg14[%swap3A_475, %swap3A_476] {strides = array<i32>} : memref<128x136xf32, #tpu.memory_space<vmem>>, vector<1x16xf32>,
        %swap3A_478 = vector.shape_cast %swap3A_477 : vector<1x16xf32> to vector<16xf32>
        %swap3A_479 = vector.shape_cast %mul3A_474 : vector<16xf32> to vector<1x16xf32>
        tpu.vector_store %arg14[%swap3A_475, %swap3A_476], %swap3A_479 {strides = array<i32>} : memref<128x136xf32, #tpu.memory_space<vmem>>, vector<1x16xf32>,
        %get3A_480 = arith.index_cast %scan3A_425 : i32 to index
        %get3A_481 = arith.constant 48 : index
        %get3A_482 = tpu.vector_load %arg14[%get3A_480, %get3A_481] {strides = array<i32>} : memref<128x136xf32, #tpu.memory_space<vmem>>, vector<1x16xf32>,
        %get3A_483 = vector.shape_cast %get3A_482 : vector<1x16xf32> to vector<16xf32>
        %slice3A_484 = vector.extract_strided_slice %exp3A_440 {offsets = [3], sizes = [1], strides = [1]} : vector<16xf32> to vector<1xf32>
        %squeeze3A_485 = vector.extract %slice3A_484[0] : f32 from vector<1xf32>
        %mul3A_486 = vector.broadcast %squeeze3A_485 : f32 to vector<16xf32>
        %mul3A_487 = arith.mulf %get3A_483, %mul3A_486 : vector<16xf32>
        %swap3A_488 = arith.index_cast %scan3A_425 : i32 to index
        %swap3A_489 = arith.constant 48 : index
        %swap3A_490 = tpu.vector_load %arg14[%swap3A_488, %swap3A_489] {strides = array<i32>} : memref<128x136xf32, #tpu.memory_space<vmem>>, vector<1x16xf32>,
        %swap3A_491 = vector.shape_cast %swap3A_490 : vector<1x16xf32> to vector<16xf32>
        %swap3A_492 = vector.shape_cast %mul3A_487 : vector<16xf32> to vector<1x16xf32>
        tpu.vector_store %arg14[%swap3A_488, %swap3A_489], %swap3A_492 {strides = array<i32>} : memref<128x136xf32, #tpu.memory_space<vmem>>, vector<1x16xf32>,
        %get3A_493 = arith.index_cast %scan3A_425 : i32 to index
        %get3A_494 = arith.constant 64 : index
        %get3A_495 = tpu.vector_load %arg14[%get3A_493, %get3A_494] {strides = array<i32>} : memref<128x136xf32, #tpu.memory_space<vmem>>, vector<1x16xf32>,
        %get3A_496 = vector.shape_cast %get3A_495 : vector<1x16xf32> to vector<16xf32>
        %slice3A_497 = vector.extract_strided_slice %exp3A_440 {offsets = [4], sizes = [1], strides = [1]} : vector<16xf32> to vector<1xf32>
        %squeeze3A_498 = vector.extract %slice3A_497[0] : f32 from vector<1xf32>
        %mul3A_499 = vector.broadcast %squeeze3A_498 : f32 to vector<16xf32>
        %mul3A_500 = arith.mulf %get3A_496, %mul3A_499 : vector<16xf32>
        %swap3A_501 = arith.index_cast %scan3A_425 : i32 to index
        %swap3A_502 = arith.constant 64 : index
        %swap3A_503 = tpu.vector_load %arg14[%swap3A_501, %swap3A_502] {strides = array<i32>} : memref<128x136xf32, #tpu.memory_space<vmem>>, vector<1x16xf32>,
        %swap3A_504 = vector.shape_cast %swap3A_503 : vector<1x16xf32> to vector<16xf32>
        %swap3A_505 = vector.shape_cast %mul3A_500 : vector<16xf32> to vector<1x16xf32>
        tpu.vector_store %arg14[%swap3A_501, %swap3A_502], %swap3A_505 {strides = array<i32>} : memref<128x136xf32, #tpu.memory_space<vmem>>, vector<1x16xf32>,
        %get3A_506 = arith.index_cast %scan3A_425 : i32 to index
        %get3A_507 = arith.constant 80 : index
        %get3A_508 = tpu.vector_load %arg14[%get3A_506, %get3A_507] {strides = array<i32>} : memref<128x136xf32, #tpu.memory_space<vmem>>, vector<1x16xf32>,
        %get3A_509 = vector.shape_cast %get3A_508 : vector<1x16xf32> to vector<16xf32>
        %slice3A_510 = vector.extract_strided_slice %exp3A_440 {offsets = [5], sizes = [1], strides = [1]} : vector<16xf32> to vector<1xf32>
        %squeeze3A_511 = vector.extract %slice3A_510[0] : f32 from vector<1xf32>
        %mul3A_512 = vector.broadcast %squeeze3A_511 : f32 to vector<16xf32>
        %mul3A_513 = arith.mulf %get3A_509, %mul3A_512 : vector<16xf32>
        %swap3A_514 = arith.index_cast %scan3A_425 : i32 to index
        %swap3A_515 = arith.constant 80 : index
        %swap3A_516 = tpu.vector_load %arg14[%swap3A_514, %swap3A_515] {strides = array<i32>} : memref<128x136xf32, #tpu.memory_space<vmem>>, vector<1x16xf32>,
        %swap3A_517 = vector.shape_cast %swap3A_516 : vector<1x16xf32> to vector<16xf32>
        %swap3A_518 = vector.shape_cast %mul3A_513 : vector<16xf32> to vector<1x16xf32>
        tpu.vector_store %arg14[%swap3A_514, %swap3A_515], %swap3A_518 {strides = array<i32>} : memref<128x136xf32, #tpu.memory_space<vmem>>, vector<1x16xf32>,
        %get3A_519 = arith.index_cast %scan3A_425 : i32 to index
        %get3A_520 = arith.constant 96 : index
        %get3A_521 = tpu.vector_load %arg14[%get3A_519, %get3A_520] {strides = array<i32>} : memref<128x136xf32, #tpu.memory_space<vmem>>, vector<1x16xf32>,
        %get3A_522 = vector.shape_cast %get3A_521 : vector<1x16xf32> to vector<16xf32>
        %slice3A_523 = vector.extract_strided_slice %exp3A_440 {offsets = [6], sizes = [1], strides = [1]} : vector<16xf32> to vector<1xf32>
        %squeeze3A_524 = vector.extract %slice3A_523[0] : f32 from vector<1xf32>
        %mul3A_525 = vector.broadcast %squeeze3A_524 : f32 to vector<16xf32>
        %mul3A_526 = arith.mulf %get3A_522, %mul3A_525 : vector<16xf32>
        %swap3A_527 = arith.index_cast %scan3A_425 : i32 to index
        %swap3A_528 = arith.constant 96 : index
        %swap3A_529 = tpu.vector_load %arg14[%swap3A_527, %swap3A_528] {strides = array<i32>} : memref<128x136xf32, #tpu.memory_space<vmem>>, vector<1x16xf32>,
        %swap3A_530 = vector.shape_cast %swap3A_529 : vector<1x16xf32> to vector<16xf32>
        %swap3A_531 = vector.shape_cast %mul3A_526 : vector<16xf32> to vector<1x16xf32>
        tpu.vector_store %arg14[%swap3A_527, %swap3A_528], %swap3A_531 {strides = array<i32>} : memref<128x136xf32, #tpu.memory_space<vmem>>, vector<1x16xf32>,
        %get3A_532 = arith.index_cast %scan3A_425 : i32 to index
        %get3A_533 = arith.constant 112 : index
        %get3A_534 = tpu.vector_load %arg14[%get3A_532, %get3A_533] {strides = array<i32>} : memref<128x136xf32, #tpu.memory_space<vmem>>, vector<1x16xf32>,
        %get3A_535 = vector.shape_cast %get3A_534 : vector<1x16xf32> to vector<16xf32>
        %slice3A_536 = vector.extract_strided_slice %exp3A_440 {offsets = [7], sizes = [1], strides = [1]} : vector<16xf32> to vector<1xf32>
        %squeeze3A_537 = vector.extract %slice3A_536[0] : f32 from vector<1xf32>
        %mul3A_538 = vector.broadcast %squeeze3A_537 : f32 to vector<16xf32>
        %mul3A_539 = arith.mulf %get3A_535, %mul3A_538 : vector<16xf32>
        %swap3A_540 = arith.index_cast %scan3A_425 : i32 to index
        %swap3A_541 = arith.constant 112 : index
        %swap3A_542 = tpu.vector_load %arg14[%swap3A_540, %swap3A_541] {strides = array<i32>} : memref<128x136xf32, #tpu.memory_space<vmem>>, vector<1x16xf32>,
        %swap3A_543 = vector.shape_cast %swap3A_542 : vector<1x16xf32> to vector<16xf32>
        %swap3A_544 = vector.shape_cast %mul3A_539 : vector<16xf32> to vector<1x16xf32>
        tpu.vector_store %arg14[%swap3A_540, %swap3A_541], %swap3A_544 {strides = array<i32>} : memref<128x136xf32, #tpu.memory_space<vmem>>, vector<1x16xf32>,
        %ge3A_545 = arith.constant 8 : i32
        %ge3A_546 = vector.broadcast %ge3A_545 : i32 to vector<16xi32>
        %ge3A_547 = arith.cmpi sge, %iota3A, %ge3A_546 : vector<16xi32>
        %lt3A_548 = arith.constant 0 : i32
        %lt3A_549 = vector.broadcast %lt3A_548 : i32 to vector<16xi32>
        %lt3A_550 = arith.cmpi slt, %select_n3A, %lt3A_549 : vector<16xi32>
        %add3A_551 = arith.constant 16 : i32
        %add3A_552 = vector.broadcast %add3A_551 : i32 to vector<16xi32>
        %add3A_553 = arith.addi %select_n3A, %add3A_552 : vector<16xi32>
        %select_n3A_554 = arith.select %lt3A_550, %add3A_553, %select_n3A : vector<16xi1>, vector<16xi32>
        %broadcast_in_dim3A_555 = vector.shape_cast %select_n3A_554 : vector<16xi32> to vector<16x1xi32>
        %gather3A_556 = vector.shape_cast %broadcast_in_dim3A_555 : vector<16x1xi32> to vector<16xi32>
        %gather3A_557 = tpu.dynamic_gather %exp3A_440[%gather3A_556] in [0] : vector<16xf32>, vector<16xi32> -> vector<16xf32>
        %jit3A_558 = arith.constant 1.000000e+00 : f32
        %broadcast_in_dim3A_559 = vector.broadcast %jit3A_558 : f32 to vector<16xf32>
        %select_n3A_560 = arith.select %ge3A_547, %gather3A_557, %broadcast_in_dim3A_559 : vector<16xi1>, vector<16xf32>
        %get3A_561 = arith.index_cast %scan3A_425 : i32 to index
        %get3A_562 = arith.constant 120 : index
        %get3A_563 = tpu.vector_load %arg14[%get3A_561, %get3A_562] {strides = array<i32>} : memref<128x136xf32, #tpu.memory_space<vmem>>, vector<1x16xf32>,
        %get3A_564 = vector.shape_cast %get3A_563 : vector<1x16xf32> to vector<16xf32>
        %mul3A_565 = arith.mulf %get3A_564, %select_n3A_560 : vector<16xf32>
        %swap3A_566 = arith.index_cast %scan3A_425 : i32 to index
        %swap3A_567 = arith.constant 120 : index
        %swap3A_568 = tpu.vector_load %arg14[%swap3A_566, %swap3A_567] {strides = array<i32>} : memref<128x136xf32, #tpu.memory_space<vmem>>, vector<1x16xf32>,
        %swap3A_569 = vector.shape_cast %swap3A_568 : vector<1x16xf32> to vector<16xf32>
        %swap3A_570 = vector.shape_cast %mul3A_565 : vector<16xf32> to vector<1x16xf32>
        tpu.vector_store %arg14[%swap3A_566, %swap3A_567], %swap3A_570 {strides = array<i32>} : memref<128x136xf32, #tpu.memory_space<vmem>>, vector<1x16xf32>,
        %scan3A_571 = arith.constant 3 : i32
        %scan3A_572 = arith.addi %scan3A_138, %scan3A_571 : i32
        %get3A_573 = arith.index_cast %scan3A_572 : i32 to index
        %get3A_574 = arith.constant 0 : index
        %get3A_575 = tpu.vector_load %arg12[%get3A_573, %get3A_574] {strides = array<i32>} : memref<128x16xf32, #tpu.memory_space<vmem>>, vector<1x16xf32>,
        %get3A_576 = vector.shape_cast %get3A_575 : vector<1x16xf32> to vector<16xf32>
        %get3A_577 = arith.index_cast %scan3A_572 : i32 to index
        %get3A_578 = arith.constant 0 : index
        %get3A_579 = tpu.vector_load %arg13[%get3A_577, %get3A_578] {strides = array<i32>} : memref<128x16xf32, #tpu.memory_space<vmem>>, vector<1x16xf32>,
        %get3A_580 = vector.shape_cast %get3A_579 : vector<1x16xf32> to vector<16xf32>
        %add3A_581 = arith.addf %get3A_576, %get3A_580 : vector<16xf32>
        %mul3A_582 = arith.constant 2.000000e-01 : f32
        %mul3A_583 = vector.broadcast %mul3A_582 : f32 to vector<16xf32>
        %mul3A_584 = arith.mulf %mul3A_583, %add3A_581 : vector<16xf32>
        %max3A_585 = arith.maximumf %add3A_581, %mul3A_584 : vector<16xf32>
        %sub3A_586 = arith.subf %max3A_585, %get3A_4 : vector<16xf32>
        %exp3A_587 = math.exp %sub3A_586 : vector<16xf32>
        %get3A_588 = arith.index_cast %scan3A_572 : i32 to index
        %get3A_589 = arith.constant 0 : index
        %get3A_590 = tpu.vector_load %arg14[%get3A_588, %get3A_589] {strides = array<i32>} : memref<128x136xf32, #tpu.memory_space<vmem>>, vector<1x16xf32>,
        %get3A_591 = vector.shape_cast %get3A_590 : vector<1x16xf32> to vector<16xf32>
        %slice3A_592 = vector.extract_strided_slice %exp3A_587 {offsets = [0], sizes = [1], strides = [1]} : vector<16xf32> to vector<1xf32>
        %squeeze3A_593 = vector.extract %slice3A_592[0] : f32 from vector<1xf32>
        %mul3A_594 = vector.broadcast %squeeze3A_593 : f32 to vector<16xf32>
        %mul3A_595 = arith.mulf %get3A_591, %mul3A_594 : vector<16xf32>
        %swap3A_596 = arith.index_cast %scan3A_572 : i32 to index
        %swap3A_597 = arith.constant 0 : index
        %swap3A_598 = tpu.vector_load %arg14[%swap3A_596, %swap3A_597] {strides = array<i32>} : memref<128x136xf32, #tpu.memory_space<vmem>>, vector<1x16xf32>,
        %swap3A_599 = vector.shape_cast %swap3A_598 : vector<1x16xf32> to vector<16xf32>
        %swap3A_600 = vector.shape_cast %mul3A_595 : vector<16xf32> to vector<1x16xf32>
        tpu.vector_store %arg14[%swap3A_596, %swap3A_597], %swap3A_600 {strides = array<i32>} : memref<128x136xf32, #tpu.memory_space<vmem>>, vector<1x16xf32>,
        %get3A_601 = arith.index_cast %scan3A_572 : i32 to index
        %get3A_602 = arith.constant 16 : index
        %get3A_603 = tpu.vector_load %arg14[%get3A_601, %get3A_602] {strides = array<i32>} : memref<128x136xf32, #tpu.memory_space<vmem>>, vector<1x16xf32>,
        %get3A_604 = vector.shape_cast %get3A_603 : vector<1x16xf32> to vector<16xf32>
        %slice3A_605 = vector.extract_strided_slice %exp3A_587 {offsets = [1], sizes = [1], strides = [1]} : vector<16xf32> to vector<1xf32>
        %squeeze3A_606 = vector.extract %slice3A_605[0] : f32 from vector<1xf32>
        %mul3A_607 = vector.broadcast %squeeze3A_606 : f32 to vector<16xf32>
        %mul3A_608 = arith.mulf %get3A_604, %mul3A_607 : vector<16xf32>
        %swap3A_609 = arith.index_cast %scan3A_572 : i32 to index
        %swap3A_610 = arith.constant 16 : index
        %swap3A_611 = tpu.vector_load %arg14[%swap3A_609, %swap3A_610] {strides = array<i32>} : memref<128x136xf32, #tpu.memory_space<vmem>>, vector<1x16xf32>,
        %swap3A_612 = vector.shape_cast %swap3A_611 : vector<1x16xf32> to vector<16xf32>
        %swap3A_613 = vector.shape_cast %mul3A_608 : vector<16xf32> to vector<1x16xf32>
        tpu.vector_store %arg14[%swap3A_609, %swap3A_610], %swap3A_613 {strides = array<i32>} : memref<128x136xf32, #tpu.memory_space<vmem>>, vector<1x16xf32>,
        %get3A_614 = arith.index_cast %scan3A_572 : i32 to index
        %get3A_615 = arith.constant 32 : index
        %get3A_616 = tpu.vector_load %arg14[%get3A_614, %get3A_615] {strides = array<i32>} : memref<128x136xf32, #tpu.memory_space<vmem>>, vector<1x16xf32>,
        %get3A_617 = vector.shape_cast %get3A_616 : vector<1x16xf32> to vector<16xf32>
        %slice3A_618 = vector.extract_strided_slice %exp3A_587 {offsets = [2], sizes = [1], strides = [1]} : vector<16xf32> to vector<1xf32>
        %squeeze3A_619 = vector.extract %slice3A_618[0] : f32 from vector<1xf32>
        %mul3A_620 = vector.broadcast %squeeze3A_619 : f32 to vector<16xf32>
        %mul3A_621 = arith.mulf %get3A_617, %mul3A_620 : vector<16xf32>
        %swap3A_622 = arith.index_cast %scan3A_572 : i32 to index
        %swap3A_623 = arith.constant 32 : index
        %swap3A_624 = tpu.vector_load %arg14[%swap3A_622, %swap3A_623] {strides = array<i32>} : memref<128x136xf32, #tpu.memory_space<vmem>>, vector<1x16xf32>,
        %swap3A_625 = vector.shape_cast %swap3A_624 : vector<1x16xf32> to vector<16xf32>
        %swap3A_626 = vector.shape_cast %mul3A_621 : vector<16xf32> to vector<1x16xf32>
        tpu.vector_store %arg14[%swap3A_622, %swap3A_623], %swap3A_626 {strides = array<i32>} : memref<128x136xf32, #tpu.memory_space<vmem>>, vector<1x16xf32>,
        %get3A_627 = arith.index_cast %scan3A_572 : i32 to index
        %get3A_628 = arith.constant 48 : index
        %get3A_629 = tpu.vector_load %arg14[%get3A_627, %get3A_628] {strides = array<i32>} : memref<128x136xf32, #tpu.memory_space<vmem>>, vector<1x16xf32>,
        %get3A_630 = vector.shape_cast %get3A_629 : vector<1x16xf32> to vector<16xf32>
        %slice3A_631 = vector.extract_strided_slice %exp3A_587 {offsets = [3], sizes = [1], strides = [1]} : vector<16xf32> to vector<1xf32>
        %squeeze3A_632 = vector.extract %slice3A_631[0] : f32 from vector<1xf32>
        %mul3A_633 = vector.broadcast %squeeze3A_632 : f32 to vector<16xf32>
        %mul3A_634 = arith.mulf %get3A_630, %mul3A_633 : vector<16xf32>
        %swap3A_635 = arith.index_cast %scan3A_572 : i32 to index
        %swap3A_636 = arith.constant 48 : index
        %swap3A_637 = tpu.vector_load %arg14[%swap3A_635, %swap3A_636] {strides = array<i32>} : memref<128x136xf32, #tpu.memory_space<vmem>>, vector<1x16xf32>,
        %swap3A_638 = vector.shape_cast %swap3A_637 : vector<1x16xf32> to vector<16xf32>
        %swap3A_639 = vector.shape_cast %mul3A_634 : vector<16xf32> to vector<1x16xf32>
        tpu.vector_store %arg14[%swap3A_635, %swap3A_636], %swap3A_639 {strides = array<i32>} : memref<128x136xf32, #tpu.memory_space<vmem>>, vector<1x16xf32>,
        %get3A_640 = arith.index_cast %scan3A_572 : i32 to index
        %get3A_641 = arith.constant 64 : index
        %get3A_642 = tpu.vector_load %arg14[%get3A_640, %get3A_641] {strides = array<i32>} : memref<128x136xf32, #tpu.memory_space<vmem>>, vector<1x16xf32>,
        %get3A_643 = vector.shape_cast %get3A_642 : vector<1x16xf32> to vector<16xf32>
        %slice3A_644 = vector.extract_strided_slice %exp3A_587 {offsets = [4], sizes = [1], strides = [1]} : vector<16xf32> to vector<1xf32>
        %squeeze3A_645 = vector.extract %slice3A_644[0] : f32 from vector<1xf32>
        %mul3A_646 = vector.broadcast %squeeze3A_645 : f32 to vector<16xf32>
        %mul3A_647 = arith.mulf %get3A_643, %mul3A_646 : vector<16xf32>
        %swap3A_648 = arith.index_cast %scan3A_572 : i32 to index
        %swap3A_649 = arith.constant 64 : index
        %swap3A_650 = tpu.vector_load %arg14[%swap3A_648, %swap3A_649] {strides = array<i32>} : memref<128x136xf32, #tpu.memory_space<vmem>>, vector<1x16xf32>,
        %swap3A_651 = vector.shape_cast %swap3A_650 : vector<1x16xf32> to vector<16xf32>
        %swap3A_652 = vector.shape_cast %mul3A_647 : vector<16xf32> to vector<1x16xf32>
        tpu.vector_store %arg14[%swap3A_648, %swap3A_649], %swap3A_652 {strides = array<i32>} : memref<128x136xf32, #tpu.memory_space<vmem>>, vector<1x16xf32>,
        %get3A_653 = arith.index_cast %scan3A_572 : i32 to index
        %get3A_654 = arith.constant 80 : index
        %get3A_655 = tpu.vector_load %arg14[%get3A_653, %get3A_654] {strides = array<i32>} : memref<128x136xf32, #tpu.memory_space<vmem>>, vector<1x16xf32>,
        %get3A_656 = vector.shape_cast %get3A_655 : vector<1x16xf32> to vector<16xf32>
        %slice3A_657 = vector.extract_strided_slice %exp3A_587 {offsets = [5], sizes = [1], strides = [1]} : vector<16xf32> to vector<1xf32>
        %squeeze3A_658 = vector.extract %slice3A_657[0] : f32 from vector<1xf32>
        %mul3A_659 = vector.broadcast %squeeze3A_658 : f32 to vector<16xf32>
        %mul3A_660 = arith.mulf %get3A_656, %mul3A_659 : vector<16xf32>
        %swap3A_661 = arith.index_cast %scan3A_572 : i32 to index
        %swap3A_662 = arith.constant 80 : index
        %swap3A_663 = tpu.vector_load %arg14[%swap3A_661, %swap3A_662] {strides = array<i32>} : memref<128x136xf32, #tpu.memory_space<vmem>>, vector<1x16xf32>,
        %swap3A_664 = vector.shape_cast %swap3A_663 : vector<1x16xf32> to vector<16xf32>
        %swap3A_665 = vector.shape_cast %mul3A_660 : vector<16xf32> to vector<1x16xf32>
        tpu.vector_store %arg14[%swap3A_661, %swap3A_662], %swap3A_665 {strides = array<i32>} : memref<128x136xf32, #tpu.memory_space<vmem>>, vector<1x16xf32>,
        %get3A_666 = arith.index_cast %scan3A_572 : i32 to index
        %get3A_667 = arith.constant 96 : index
        %get3A_668 = tpu.vector_load %arg14[%get3A_666, %get3A_667] {strides = array<i32>} : memref<128x136xf32, #tpu.memory_space<vmem>>, vector<1x16xf32>,
        %get3A_669 = vector.shape_cast %get3A_668 : vector<1x16xf32> to vector<16xf32>
        %slice3A_670 = vector.extract_strided_slice %exp3A_587 {offsets = [6], sizes = [1], strides = [1]} : vector<16xf32> to vector<1xf32>
        %squeeze3A_671 = vector.extract %slice3A_670[0] : f32 from vector<1xf32>
        %mul3A_672 = vector.broadcast %squeeze3A_671 : f32 to vector<16xf32>
        %mul3A_673 = arith.mulf %get3A_669, %mul3A_672 : vector<16xf32>
        %swap3A_674 = arith.index_cast %scan3A_572 : i32 to index
        %swap3A_675 = arith.constant 96 : index
        %swap3A_676 = tpu.vector_load %arg14[%swap3A_674, %swap3A_675] {strides = array<i32>} : memref<128x136xf32, #tpu.memory_space<vmem>>, vector<1x16xf32>,
        %swap3A_677 = vector.shape_cast %swap3A_676 : vector<1x16xf32> to vector<16xf32>
        %swap3A_678 = vector.shape_cast %mul3A_673 : vector<16xf32> to vector<1x16xf32>
        tpu.vector_store %arg14[%swap3A_674, %swap3A_675], %swap3A_678 {strides = array<i32>} : memref<128x136xf32, #tpu.memory_space<vmem>>, vector<1x16xf32>,
        %get3A_679 = arith.index_cast %scan3A_572 : i32 to index
        %get3A_680 = arith.constant 112 : index
        %get3A_681 = tpu.vector_load %arg14[%get3A_679, %get3A_680] {strides = array<i32>} : memref<128x136xf32, #tpu.memory_space<vmem>>, vector<1x16xf32>,
        %get3A_682 = vector.shape_cast %get3A_681 : vector<1x16xf32> to vector<16xf32>
        %slice3A_683 = vector.extract_strided_slice %exp3A_587 {offsets = [7], sizes = [1], strides = [1]} : vector<16xf32> to vector<1xf32>
        %squeeze3A_684 = vector.extract %slice3A_683[0] : f32 from vector<1xf32>
        %mul3A_685 = vector.broadcast %squeeze3A_684 : f32 to vector<16xf32>
        %mul3A_686 = arith.mulf %get3A_682, %mul3A_685 : vector<16xf32>
        %swap3A_687 = arith.index_cast %scan3A_572 : i32 to index
        %swap3A_688 = arith.constant 112 : index
        %swap3A_689 = tpu.vector_load %arg14[%swap3A_687, %swap3A_688] {strides = array<i32>} : memref<128x136xf32, #tpu.memory_space<vmem>>, vector<1x16xf32>,
        %swap3A_690 = vector.shape_cast %swap3A_689 : vector<1x16xf32> to vector<16xf32>
        %swap3A_691 = vector.shape_cast %mul3A_686 : vector<16xf32> to vector<1x16xf32>
        tpu.vector_store %arg14[%swap3A_687, %swap3A_688], %swap3A_691 {strides = array<i32>} : memref<128x136xf32, #tpu.memory_space<vmem>>, vector<1x16xf32>,
        %ge3A_692 = arith.constant 8 : i32
        %ge3A_693 = vector.broadcast %ge3A_692 : i32 to vector<16xi32>
        %ge3A_694 = arith.cmpi sge, %iota3A, %ge3A_693 : vector<16xi32>
        %lt3A_695 = arith.constant 0 : i32
        %lt3A_696 = vector.broadcast %lt3A_695 : i32 to vector<16xi32>
        %lt3A_697 = arith.cmpi slt, %select_n3A, %lt3A_696 : vector<16xi32>
        %add3A_698 = arith.constant 16 : i32
        %add3A_699 = vector.broadcast %add3A_698 : i32 to vector<16xi32>
        %add3A_700 = arith.addi %select_n3A, %add3A_699 : vector<16xi32>
        %select_n3A_701 = arith.select %lt3A_697, %add3A_700, %select_n3A : vector<16xi1>, vector<16xi32>
        %broadcast_in_dim3A_702 = vector.shape_cast %select_n3A_701 : vector<16xi32> to vector<16x1xi32>
        %gather3A_703 = vector.shape_cast %broadcast_in_dim3A_702 : vector<16x1xi32> to vector<16xi32>
        %gather3A_704 = tpu.dynamic_gather %exp3A_587[%gather3A_703] in [0] : vector<16xf32>, vector<16xi32> -> vector<16xf32>
        %jit3A_705 = arith.constant 1.000000e+00 : f32
        %broadcast_in_dim3A_706 = vector.broadcast %jit3A_705 : f32 to vector<16xf32>
        %select_n3A_707 = arith.select %ge3A_694, %gather3A_704, %broadcast_in_dim3A_706 : vector<16xi1>, vector<16xf32>
        %get3A_708 = arith.index_cast %scan3A_572 : i32 to index
        %get3A_709 = arith.constant 120 : index
        %get3A_710 = tpu.vector_load %arg14[%get3A_708, %get3A_709] {strides = array<i32>} : memref<128x136xf32, #tpu.memory_space<vmem>>, vector<1x16xf32>,
        %get3A_711 = vector.shape_cast %get3A_710 : vector<1x16xf32> to vector<16xf32>
        %mul3A_712 = arith.mulf %get3A_711, %select_n3A_707 : vector<16xf32>
        %swap3A_713 = arith.index_cast %scan3A_572 : i32 to index
        %swap3A_714 = arith.constant 120 : index
        %swap3A_715 = tpu.vector_load %arg14[%swap3A_713, %swap3A_714] {strides = array<i32>} : memref<128x136xf32, #tpu.memory_space<vmem>>, vector<1x16xf32>,
        %swap3A_716 = vector.shape_cast %swap3A_715 : vector<1x16xf32> to vector<16xf32>
        %swap3A_717 = vector.shape_cast %mul3A_712 : vector<16xf32> to vector<1x16xf32>
        tpu.vector_store %arg14[%swap3A_713, %swap3A_714], %swap3A_717 {strides = array<i32>} : memref<128x136xf32, #tpu.memory_space<vmem>>, vector<1x16xf32>,
      }
      %scan3A_80 = arith.constant 128 : i32
      "tpu.region"() ({
        %run_scoped3A = tpu.sem_alloc : memref<!tpu.dma_semaphore, #tpu.memory_space<semaphore_mem>>
        %dma_start3A_138 = arith.constant 0 : i32
        %dma_start3A_139 = arith.constant 0 : i32
        %dma_start3A_140 = tpu.memref_slice %arg21[%dma_start3A_138, %dma_start3A_139] : memref<10016x136xf32, #tpu.memory_space<vmem_shared>> -> memref<10016x136xf32, #tpu.memory_space<vmem_shared>>
        tpu.enqueue_indirect_dma source(%arg14 : memref<128x136xf32, #tpu.memory_space<vmem>>) target(%dma_start3A_140 : memref<10016x136xf32, #tpu.memory_space<vmem_shared>>) offsets(%arg11 : memref<128xi32, #tpu.memory_space<vmem>>) semaphore(%run_scoped3A : memref<!tpu.dma_semaphore, #tpu.memory_space<semaphore_mem>>) {add = true}
        %dma_wait3A_141 = arith.constant 0 : i32
        %dma_wait3A_142 = arith.constant 0 : i32
        %dma_wait3A_143 = tpu.memref_slice %arg21[%dma_wait3A_141, %dma_wait3A_142] : memref<10016x136xf32, #tpu.memory_space<vmem_shared>> -> memref<10016x136xf32, #tpu.memory_space<vmem_shared>>
        tpu.wait_indirect_dma semaphore(%run_scoped3A : memref<!tpu.dma_semaphore, #tpu.memory_space<semaphore_mem>>) src(%arg14 : memref<128x136xf32, #tpu.memory_space<vmem>>) dst(%dma_wait3A_143 : memref<10016x136xf32, #tpu.memory_space<vmem_shared>>)
        tpu.yield
      }) : () -> ()
      %mul3A_81 = arith.constant 2 : i32
      %mul3A_82 = arith.muli %mul3A_81, %scan3A_65 : i32
      %add3A_83 = arith.constant 2 : i32
      %add3A_84 = arith.addi %mul3A_82, %add3A_83 : i32
      %mul3A_85 = arith.constant 82 : i32
      %mul3A_86 = arith.muli %add3A, %mul3A_85 : i32
      %min3A_87 = arith.constant 81 : i32
      %min3A_88 = arith.minsi %add3A_84, %min3A_87 : i32
      %add3A_89 = arith.addi %mul3A_86, %min3A_88 : i32
      %mul3A_90 = arith.constant 128 : i32
      %mul3A_91 = arith.muli %add3A_89, %mul3A_90 : i32
      %multiple_of3A_92 = tpu.assume_multiple %mul3A_91, 128 : i32
      "tpu.region"() ({
        %run_scoped3A = tpu.sem_alloc : memref<!tpu.dma_semaphore, #tpu.memory_space<semaphore_mem>>
        %dma_start3A_138 = tpu.memref_slice %arg4[%multiple_of3A_92] : memref<335872xi32, #tpu.memory_space<hbm>> -> memref<128xi32, #tpu.memory_space<hbm>>
        %dma_start3A_139 = tpu.memref_slice %arg4[%multiple_of3A_92] : memref<335872xi32, #tpu.memory_space<hbm>> -> memref<128xi32, #tpu.memory_space<hbm>>
        tpu.enqueue_dma source(%dma_start3A_139 : memref<128xi32, #tpu.memory_space<hbm>>) target(%arg10 : memref<128xi32, #tpu.memory_space<vmem>>) target_semaphore(%run_scoped3A : memref<!tpu.dma_semaphore, #tpu.memory_space<semaphore_mem>>)
        %dma_wait3A_140 = tpu.memref_slice %arg4[%multiple_of3A_92] : memref<335872xi32, #tpu.memory_space<hbm>> -> memref<128xi32, #tpu.memory_space<hbm>>
        %dma_wait3A_141 = tpu.memref_slice %arg4[%multiple_of3A_92] : memref<335872xi32, #tpu.memory_space<hbm>> -> memref<128xi32, #tpu.memory_space<hbm>>
        tpu.wait_dma2 semaphore(%run_scoped3A : memref<!tpu.dma_semaphore, #tpu.memory_space<semaphore_mem>>) src(%dma_wait3A_141 : memref<128xi32, #tpu.memory_space<hbm>>) dst(%arg10 : memref<128xi32, #tpu.memory_space<vmem>>)
        tpu.yield
      }) : () -> ()
      "tpu.region"() ({
        %run_scoped3A = tpu.sem_alloc : memref<!tpu.dma_semaphore, #tpu.memory_space<semaphore_mem>>
        %dma_start3A_138 = tpu.memref_slice %arg5[%multiple_of3A_92] : memref<335872xi32, #tpu.memory_space<hbm>> -> memref<128xi32, #tpu.memory_space<hbm>>
        %dma_start3A_139 = tpu.memref_slice %arg5[%multiple_of3A_92] : memref<335872xi32, #tpu.memory_space<hbm>> -> memref<128xi32, #tpu.memory_space<hbm>>
        tpu.enqueue_dma source(%dma_start3A_139 : memref<128xi32, #tpu.memory_space<hbm>>) target(%arg11 : memref<128xi32, #tpu.memory_space<vmem>>) target_semaphore(%run_scoped3A : memref<!tpu.dma_semaphore, #tpu.memory_space<semaphore_mem>>)
        %dma_wait3A_140 = tpu.memref_slice %arg5[%multiple_of3A_92] : memref<335872xi32, #tpu.memory_space<hbm>> -> memref<128xi32, #tpu.memory_space<hbm>>
        %dma_wait3A_141 = tpu.memref_slice %arg5[%multiple_of3A_92] : memref<335872xi32, #tpu.memory_space<hbm>> -> memref<128xi32, #tpu.memory_space<hbm>>
        tpu.wait_dma2 semaphore(%run_scoped3A : memref<!tpu.dma_semaphore, #tpu.memory_space<semaphore_mem>>) src(%dma_wait3A_141 : memref<128xi32, #tpu.memory_space<hbm>>) dst(%arg11 : memref<128xi32, #tpu.memory_space<vmem>>)
        tpu.yield
      }) : () -> ()
      %dma_start3A_93 = arith.constant 0 : i32
      %dma_start3A_94 = arith.constant 0 : i32
      %dma_start3A_95 = tpu.memref_slice %arg2[%dma_start3A_93, %dma_start3A_94] : memref<10016x16xf32, #tpu.memory_space<hbm>> -> memref<10016x16xf32, #tpu.memory_space<hbm>>
      tpu.enqueue_indirect_dma source(%dma_start3A_95 : memref<10016x16xf32, #tpu.memory_space<hbm>>) target(%arg12 : memref<128x16xf32, #tpu.memory_space<vmem>>) offsets(%arg10 : memref<128xi32, #tpu.memory_space<vmem>>) semaphore(%arg22 : memref<!tpu.dma_semaphore, #tpu.memory_space<semaphore_mem>>)
      %dma_start3A_96 = arith.constant 0 : i32
      %dma_start3A_97 = arith.constant 0 : i32
      %dma_start3A_98 = tpu.memref_slice %arg3[%dma_start3A_96, %dma_start3A_97] : memref<10016x16xf32, #tpu.memory_space<hbm>> -> memref<10016x16xf32, #tpu.memory_space<hbm>>
      tpu.enqueue_indirect_dma source(%dma_start3A_98 : memref<10016x16xf32, #tpu.memory_space<hbm>>) target(%arg13 : memref<128x16xf32, #tpu.memory_space<vmem>>) offsets(%arg11 : memref<128xi32, #tpu.memory_space<vmem>>) semaphore(%arg22 : memref<!tpu.dma_semaphore, #tpu.memory_space<semaphore_mem>>)
      %dma_start3A_99 = arith.constant 0 : i32
      %dma_start3A_100 = arith.constant 0 : i32
      %dma_start3A_101 = tpu.memref_slice %arg7[%dma_start3A_99, %dma_start3A_100] : memref<10016x136xf32, #tpu.memory_space<hbm>> -> memref<10016x136xf32, #tpu.memory_space<hbm>>
      tpu.enqueue_indirect_dma source(%dma_start3A_101 : memref<10016x136xf32, #tpu.memory_space<hbm>>) target(%arg14 : memref<128x136xf32, #tpu.memory_space<vmem>>) offsets(%arg10 : memref<128xi32, #tpu.memory_space<vmem>>) semaphore(%arg22 : memref<!tpu.dma_semaphore, #tpu.memory_space<semaphore_mem>>)
      %dma_wait3A_102 = arith.constant 0 : i32
      %dma_wait3A_103 = arith.constant 0 : i32
      %dma_wait3A_104 = tpu.memref_slice %arg2[%dma_wait3A_102, %dma_wait3A_103] : memref<10016x16xf32, #tpu.memory_space<hbm>> -> memref<10016x16xf32, #tpu.memory_space<hbm>>
      tpu.wait_indirect_dma semaphore(%arg23 : memref<!tpu.dma_semaphore, #tpu.memory_space<semaphore_mem>>) src(%dma_wait3A_104 : memref<10016x16xf32, #tpu.memory_space<hbm>>) dst(%arg17 : memref<128x16xf32, #tpu.memory_space<vmem>>)
      %dma_wait3A_105 = arith.constant 0 : i32
      %dma_wait3A_106 = arith.constant 0 : i32
      %dma_wait3A_107 = tpu.memref_slice %arg3[%dma_wait3A_105, %dma_wait3A_106] : memref<10016x16xf32, #tpu.memory_space<hbm>> -> memref<10016x16xf32, #tpu.memory_space<hbm>>
      tpu.wait_indirect_dma semaphore(%arg23 : memref<!tpu.dma_semaphore, #tpu.memory_space<semaphore_mem>>) src(%dma_wait3A_107 : memref<10016x16xf32, #tpu.memory_space<hbm>>) dst(%arg18 : memref<128x16xf32, #tpu.memory_space<vmem>>)
      %dma_wait3A_108 = arith.constant 0 : i32
      %dma_wait3A_109 = arith.constant 0 : i32
      %dma_wait3A_110 = tpu.memref_slice %arg7[%dma_wait3A_108, %dma_wait3A_109] : memref<10016x136xf32, #tpu.memory_space<hbm>> -> memref<10016x136xf32, #tpu.memory_space<hbm>>
      tpu.wait_indirect_dma semaphore(%arg23 : memref<!tpu.dma_semaphore, #tpu.memory_space<semaphore_mem>>) src(%dma_wait3A_110 : memref<10016x136xf32, #tpu.memory_space<hbm>>) dst(%arg19 : memref<128x136xf32, #tpu.memory_space<vmem>>)
      %scan3A_111 = arith.constant 0 : i32
      %scan3A_112 = arith.constant 0 : i32
      %scan3A_113 = arith.constant 128 : i32
      %scan3A_114 = arith.addi %scan3A_112, %scan3A_113 : i32
      %scan3A_115 = arith.constant 4 : i32
      scf.for %scan3A_138 = %scan3A_112 to %scan3A_114 step %scan3A_115  : i32 {
        %get3A_139 = arith.index_cast %scan3A_138 : i32 to index
        %get3A_140 = arith.constant 0 : index
        %get3A_141 = tpu.vector_load %arg17[%get3A_139, %get3A_140] {strides = array<i32>} : memref<128x16xf32, #tpu.memory_space<vmem>>, vector<1x16xf32>,
        %get3A_142 = vector.shape_cast %get3A_141 : vector<1x16xf32> to vector<16xf32>
        %get3A_143 = arith.index_cast %scan3A_138 : i32 to index
        %get3A_144 = arith.constant 0 : index
        %get3A_145 = tpu.vector_load %arg18[%get3A_143, %get3A_144] {strides = array<i32>} : memref<128x16xf32, #tpu.memory_space<vmem>>, vector<1x16xf32>,
        %get3A_146 = vector.shape_cast %get3A_145 : vector<1x16xf32> to vector<16xf32>
        %add3A_147 = arith.addf %get3A_142, %get3A_146 : vector<16xf32>
        %mul3A_148 = arith.constant 2.000000e-01 : f32
        %mul3A_149 = vector.broadcast %mul3A_148 : f32 to vector<16xf32>
        %mul3A_150 = arith.mulf %mul3A_149, %add3A_147 : vector<16xf32>
        %max3A = arith.maximumf %add3A_147, %mul3A_150 : vector<16xf32>
        %sub3A_151 = arith.subf %max3A, %get3A_4 : vector<16xf32>
        %exp3A = math.exp %sub3A_151 : vector<16xf32>
        %get3A_152 = arith.index_cast %scan3A_138 : i32 to index
        %get3A_153 = arith.constant 0 : index
        %get3A_154 = tpu.vector_load %arg19[%get3A_152, %get3A_153] {strides = array<i32>} : memref<128x136xf32, #tpu.memory_space<vmem>>, vector<1x16xf32>,
        %get3A_155 = vector.shape_cast %get3A_154 : vector<1x16xf32> to vector<16xf32>
        %slice3A = vector.extract_strided_slice %exp3A {offsets = [0], sizes = [1], strides = [1]} : vector<16xf32> to vector<1xf32>
        %squeeze3A = vector.extract %slice3A[0] : f32 from vector<1xf32>
        %mul3A_156 = vector.broadcast %squeeze3A : f32 to vector<16xf32>
        %mul3A_157 = arith.mulf %get3A_155, %mul3A_156 : vector<16xf32>
        %swap3A = arith.index_cast %scan3A_138 : i32 to index
        %swap3A_158 = arith.constant 0 : index
        %swap3A_159 = tpu.vector_load %arg19[%swap3A, %swap3A_158] {strides = array<i32>} : memref<128x136xf32, #tpu.memory_space<vmem>>, vector<1x16xf32>,
        %swap3A_160 = vector.shape_cast %swap3A_159 : vector<1x16xf32> to vector<16xf32>
        %swap3A_161 = vector.shape_cast %mul3A_157 : vector<16xf32> to vector<1x16xf32>
        tpu.vector_store %arg19[%swap3A, %swap3A_158], %swap3A_161 {strides = array<i32>} : memref<128x136xf32, #tpu.memory_space<vmem>>, vector<1x16xf32>,
        %get3A_162 = arith.index_cast %scan3A_138 : i32 to index
        %get3A_163 = arith.constant 16 : index
        %get3A_164 = tpu.vector_load %arg19[%get3A_162, %get3A_163] {strides = array<i32>} : memref<128x136xf32, #tpu.memory_space<vmem>>, vector<1x16xf32>,
        %get3A_165 = vector.shape_cast %get3A_164 : vector<1x16xf32> to vector<16xf32>
        %slice3A_166 = vector.extract_strided_slice %exp3A {offsets = [1], sizes = [1], strides = [1]} : vector<16xf32> to vector<1xf32>
        %squeeze3A_167 = vector.extract %slice3A_166[0] : f32 from vector<1xf32>
        %mul3A_168 = vector.broadcast %squeeze3A_167 : f32 to vector<16xf32>
        %mul3A_169 = arith.mulf %get3A_165, %mul3A_168 : vector<16xf32>
        %swap3A_170 = arith.index_cast %scan3A_138 : i32 to index
        %swap3A_171 = arith.constant 16 : index
        %swap3A_172 = tpu.vector_load %arg19[%swap3A_170, %swap3A_171] {strides = array<i32>} : memref<128x136xf32, #tpu.memory_space<vmem>>, vector<1x16xf32>,
        %swap3A_173 = vector.shape_cast %swap3A_172 : vector<1x16xf32> to vector<16xf32>
        %swap3A_174 = vector.shape_cast %mul3A_169 : vector<16xf32> to vector<1x16xf32>
        tpu.vector_store %arg19[%swap3A_170, %swap3A_171], %swap3A_174 {strides = array<i32>} : memref<128x136xf32, #tpu.memory_space<vmem>>, vector<1x16xf32>,
        %get3A_175 = arith.index_cast %scan3A_138 : i32 to index
        %get3A_176 = arith.constant 32 : index
        %get3A_177 = tpu.vector_load %arg19[%get3A_175, %get3A_176] {strides = array<i32>} : memref<128x136xf32, #tpu.memory_space<vmem>>, vector<1x16xf32>,
        %get3A_178 = vector.shape_cast %get3A_177 : vector<1x16xf32> to vector<16xf32>
        %slice3A_179 = vector.extract_strided_slice %exp3A {offsets = [2], sizes = [1], strides = [1]} : vector<16xf32> to vector<1xf32>
        %squeeze3A_180 = vector.extract %slice3A_179[0] : f32 from vector<1xf32>
        %mul3A_181 = vector.broadcast %squeeze3A_180 : f32 to vector<16xf32>
        %mul3A_182 = arith.mulf %get3A_178, %mul3A_181 : vector<16xf32>
        %swap3A_183 = arith.index_cast %scan3A_138 : i32 to index
        %swap3A_184 = arith.constant 32 : index
        %swap3A_185 = tpu.vector_load %arg19[%swap3A_183, %swap3A_184] {strides = array<i32>} : memref<128x136xf32, #tpu.memory_space<vmem>>, vector<1x16xf32>,
        %swap3A_186 = vector.shape_cast %swap3A_185 : vector<1x16xf32> to vector<16xf32>
        %swap3A_187 = vector.shape_cast %mul3A_182 : vector<16xf32> to vector<1x16xf32>
        tpu.vector_store %arg19[%swap3A_183, %swap3A_184], %swap3A_187 {strides = array<i32>} : memref<128x136xf32, #tpu.memory_space<vmem>>, vector<1x16xf32>,
        %get3A_188 = arith.index_cast %scan3A_138 : i32 to index
        %get3A_189 = arith.constant 48 : index
        %get3A_190 = tpu.vector_load %arg19[%get3A_188, %get3A_189] {strides = array<i32>} : memref<128x136xf32, #tpu.memory_space<vmem>>, vector<1x16xf32>,
        %get3A_191 = vector.shape_cast %get3A_190 : vector<1x16xf32> to vector<16xf32>
        %slice3A_192 = vector.extract_strided_slice %exp3A {offsets = [3], sizes = [1], strides = [1]} : vector<16xf32> to vector<1xf32>
        %squeeze3A_193 = vector.extract %slice3A_192[0] : f32 from vector<1xf32>
        %mul3A_194 = vector.broadcast %squeeze3A_193 : f32 to vector<16xf32>
        %mul3A_195 = arith.mulf %get3A_191, %mul3A_194 : vector<16xf32>
        %swap3A_196 = arith.index_cast %scan3A_138 : i32 to index
        %swap3A_197 = arith.constant 48 : index
        %swap3A_198 = tpu.vector_load %arg19[%swap3A_196, %swap3A_197] {strides = array<i32>} : memref<128x136xf32, #tpu.memory_space<vmem>>, vector<1x16xf32>,
        %swap3A_199 = vector.shape_cast %swap3A_198 : vector<1x16xf32> to vector<16xf32>
        %swap3A_200 = vector.shape_cast %mul3A_195 : vector<16xf32> to vector<1x16xf32>
        tpu.vector_store %arg19[%swap3A_196, %swap3A_197], %swap3A_200 {strides = array<i32>} : memref<128x136xf32, #tpu.memory_space<vmem>>, vector<1x16xf32>,
        %get3A_201 = arith.index_cast %scan3A_138 : i32 to index
        %get3A_202 = arith.constant 64 : index
        %get3A_203 = tpu.vector_load %arg19[%get3A_201, %get3A_202] {strides = array<i32>} : memref<128x136xf32, #tpu.memory_space<vmem>>, vector<1x16xf32>,
        %get3A_204 = vector.shape_cast %get3A_203 : vector<1x16xf32> to vector<16xf32>
        %slice3A_205 = vector.extract_strided_slice %exp3A {offsets = [4], sizes = [1], strides = [1]} : vector<16xf32> to vector<1xf32>
        %squeeze3A_206 = vector.extract %slice3A_205[0] : f32 from vector<1xf32>
        %mul3A_207 = vector.broadcast %squeeze3A_206 : f32 to vector<16xf32>
        %mul3A_208 = arith.mulf %get3A_204, %mul3A_207 : vector<16xf32>
        %swap3A_209 = arith.index_cast %scan3A_138 : i32 to index
        %swap3A_210 = arith.constant 64 : index
        %swap3A_211 = tpu.vector_load %arg19[%swap3A_209, %swap3A_210] {strides = array<i32>} : memref<128x136xf32, #tpu.memory_space<vmem>>, vector<1x16xf32>,
        %swap3A_212 = vector.shape_cast %swap3A_211 : vector<1x16xf32> to vector<16xf32>
        %swap3A_213 = vector.shape_cast %mul3A_208 : vector<16xf32> to vector<1x16xf32>
        tpu.vector_store %arg19[%swap3A_209, %swap3A_210], %swap3A_213 {strides = array<i32>} : memref<128x136xf32, #tpu.memory_space<vmem>>, vector<1x16xf32>,
        %get3A_214 = arith.index_cast %scan3A_138 : i32 to index
        %get3A_215 = arith.constant 80 : index
        %get3A_216 = tpu.vector_load %arg19[%get3A_214, %get3A_215] {strides = array<i32>} : memref<128x136xf32, #tpu.memory_space<vmem>>, vector<1x16xf32>,
        %get3A_217 = vector.shape_cast %get3A_216 : vector<1x16xf32> to vector<16xf32>
        %slice3A_218 = vector.extract_strided_slice %exp3A {offsets = [5], sizes = [1], strides = [1]} : vector<16xf32> to vector<1xf32>
        %squeeze3A_219 = vector.extract %slice3A_218[0] : f32 from vector<1xf32>
        %mul3A_220 = vector.broadcast %squeeze3A_219 : f32 to vector<16xf32>
        %mul3A_221 = arith.mulf %get3A_217, %mul3A_220 : vector<16xf32>
        %swap3A_222 = arith.index_cast %scan3A_138 : i32 to index
        %swap3A_223 = arith.constant 80 : index
        %swap3A_224 = tpu.vector_load %arg19[%swap3A_222, %swap3A_223] {strides = array<i32>} : memref<128x136xf32, #tpu.memory_space<vmem>>, vector<1x16xf32>,
        %swap3A_225 = vector.shape_cast %swap3A_224 : vector<1x16xf32> to vector<16xf32>
        %swap3A_226 = vector.shape_cast %mul3A_221 : vector<16xf32> to vector<1x16xf32>
        tpu.vector_store %arg19[%swap3A_222, %swap3A_223], %swap3A_226 {strides = array<i32>} : memref<128x136xf32, #tpu.memory_space<vmem>>, vector<1x16xf32>,
        %get3A_227 = arith.index_cast %scan3A_138 : i32 to index
        %get3A_228 = arith.constant 96 : index
        %get3A_229 = tpu.vector_load %arg19[%get3A_227, %get3A_228] {strides = array<i32>} : memref<128x136xf32, #tpu.memory_space<vmem>>, vector<1x16xf32>,
        %get3A_230 = vector.shape_cast %get3A_229 : vector<1x16xf32> to vector<16xf32>
        %slice3A_231 = vector.extract_strided_slice %exp3A {offsets = [6], sizes = [1], strides = [1]} : vector<16xf32> to vector<1xf32>
        %squeeze3A_232 = vector.extract %slice3A_231[0] : f32 from vector<1xf32>
        %mul3A_233 = vector.broadcast %squeeze3A_232 : f32 to vector<16xf32>
        %mul3A_234 = arith.mulf %get3A_230, %mul3A_233 : vector<16xf32>
        %swap3A_235 = arith.index_cast %scan3A_138 : i32 to index
        %swap3A_236 = arith.constant 96 : index
        %swap3A_237 = tpu.vector_load %arg19[%swap3A_235, %swap3A_236] {strides = array<i32>} : memref<128x136xf32, #tpu.memory_space<vmem>>, vector<1x16xf32>,
        %swap3A_238 = vector.shape_cast %swap3A_237 : vector<1x16xf32> to vector<16xf32>
        %swap3A_239 = vector.shape_cast %mul3A_234 : vector<16xf32> to vector<1x16xf32>
        tpu.vector_store %arg19[%swap3A_235, %swap3A_236], %swap3A_239 {strides = array<i32>} : memref<128x136xf32, #tpu.memory_space<vmem>>, vector<1x16xf32>,
        %get3A_240 = arith.index_cast %scan3A_138 : i32 to index
        %get3A_241 = arith.constant 112 : index
        %get3A_242 = tpu.vector_load %arg19[%get3A_240, %get3A_241] {strides = array<i32>} : memref<128x136xf32, #tpu.memory_space<vmem>>, vector<1x16xf32>,
        %get3A_243 = vector.shape_cast %get3A_242 : vector<1x16xf32> to vector<16xf32>
        %slice3A_244 = vector.extract_strided_slice %exp3A {offsets = [7], sizes = [1], strides = [1]} : vector<16xf32> to vector<1xf32>
        %squeeze3A_245 = vector.extract %slice3A_244[0] : f32 from vector<1xf32>
        %mul3A_246 = vector.broadcast %squeeze3A_245 : f32 to vector<16xf32>
        %mul3A_247 = arith.mulf %get3A_243, %mul3A_246 : vector<16xf32>
        %swap3A_248 = arith.index_cast %scan3A_138 : i32 to index
        %swap3A_249 = arith.constant 112 : index
        %swap3A_250 = tpu.vector_load %arg19[%swap3A_248, %swap3A_249] {strides = array<i32>} : memref<128x136xf32, #tpu.memory_space<vmem>>, vector<1x16xf32>,
        %swap3A_251 = vector.shape_cast %swap3A_250 : vector<1x16xf32> to vector<16xf32>
        %swap3A_252 = vector.shape_cast %mul3A_247 : vector<16xf32> to vector<1x16xf32>
        tpu.vector_store %arg19[%swap3A_248, %swap3A_249], %swap3A_252 {strides = array<i32>} : memref<128x136xf32, #tpu.memory_space<vmem>>, vector<1x16xf32>,
        %ge3A_253 = arith.constant 8 : i32
        %ge3A_254 = vector.broadcast %ge3A_253 : i32 to vector<16xi32>
        %ge3A_255 = arith.cmpi sge, %iota3A, %ge3A_254 : vector<16xi32>
        %lt3A = arith.constant 0 : i32
        %lt3A_256 = vector.broadcast %lt3A : i32 to vector<16xi32>
        %lt3A_257 = arith.cmpi slt, %select_n3A, %lt3A_256 : vector<16xi32>
        %add3A_258 = arith.constant 16 : i32
        %add3A_259 = vector.broadcast %add3A_258 : i32 to vector<16xi32>
        %add3A_260 = arith.addi %select_n3A, %add3A_259 : vector<16xi32>
        %select_n3A_261 = arith.select %lt3A_257, %add3A_260, %select_n3A : vector<16xi1>, vector<16xi32>
        %broadcast_in_dim3A_262 = vector.shape_cast %select_n3A_261 : vector<16xi32> to vector<16x1xi32>
        %gather3A = vector.shape_cast %broadcast_in_dim3A_262 : vector<16x1xi32> to vector<16xi32>
        %gather3A_263 = tpu.dynamic_gather %exp3A[%gather3A] in [0] : vector<16xf32>, vector<16xi32> -> vector<16xf32>
        %jit3A_264 = arith.constant 1.000000e+00 : f32
        %broadcast_in_dim3A_265 = vector.broadcast %jit3A_264 : f32 to vector<16xf32>
        %select_n3A_266 = arith.select %ge3A_255, %gather3A_263, %broadcast_in_dim3A_265 : vector<16xi1>, vector<16xf32>
        %get3A_267 = arith.index_cast %scan3A_138 : i32 to index
        %get3A_268 = arith.constant 120 : index
        %get3A_269 = tpu.vector_load %arg19[%get3A_267, %get3A_268] {strides = array<i32>} : memref<128x136xf32, #tpu.memory_space<vmem>>, vector<1x16xf32>,
        %get3A_270 = vector.shape_cast %get3A_269 : vector<1x16xf32> to vector<16xf32>
        %mul3A_271 = arith.mulf %get3A_270, %select_n3A_266 : vector<16xf32>
        %swap3A_272 = arith.index_cast %scan3A_138 : i32 to index
        %swap3A_273 = arith.constant 120 : index
        %swap3A_274 = tpu.vector_load %arg19[%swap3A_272, %swap3A_273] {strides = array<i32>} : memref<128x136xf32, #tpu.memory_space<vmem>>, vector<1x16xf32>,
        %swap3A_275 = vector.shape_cast %swap3A_274 : vector<1x16xf32> to vector<16xf32>
        %swap3A_276 = vector.shape_cast %mul3A_271 : vector<16xf32> to vector<1x16xf32>
        tpu.vector_store %arg19[%swap3A_272, %swap3A_273], %swap3A_276 {strides = array<i32>} : memref<128x136xf32, #tpu.memory_space<vmem>>, vector<1x16xf32>,
        %scan3A_277 = arith.constant 1 : i32
        %scan3A_278 = arith.addi %scan3A_138, %scan3A_277 : i32
        %get3A_279 = arith.index_cast %scan3A_278 : i32 to index
        %get3A_280 = arith.constant 0 : index
        %get3A_281 = tpu.vector_load %arg17[%get3A_279, %get3A_280] {strides = array<i32>} : memref<128x16xf32, #tpu.memory_space<vmem>>, vector<1x16xf32>,
        %get3A_282 = vector.shape_cast %get3A_281 : vector<1x16xf32> to vector<16xf32>
        %get3A_283 = arith.index_cast %scan3A_278 : i32 to index
        %get3A_284 = arith.constant 0 : index
        %get3A_285 = tpu.vector_load %arg18[%get3A_283, %get3A_284] {strides = array<i32>} : memref<128x16xf32, #tpu.memory_space<vmem>>, vector<1x16xf32>,
        %get3A_286 = vector.shape_cast %get3A_285 : vector<1x16xf32> to vector<16xf32>
        %add3A_287 = arith.addf %get3A_282, %get3A_286 : vector<16xf32>
        %mul3A_288 = arith.constant 2.000000e-01 : f32
        %mul3A_289 = vector.broadcast %mul3A_288 : f32 to vector<16xf32>
        %mul3A_290 = arith.mulf %mul3A_289, %add3A_287 : vector<16xf32>
        %max3A_291 = arith.maximumf %add3A_287, %mul3A_290 : vector<16xf32>
        %sub3A_292 = arith.subf %max3A_291, %get3A_4 : vector<16xf32>
        %exp3A_293 = math.exp %sub3A_292 : vector<16xf32>
        %get3A_294 = arith.index_cast %scan3A_278 : i32 to index
        %get3A_295 = arith.constant 0 : index
        %get3A_296 = tpu.vector_load %arg19[%get3A_294, %get3A_295] {strides = array<i32>} : memref<128x136xf32, #tpu.memory_space<vmem>>, vector<1x16xf32>,
        %get3A_297 = vector.shape_cast %get3A_296 : vector<1x16xf32> to vector<16xf32>
        %slice3A_298 = vector.extract_strided_slice %exp3A_293 {offsets = [0], sizes = [1], strides = [1]} : vector<16xf32> to vector<1xf32>
        %squeeze3A_299 = vector.extract %slice3A_298[0] : f32 from vector<1xf32>
        %mul3A_300 = vector.broadcast %squeeze3A_299 : f32 to vector<16xf32>
        %mul3A_301 = arith.mulf %get3A_297, %mul3A_300 : vector<16xf32>
        %swap3A_302 = arith.index_cast %scan3A_278 : i32 to index
        %swap3A_303 = arith.constant 0 : index
        %swap3A_304 = tpu.vector_load %arg19[%swap3A_302, %swap3A_303] {strides = array<i32>} : memref<128x136xf32, #tpu.memory_space<vmem>>, vector<1x16xf32>,
        %swap3A_305 = vector.shape_cast %swap3A_304 : vector<1x16xf32> to vector<16xf32>
        %swap3A_306 = vector.shape_cast %mul3A_301 : vector<16xf32> to vector<1x16xf32>
        tpu.vector_store %arg19[%swap3A_302, %swap3A_303], %swap3A_306 {strides = array<i32>} : memref<128x136xf32, #tpu.memory_space<vmem>>, vector<1x16xf32>,
        %get3A_307 = arith.index_cast %scan3A_278 : i32 to index
        %get3A_308 = arith.constant 16 : index
        %get3A_309 = tpu.vector_load %arg19[%get3A_307, %get3A_308] {strides = array<i32>} : memref<128x136xf32, #tpu.memory_space<vmem>>, vector<1x16xf32>,
        %get3A_310 = vector.shape_cast %get3A_309 : vector<1x16xf32> to vector<16xf32>
        %slice3A_311 = vector.extract_strided_slice %exp3A_293 {offsets = [1], sizes = [1], strides = [1]} : vector<16xf32> to vector<1xf32>
        %squeeze3A_312 = vector.extract %slice3A_311[0] : f32 from vector<1xf32>
        %mul3A_313 = vector.broadcast %squeeze3A_312 : f32 to vector<16xf32>
        %mul3A_314 = arith.mulf %get3A_310, %mul3A_313 : vector<16xf32>
        %swap3A_315 = arith.index_cast %scan3A_278 : i32 to index
        %swap3A_316 = arith.constant 16 : index
        %swap3A_317 = tpu.vector_load %arg19[%swap3A_315, %swap3A_316] {strides = array<i32>} : memref<128x136xf32, #tpu.memory_space<vmem>>, vector<1x16xf32>,
        %swap3A_318 = vector.shape_cast %swap3A_317 : vector<1x16xf32> to vector<16xf32>
        %swap3A_319 = vector.shape_cast %mul3A_314 : vector<16xf32> to vector<1x16xf32>
        tpu.vector_store %arg19[%swap3A_315, %swap3A_316], %swap3A_319 {strides = array<i32>} : memref<128x136xf32, #tpu.memory_space<vmem>>, vector<1x16xf32>,
        %get3A_320 = arith.index_cast %scan3A_278 : i32 to index
        %get3A_321 = arith.constant 32 : index
        %get3A_322 = tpu.vector_load %arg19[%get3A_320, %get3A_321] {strides = array<i32>} : memref<128x136xf32, #tpu.memory_space<vmem>>, vector<1x16xf32>,
        %get3A_323 = vector.shape_cast %get3A_322 : vector<1x16xf32> to vector<16xf32>
        %slice3A_324 = vector.extract_strided_slice %exp3A_293 {offsets = [2], sizes = [1], strides = [1]} : vector<16xf32> to vector<1xf32>
        %squeeze3A_325 = vector.extract %slice3A_324[0] : f32 from vector<1xf32>
        %mul3A_326 = vector.broadcast %squeeze3A_325 : f32 to vector<16xf32>
        %mul3A_327 = arith.mulf %get3A_323, %mul3A_326 : vector<16xf32>
        %swap3A_328 = arith.index_cast %scan3A_278 : i32 to index
        %swap3A_329 = arith.constant 32 : index
        %swap3A_330 = tpu.vector_load %arg19[%swap3A_328, %swap3A_329] {strides = array<i32>} : memref<128x136xf32, #tpu.memory_space<vmem>>, vector<1x16xf32>,
        %swap3A_331 = vector.shape_cast %swap3A_330 : vector<1x16xf32> to vector<16xf32>
        %swap3A_332 = vector.shape_cast %mul3A_327 : vector<16xf32> to vector<1x16xf32>
        tpu.vector_store %arg19[%swap3A_328, %swap3A_329], %swap3A_332 {strides = array<i32>} : memref<128x136xf32, #tpu.memory_space<vmem>>, vector<1x16xf32>,
        %get3A_333 = arith.index_cast %scan3A_278 : i32 to index
        %get3A_334 = arith.constant 48 : index
        %get3A_335 = tpu.vector_load %arg19[%get3A_333, %get3A_334] {strides = array<i32>} : memref<128x136xf32, #tpu.memory_space<vmem>>, vector<1x16xf32>,
        %get3A_336 = vector.shape_cast %get3A_335 : vector<1x16xf32> to vector<16xf32>
        %slice3A_337 = vector.extract_strided_slice %exp3A_293 {offsets = [3], sizes = [1], strides = [1]} : vector<16xf32> to vector<1xf32>
        %squeeze3A_338 = vector.extract %slice3A_337[0] : f32 from vector<1xf32>
        %mul3A_339 = vector.broadcast %squeeze3A_338 : f32 to vector<16xf32>
        %mul3A_340 = arith.mulf %get3A_336, %mul3A_339 : vector<16xf32>
        %swap3A_341 = arith.index_cast %scan3A_278 : i32 to index
        %swap3A_342 = arith.constant 48 : index
        %swap3A_343 = tpu.vector_load %arg19[%swap3A_341, %swap3A_342] {strides = array<i32>} : memref<128x136xf32, #tpu.memory_space<vmem>>, vector<1x16xf32>,
        %swap3A_344 = vector.shape_cast %swap3A_343 : vector<1x16xf32> to vector<16xf32>
        %swap3A_345 = vector.shape_cast %mul3A_340 : vector<16xf32> to vector<1x16xf32>
        tpu.vector_store %arg19[%swap3A_341, %swap3A_342], %swap3A_345 {strides = array<i32>} : memref<128x136xf32, #tpu.memory_space<vmem>>, vector<1x16xf32>,
        %get3A_346 = arith.index_cast %scan3A_278 : i32 to index
        %get3A_347 = arith.constant 64 : index
        %get3A_348 = tpu.vector_load %arg19[%get3A_346, %get3A_347] {strides = array<i32>} : memref<128x136xf32, #tpu.memory_space<vmem>>, vector<1x16xf32>,
        %get3A_349 = vector.shape_cast %get3A_348 : vector<1x16xf32> to vector<16xf32>
        %slice3A_350 = vector.extract_strided_slice %exp3A_293 {offsets = [4], sizes = [1], strides = [1]} : vector<16xf32> to vector<1xf32>
        %squeeze3A_351 = vector.extract %slice3A_350[0] : f32 from vector<1xf32>
        %mul3A_352 = vector.broadcast %squeeze3A_351 : f32 to vector<16xf32>
        %mul3A_353 = arith.mulf %get3A_349, %mul3A_352 : vector<16xf32>
        %swap3A_354 = arith.index_cast %scan3A_278 : i32 to index
        %swap3A_355 = arith.constant 64 : index
        %swap3A_356 = tpu.vector_load %arg19[%swap3A_354, %swap3A_355] {strides = array<i32>} : memref<128x136xf32, #tpu.memory_space<vmem>>, vector<1x16xf32>,
        %swap3A_357 = vector.shape_cast %swap3A_356 : vector<1x16xf32> to vector<16xf32>
        %swap3A_358 = vector.shape_cast %mul3A_353 : vector<16xf32> to vector<1x16xf32>
        tpu.vector_store %arg19[%swap3A_354, %swap3A_355], %swap3A_358 {strides = array<i32>} : memref<128x136xf32, #tpu.memory_space<vmem>>, vector<1x16xf32>,
        %get3A_359 = arith.index_cast %scan3A_278 : i32 to index
        %get3A_360 = arith.constant 80 : index
        %get3A_361 = tpu.vector_load %arg19[%get3A_359, %get3A_360] {strides = array<i32>} : memref<128x136xf32, #tpu.memory_space<vmem>>, vector<1x16xf32>,
        %get3A_362 = vector.shape_cast %get3A_361 : vector<1x16xf32> to vector<16xf32>
        %slice3A_363 = vector.extract_strided_slice %exp3A_293 {offsets = [5], sizes = [1], strides = [1]} : vector<16xf32> to vector<1xf32>
        %squeeze3A_364 = vector.extract %slice3A_363[0] : f32 from vector<1xf32>
        %mul3A_365 = vector.broadcast %squeeze3A_364 : f32 to vector<16xf32>
        %mul3A_366 = arith.mulf %get3A_362, %mul3A_365 : vector<16xf32>
        %swap3A_367 = arith.index_cast %scan3A_278 : i32 to index
        %swap3A_368 = arith.constant 80 : index
        %swap3A_369 = tpu.vector_load %arg19[%swap3A_367, %swap3A_368] {strides = array<i32>} : memref<128x136xf32, #tpu.memory_space<vmem>>, vector<1x16xf32>,
        %swap3A_370 = vector.shape_cast %swap3A_369 : vector<1x16xf32> to vector<16xf32>
        %swap3A_371 = vector.shape_cast %mul3A_366 : vector<16xf32> to vector<1x16xf32>
        tpu.vector_store %arg19[%swap3A_367, %swap3A_368], %swap3A_371 {strides = array<i32>} : memref<128x136xf32, #tpu.memory_space<vmem>>, vector<1x16xf32>,
        %get3A_372 = arith.index_cast %scan3A_278 : i32 to index
        %get3A_373 = arith.constant 96 : index
        %get3A_374 = tpu.vector_load %arg19[%get3A_372, %get3A_373] {strides = array<i32>} : memref<128x136xf32, #tpu.memory_space<vmem>>, vector<1x16xf32>,
        %get3A_375 = vector.shape_cast %get3A_374 : vector<1x16xf32> to vector<16xf32>
        %slice3A_376 = vector.extract_strided_slice %exp3A_293 {offsets = [6], sizes = [1], strides = [1]} : vector<16xf32> to vector<1xf32>
        %squeeze3A_377 = vector.extract %slice3A_376[0] : f32 from vector<1xf32>
        %mul3A_378 = vector.broadcast %squeeze3A_377 : f32 to vector<16xf32>
        %mul3A_379 = arith.mulf %get3A_375, %mul3A_378 : vector<16xf32>
        %swap3A_380 = arith.index_cast %scan3A_278 : i32 to index
        %swap3A_381 = arith.constant 96 : index
        %swap3A_382 = tpu.vector_load %arg19[%swap3A_380, %swap3A_381] {strides = array<i32>} : memref<128x136xf32, #tpu.memory_space<vmem>>, vector<1x16xf32>,
        %swap3A_383 = vector.shape_cast %swap3A_382 : vector<1x16xf32> to vector<16xf32>
        %swap3A_384 = vector.shape_cast %mul3A_379 : vector<16xf32> to vector<1x16xf32>
        tpu.vector_store %arg19[%swap3A_380, %swap3A_381], %swap3A_384 {strides = array<i32>} : memref<128x136xf32, #tpu.memory_space<vmem>>, vector<1x16xf32>,
        %get3A_385 = arith.index_cast %scan3A_278 : i32 to index
        %get3A_386 = arith.constant 112 : index
        %get3A_387 = tpu.vector_load %arg19[%get3A_385, %get3A_386] {strides = array<i32>} : memref<128x136xf32, #tpu.memory_space<vmem>>, vector<1x16xf32>,
        %get3A_388 = vector.shape_cast %get3A_387 : vector<1x16xf32> to vector<16xf32>
        %slice3A_389 = vector.extract_strided_slice %exp3A_293 {offsets = [7], sizes = [1], strides = [1]} : vector<16xf32> to vector<1xf32>
        %squeeze3A_390 = vector.extract %slice3A_389[0] : f32 from vector<1xf32>
        %mul3A_391 = vector.broadcast %squeeze3A_390 : f32 to vector<16xf32>
        %mul3A_392 = arith.mulf %get3A_388, %mul3A_391 : vector<16xf32>
        %swap3A_393 = arith.index_cast %scan3A_278 : i32 to index
        %swap3A_394 = arith.constant 112 : index
        %swap3A_395 = tpu.vector_load %arg19[%swap3A_393, %swap3A_394] {strides = array<i32>} : memref<128x136xf32, #tpu.memory_space<vmem>>, vector<1x16xf32>,
        %swap3A_396 = vector.shape_cast %swap3A_395 : vector<1x16xf32> to vector<16xf32>
        %swap3A_397 = vector.shape_cast %mul3A_392 : vector<16xf32> to vector<1x16xf32>
        tpu.vector_store %arg19[%swap3A_393, %swap3A_394], %swap3A_397 {strides = array<i32>} : memref<128x136xf32, #tpu.memory_space<vmem>>, vector<1x16xf32>,
        %ge3A_398 = arith.constant 8 : i32
        %ge3A_399 = vector.broadcast %ge3A_398 : i32 to vector<16xi32>
        %ge3A_400 = arith.cmpi sge, %iota3A, %ge3A_399 : vector<16xi32>
        %lt3A_401 = arith.constant 0 : i32
        %lt3A_402 = vector.broadcast %lt3A_401 : i32 to vector<16xi32>
        %lt3A_403 = arith.cmpi slt, %select_n3A, %lt3A_402 : vector<16xi32>
        %add3A_404 = arith.constant 16 : i32
        %add3A_405 = vector.broadcast %add3A_404 : i32 to vector<16xi32>
        %add3A_406 = arith.addi %select_n3A, %add3A_405 : vector<16xi32>
        %select_n3A_407 = arith.select %lt3A_403, %add3A_406, %select_n3A : vector<16xi1>, vector<16xi32>
        %broadcast_in_dim3A_408 = vector.shape_cast %select_n3A_407 : vector<16xi32> to vector<16x1xi32>
        %gather3A_409 = vector.shape_cast %broadcast_in_dim3A_408 : vector<16x1xi32> to vector<16xi32>
        %gather3A_410 = tpu.dynamic_gather %exp3A_293[%gather3A_409] in [0] : vector<16xf32>, vector<16xi32> -> vector<16xf32>
        %jit3A_411 = arith.constant 1.000000e+00 : f32
        %broadcast_in_dim3A_412 = vector.broadcast %jit3A_411 : f32 to vector<16xf32>
        %select_n3A_413 = arith.select %ge3A_400, %gather3A_410, %broadcast_in_dim3A_412 : vector<16xi1>, vector<16xf32>
        %get3A_414 = arith.index_cast %scan3A_278 : i32 to index
        %get3A_415 = arith.constant 120 : index
        %get3A_416 = tpu.vector_load %arg19[%get3A_414, %get3A_415] {strides = array<i32>} : memref<128x136xf32, #tpu.memory_space<vmem>>, vector<1x16xf32>,
        %get3A_417 = vector.shape_cast %get3A_416 : vector<1x16xf32> to vector<16xf32>
        %mul3A_418 = arith.mulf %get3A_417, %select_n3A_413 : vector<16xf32>
        %swap3A_419 = arith.index_cast %scan3A_278 : i32 to index
        %swap3A_420 = arith.constant 120 : index
        %swap3A_421 = tpu.vector_load %arg19[%swap3A_419, %swap3A_420] {strides = array<i32>} : memref<128x136xf32, #tpu.memory_space<vmem>>, vector<1x16xf32>,
        %swap3A_422 = vector.shape_cast %swap3A_421 : vector<1x16xf32> to vector<16xf32>
        %swap3A_423 = vector.shape_cast %mul3A_418 : vector<16xf32> to vector<1x16xf32>
        tpu.vector_store %arg19[%swap3A_419, %swap3A_420], %swap3A_423 {strides = array<i32>} : memref<128x136xf32, #tpu.memory_space<vmem>>, vector<1x16xf32>,
        %scan3A_424 = arith.constant 2 : i32
        %scan3A_425 = arith.addi %scan3A_138, %scan3A_424 : i32
        %get3A_426 = arith.index_cast %scan3A_425 : i32 to index
        %get3A_427 = arith.constant 0 : index
        %get3A_428 = tpu.vector_load %arg17[%get3A_426, %get3A_427] {strides = array<i32>} : memref<128x16xf32, #tpu.memory_space<vmem>>, vector<1x16xf32>,
        %get3A_429 = vector.shape_cast %get3A_428 : vector<1x16xf32> to vector<16xf32>
        %get3A_430 = arith.index_cast %scan3A_425 : i32 to index
        %get3A_431 = arith.constant 0 : index
        %get3A_432 = tpu.vector_load %arg18[%get3A_430, %get3A_431] {strides = array<i32>} : memref<128x16xf32, #tpu.memory_space<vmem>>, vector<1x16xf32>,
        %get3A_433 = vector.shape_cast %get3A_432 : vector<1x16xf32> to vector<16xf32>
        %add3A_434 = arith.addf %get3A_429, %get3A_433 : vector<16xf32>
        %mul3A_435 = arith.constant 2.000000e-01 : f32
        %mul3A_436 = vector.broadcast %mul3A_435 : f32 to vector<16xf32>
        %mul3A_437 = arith.mulf %mul3A_436, %add3A_434 : vector<16xf32>
        %max3A_438 = arith.maximumf %add3A_434, %mul3A_437 : vector<16xf32>
        %sub3A_439 = arith.subf %max3A_438, %get3A_4 : vector<16xf32>
        %exp3A_440 = math.exp %sub3A_439 : vector<16xf32>
        %get3A_441 = arith.index_cast %scan3A_425 : i32 to index
        %get3A_442 = arith.constant 0 : index
        %get3A_443 = tpu.vector_load %arg19[%get3A_441, %get3A_442] {strides = array<i32>} : memref<128x136xf32, #tpu.memory_space<vmem>>, vector<1x16xf32>,
        %get3A_444 = vector.shape_cast %get3A_443 : vector<1x16xf32> to vector<16xf32>
        %slice3A_445 = vector.extract_strided_slice %exp3A_440 {offsets = [0], sizes = [1], strides = [1]} : vector<16xf32> to vector<1xf32>
        %squeeze3A_446 = vector.extract %slice3A_445[0] : f32 from vector<1xf32>
        %mul3A_447 = vector.broadcast %squeeze3A_446 : f32 to vector<16xf32>
        %mul3A_448 = arith.mulf %get3A_444, %mul3A_447 : vector<16xf32>
        %swap3A_449 = arith.index_cast %scan3A_425 : i32 to index
        %swap3A_450 = arith.constant 0 : index
        %swap3A_451 = tpu.vector_load %arg19[%swap3A_449, %swap3A_450] {strides = array<i32>} : memref<128x136xf32, #tpu.memory_space<vmem>>, vector<1x16xf32>,
        %swap3A_452 = vector.shape_cast %swap3A_451 : vector<1x16xf32> to vector<16xf32>
        %swap3A_453 = vector.shape_cast %mul3A_448 : vector<16xf32> to vector<1x16xf32>
        tpu.vector_store %arg19[%swap3A_449, %swap3A_450], %swap3A_453 {strides = array<i32>} : memref<128x136xf32, #tpu.memory_space<vmem>>, vector<1x16xf32>,
        %get3A_454 = arith.index_cast %scan3A_425 : i32 to index
        %get3A_455 = arith.constant 16 : index
        %get3A_456 = tpu.vector_load %arg19[%get3A_454, %get3A_455] {strides = array<i32>} : memref<128x136xf32, #tpu.memory_space<vmem>>, vector<1x16xf32>,
        %get3A_457 = vector.shape_cast %get3A_456 : vector<1x16xf32> to vector<16xf32>
        %slice3A_458 = vector.extract_strided_slice %exp3A_440 {offsets = [1], sizes = [1], strides = [1]} : vector<16xf32> to vector<1xf32>
        %squeeze3A_459 = vector.extract %slice3A_458[0] : f32 from vector<1xf32>
        %mul3A_460 = vector.broadcast %squeeze3A_459 : f32 to vector<16xf32>
        %mul3A_461 = arith.mulf %get3A_457, %mul3A_460 : vector<16xf32>
        %swap3A_462 = arith.index_cast %scan3A_425 : i32 to index
        %swap3A_463 = arith.constant 16 : index
        %swap3A_464 = tpu.vector_load %arg19[%swap3A_462, %swap3A_463] {strides = array<i32>} : memref<128x136xf32, #tpu.memory_space<vmem>>, vector<1x16xf32>,
        %swap3A_465 = vector.shape_cast %swap3A_464 : vector<1x16xf32> to vector<16xf32>
        %swap3A_466 = vector.shape_cast %mul3A_461 : vector<16xf32> to vector<1x16xf32>
        tpu.vector_store %arg19[%swap3A_462, %swap3A_463], %swap3A_466 {strides = array<i32>} : memref<128x136xf32, #tpu.memory_space<vmem>>, vector<1x16xf32>,
        %get3A_467 = arith.index_cast %scan3A_425 : i32 to index
        %get3A_468 = arith.constant 32 : index
        %get3A_469 = tpu.vector_load %arg19[%get3A_467, %get3A_468] {strides = array<i32>} : memref<128x136xf32, #tpu.memory_space<vmem>>, vector<1x16xf32>,
        %get3A_470 = vector.shape_cast %get3A_469 : vector<1x16xf32> to vector<16xf32>
        %slice3A_471 = vector.extract_strided_slice %exp3A_440 {offsets = [2], sizes = [1], strides = [1]} : vector<16xf32> to vector<1xf32>
        %squeeze3A_472 = vector.extract %slice3A_471[0] : f32 from vector<1xf32>
        %mul3A_473 = vector.broadcast %squeeze3A_472 : f32 to vector<16xf32>
        %mul3A_474 = arith.mulf %get3A_470, %mul3A_473 : vector<16xf32>
        %swap3A_475 = arith.index_cast %scan3A_425 : i32 to index
        %swap3A_476 = arith.constant 32 : index
        %swap3A_477 = tpu.vector_load %arg19[%swap3A_475, %swap3A_476] {strides = array<i32>} : memref<128x136xf32, #tpu.memory_space<vmem>>, vector<1x16xf32>,
        %swap3A_478 = vector.shape_cast %swap3A_477 : vector<1x16xf32> to vector<16xf32>
        %swap3A_479 = vector.shape_cast %mul3A_474 : vector<16xf32> to vector<1x16xf32>
        tpu.vector_store %arg19[%swap3A_475, %swap3A_476], %swap3A_479 {strides = array<i32>} : memref<128x136xf32, #tpu.memory_space<vmem>>, vector<1x16xf32>,
        %get3A_480 = arith.index_cast %scan3A_425 : i32 to index
        %get3A_481 = arith.constant 48 : index
        %get3A_482 = tpu.vector_load %arg19[%get3A_480, %get3A_481] {strides = array<i32>} : memref<128x136xf32, #tpu.memory_space<vmem>>, vector<1x16xf32>,
        %get3A_483 = vector.shape_cast %get3A_482 : vector<1x16xf32> to vector<16xf32>
        %slice3A_484 = vector.extract_strided_slice %exp3A_440 {offsets = [3], sizes = [1], strides = [1]} : vector<16xf32> to vector<1xf32>
        %squeeze3A_485 = vector.extract %slice3A_484[0] : f32 from vector<1xf32>
        %mul3A_486 = vector.broadcast %squeeze3A_485 : f32 to vector<16xf32>
        %mul3A_487 = arith.mulf %get3A_483, %mul3A_486 : vector<16xf32>
        %swap3A_488 = arith.index_cast %scan3A_425 : i32 to index
        %swap3A_489 = arith.constant 48 : index
        %swap3A_490 = tpu.vector_load %arg19[%swap3A_488, %swap3A_489] {strides = array<i32>} : memref<128x136xf32, #tpu.memory_space<vmem>>, vector<1x16xf32>,
        %swap3A_491 = vector.shape_cast %swap3A_490 : vector<1x16xf32> to vector<16xf32>
        %swap3A_492 = vector.shape_cast %mul3A_487 : vector<16xf32> to vector<1x16xf32>
        tpu.vector_store %arg19[%swap3A_488, %swap3A_489], %swap3A_492 {strides = array<i32>} : memref<128x136xf32, #tpu.memory_space<vmem>>, vector<1x16xf32>,
        %get3A_493 = arith.index_cast %scan3A_425 : i32 to index
        %get3A_494 = arith.constant 64 : index
        %get3A_495 = tpu.vector_load %arg19[%get3A_493, %get3A_494] {strides = array<i32>} : memref<128x136xf32, #tpu.memory_space<vmem>>, vector<1x16xf32>,
        %get3A_496 = vector.shape_cast %get3A_495 : vector<1x16xf32> to vector<16xf32>
        %slice3A_497 = vector.extract_strided_slice %exp3A_440 {offsets = [4], sizes = [1], strides = [1]} : vector<16xf32> to vector<1xf32>
        %squeeze3A_498 = vector.extract %slice3A_497[0] : f32 from vector<1xf32>
        %mul3A_499 = vector.broadcast %squeeze3A_498 : f32 to vector<16xf32>
        %mul3A_500 = arith.mulf %get3A_496, %mul3A_499 : vector<16xf32>
        %swap3A_501 = arith.index_cast %scan3A_425 : i32 to index
        %swap3A_502 = arith.constant 64 : index
        %swap3A_503 = tpu.vector_load %arg19[%swap3A_501, %swap3A_502] {strides = array<i32>} : memref<128x136xf32, #tpu.memory_space<vmem>>, vector<1x16xf32>,
        %swap3A_504 = vector.shape_cast %swap3A_503 : vector<1x16xf32> to vector<16xf32>
        %swap3A_505 = vector.shape_cast %mul3A_500 : vector<16xf32> to vector<1x16xf32>
        tpu.vector_store %arg19[%swap3A_501, %swap3A_502], %swap3A_505 {strides = array<i32>} : memref<128x136xf32, #tpu.memory_space<vmem>>, vector<1x16xf32>,
        %get3A_506 = arith.index_cast %scan3A_425 : i32 to index
        %get3A_507 = arith.constant 80 : index
        %get3A_508 = tpu.vector_load %arg19[%get3A_506, %get3A_507] {strides = array<i32>} : memref<128x136xf32, #tpu.memory_space<vmem>>, vector<1x16xf32>,
        %get3A_509 = vector.shape_cast %get3A_508 : vector<1x16xf32> to vector<16xf32>
        %slice3A_510 = vector.extract_strided_slice %exp3A_440 {offsets = [5], sizes = [1], strides = [1]} : vector<16xf32> to vector<1xf32>
        %squeeze3A_511 = vector.extract %slice3A_510[0] : f32 from vector<1xf32>
        %mul3A_512 = vector.broadcast %squeeze3A_511 : f32 to vector<16xf32>
        %mul3A_513 = arith.mulf %get3A_509, %mul3A_512 : vector<16xf32>
        %swap3A_514 = arith.index_cast %scan3A_425 : i32 to index
        %swap3A_515 = arith.constant 80 : index
        %swap3A_516 = tpu.vector_load %arg19[%swap3A_514, %swap3A_515] {strides = array<i32>} : memref<128x136xf32, #tpu.memory_space<vmem>>, vector<1x16xf32>,
        %swap3A_517 = vector.shape_cast %swap3A_516 : vector<1x16xf32> to vector<16xf32>
        %swap3A_518 = vector.shape_cast %mul3A_513 : vector<16xf32> to vector<1x16xf32>
        tpu.vector_store %arg19[%swap3A_514, %swap3A_515], %swap3A_518 {strides = array<i32>} : memref<128x136xf32, #tpu.memory_space<vmem>>, vector<1x16xf32>,
        %get3A_519 = arith.index_cast %scan3A_425 : i32 to index
        %get3A_520 = arith.constant 96 : index
        %get3A_521 = tpu.vector_load %arg19[%get3A_519, %get3A_520] {strides = array<i32>} : memref<128x136xf32, #tpu.memory_space<vmem>>, vector<1x16xf32>,
        %get3A_522 = vector.shape_cast %get3A_521 : vector<1x16xf32> to vector<16xf32>
        %slice3A_523 = vector.extract_strided_slice %exp3A_440 {offsets = [6], sizes = [1], strides = [1]} : vector<16xf32> to vector<1xf32>
        %squeeze3A_524 = vector.extract %slice3A_523[0] : f32 from vector<1xf32>
        %mul3A_525 = vector.broadcast %squeeze3A_524 : f32 to vector<16xf32>
        %mul3A_526 = arith.mulf %get3A_522, %mul3A_525 : vector<16xf32>
        %swap3A_527 = arith.index_cast %scan3A_425 : i32 to index
        %swap3A_528 = arith.constant 96 : index
        %swap3A_529 = tpu.vector_load %arg19[%swap3A_527, %swap3A_528] {strides = array<i32>} : memref<128x136xf32, #tpu.memory_space<vmem>>, vector<1x16xf32>,
        %swap3A_530 = vector.shape_cast %swap3A_529 : vector<1x16xf32> to vector<16xf32>
        %swap3A_531 = vector.shape_cast %mul3A_526 : vector<16xf32> to vector<1x16xf32>
        tpu.vector_store %arg19[%swap3A_527, %swap3A_528], %swap3A_531 {strides = array<i32>} : memref<128x136xf32, #tpu.memory_space<vmem>>, vector<1x16xf32>,
        %get3A_532 = arith.index_cast %scan3A_425 : i32 to index
        %get3A_533 = arith.constant 112 : index
        %get3A_534 = tpu.vector_load %arg19[%get3A_532, %get3A_533] {strides = array<i32>} : memref<128x136xf32, #tpu.memory_space<vmem>>, vector<1x16xf32>,
        %get3A_535 = vector.shape_cast %get3A_534 : vector<1x16xf32> to vector<16xf32>
        %slice3A_536 = vector.extract_strided_slice %exp3A_440 {offsets = [7], sizes = [1], strides = [1]} : vector<16xf32> to vector<1xf32>
        %squeeze3A_537 = vector.extract %slice3A_536[0] : f32 from vector<1xf32>
        %mul3A_538 = vector.broadcast %squeeze3A_537 : f32 to vector<16xf32>
        %mul3A_539 = arith.mulf %get3A_535, %mul3A_538 : vector<16xf32>
        %swap3A_540 = arith.index_cast %scan3A_425 : i32 to index
        %swap3A_541 = arith.constant 112 : index
        %swap3A_542 = tpu.vector_load %arg19[%swap3A_540, %swap3A_541] {strides = array<i32>} : memref<128x136xf32, #tpu.memory_space<vmem>>, vector<1x16xf32>,
        %swap3A_543 = vector.shape_cast %swap3A_542 : vector<1x16xf32> to vector<16xf32>
        %swap3A_544 = vector.shape_cast %mul3A_539 : vector<16xf32> to vector<1x16xf32>
        tpu.vector_store %arg19[%swap3A_540, %swap3A_541], %swap3A_544 {strides = array<i32>} : memref<128x136xf32, #tpu.memory_space<vmem>>, vector<1x16xf32>,
        %ge3A_545 = arith.constant 8 : i32
        %ge3A_546 = vector.broadcast %ge3A_545 : i32 to vector<16xi32>
        %ge3A_547 = arith.cmpi sge, %iota3A, %ge3A_546 : vector<16xi32>
        %lt3A_548 = arith.constant 0 : i32
        %lt3A_549 = vector.broadcast %lt3A_548 : i32 to vector<16xi32>
        %lt3A_550 = arith.cmpi slt, %select_n3A, %lt3A_549 : vector<16xi32>
        %add3A_551 = arith.constant 16 : i32
        %add3A_552 = vector.broadcast %add3A_551 : i32 to vector<16xi32>
        %add3A_553 = arith.addi %select_n3A, %add3A_552 : vector<16xi32>
        %select_n3A_554 = arith.select %lt3A_550, %add3A_553, %select_n3A : vector<16xi1>, vector<16xi32>
        %broadcast_in_dim3A_555 = vector.shape_cast %select_n3A_554 : vector<16xi32> to vector<16x1xi32>
        %gather3A_556 = vector.shape_cast %broadcast_in_dim3A_555 : vector<16x1xi32> to vector<16xi32>
        %gather3A_557 = tpu.dynamic_gather %exp3A_440[%gather3A_556] in [0] : vector<16xf32>, vector<16xi32> -> vector<16xf32>
        %jit3A_558 = arith.constant 1.000000e+00 : f32
        %broadcast_in_dim3A_559 = vector.broadcast %jit3A_558 : f32 to vector<16xf32>
        %select_n3A_560 = arith.select %ge3A_547, %gather3A_557, %broadcast_in_dim3A_559 : vector<16xi1>, vector<16xf32>
        %get3A_561 = arith.index_cast %scan3A_425 : i32 to index
        %get3A_562 = arith.constant 120 : index
        %get3A_563 = tpu.vector_load %arg19[%get3A_561, %get3A_562] {strides = array<i32>} : memref<128x136xf32, #tpu.memory_space<vmem>>, vector<1x16xf32>,
        %get3A_564 = vector.shape_cast %get3A_563 : vector<1x16xf32> to vector<16xf32>
        %mul3A_565 = arith.mulf %get3A_564, %select_n3A_560 : vector<16xf32>
        %swap3A_566 = arith.index_cast %scan3A_425 : i32 to index
        %swap3A_567 = arith.constant 120 : index
        %swap3A_568 = tpu.vector_load %arg19[%swap3A_566, %swap3A_567] {strides = array<i32>} : memref<128x136xf32, #tpu.memory_space<vmem>>, vector<1x16xf32>,
        %swap3A_569 = vector.shape_cast %swap3A_568 : vector<1x16xf32> to vector<16xf32>
        %swap3A_570 = vector.shape_cast %mul3A_565 : vector<16xf32> to vector<1x16xf32>
        tpu.vector_store %arg19[%swap3A_566, %swap3A_567], %swap3A_570 {strides = array<i32>} : memref<128x136xf32, #tpu.memory_space<vmem>>, vector<1x16xf32>,
        %scan3A_571 = arith.constant 3 : i32
        %scan3A_572 = arith.addi %scan3A_138, %scan3A_571 : i32
        %get3A_573 = arith.index_cast %scan3A_572 : i32 to index
        %get3A_574 = arith.constant 0 : index
        %get3A_575 = tpu.vector_load %arg17[%get3A_573, %get3A_574] {strides = array<i32>} : memref<128x16xf32, #tpu.memory_space<vmem>>, vector<1x16xf32>,
        %get3A_576 = vector.shape_cast %get3A_575 : vector<1x16xf32> to vector<16xf32>
        %get3A_577 = arith.index_cast %scan3A_572 : i32 to index
        %get3A_578 = arith.constant 0 : index
        %get3A_579 = tpu.vector_load %arg18[%get3A_577, %get3A_578] {strides = array<i32>} : memref<128x16xf32, #tpu.memory_space<vmem>>, vector<1x16xf32>,
        %get3A_580 = vector.shape_cast %get3A_579 : vector<1x16xf32> to vector<16xf32>
        %add3A_581 = arith.addf %get3A_576, %get3A_580 : vector<16xf32>
        %mul3A_582 = arith.constant 2.000000e-01 : f32
        %mul3A_583 = vector.broadcast %mul3A_582 : f32 to vector<16xf32>
        %mul3A_584 = arith.mulf %mul3A_583, %add3A_581 : vector<16xf32>
        %max3A_585 = arith.maximumf %add3A_581, %mul3A_584 : vector<16xf32>
        %sub3A_586 = arith.subf %max3A_585, %get3A_4 : vector<16xf32>
        %exp3A_587 = math.exp %sub3A_586 : vector<16xf32>
        %get3A_588 = arith.index_cast %scan3A_572 : i32 to index
        %get3A_589 = arith.constant 0 : index
        %get3A_590 = tpu.vector_load %arg19[%get3A_588, %get3A_589] {strides = array<i32>} : memref<128x136xf32, #tpu.memory_space<vmem>>, vector<1x16xf32>,
        %get3A_591 = vector.shape_cast %get3A_590 : vector<1x16xf32> to vector<16xf32>
        %slice3A_592 = vector.extract_strided_slice %exp3A_587 {offsets = [0], sizes = [1], strides = [1]} : vector<16xf32> to vector<1xf32>
        %squeeze3A_593 = vector.extract %slice3A_592[0] : f32 from vector<1xf32>
        %mul3A_594 = vector.broadcast %squeeze3A_593 : f32 to vector<16xf32>
        %mul3A_595 = arith.mulf %get3A_591, %mul3A_594 : vector<16xf32>
        %swap3A_596 = arith.index_cast %scan3A_572 : i32 to index
        %swap3A_597 = arith.constant 0 : index
        %swap3A_598 = tpu.vector_load %arg19[%swap3A_596, %swap3A_597] {strides = array<i32>} : memref<128x136xf32, #tpu.memory_space<vmem>>, vector<1x16xf32>,
        %swap3A_599 = vector.shape_cast %swap3A_598 : vector<1x16xf32> to vector<16xf32>
        %swap3A_600 = vector.shape_cast %mul3A_595 : vector<16xf32> to vector<1x16xf32>
        tpu.vector_store %arg19[%swap3A_596, %swap3A_597], %swap3A_600 {strides = array<i32>} : memref<128x136xf32, #tpu.memory_space<vmem>>, vector<1x16xf32>,
        %get3A_601 = arith.index_cast %scan3A_572 : i32 to index
        %get3A_602 = arith.constant 16 : index
        %get3A_603 = tpu.vector_load %arg19[%get3A_601, %get3A_602] {strides = array<i32>} : memref<128x136xf32, #tpu.memory_space<vmem>>, vector<1x16xf32>,
        %get3A_604 = vector.shape_cast %get3A_603 : vector<1x16xf32> to vector<16xf32>
        %slice3A_605 = vector.extract_strided_slice %exp3A_587 {offsets = [1], sizes = [1], strides = [1]} : vector<16xf32> to vector<1xf32>
        %squeeze3A_606 = vector.extract %slice3A_605[0] : f32 from vector<1xf32>
        %mul3A_607 = vector.broadcast %squeeze3A_606 : f32 to vector<16xf32>
        %mul3A_608 = arith.mulf %get3A_604, %mul3A_607 : vector<16xf32>
        %swap3A_609 = arith.index_cast %scan3A_572 : i32 to index
        %swap3A_610 = arith.constant 16 : index
        %swap3A_611 = tpu.vector_load %arg19[%swap3A_609, %swap3A_610] {strides = array<i32>} : memref<128x136xf32, #tpu.memory_space<vmem>>, vector<1x16xf32>,
        %swap3A_612 = vector.shape_cast %swap3A_611 : vector<1x16xf32> to vector<16xf32>
        %swap3A_613 = vector.shape_cast %mul3A_608 : vector<16xf32> to vector<1x16xf32>
        tpu.vector_store %arg19[%swap3A_609, %swap3A_610], %swap3A_613 {strides = array<i32>} : memref<128x136xf32, #tpu.memory_space<vmem>>, vector<1x16xf32>,
        %get3A_614 = arith.index_cast %scan3A_572 : i32 to index
        %get3A_615 = arith.constant 32 : index
        %get3A_616 = tpu.vector_load %arg19[%get3A_614, %get3A_615] {strides = array<i32>} : memref<128x136xf32, #tpu.memory_space<vmem>>, vector<1x16xf32>,
        %get3A_617 = vector.shape_cast %get3A_616 : vector<1x16xf32> to vector<16xf32>
        %slice3A_618 = vector.extract_strided_slice %exp3A_587 {offsets = [2], sizes = [1], strides = [1]} : vector<16xf32> to vector<1xf32>
        %squeeze3A_619 = vector.extract %slice3A_618[0] : f32 from vector<1xf32>
        %mul3A_620 = vector.broadcast %squeeze3A_619 : f32 to vector<16xf32>
        %mul3A_621 = arith.mulf %get3A_617, %mul3A_620 : vector<16xf32>
        %swap3A_622 = arith.index_cast %scan3A_572 : i32 to index
        %swap3A_623 = arith.constant 32 : index
        %swap3A_624 = tpu.vector_load %arg19[%swap3A_622, %swap3A_623] {strides = array<i32>} : memref<128x136xf32, #tpu.memory_space<vmem>>, vector<1x16xf32>,
        %swap3A_625 = vector.shape_cast %swap3A_624 : vector<1x16xf32> to vector<16xf32>
        %swap3A_626 = vector.shape_cast %mul3A_621 : vector<16xf32> to vector<1x16xf32>
        tpu.vector_store %arg19[%swap3A_622, %swap3A_623], %swap3A_626 {strides = array<i32>} : memref<128x136xf32, #tpu.memory_space<vmem>>, vector<1x16xf32>,
        %get3A_627 = arith.index_cast %scan3A_572 : i32 to index
        %get3A_628 = arith.constant 48 : index
        %get3A_629 = tpu.vector_load %arg19[%get3A_627, %get3A_628] {strides = array<i32>} : memref<128x136xf32, #tpu.memory_space<vmem>>, vector<1x16xf32>,
        %get3A_630 = vector.shape_cast %get3A_629 : vector<1x16xf32> to vector<16xf32>
        %slice3A_631 = vector.extract_strided_slice %exp3A_587 {offsets = [3], sizes = [1], strides = [1]} : vector<16xf32> to vector<1xf32>
        %squeeze3A_632 = vector.extract %slice3A_631[0] : f32 from vector<1xf32>
        %mul3A_633 = vector.broadcast %squeeze3A_632 : f32 to vector<16xf32>
        %mul3A_634 = arith.mulf %get3A_630, %mul3A_633 : vector<16xf32>
        %swap3A_635 = arith.index_cast %scan3A_572 : i32 to index
        %swap3A_636 = arith.constant 48 : index
        %swap3A_637 = tpu.vector_load %arg19[%swap3A_635, %swap3A_636] {strides = array<i32>} : memref<128x136xf32, #tpu.memory_space<vmem>>, vector<1x16xf32>,
        %swap3A_638 = vector.shape_cast %swap3A_637 : vector<1x16xf32> to vector<16xf32>
        %swap3A_639 = vector.shape_cast %mul3A_634 : vector<16xf32> to vector<1x16xf32>
        tpu.vector_store %arg19[%swap3A_635, %swap3A_636], %swap3A_639 {strides = array<i32>} : memref<128x136xf32, #tpu.memory_space<vmem>>, vector<1x16xf32>,
        %get3A_640 = arith.index_cast %scan3A_572 : i32 to index
        %get3A_641 = arith.constant 64 : index
        %get3A_642 = tpu.vector_load %arg19[%get3A_640, %get3A_641] {strides = array<i32>} : memref<128x136xf32, #tpu.memory_space<vmem>>, vector<1x16xf32>,
        %get3A_643 = vector.shape_cast %get3A_642 : vector<1x16xf32> to vector<16xf32>
        %slice3A_644 = vector.extract_strided_slice %exp3A_587 {offsets = [4], sizes = [1], strides = [1]} : vector<16xf32> to vector<1xf32>
        %squeeze3A_645 = vector.extract %slice3A_644[0] : f32 from vector<1xf32>
        %mul3A_646 = vector.broadcast %squeeze3A_645 : f32 to vector<16xf32>
        %mul3A_647 = arith.mulf %get3A_643, %mul3A_646 : vector<16xf32>
        %swap3A_648 = arith.index_cast %scan3A_572 : i32 to index
        %swap3A_649 = arith.constant 64 : index
        %swap3A_650 = tpu.vector_load %arg19[%swap3A_648, %swap3A_649] {strides = array<i32>} : memref<128x136xf32, #tpu.memory_space<vmem>>, vector<1x16xf32>,
        %swap3A_651 = vector.shape_cast %swap3A_650 : vector<1x16xf32> to vector<16xf32>
        %swap3A_652 = vector.shape_cast %mul3A_647 : vector<16xf32> to vector<1x16xf32>
        tpu.vector_store %arg19[%swap3A_648, %swap3A_649], %swap3A_652 {strides = array<i32>} : memref<128x136xf32, #tpu.memory_space<vmem>>, vector<1x16xf32>,
        %get3A_653 = arith.index_cast %scan3A_572 : i32 to index
        %get3A_654 = arith.constant 80 : index
        %get3A_655 = tpu.vector_load %arg19[%get3A_653, %get3A_654] {strides = array<i32>} : memref<128x136xf32, #tpu.memory_space<vmem>>, vector<1x16xf32>,
        %get3A_656 = vector.shape_cast %get3A_655 : vector<1x16xf32> to vector<16xf32>
        %slice3A_657 = vector.extract_strided_slice %exp3A_587 {offsets = [5], sizes = [1], strides = [1]} : vector<16xf32> to vector<1xf32>
        %squeeze3A_658 = vector.extract %slice3A_657[0] : f32 from vector<1xf32>
        %mul3A_659 = vector.broadcast %squeeze3A_658 : f32 to vector<16xf32>
        %mul3A_660 = arith.mulf %get3A_656, %mul3A_659 : vector<16xf32>
        %swap3A_661 = arith.index_cast %scan3A_572 : i32 to index
        %swap3A_662 = arith.constant 80 : index
        %swap3A_663 = tpu.vector_load %arg19[%swap3A_661, %swap3A_662] {strides = array<i32>} : memref<128x136xf32, #tpu.memory_space<vmem>>, vector<1x16xf32>,
        %swap3A_664 = vector.shape_cast %swap3A_663 : vector<1x16xf32> to vector<16xf32>
        %swap3A_665 = vector.shape_cast %mul3A_660 : vector<16xf32> to vector<1x16xf32>
        tpu.vector_store %arg19[%swap3A_661, %swap3A_662], %swap3A_665 {strides = array<i32>} : memref<128x136xf32, #tpu.memory_space<vmem>>, vector<1x16xf32>,
        %get3A_666 = arith.index_cast %scan3A_572 : i32 to index
        %get3A_667 = arith.constant 96 : index
        %get3A_668 = tpu.vector_load %arg19[%get3A_666, %get3A_667] {strides = array<i32>} : memref<128x136xf32, #tpu.memory_space<vmem>>, vector<1x16xf32>,
        %get3A_669 = vector.shape_cast %get3A_668 : vector<1x16xf32> to vector<16xf32>
        %slice3A_670 = vector.extract_strided_slice %exp3A_587 {offsets = [6], sizes = [1], strides = [1]} : vector<16xf32> to vector<1xf32>
        %squeeze3A_671 = vector.extract %slice3A_670[0] : f32 from vector<1xf32>
        %mul3A_672 = vector.broadcast %squeeze3A_671 : f32 to vector<16xf32>
        %mul3A_673 = arith.mulf %get3A_669, %mul3A_672 : vector<16xf32>
        %swap3A_674 = arith.index_cast %scan3A_572 : i32 to index
        %swap3A_675 = arith.constant 96 : index
        %swap3A_676 = tpu.vector_load %arg19[%swap3A_674, %swap3A_675] {strides = array<i32>} : memref<128x136xf32, #tpu.memory_space<vmem>>, vector<1x16xf32>,
        %swap3A_677 = vector.shape_cast %swap3A_676 : vector<1x16xf32> to vector<16xf32>
        %swap3A_678 = vector.shape_cast %mul3A_673 : vector<16xf32> to vector<1x16xf32>
        tpu.vector_store %arg19[%swap3A_674, %swap3A_675], %swap3A_678 {strides = array<i32>} : memref<128x136xf32, #tpu.memory_space<vmem>>, vector<1x16xf32>,
        %get3A_679 = arith.index_cast %scan3A_572 : i32 to index
        %get3A_680 = arith.constant 112 : index
        %get3A_681 = tpu.vector_load %arg19[%get3A_679, %get3A_680] {strides = array<i32>} : memref<128x136xf32, #tpu.memory_space<vmem>>, vector<1x16xf32>,
        %get3A_682 = vector.shape_cast %get3A_681 : vector<1x16xf32> to vector<16xf32>
        %slice3A_683 = vector.extract_strided_slice %exp3A_587 {offsets = [7], sizes = [1], strides = [1]} : vector<16xf32> to vector<1xf32>
        %squeeze3A_684 = vector.extract %slice3A_683[0] : f32 from vector<1xf32>
        %mul3A_685 = vector.broadcast %squeeze3A_684 : f32 to vector<16xf32>
        %mul3A_686 = arith.mulf %get3A_682, %mul3A_685 : vector<16xf32>
        %swap3A_687 = arith.index_cast %scan3A_572 : i32 to index
        %swap3A_688 = arith.constant 112 : index
        %swap3A_689 = tpu.vector_load %arg19[%swap3A_687, %swap3A_688] {strides = array<i32>} : memref<128x136xf32, #tpu.memory_space<vmem>>, vector<1x16xf32>,
        %swap3A_690 = vector.shape_cast %swap3A_689 : vector<1x16xf32> to vector<16xf32>
        %swap3A_691 = vector.shape_cast %mul3A_686 : vector<16xf32> to vector<1x16xf32>
        tpu.vector_store %arg19[%swap3A_687, %swap3A_688], %swap3A_691 {strides = array<i32>} : memref<128x136xf32, #tpu.memory_space<vmem>>, vector<1x16xf32>,
        %ge3A_692 = arith.constant 8 : i32
        %ge3A_693 = vector.broadcast %ge3A_692 : i32 to vector<16xi32>
        %ge3A_694 = arith.cmpi sge, %iota3A, %ge3A_693 : vector<16xi32>
        %lt3A_695 = arith.constant 0 : i32
        %lt3A_696 = vector.broadcast %lt3A_695 : i32 to vector<16xi32>
        %lt3A_697 = arith.cmpi slt, %select_n3A, %lt3A_696 : vector<16xi32>
        %add3A_698 = arith.constant 16 : i32
        %add3A_699 = vector.broadcast %add3A_698 : i32 to vector<16xi32>
        %add3A_700 = arith.addi %select_n3A, %add3A_699 : vector<16xi32>
        %select_n3A_701 = arith.select %lt3A_697, %add3A_700, %select_n3A : vector<16xi1>, vector<16xi32>
        %broadcast_in_dim3A_702 = vector.shape_cast %select_n3A_701 : vector<16xi32> to vector<16x1xi32>
        %gather3A_703 = vector.shape_cast %broadcast_in_dim3A_702 : vector<16x1xi32> to vector<16xi32>
        %gather3A_704 = tpu.dynamic_gather %exp3A_587[%gather3A_703] in [0] : vector<16xf32>, vector<16xi32> -> vector<16xf32>
        %jit3A_705 = arith.constant 1.000000e+00 : f32
        %broadcast_in_dim3A_706 = vector.broadcast %jit3A_705 : f32 to vector<16xf32>
        %select_n3A_707 = arith.select %ge3A_694, %gather3A_704, %broadcast_in_dim3A_706 : vector<16xi1>, vector<16xf32>
        %get3A_708 = arith.index_cast %scan3A_572 : i32 to index
        %get3A_709 = arith.constant 120 : index
        %get3A_710 = tpu.vector_load %arg19[%get3A_708, %get3A_709] {strides = array<i32>} : memref<128x136xf32, #tpu.memory_space<vmem>>, vector<1x16xf32>,
        %get3A_711 = vector.shape_cast %get3A_710 : vector<1x16xf32> to vector<16xf32>
        %mul3A_712 = arith.mulf %get3A_711, %select_n3A_707 : vector<16xf32>
        %swap3A_713 = arith.index_cast %scan3A_572 : i32 to index
        %swap3A_714 = arith.constant 120 : index
        %swap3A_715 = tpu.vector_load %arg19[%swap3A_713, %swap3A_714] {strides = array<i32>} : memref<128x136xf32, #tpu.memory_space<vmem>>, vector<1x16xf32>,
        %swap3A_716 = vector.shape_cast %swap3A_715 : vector<1x16xf32> to vector<16xf32>
        %swap3A_717 = vector.shape_cast %mul3A_712 : vector<16xf32> to vector<1x16xf32>
        tpu.vector_store %arg19[%swap3A_713, %swap3A_714], %swap3A_717 {strides = array<i32>} : memref<128x136xf32, #tpu.memory_space<vmem>>, vector<1x16xf32>,
      }
      %scan3A_116 = arith.constant 128 : i32
      "tpu.region"() ({
        %run_scoped3A = tpu.sem_alloc : memref<!tpu.dma_semaphore, #tpu.memory_space<semaphore_mem>>
        %dma_start3A_138 = arith.constant 0 : i32
        %dma_start3A_139 = arith.constant 0 : i32
        %dma_start3A_140 = tpu.memref_slice %arg21[%dma_start3A_138, %dma_start3A_139] : memref<10016x136xf32, #tpu.memory_space<vmem_shared>> -> memref<10016x136xf32, #tpu.memory_space<vmem_shared>>
        tpu.enqueue_indirect_dma source(%arg19 : memref<128x136xf32, #tpu.memory_space<vmem>>) target(%dma_start3A_140 : memref<10016x136xf32, #tpu.memory_space<vmem_shared>>) offsets(%arg16 : memref<128xi32, #tpu.memory_space<vmem>>) semaphore(%run_scoped3A : memref<!tpu.dma_semaphore, #tpu.memory_space<semaphore_mem>>) {add = true}
        %dma_wait3A_141 = arith.constant 0 : i32
        %dma_wait3A_142 = arith.constant 0 : i32
        %dma_wait3A_143 = tpu.memref_slice %arg21[%dma_wait3A_141, %dma_wait3A_142] : memref<10016x136xf32, #tpu.memory_space<vmem_shared>> -> memref<10016x136xf32, #tpu.memory_space<vmem_shared>>
        tpu.wait_indirect_dma semaphore(%run_scoped3A : memref<!tpu.dma_semaphore, #tpu.memory_space<semaphore_mem>>) src(%arg19 : memref<128x136xf32, #tpu.memory_space<vmem>>) dst(%dma_wait3A_143 : memref<10016x136xf32, #tpu.memory_space<vmem_shared>>)
        tpu.yield
      }) : () -> ()
      %mul3A_117 = arith.constant 2 : i32
      %mul3A_118 = arith.muli %mul3A_117, %scan3A_65 : i32
      %add3A_119 = arith.constant 3 : i32
      %add3A_120 = arith.addi %mul3A_118, %add3A_119 : i32
      %mul3A_121 = arith.constant 82 : i32
      %mul3A_122 = arith.muli %add3A, %mul3A_121 : i32
      %min3A_123 = arith.constant 81 : i32
      %min3A_124 = arith.minsi %add3A_120, %min3A_123 : i32
      %add3A_125 = arith.addi %mul3A_122, %min3A_124 : i32
      %mul3A_126 = arith.constant 128 : i32
      %mul3A_127 = arith.muli %add3A_125, %mul3A_126 : i32
      %multiple_of3A_128 = tpu.assume_multiple %mul3A_127, 128 : i32
      "tpu.region"() ({
        %run_scoped3A = tpu.sem_alloc : memref<!tpu.dma_semaphore, #tpu.memory_space<semaphore_mem>>
        %dma_start3A_138 = tpu.memref_slice %arg4[%multiple_of3A_128] : memref<335872xi32, #tpu.memory_space<hbm>> -> memref<128xi32, #tpu.memory_space<hbm>>
        %dma_start3A_139 = tpu.memref_slice %arg4[%multiple_of3A_128] : memref<335872xi32, #tpu.memory_space<hbm>> -> memref<128xi32, #tpu.memory_space<hbm>>
        tpu.enqueue_dma source(%dma_start3A_139 : memref<128xi32, #tpu.memory_space<hbm>>) target(%arg15 : memref<128xi32, #tpu.memory_space<vmem>>) target_semaphore(%run_scoped3A : memref<!tpu.dma_semaphore, #tpu.memory_space<semaphore_mem>>)
        %dma_wait3A_140 = tpu.memref_slice %arg4[%multiple_of3A_128] : memref<335872xi32, #tpu.memory_space<hbm>> -> memref<128xi32, #tpu.memory_space<hbm>>
        %dma_wait3A_141 = tpu.memref_slice %arg4[%multiple_of3A_128] : memref<335872xi32, #tpu.memory_space<hbm>> -> memref<128xi32, #tpu.memory_space<hbm>>
        tpu.wait_dma2 semaphore(%run_scoped3A : memref<!tpu.dma_semaphore, #tpu.memory_space<semaphore_mem>>) src(%dma_wait3A_141 : memref<128xi32, #tpu.memory_space<hbm>>) dst(%arg15 : memref<128xi32, #tpu.memory_space<vmem>>)
        tpu.yield
      }) : () -> ()
      "tpu.region"() ({
        %run_scoped3A = tpu.sem_alloc : memref<!tpu.dma_semaphore, #tpu.memory_space<semaphore_mem>>
        %dma_start3A_138 = tpu.memref_slice %arg5[%multiple_of3A_128] : memref<335872xi32, #tpu.memory_space<hbm>> -> memref<128xi32, #tpu.memory_space<hbm>>
        %dma_start3A_139 = tpu.memref_slice %arg5[%multiple_of3A_128] : memref<335872xi32, #tpu.memory_space<hbm>> -> memref<128xi32, #tpu.memory_space<hbm>>
        tpu.enqueue_dma source(%dma_start3A_139 : memref<128xi32, #tpu.memory_space<hbm>>) target(%arg16 : memref<128xi32, #tpu.memory_space<vmem>>) target_semaphore(%run_scoped3A : memref<!tpu.dma_semaphore, #tpu.memory_space<semaphore_mem>>)
        %dma_wait3A_140 = tpu.memref_slice %arg5[%multiple_of3A_128] : memref<335872xi32, #tpu.memory_space<hbm>> -> memref<128xi32, #tpu.memory_space<hbm>>
        %dma_wait3A_141 = tpu.memref_slice %arg5[%multiple_of3A_128] : memref<335872xi32, #tpu.memory_space<hbm>> -> memref<128xi32, #tpu.memory_space<hbm>>
        tpu.wait_dma2 semaphore(%run_scoped3A : memref<!tpu.dma_semaphore, #tpu.memory_space<semaphore_mem>>) src(%dma_wait3A_141 : memref<128xi32, #tpu.memory_space<hbm>>) dst(%arg16 : memref<128xi32, #tpu.memory_space<vmem>>)
        tpu.yield
      }) : () -> ()
      %dma_start3A_129 = arith.constant 0 : i32
      %dma_start3A_130 = arith.constant 0 : i32
      %dma_start3A_131 = tpu.memref_slice %arg2[%dma_start3A_129, %dma_start3A_130] : memref<10016x16xf32, #tpu.memory_space<hbm>> -> memref<10016x16xf32, #tpu.memory_space<hbm>>
      tpu.enqueue_indirect_dma source(%dma_start3A_131 : memref<10016x16xf32, #tpu.memory_space<hbm>>) target(%arg17 : memref<128x16xf32, #tpu.memory_space<vmem>>) offsets(%arg15 : memref<128xi32, #tpu.memory_space<vmem>>) semaphore(%arg23 : memref<!tpu.dma_semaphore, #tpu.memory_space<semaphore_mem>>)
      %dma_start3A_132 = arith.constant 0 : i32
      %dma_start3A_133 = arith.constant 0 : i32
      %dma_start3A_134 = tpu.memref_slice %arg3[%dma_start3A_132, %dma_start3A_133] : memref<10016x16xf32, #tpu.memory_space<hbm>> -> memref<10016x16xf32, #tpu.memory_space<hbm>>
      tpu.enqueue_indirect_dma source(%dma_start3A_134 : memref<10016x16xf32, #tpu.memory_space<hbm>>) target(%arg18 : memref<128x16xf32, #tpu.memory_space<vmem>>) offsets(%arg16 : memref<128xi32, #tpu.memory_space<vmem>>) semaphore(%arg23 : memref<!tpu.dma_semaphore, #tpu.memory_space<semaphore_mem>>)
      %dma_start3A_135 = arith.constant 0 : i32
      %dma_start3A_136 = arith.constant 0 : i32
      %dma_start3A_137 = tpu.memref_slice %arg7[%dma_start3A_135, %dma_start3A_136] : memref<10016x136xf32, #tpu.memory_space<hbm>> -> memref<10016x136xf32, #tpu.memory_space<hbm>>
      tpu.enqueue_indirect_dma source(%dma_start3A_137 : memref<10016x136xf32, #tpu.memory_space<hbm>>) target(%arg19 : memref<128x136xf32, #tpu.memory_space<vmem>>) offsets(%arg15 : memref<128xi32, #tpu.memory_space<vmem>>) semaphore(%arg23 : memref<!tpu.dma_semaphore, #tpu.memory_space<semaphore_mem>>)
    }
    %scan3A_46 = arith.constant 41 : i32
    %dma_wait3A = arith.constant 0 : i32
    %dma_wait3A_47 = arith.constant 0 : i32
    %dma_wait3A_48 = tpu.memref_slice %arg2[%dma_wait3A, %dma_wait3A_47] : memref<10016x16xf32, #tpu.memory_space<hbm>> -> memref<10016x16xf32, #tpu.memory_space<hbm>>
    tpu.wait_indirect_dma semaphore(%arg22 : memref<!tpu.dma_semaphore, #tpu.memory_space<semaphore_mem>>) src(%dma_wait3A_48 : memref<10016x16xf32, #tpu.memory_space<hbm>>) dst(%arg12 : memref<128x16xf32, #tpu.memory_space<vmem>>)
    %dma_wait3A_49 = arith.constant 0 : i32
    %dma_wait3A_50 = arith.constant 0 : i32
    %dma_wait3A_51 = tpu.memref_slice %arg3[%dma_wait3A_49, %dma_wait3A_50] : memref<10016x16xf32, #tpu.memory_space<hbm>> -> memref<10016x16xf32, #tpu.memory_space<hbm>>
    tpu.wait_indirect_dma semaphore(%arg22 : memref<!tpu.dma_semaphore, #tpu.memory_space<semaphore_mem>>) src(%dma_wait3A_51 : memref<10016x16xf32, #tpu.memory_space<hbm>>) dst(%arg13 : memref<128x16xf32, #tpu.memory_space<vmem>>)
    %dma_wait3A_52 = arith.constant 0 : i32
    %dma_wait3A_53 = arith.constant 0 : i32
    %dma_wait3A_54 = tpu.memref_slice %arg7[%dma_wait3A_52, %dma_wait3A_53] : memref<10016x136xf32, #tpu.memory_space<hbm>> -> memref<10016x136xf32, #tpu.memory_space<hbm>>
    tpu.wait_indirect_dma semaphore(%arg22 : memref<!tpu.dma_semaphore, #tpu.memory_space<semaphore_mem>>) src(%dma_wait3A_54 : memref<10016x136xf32, #tpu.memory_space<hbm>>) dst(%arg14 : memref<128x136xf32, #tpu.memory_space<vmem>>)
    %dma_wait3A_55 = arith.constant 0 : i32
    %dma_wait3A_56 = arith.constant 0 : i32
    %dma_wait3A_57 = tpu.memref_slice %arg2[%dma_wait3A_55, %dma_wait3A_56] : memref<10016x16xf32, #tpu.memory_space<hbm>> -> memref<10016x16xf32, #tpu.memory_space<hbm>>
    tpu.wait_indirect_dma semaphore(%arg23 : memref<!tpu.dma_semaphore, #tpu.memory_space<semaphore_mem>>) src(%dma_wait3A_57 : memref<10016x16xf32, #tpu.memory_space<hbm>>) dst(%arg17 : memref<128x16xf32, #tpu.memory_space<vmem>>)
    %dma_wait3A_58 = arith.constant 0 : i32
    %dma_wait3A_59 = arith.constant 0 : i32
    %dma_wait3A_60 = tpu.memref_slice %arg3[%dma_wait3A_58, %dma_wait3A_59] : memref<10016x16xf32, #tpu.memory_space<hbm>> -> memref<10016x16xf32, #tpu.memory_space<hbm>>
    tpu.wait_indirect_dma semaphore(%arg23 : memref<!tpu.dma_semaphore, #tpu.memory_space<semaphore_mem>>) src(%dma_wait3A_60 : memref<10016x16xf32, #tpu.memory_space<hbm>>) dst(%arg18 : memref<128x16xf32, #tpu.memory_space<vmem>>)
    %dma_wait3A_61 = arith.constant 0 : i32
    %dma_wait3A_62 = arith.constant 0 : i32
    %dma_wait3A_63 = tpu.memref_slice %arg7[%dma_wait3A_61, %dma_wait3A_62] : memref<10016x136xf32, #tpu.memory_space<hbm>> -> memref<10016x136xf32, #tpu.memory_space<hbm>>
    tpu.wait_indirect_dma semaphore(%arg23 : memref<!tpu.dma_semaphore, #tpu.memory_space<semaphore_mem>>) src(%dma_wait3A_63 : memref<10016x136xf32, #tpu.memory_space<hbm>>) dst(%arg19 : memref<128x136xf32, #tpu.memory_space<vmem>>)
    %barrier3A_64 = arith.constant 0 : index
    tpu.barrier barrier_id(%barrier3A_64)
    "tpu.region"() ({
      %run_scoped3A = tpu.sem_alloc : memref<!tpu.dma_semaphore, #tpu.memory_space<semaphore_mem>>
      %dma_start3A_65 = arith.constant 0 : i32
      %dma_start3A_66 = arith.constant 0 : i32
      %dma_start3A_67 = tpu.memref_slice %arg9[%arg0, %dma_start3A_65, %dma_start3A_66] : memref<2x10016x136xf32, #tpu.memory_space<hbm>> -> memref<1x10016x136xf32, #tpu.memory_space<hbm>>
      %dma_start3A_68 = tpu.memref_squeeze %dma_start3A_67 : memref<1x10016x136xf32, #tpu.memory_space<hbm>> -> memref<10016x136xf32, #tpu.memory_space<hbm>>
      %dma_start3A_69 = arith.constant 0 : i32
      %dma_start3A_70 = tpu.memref_slice %dma_start3A_68[%mul3A_2, %dma_start3A_69] : memref<10016x136xf32, #tpu.memory_space<hbm>> -> memref<626x136xf32, #tpu.memory_space<hbm>>
      %dma_start3A_71 = arith.constant 0 : i32
      %dma_start3A_72 = tpu.memref_slice %arg21[%mul3A_2, %dma_start3A_71] : memref<10016x136xf32, #tpu.memory_space<vmem_shared>> -> memref<626x136xf32, #tpu.memory_space<vmem_shared>>
      tpu.enqueue_dma source(%dma_start3A_72 : memref<626x136xf32, #tpu.memory_space<vmem_shared>>) target(%dma_start3A_70 : memref<626x136xf32, #tpu.memory_space<hbm>>) target_semaphore(%run_scoped3A : memref<!tpu.dma_semaphore, #tpu.memory_space<semaphore_mem>>)
      %dma_wait3A_73 = arith.constant 0 : i32
      %dma_wait3A_74 = arith.constant 0 : i32
      %dma_wait3A_75 = tpu.memref_slice %arg9[%arg0, %dma_wait3A_73, %dma_wait3A_74] : memref<2x10016x136xf32, #tpu.memory_space<hbm>> -> memref<1x10016x136xf32, #tpu.memory_space<hbm>>
      %dma_wait3A_76 = tpu.memref_squeeze %dma_wait3A_75 : memref<1x10016x136xf32, #tpu.memory_space<hbm>> -> memref<10016x136xf32, #tpu.memory_space<hbm>>
      %dma_wait3A_77 = arith.constant 0 : i32
      %dma_wait3A_78 = tpu.memref_slice %dma_wait3A_76[%mul3A_2, %dma_wait3A_77] : memref<10016x136xf32, #tpu.memory_space<hbm>> -> memref<626x136xf32, #tpu.memory_space<hbm>>
      %dma_wait3A_79 = arith.constant 0 : i32
      %dma_wait3A_80 = tpu.memref_slice %arg21[%mul3A_2, %dma_wait3A_79] : memref<10016x136xf32, #tpu.memory_space<vmem_shared>> -> memref<626x136xf32, #tpu.memory_space<vmem_shared>>
      tpu.wait_dma2 semaphore(%run_scoped3A : memref<!tpu.dma_semaphore, #tpu.memory_space<semaphore_mem>>) src(%dma_wait3A_80 : memref<626x136xf32, #tpu.memory_space<vmem_shared>>) dst(%dma_wait3A_78 : memref<626x136xf32, #tpu.memory_space<hbm>>)
      tpu.yield
    }) : () -> ()
    return
  }
}

module attributes {stable_mosaic.version = 14 : i64} {
  func.func @_tc1_body(%arg0: i32, %arg1: memref<2504x128xf32, #tpu.memory_space<vmem>>, %arg2: memref<128x136xf32, #tpu.memory_space<vmem>>, %arg3: memref<1x136xf32, #tpu.memory_space<vmem>>, %arg4: memref<136x16xf32, #tpu.memory_space<vmem>>, %arg5: memref<136x16xf32, #tpu.memory_space<vmem>>, %arg6: memref<2504x136xf32, #tpu.memory_space<vmem>>, %arg7: memref<2504x16xf32, #tpu.memory_space<vmem>>, %arg8: memref<2504x16xf32, #tpu.memory_space<vmem>>, %arg9: memref<1x16xf32, #tpu.memory_space<vmem>>) attributes {dimension_semantics = [#tpu.dimension_semantics<arbitrary>], iteration_bounds = array<i64: 4>, scalar_prefetch = 0 : i64, scratch_operands = 0 : i64, tpu.core_type = #tpu.core_type<tc>, window_params = [{transform_indices = @transform_0, window_bounds = array<i64: 2504, 128>}, {pipeline_mode = #tpu.pipeline_mode<synchronous>, transform_indices = @transform_1, window_bounds = array<i64: 128, 136>}, {pipeline_mode = #tpu.pipeline_mode<synchronous>, transform_indices = @transform_2, window_bounds = array<i64: 1, 136>}, {pipeline_mode = #tpu.pipeline_mode<synchronous>, transform_indices = @transform_3, window_bounds = array<i64: 136, 16>}, {pipeline_mode = #tpu.pipeline_mode<synchronous>, transform_indices = @transform_4, window_bounds = array<i64: 136, 16>}, {transform_indices = @transform_5, window_bounds = array<i64: 2504, 136>}, {transform_indices = @transform_6, window_bounds = array<i64: 2504, 16>}, {transform_indices = @transform_7, window_bounds = array<i64: 2504, 16>}, {pipeline_mode = #tpu.pipeline_mode<synchronous>, transform_indices = @transform_8, window_bounds = array<i64: 1, 16>}]} {
    %get3A = arith.constant 0 : index
    %get3A_0 = arith.constant 0 : index
    %get3A_1 = vector.load %arg1[%get3A, %get3A_0] : memref<2504x128xf32, #tpu.memory_space<vmem>>, vector<2504x128xf32>
    %get3A_2 = arith.constant 0 : index
    %get3A_3 = arith.constant 0 : index
    %get3A_4 = vector.load %arg2[%get3A_2, %get3A_3] : memref<128x136xf32, #tpu.memory_space<vmem>>, vector<128x136xf32>
    %dot_general3A = arith.constant dense<0.000000e+00> : vector<2504x136xf32>
    %dot_general3A_5 = tpu.matmul %get3A_1, %get3A_4, %dot_general3A {dimension_numbers = #tpu.dot_dimension_numbers<[1], [0], [0], [1], [0, 0, 1, 1], [], []>, transpose_lhs_hint = false} : vector<2504x128xf32>, vector<128x136xf32>, vector<2504x136xf32> -> vector<2504x136xf32>
    %get3A_6 = arith.constant 0 : index
    %get3A_7 = arith.constant 0 : index
    %get3A_8 = vector.load %arg3[%get3A_6, %get3A_7] : memref<1x136xf32, #tpu.memory_space<vmem>>, vector<1x136xf32>
    %add3A = vector.broadcast %get3A_8 : vector<1x136xf32> to vector<2504x136xf32>
    %add3A_9 = arith.addf %dot_general3A_5, %add3A : vector<2504x136xf32>
    %swap3A = arith.constant 0 : index
    %swap3A_10 = arith.constant 0 : index
    %swap3A_11 = vector.load %arg6[%swap3A, %swap3A_10] : memref<2504x136xf32, #tpu.memory_space<vmem>>, vector<2504x136xf32>
    tpu.vector_store %arg6[%swap3A, %swap3A_10], %add3A_9 {strides = array<i32>} : memref<2504x136xf32, #tpu.memory_space<vmem>>, vector<2504x136xf32>,
    %get3A_12 = arith.constant 0 : index
    %get3A_13 = arith.constant 0 : index
    %get3A_14 = vector.load %arg4[%get3A_12, %get3A_13] : memref<136x16xf32, #tpu.memory_space<vmem>>, vector<136x16xf32>
    %dot_general3A_15 = arith.constant dense<0.000000e+00> : vector<2504x16xf32>
    %dot_general3A_16 = tpu.matmul %add3A_9, %get3A_14, %dot_general3A_15 {dimension_numbers = #tpu.dot_dimension_numbers<[1], [0], [0], [1], [0, 0, 1, 1], [], []>, transpose_lhs_hint = false} : vector<2504x136xf32>, vector<136x16xf32>, vector<2504x16xf32> -> vector<2504x16xf32>
    %get3A_17 = arith.constant 0 : index
    %get3A_18 = arith.constant 0 : index
    %get3A_19 = vector.load %arg5[%get3A_17, %get3A_18] : memref<136x16xf32, #tpu.memory_space<vmem>>, vector<136x16xf32>
    %dot_general3A_20 = arith.constant dense<0.000000e+00> : vector<2504x16xf32>
    %dot_general3A_21 = tpu.matmul %add3A_9, %get3A_19, %dot_general3A_20 {dimension_numbers = #tpu.dot_dimension_numbers<[1], [0], [0], [1], [0, 0, 1, 1], [], []>, transpose_lhs_hint = false} : vector<2504x136xf32>, vector<136x16xf32>, vector<2504x16xf32> -> vector<2504x16xf32>
    %swap3A_22 = arith.constant 0 : index
    %swap3A_23 = arith.constant 0 : index
    %swap3A_24 = vector.load %arg7[%swap3A_22, %swap3A_23] : memref<2504x16xf32, #tpu.memory_space<vmem>>, vector<2504x16xf32>
    tpu.vector_store %arg7[%swap3A_22, %swap3A_23], %dot_general3A_16 {strides = array<i32>} : memref<2504x16xf32, #tpu.memory_space<vmem>>, vector<2504x16xf32>,
    %swap3A_25 = arith.constant 0 : index
    %swap3A_26 = arith.constant 0 : index
    %swap3A_27 = vector.load %arg8[%swap3A_25, %swap3A_26] : memref<2504x16xf32, #tpu.memory_space<vmem>>, vector<2504x16xf32>
    tpu.vector_store %arg8[%swap3A_25, %swap3A_26], %dot_general3A_21 {strides = array<i32>} : memref<2504x16xf32, #tpu.memory_space<vmem>>, vector<2504x16xf32>,
    %reduce_max3A = arith.constant dense<0xFF800000> : vector<16xf32>
    %reduce_max3A_28 = vector.multi_reduction <maximumf>, %dot_general3A_16, %reduce_max3A [0] : vector<2504x16xf32> to vector<16xf32>
    %broadcast_in_dim3A = vector.shape_cast %reduce_max3A_28 : vector<16xf32> to vector<1x16xf32>
    %eq3A = arith.constant 0 : i32
    %eq3A_29 = arith.cmpi eq, %arg0, %eq3A : i32
    %convert_element_type3A = arith.extui %eq3A_29 : i1 to i32
    %cond3A = arith.constant 0 : i32
    %cond3A_30 = arith.cmpi ne, %convert_element_type3A, %cond3A : i32
    scf.if %cond3A_30 {
      %swap3A_35 = arith.constant 0 : index
      %swap3A_36 = arith.constant 0 : index
      %swap3A_37 = vector.load %arg9[%swap3A_35, %swap3A_36] : memref<1x16xf32, #tpu.memory_space<vmem>>, vector<1x16xf32>
      tpu.vector_store %arg9[%swap3A_35, %swap3A_36], %broadcast_in_dim3A {strides = array<i32>} : memref<1x16xf32, #tpu.memory_space<vmem>>, vector<1x16xf32>,
    } else {
    }
    %gt3A = arith.constant 0 : i32
    %gt3A_31 = arith.cmpi sgt, %arg0, %gt3A : i32
    %convert_element_type3A_32 = arith.extui %gt3A_31 : i1 to i32
    %cond3A_33 = arith.constant 0 : i32
    %cond3A_34 = arith.cmpi ne, %convert_element_type3A_32, %cond3A_33 : i32
    scf.if %cond3A_34 {
      %get3A_35 = arith.constant 0 : index
      %get3A_36 = arith.constant 0 : index
      %get3A_37 = vector.load %arg9[%get3A_35, %get3A_36] : memref<1x16xf32, #tpu.memory_space<vmem>>, vector<1x16xf32>
      %max3A = arith.maximumf %get3A_37, %broadcast_in_dim3A : vector<1x16xf32>
      %swap3A_38 = arith.constant 0 : index
      %swap3A_39 = arith.constant 0 : index
      %swap3A_40 = vector.load %arg9[%swap3A_38, %swap3A_39] : memref<1x16xf32, #tpu.memory_space<vmem>>, vector<1x16xf32>
      tpu.vector_store %arg9[%swap3A_38, %swap3A_39], %max3A {strides = array<i32>} : memref<1x16xf32, #tpu.memory_space<vmem>>, vector<1x16xf32>,
    } else {
    }
    return
  }
  func.func @transform_0(%arg0: i32) -> (i32, i32) {
    %c0_i32 = arith.constant 0 : i32
    %c0_i32_0 = arith.constant 0 : i32
    return %arg0, %c0_i32 : i32, i32
  }
  func.func @transform_1(%arg0: i32) -> (i32, i32) {
    %c0_i32 = arith.constant 0 : i32
    %c0_i32_0 = arith.constant 0 : i32
    %c0_i32_1 = arith.constant 0 : i32
    return %c0_i32, %c0_i32_0 : i32, i32
  }
  func.func @transform_2(%arg0: i32) -> (i32, i32) {
    %c0_i32 = arith.constant 0 : i32
    %c0_i32_0 = arith.constant 0 : i32
    %c0_i32_1 = arith.constant 0 : i32
    return %c0_i32, %c0_i32_0 : i32, i32
  }
  func.func @transform_3(%arg0: i32) -> (i32, i32) {
    %c0_i32 = arith.constant 0 : i32
    %c0_i32_0 = arith.constant 0 : i32
    %c0_i32_1 = arith.constant 0 : i32
    return %c0_i32, %c0_i32_0 : i32, i32
  }
  func.func @transform_4(%arg0: i32) -> (i32, i32) {
    %c0_i32 = arith.constant 0 : i32
    %c0_i32_0 = arith.constant 0 : i32
    %c0_i32_1 = arith.constant 0 : i32
    return %c0_i32, %c0_i32_0 : i32, i32
  }
  func.func @transform_5(%arg0: i32) -> (i32, i32) {
    %c0_i32 = arith.constant 0 : i32
    %c0_i32_0 = arith.constant 0 : i32
    return %arg0, %c0_i32 : i32, i32
  }
  func.func @transform_6(%arg0: i32) -> (i32, i32) {
    %c0_i32 = arith.constant 0 : i32
    %c0_i32_0 = arith.constant 0 : i32
    return %arg0, %c0_i32 : i32, i32
  }
  func.func @transform_7(%arg0: i32) -> (i32, i32) {
    %c0_i32 = arith.constant 0 : i32
    %c0_i32_0 = arith.constant 0 : i32
    return %arg0, %c0_i32 : i32, i32
  }
  func.func @transform_8(%arg0: i32) -> (i32, i32) {
    %c0_i32 = arith.constant 0 : i32
    %c0_i32_0 = arith.constant 0 : i32
    %c0_i32_1 = arith.constant 0 : i32
    return %c0_i32, %c0_i32_0 : i32, i32
  }
}

module attributes {stable_mosaic.version = 14 : i64} {
  func.func @_tc2_body(%arg0: i32, %arg1: memref<2504x136xf32, #tpu.memory_space<vmem>>, %arg2: memref<2504x136xf32, #tpu.memory_space<vmem>>, %arg3: memref<8x128xf32, #tpu.memory_space<vmem>>, %arg4: memref<1x128xf32, #tpu.memory_space<vmem>>, %arg5: memref<128x48xf32, #tpu.memory_space<vmem>>, %arg6: memref<1x48xf32, #tpu.memory_space<vmem>>, %arg7: memref<48x16xf32, #tpu.memory_space<vmem>>, %arg8: memref<48x16xf32, #tpu.memory_space<vmem>>, %arg9: memref<2504x48xf32, #tpu.memory_space<vmem>>, %arg10: memref<2504x16xf32, #tpu.memory_space<vmem>>, %arg11: memref<2504x16xf32, #tpu.memory_space<vmem>>, %arg12: memref<1x16xf32, #tpu.memory_space<vmem>>) attributes {dimension_semantics = [#tpu.dimension_semantics<arbitrary>], iteration_bounds = array<i64: 4>, scalar_prefetch = 0 : i64, scratch_operands = 0 : i64, tpu.core_type = #tpu.core_type<tc>, window_params = [{transform_indices = @transform_0, window_bounds = array<i64: 2504, 136>}, {transform_indices = @transform_1, window_bounds = array<i64: 2504, 136>}, {pipeline_mode = #tpu.pipeline_mode<synchronous>, transform_indices = @transform_2, window_bounds = array<i64: 8, 128>}, {pipeline_mode = #tpu.pipeline_mode<synchronous>, transform_indices = @transform_3, window_bounds = array<i64: 1, 128>}, {pipeline_mode = #tpu.pipeline_mode<synchronous>, transform_indices = @transform_4, window_bounds = array<i64: 128, 48>}, {pipeline_mode = #tpu.pipeline_mode<synchronous>, transform_indices = @transform_5, window_bounds = array<i64: 1, 48>}, {pipeline_mode = #tpu.pipeline_mode<synchronous>, transform_indices = @transform_6, window_bounds = array<i64: 48, 16>}, {pipeline_mode = #tpu.pipeline_mode<synchronous>, transform_indices = @transform_7, window_bounds = array<i64: 48, 16>}, {transform_indices = @transform_8, window_bounds = array<i64: 2504, 48>}, {transform_indices = @transform_9, window_bounds = array<i64: 2504, 16>}, {transform_indices = @transform_10, window_bounds = array<i64: 2504, 16>}, {pipeline_mode = #tpu.pipeline_mode<synchronous>, transform_indices = @transform_11, window_bounds = array<i64: 1, 16>}]} {
    %get3A = arith.constant 0 : index
    %get3A_0 = arith.constant 0 : index
    %get3A_1 = vector.load %arg1[%get3A, %get3A_0] : memref<2504x136xf32, #tpu.memory_space<vmem>>, vector<2504x136xf32>
    %get3A_2 = arith.constant 0 : index
    %get3A_3 = arith.constant 0 : index
    %get3A_4 = vector.load %arg2[%get3A_2, %get3A_3] : memref<2504x136xf32, #tpu.memory_space<vmem>>, vector<2504x136xf32>
    %add3A = arith.addf %get3A_1, %get3A_4 : vector<2504x136xf32>
    %slice3A = vector.extract_strided_slice %add3A {offsets = [0, 0], sizes = [2504, 128], strides = [1, 1]} : vector<2504x136xf32> to vector<2504x128xf32>
    %slice3A_5 = vector.extract_strided_slice %add3A {offsets = [0, 128], sizes = [2504, 8], strides = [1, 1]} : vector<2504x136xf32> to vector<2504x8xf32>
    %get3A_6 = arith.constant 0 : index
    %get3A_7 = arith.constant 0 : index
    %get3A_8 = vector.load %arg3[%get3A_6, %get3A_7] : memref<8x128xf32, #tpu.memory_space<vmem>>, vector<8x128xf32>
    %dot_general3A = arith.constant dense<0.000000e+00> : vector<2504x128xf32>
    %dot_general3A_9 = tpu.matmul %slice3A_5, %get3A_8, %dot_general3A {dimension_numbers = #tpu.dot_dimension_numbers<[1], [0], [0], [1], [0, 0, 1, 1], [], []>, transpose_lhs_hint = false} : vector<2504x8xf32>, vector<8x128xf32>, vector<2504x128xf32> -> vector<2504x128xf32>
    %add3A_10 = arith.constant 1.000000e-16 : f32
    %add3A_11 = vector.broadcast %add3A_10 : f32 to vector<2504x128xf32>
    %add3A_12 = arith.addf %dot_general3A_9, %add3A_11 : vector<2504x128xf32>
    %div3A = arith.divf %slice3A, %add3A_12 : vector<2504x128xf32>
    %get3A_13 = arith.constant 0 : index
    %get3A_14 = arith.constant 0 : index
    %get3A_15 = vector.load %arg4[%get3A_13, %get3A_14] : memref<1x128xf32, #tpu.memory_space<vmem>>, vector<1x128xf32>
    %add3A_16 = vector.broadcast %get3A_15 : vector<1x128xf32> to vector<2504x128xf32>
    %add3A_17 = arith.addf %div3A, %add3A_16 : vector<2504x128xf32>
    %gt3A = arith.constant 0.000000e+00 : f32
    %gt3A_18 = vector.broadcast %gt3A : f32 to vector<2504x128xf32>
    %gt3A_19 = arith.cmpf ogt, %add3A_17, %gt3A_18 : vector<2504x128xf32>
    %exp3A = math.exp %add3A_17 : vector<2504x128xf32>
    %sub3A = arith.constant 1.000000e+00 : f32
    %sub3A_20 = vector.broadcast %sub3A : f32 to vector<2504x128xf32>
    %sub3A_21 = arith.subf %exp3A, %sub3A_20 : vector<2504x128xf32>
    %select_n3A = arith.select %gt3A_19, %add3A_17, %sub3A_21 : vector<2504x128xi1>, vector<2504x128xf32>
    %get3A_22 = arith.constant 0 : index
    %get3A_23 = arith.constant 0 : index
    %get3A_24 = vector.load %arg5[%get3A_22, %get3A_23] : memref<128x48xf32, #tpu.memory_space<vmem>>, vector<128x48xf32>
    %dot_general3A_25 = arith.constant dense<0.000000e+00> : vector<2504x48xf32>
    %dot_general3A_26 = tpu.matmul %select_n3A, %get3A_24, %dot_general3A_25 {dimension_numbers = #tpu.dot_dimension_numbers<[1], [0], [0], [1], [0, 0, 1, 1], [], []>, transpose_lhs_hint = false} : vector<2504x128xf32>, vector<128x48xf32>, vector<2504x48xf32> -> vector<2504x48xf32>
    %get3A_27 = arith.constant 0 : index
    %get3A_28 = arith.constant 0 : index
    %get3A_29 = vector.load %arg6[%get3A_27, %get3A_28] : memref<1x48xf32, #tpu.memory_space<vmem>>, vector<1x48xf32>
    %add3A_30 = vector.broadcast %get3A_29 : vector<1x48xf32> to vector<2504x48xf32>
    %add3A_31 = arith.addf %dot_general3A_26, %add3A_30 : vector<2504x48xf32>
    %swap3A = arith.constant 0 : index
    %swap3A_32 = arith.constant 0 : index
    %swap3A_33 = vector.load %arg9[%swap3A, %swap3A_32] : memref<2504x48xf32, #tpu.memory_space<vmem>>, vector<2504x48xf32>
    tpu.vector_store %arg9[%swap3A, %swap3A_32], %add3A_31 {strides = array<i32>} : memref<2504x48xf32, #tpu.memory_space<vmem>>, vector<2504x48xf32>,
    %get3A_34 = arith.constant 0 : index
    %get3A_35 = arith.constant 0 : index
    %get3A_36 = vector.load %arg7[%get3A_34, %get3A_35] : memref<48x16xf32, #tpu.memory_space<vmem>>, vector<48x16xf32>
    %dot_general3A_37 = arith.constant dense<0.000000e+00> : vector<2504x16xf32>
    %dot_general3A_38 = tpu.matmul %add3A_31, %get3A_36, %dot_general3A_37 {dimension_numbers = #tpu.dot_dimension_numbers<[1], [0], [0], [1], [0, 0, 1, 1], [], []>, transpose_lhs_hint = false} : vector<2504x48xf32>, vector<48x16xf32>, vector<2504x16xf32> -> vector<2504x16xf32>
    %get3A_39 = arith.constant 0 : index
    %get3A_40 = arith.constant 0 : index
    %get3A_41 = vector.load %arg8[%get3A_39, %get3A_40] : memref<48x16xf32, #tpu.memory_space<vmem>>, vector<48x16xf32>
    %dot_general3A_42 = arith.constant dense<0.000000e+00> : vector<2504x16xf32>
    %dot_general3A_43 = tpu.matmul %add3A_31, %get3A_41, %dot_general3A_42 {dimension_numbers = #tpu.dot_dimension_numbers<[1], [0], [0], [1], [0, 0, 1, 1], [], []>, transpose_lhs_hint = false} : vector<2504x48xf32>, vector<48x16xf32>, vector<2504x16xf32> -> vector<2504x16xf32>
    %swap3A_44 = arith.constant 0 : index
    %swap3A_45 = arith.constant 0 : index
    %swap3A_46 = vector.load %arg10[%swap3A_44, %swap3A_45] : memref<2504x16xf32, #tpu.memory_space<vmem>>, vector<2504x16xf32>
    tpu.vector_store %arg10[%swap3A_44, %swap3A_45], %dot_general3A_38 {strides = array<i32>} : memref<2504x16xf32, #tpu.memory_space<vmem>>, vector<2504x16xf32>,
    %swap3A_47 = arith.constant 0 : index
    %swap3A_48 = arith.constant 0 : index
    %swap3A_49 = vector.load %arg11[%swap3A_47, %swap3A_48] : memref<2504x16xf32, #tpu.memory_space<vmem>>, vector<2504x16xf32>
    tpu.vector_store %arg11[%swap3A_47, %swap3A_48], %dot_general3A_43 {strides = array<i32>} : memref<2504x16xf32, #tpu.memory_space<vmem>>, vector<2504x16xf32>,
    %reduce_max3A = arith.constant dense<0xFF800000> : vector<16xf32>
    %reduce_max3A_50 = vector.multi_reduction <maximumf>, %dot_general3A_38, %reduce_max3A [0] : vector<2504x16xf32> to vector<16xf32>
    %broadcast_in_dim3A = vector.shape_cast %reduce_max3A_50 : vector<16xf32> to vector<1x16xf32>
    %eq3A = arith.constant 0 : i32
    %eq3A_51 = arith.cmpi eq, %arg0, %eq3A : i32
    %convert_element_type3A = arith.extui %eq3A_51 : i1 to i32
    %cond3A = arith.constant 0 : i32
    %cond3A_52 = arith.cmpi ne, %convert_element_type3A, %cond3A : i32
    scf.if %cond3A_52 {
      %swap3A_58 = arith.constant 0 : index
      %swap3A_59 = arith.constant 0 : index
      %swap3A_60 = vector.load %arg12[%swap3A_58, %swap3A_59] : memref<1x16xf32, #tpu.memory_space<vmem>>, vector<1x16xf32>
      tpu.vector_store %arg12[%swap3A_58, %swap3A_59], %broadcast_in_dim3A {strides = array<i32>} : memref<1x16xf32, #tpu.memory_space<vmem>>, vector<1x16xf32>,
    } else {
    }
    %gt3A_53 = arith.constant 0 : i32
    %gt3A_54 = arith.cmpi sgt, %arg0, %gt3A_53 : i32
    %convert_element_type3A_55 = arith.extui %gt3A_54 : i1 to i32
    %cond3A_56 = arith.constant 0 : i32
    %cond3A_57 = arith.cmpi ne, %convert_element_type3A_55, %cond3A_56 : i32
    scf.if %cond3A_57 {
      %get3A_58 = arith.constant 0 : index
      %get3A_59 = arith.constant 0 : index
      %get3A_60 = vector.load %arg12[%get3A_58, %get3A_59] : memref<1x16xf32, #tpu.memory_space<vmem>>, vector<1x16xf32>
      %max3A = arith.maximumf %get3A_60, %broadcast_in_dim3A : vector<1x16xf32>
      %swap3A_61 = arith.constant 0 : index
      %swap3A_62 = arith.constant 0 : index
      %swap3A_63 = vector.load %arg12[%swap3A_61, %swap3A_62] : memref<1x16xf32, #tpu.memory_space<vmem>>, vector<1x16xf32>
      tpu.vector_store %arg12[%swap3A_61, %swap3A_62], %max3A {strides = array<i32>} : memref<1x16xf32, #tpu.memory_space<vmem>>, vector<1x16xf32>,
    } else {
    }
    return
  }
  func.func @transform_0(%arg0: i32) -> (i32, i32) {
    %c0_i32 = arith.constant 0 : i32
    %c0_i32_0 = arith.constant 0 : i32
    return %arg0, %c0_i32 : i32, i32
  }
  func.func @transform_1(%arg0: i32) -> (i32, i32) {
    %c0_i32 = arith.constant 0 : i32
    %c0_i32_0 = arith.constant 0 : i32
    return %arg0, %c0_i32 : i32, i32
  }
  func.func @transform_2(%arg0: i32) -> (i32, i32) {
    %c0_i32 = arith.constant 0 : i32
    %c0_i32_0 = arith.constant 0 : i32
    %c0_i32_1 = arith.constant 0 : i32
    return %c0_i32, %c0_i32_0 : i32, i32
  }
  func.func @transform_3(%arg0: i32) -> (i32, i32) {
    %c0_i32 = arith.constant 0 : i32
    %c0_i32_0 = arith.constant 0 : i32
    %c0_i32_1 = arith.constant 0 : i32
    return %c0_i32, %c0_i32_0 : i32, i32
  }
  func.func @transform_4(%arg0: i32) -> (i32, i32) {
    %c0_i32 = arith.constant 0 : i32
    %c0_i32_0 = arith.constant 0 : i32
    %c0_i32_1 = arith.constant 0 : i32
    return %c0_i32, %c0_i32_0 : i32, i32
  }
  func.func @transform_5(%arg0: i32) -> (i32, i32) {
    %c0_i32 = arith.constant 0 : i32
    %c0_i32_0 = arith.constant 0 : i32
    %c0_i32_1 = arith.constant 0 : i32
    return %c0_i32, %c0_i32_0 : i32, i32
  }
  func.func @transform_6(%arg0: i32) -> (i32, i32) {
    %c0_i32 = arith.constant 0 : i32
    %c0_i32_0 = arith.constant 0 : i32
    %c0_i32_1 = arith.constant 0 : i32
    return %c0_i32, %c0_i32_0 : i32, i32
  }
  func.func @transform_7(%arg0: i32) -> (i32, i32) {
    %c0_i32 = arith.constant 0 : i32
    %c0_i32_0 = arith.constant 0 : i32
    %c0_i32_1 = arith.constant 0 : i32
    return %c0_i32, %c0_i32_0 : i32, i32
  }
  func.func @transform_8(%arg0: i32) -> (i32, i32) {
    %c0_i32 = arith.constant 0 : i32
    %c0_i32_0 = arith.constant 0 : i32
    return %arg0, %c0_i32 : i32, i32
  }
  func.func @transform_9(%arg0: i32) -> (i32, i32) {
    %c0_i32 = arith.constant 0 : i32
    %c0_i32_0 = arith.constant 0 : i32
    return %arg0, %c0_i32 : i32, i32
  }
  func.func @transform_10(%arg0: i32) -> (i32, i32) {
    %c0_i32 = arith.constant 0 : i32
    %c0_i32_0 = arith.constant 0 : i32
    return %arg0, %c0_i32 : i32, i32
  }
  func.func @transform_11(%arg0: i32) -> (i32, i32) {
    %c0_i32 = arith.constant 0 : i32
    %c0_i32_0 = arith.constant 0 : i32
    %c0_i32_1 = arith.constant 0 : i32
    return %c0_i32, %c0_i32_0 : i32, i32
  }
}

module attributes {stable_mosaic.version = 14 : i64} {
  func.func @_tc3_body(%arg0: i32, %arg1: memref<2504x48xf32, #tpu.memory_space<vmem>>, %arg2: memref<2504x48xf32, #tpu.memory_space<vmem>>, %arg3: memref<8x48xf32, #tpu.memory_space<vmem>>, %arg4: memref<1x48xf32, #tpu.memory_space<vmem>>, %arg5: memref<2504x48xf32, #tpu.memory_space<vmem>>) attributes {dimension_semantics = [#tpu.dimension_semantics<arbitrary>], iteration_bounds = array<i64: 4>, scalar_prefetch = 0 : i64, scratch_operands = 0 : i64, tpu.core_type = #tpu.core_type<tc>, window_params = [{transform_indices = @transform_0, window_bounds = array<i64: 2504, 48>}, {transform_indices = @transform_1, window_bounds = array<i64: 2504, 48>}, {pipeline_mode = #tpu.pipeline_mode<synchronous>, transform_indices = @transform_2, window_bounds = array<i64: 8, 48>}, {pipeline_mode = #tpu.pipeline_mode<synchronous>, transform_indices = @transform_3, window_bounds = array<i64: 1, 48>}, {transform_indices = @transform_4, window_bounds = array<i64: 2504, 48>}]} {
    %get3A = arith.constant 0 : index
    %get3A_0 = arith.constant 0 : index
    %get3A_1 = vector.load %arg1[%get3A, %get3A_0] : memref<2504x48xf32, #tpu.memory_space<vmem>>, vector<2504x48xf32>
    %get3A_2 = arith.constant 0 : index
    %get3A_3 = arith.constant 0 : index
    %get3A_4 = vector.load %arg2[%get3A_2, %get3A_3] : memref<2504x48xf32, #tpu.memory_space<vmem>>, vector<2504x48xf32>
    %add3A = arith.addf %get3A_1, %get3A_4 : vector<2504x48xf32>
    %slice3A = vector.extract_strided_slice %add3A {offsets = [0, 40], sizes = [2504, 8], strides = [1, 1]} : vector<2504x48xf32> to vector<2504x8xf32>
    %get3A_5 = arith.constant 0 : index
    %get3A_6 = arith.constant 0 : index
    %get3A_7 = vector.load %arg3[%get3A_5, %get3A_6] : memref<8x48xf32, #tpu.memory_space<vmem>>, vector<8x48xf32>
    %dot_general3A = arith.constant dense<0.000000e+00> : vector<2504x48xf32>
    %dot_general3A_8 = tpu.matmul %slice3A, %get3A_7, %dot_general3A {dimension_numbers = #tpu.dot_dimension_numbers<[1], [0], [0], [1], [0, 0, 1, 1], [], []>, transpose_lhs_hint = false} : vector<2504x8xf32>, vector<8x48xf32>, vector<2504x48xf32> -> vector<2504x48xf32>
    %add3A_9 = arith.constant 1.000000e-16 : f32
    %add3A_10 = vector.broadcast %add3A_9 : f32 to vector<2504x48xf32>
    %add3A_11 = arith.addf %dot_general3A_8, %add3A_10 : vector<2504x48xf32>
    %div3A = arith.divf %add3A, %add3A_11 : vector<2504x48xf32>
    %get3A_12 = arith.constant 0 : index
    %get3A_13 = arith.constant 0 : index
    %get3A_14 = vector.load %arg4[%get3A_12, %get3A_13] : memref<1x48xf32, #tpu.memory_space<vmem>>, vector<1x48xf32>
    %add3A_15 = vector.broadcast %get3A_14 : vector<1x48xf32> to vector<2504x48xf32>
    %add3A_16 = arith.addf %div3A, %add3A_15 : vector<2504x48xf32>
    %swap3A = arith.constant 0 : index
    %swap3A_17 = arith.constant 0 : index
    %swap3A_18 = vector.load %arg5[%swap3A, %swap3A_17] : memref<2504x48xf32, #tpu.memory_space<vmem>>, vector<2504x48xf32>
    tpu.vector_store %arg5[%swap3A, %swap3A_17], %add3A_16 {strides = array<i32>} : memref<2504x48xf32, #tpu.memory_space<vmem>>, vector<2504x48xf32>,
    return
  }
  func.func @transform_0(%arg0: i32) -> (i32, i32) {
    %c0_i32 = arith.constant 0 : i32
    %c0_i32_0 = arith.constant 0 : i32
    return %arg0, %c0_i32 : i32, i32
  }
  func.func @transform_1(%arg0: i32) -> (i32, i32) {
    %c0_i32 = arith.constant 0 : i32
    %c0_i32_0 = arith.constant 0 : i32
    return %arg0, %c0_i32 : i32, i32
  }
  func.func @transform_2(%arg0: i32) -> (i32, i32) {
    %c0_i32 = arith.constant 0 : i32
    %c0_i32_0 = arith.constant 0 : i32
    %c0_i32_1 = arith.constant 0 : i32
    return %c0_i32, %c0_i32_0 : i32, i32
  }
  func.func @transform_3(%arg0: i32) -> (i32, i32) {
    %c0_i32 = arith.constant 0 : i32
    %c0_i32_0 = arith.constant 0 : i32
    %c0_i32_1 = arith.constant 0 : i32
    return %c0_i32, %c0_i32_0 : i32, i32
  }
  func.func @transform_4(%arg0: i32) -> (i32, i32) {
    %c0_i32 = arith.constant 0 : i32
    %c0_i32_0 = arith.constant 0 : i32
    return %arg0, %c0_i32 : i32, i32
  }
}

</mosaic_0001>

<sc_bundles>
// kernel: kernel.10.cloned.1.call-start
scs
__scs_entry_jumppad:
0x0: {  	(pc) =	sbr.rel $0x88, $3  }
0x1: {  	(tag) =	ssettag $0x0;
	lr =	simm.s32 $0x1  }
0x2: {  	[smem:$0x3F97] =	sst lr;
	_ =	strace $0xD0000000  }
0x3: {  	_ = 	snop  }
0x4: {  	_ = 	snop  }
0x5: {  	_ = 	snop  }
0x6: {  	_ = 	snop  }
0x7: {  	_ = 	snop  }
__scs_overlays_trampoline_lowered:
0x8: {  	[smem:$0x3FA6] =	sst s0  }
0x9: {  	[smem:$0x3FA7] =	sst s1  }
0xa: {  	[smem:$0x3FA8] =	sst s2  }
0xb: {  	[smem:$0x3FA9] =	sst s3  }
0xc: {  	[smem:$0x3FAA] =	sst s4  }
0xd: {  	[smem:$0x3FAB] =	sst s5  }
0xe: {  	[smem:$0x3FAC] =	sst s6  }
0xf: {  	[smem:$0x3FAD] =	sst s7  }
0x10: {  	[smem:$0x3FAE] =	sst s8  }
0x11: {  	[smem:$0x3FAF] =	sst s9;
	s0 =	simm.s32 @!p0 $0x0  }
0x12: {  	s1 =	sld [smem:$0x3F95];
	s0 =	simm.s32 @p0 $0x1  }
0x13: {  	[smem:$0x3FB0] =	sst s0;
	s0 =	simm.s32 @!p1 $0x0  }
0x14: {  	s2 =	sld [smem:$0x3F94];
	s0 =	simm.s32 @p1 $0x1  }
0x15: {  	[smem:$0x3FB1] =	sst s0;
	s0 =	simm.s32 @!p2 $0x0  }
0x16: {  	s3 =	sld [smem:$0x3FDB];
	s0 =	simm.s32 @p2 $0x1  }
0x17: {  	s4 =	simm.s32 $0x1BF5;
	[smem:$0x3FB3] =	sst s0  }
0x18: {  	s0 =	sld [smem:$0x3F96];
	_ =	swait.ge [sflag:s4], $0x0  }
0x19: {  	s7 =	sld [smem:$0x3F97]  }
0x1a: {  	s8 =	sadd.s32 $0xFFFFE003, lr  }
0x1b: {  	s9 =	sadd.s32 $0xFFFFFEF7, lr;
	s5 =	simm.s32 $0xFFFFFFFF;
	p2 =	slt.u32 s8, $0xFFFFF086  }
0x1c: {  	p1 =	slt.u32 s9, $0xF7A;
	s5 =	simm.s32 @!p2 $0x0  }
0x1d: {  	s5 =	simm.s32 @p1 $0x1;
	p0 =	seq.s32 s7, s2  }
0x1e: {  	s7 =	smul.u32 @!p0 $0xF7A, s2;
	p2 =	seq.s32 @!p0 s5, $0x0  }
0x1f: {  	s9 =	smul.u32 $0xF7A, s1;
	s8 =	simm.s32 @!p0 $0x1BF5;
	p2 =	por !p2, p0  }
0x20: {  	[sflag:s8] =	ssyncset.s32 @!p0 $0xFFFFF086;
	s6 =	sadd.s32 @!p0 s3, s7;
	s7 =	simm.s32 @!p0 $0x108  }
0x21: {  	s3 =	sadd.s32 s3, s9;
	s6 =	sadd.s32 @!p0 $0x88, s6;
	s7 =	simm.s32 @p2 $0x1082  }
0x22: {  	[simem:s7], [sflag:s8] =	dma.local @!p0 [hbm:s6], $0xF7A  }
0x23: {  	s9 =	sor.u32 $0xD0000000, s2;
	s6 =	simm.s32 $0x108;
	_ =	swait.ge @!p0 [sflag:s8], $0x0  }
0x24: {  	s3 =	sadd.s32 $0x88, s3;
	s6 =	simm.s32 @!p1 $0x1082;
	[sflag:s4] =	ssyncset.s32 $0xFFFFF086  }
0x25: {  	[simem:s6], [sflag:s4] =	dma.local [hbm:s3], $0xF7A  }
0x26: {  	[smem:$0x3F97] =	sst s1;
	(tag) =	ssettag s2;
	_ =	strace s9  }
0x27: {  	s1 =	sld [smem:$0x3FA7]  }
0x28: {  	s2 =	sld [smem:$0x3FA8]  }
0x29: {  	s4 =	sld [smem:$0x3FAA]  }
0x2a: {  	p0 =	seq.s32 s5, $0x0;
	s5 =	sld [smem:$0x3FAB]  }
0x2b: {  	s6 =	sld [smem:$0x3FAC]  }
0x2c: {  	s7 =	sld [smem:$0x3FAD]  }
0x2d: {  	s3 =	simm.s32 $0x108;
	s8 =	sld [smem:$0x3FAE]  }
0x2e: {  	s3 =	simm.s32 @!p0 $0x1082;
	s9 =	sld [smem:$0x3FAF]  }
0x2f: {  	lr =	sadd.s32 s0, s3;
	s0 =	sld [smem:$0x3FA6]  }
0x30: {  	s3 =	sld [smem:$0x3FA9]  }
0x31: {  	[smem:$0x3FB2] =	sst s10  }
0x32: {  	s10 =	sld [smem:$0x3FB0];
	_ =	sdelay $0x3  }
0x33: {  	p0 =	seq.s32 s10, $0x1;
	s10 =	sld [smem:$0x3FB2];
	_ =	sdelay $0x3  }
0x34: {  	[smem:$0x3FB2] =	sst s10  }
0x35: {  	s10 =	sld [smem:$0x3FB1];
	_ =	sdelay $0x3  }
0x36: {  	p1 =	seq.s32 s10, $0x1;
	s10 =	sld [smem:$0x3FB2];
	_ =	sdelay $0x3  }
0x37: {  	[smem:$0x3FB2] =	sst s10  }
0x38: {  	s10 =	sld [smem:$0x3FB3]  }
0x39: {  	_ = 	snop;
	(pc) =	sbr.ind lr, $3  }
0x3a: {  	_ = 	snop  }
0x3b: {  	_ = 	snop  }
0x3c: {  	p2 =	seq.s32 s10, $0x1;
	s10 =	sld [smem:$0x3FB2]  }
0x3d: {  	_ =	shalt  }
0x3e: {  	_ =	shalt  }
0x3f: {  	_ =	shalt  }
0x40: {  	_ =	shalt  }
0x41: {  	_ =	shalt  }
0x42: {  	_ =	shalt  }
0x43: {  	_ =	shalt  }
0x44: {  	_ =	shalt  }
0x45: {  	_ =	shalt  }
0x46: {  	_ =	shalt  }
0x47: {  	_ =	shalt  }
0x48: {  	_ =	shalt  }
0x49: {  	_ =	shalt  }
0x4a: {  	_ =	shalt  }
0x4b: {  	_ =	shalt  }
0x4c: {  	_ =	shalt  }
0x4d: {  	_ =	shalt  }
0x4e: {  	_ =	shalt  }
0x4f: {  	_ =	shalt  }
0x50: {  	_ =	shalt  }
0x51: {  	_ =	shalt  }
0x52: {  	_ =	shalt  }
0x53: {  	_ =	shalt  }
0x54: {  	_ =	shalt  }
0x55: {  	_ =	shalt  }
0x56: {  	_ =	shalt  }
0x57: {  	_ =	shalt  }
0x58: {  	_ =	shalt  }
0x59: {  	_ =	shalt  }
0x5a: {  	_ =	shalt  }
0x5b: {  	_ =	shalt  }
0x5c: {  	_ =	shalt  }
0x5d: {  	_ =	shalt  }
0x5e: {  	_ =	shalt  }
0x5f: {  	_ =	shalt  }
0x60: {  	_ =	shalt  }
0x61: {  	_ =	shalt  }
0x62: {  	_ =	shalt  }
0x63: {  	_ =	shalt  }
0x64: {  	_ =	shalt  }
0x65: {  	_ =	shalt  }
0x66: {  	_ =	shalt  }
0x67: {  	_ =	shalt  }
0x68: {  	_ =	shalt  }
0x69: {  	_ =	shalt  }
0x6a: {  	_ =	shalt  }
0x6b: {  	_ =	shalt  }
0x6c: {  	_ =	shalt  }
0x6d: {  	_ =	shalt  }
0x6e: {  	_ =	shalt  }
0x6f: {  	_ =	shalt  }
0x70: {  	_ =	shalt  }
0x71: {  	_ =	shalt  }
0x72: {  	_ =	shalt  }
0x73: {  	_ =	shalt  }
0x74: {  	_ =	shalt  }
0x75: {  	_ =	shalt  }
0x76: {  	_ =	shalt  }
0x77: {  	_ =	shalt  }
0x78: {  	_ =	shalt  }
0x79: {  	_ =	shalt  }
0x7a: {  	_ =	shalt  }
0x7b: {  	_ =	shalt  }
0x7c: {  	_ =	shalt  }
0x7d: {  	_ =	shalt  }
0x7e: {  	_ =	shalt  }
0x7f: {  	_ =	shalt  }
0x80: {  	_ =	shalt  }
0x81: {  	_ =	shalt  }
0x82: {  	_ =	shalt  }
0x83: {  	_ =	shalt  }
0x84: {  	_ =	shalt  }
0x85: {  	_ =	shalt  }
0x86: {  	_ =	shalt  }
0x87: {  	_ =	shalt  }
.Lfunc_end0:
.L_simem_size_0:
called_computation.1_lowered:
.L_overlay_start_0:
0x88: {  	s2 =	sld [smem:$0x3FD9]  }
0x89: {  	s3 =	sld [smem:$0x3FFE];
	_ =	sdelay $0x1  }
0x8a: {  	s1 =	srdreg.scid  }
0x8b: {  	s0 =	sand.u32 $0x1, s1  }
0x8c: {  	s17 =	sshll.u32 s0, $0xA;
	s2 =	sadd.s32 s3, s2  }
0x8d: {  	s2 =	sadd.s32 s2, s17  }
0x8e: {  	[smem:$0x3FBE] =	sst s2  }
0x8f: {  	_ = 	snop  }
0x90: {  	s2 =	sld [smem:$0x3FD0];
	(tm) =	ssettm $0x1  }
0x91: {  	s18 =	sld [smem:$0x3FFB];
	_ =	sdelay $0x3  }
0x92: {  	_ =	strace s18  }
0x93: {  	s3 =	sld [smem:$0x3FFC];
	_ =	sdelay $0x3  }
0x94: {  	_ =	strace s3  }
0x95: {  	s3 =	sld [smem:$0x3FFD];
	_ =	sdelay $0x3  }
0x96: {  	_ =	strace s3  }
0x97: {  	_ =	strace $0x8FFFFFFF  }
0x98: {  	s19 =	sld [smem:$0x3FDB];
	_ =	sdelay $0x1  }
0x99: {  	s4 =	simm.s32 $_scs_section_size  }
0x9a: {  	s5 =	simm.s32 $_size__tile_overlayer_lowered;
	s6 =	simm.s32 $_tile_overlayer_lowered  }
0x9b: {  	s22 =	simm.s32 $0x1BFF;
	s21 =	sshll.u32 s6, $0x1;
	s3 =	sadd.s32 s4, s19  }
0x9c: {  	s7 =	simm.s32 $0x0;
	s20 =	sshll.u32 s5, $0x1;
	s5 =	sadd.s32 s21, s3  }
0x9d: {  	[timem:s7], [sflag:s22] =	dma.local [hbm:s5], s20  }
0x9e: {  	_ =	swait.ge [sflag:s22], s20  }
0x9f: {  	s4 =	ssub.s32 $0x0, s20;
	[sflag:s22] =	ssyncset.done $0x0  }
0xa0: {  	[sflag:s22] =	ssyncadd.s32 s4;
	_ =	sdelay $0x1  }
0xa1: {  	s23 =	simm.s32 $0x1B8B  }
0xa2: {  	_ =	swait.ge [sflag:s23], $0x1  }
0xa3: {  	[sflag:s23] =	ssyncset.done $0x0  }
0xa4: {  	s25 =	simm.s32 $0x1B8E;
	s24 =	sld [smem:$0x3FFE];
	[sflag:s23] =	ssyncadd.s32 $0xFFFFFFFF  }
0xa5: {  	s26 =	simm.s32 $execute0_lowered;
	[smem:$0x3FD2] =	sst s25  }
0xa6: {  	s5 =	sshll.u32 s26, $0x1;
	_ =	strace $0x80000049;
	[dreg:$0x1] =	wrdreg $0xFFFFFFFF  }
0xa7: {  	s28 =	simm.s32 $_size_execute0_lowered;
	s3 =	sadd.s32 s3, s5;
	[dreg:$0x0] =	wrdreg $0x0  }
0xa8: {  	s5 =	sshll.u32 s28, $0x1;
	[dreg:$0x2] =	wrdreg s3  }
0xa9: {  	[dreg:$0x3] =	wrdreg s5  }
0xaa: {  	[dreg:$0x4] =	wrdreg $0xC0  }
0xab: {  	_ =	task [dreg:s7], $0x5FFFF  }
0xac: {  	[dreg:$0x1] =	wrdreg $0xFFFFFFFF  }
0xad: {  	[dreg:$0x0] =	wrdreg $0x60  }
0xae: {  	[dreg:$0x2] =	wrdreg s24  }
0xaf: {  	[dreg:$0x3] =	wrdreg s2  }
0xb0: {  	[dreg:$0x4] =	wrdreg $0x52100  }
0xb1: {  	[dreg:$0x5] =	wrdreg $0x9  }
0xb2: {  	_ =	task.clear_ibuf [dreg:s7], $0x6FFFF;
	_ =	strace $0x90000049  }
0xb3: {  	s29 =	simm.s32 $0x9;
	_ =	strace $0x8000004B  }
0xb4: {  	_ =	swait.ge [sflag:s29], $0x1  }
0xb5: {  	[sflag:s29] =	ssyncadd.s32 $0xFFFFFFFF  }
0xb6: {  	_ =	strace $0x9000004B  }
0xb7: {  	_ =	sfence  }
0xb8: {  	s30 =	sld [smem:$0x0];
	_ =	sdelay $0x2  }
0xb9: {  	s31 =	sshll.u32 s1, $0xD;
	s1 =	sshrl.u32 s1, $0x2  }
0xba: {  	s3 =	sand.u32 $0x4000, s31;
	s1 =	sadd.s32 s1, s30  }
0xbb: {  	s0 =	sor.u32 s3, s0;
	s1 =	sshll.u32 s1, $0x11  }
0xbc: {  	s0 =	sor.u32 s1, s0  }
0xbd: {  	s0 =	sadd.s32 $0x8F2B, s0  }
0xbe: {  	[sflag:s0] =	ssyncadd.remote.s32 $0x1  }
0xbf: {  	_ =	sfence.sel $0xFFFF  }
0xc0: {  	[dreg:$0x0] =	wrdreg $0xFFFFFFFF;
	(pc) =	sbr.abs _section_cstart, $3  }
0xc1: {  	[dreg:$0x1] =	wrdreg $0xFFFFFFFF  }
0xc2: {  	_ =	task.clear_ibuf [dreg:s7], $0x2FFFF;
	_ =	strace $0x9FFFFFFF  }
0xc3: {  	(tm) =	ssettm $0x7FFFFFFF  }
tec
execute0_lowered:
.L_overlay_start_1:
0x0: {  	(tag) =	ssettag $0x1  }
0x1: {  	s0 =	rddreg [dreg:$0x0]  }
0x2: {  	s1 =	rddreg [dreg:$0x1]  }
0x3: {  	s2 =	rddreg [dreg:$0x2];
	s4 =	simm.s32 $0x0;
	s16 =	stileid.u32  }
0x4: {  	s19 =	srdreg.scid;
	s28 =	simm.s32 $0x2900;
	s29 =	simm.s32 $0x2980  }
0x5: {  	s30 =	simm.s32 $0x2A00;
	s31 =	simm.s32 $0x3200;
	[smem:$0x7FF] =	sst s4  }
0x6: {  	s5 =	sadd.s32 $0x1E00, s0;
	s6 =	sadd.s32 $0x6E00, s0;
	s3 =	smul.u32 $0x7560, s16  }
0x7: {  	s7 =	sadd.s32 $0x5A200, s0;
	s8 =	sadd.s32 $0xBE00, s0;
	s9 =	sadd.s32 $0xC200, s0  }
0x8: {  	s13 =	sshll.u32 s16, $0x1;
	s21 =	sshll.u32 s16, $0x6;
	_ =	strace $0x8000004A  }
0x9: {  	[dreg:$0x4] =	wrdreg s8;
	s8 =	sand.u32 $0x1, s19;
	s10 =	sshrl.u32 s3, $0x3  }
0xa: {  	s11 =	smul.u32 $0xEAC0, s8;
	s12 =	ssub.s32 $0x2, s8;
	s8 =	sor.u32 s8, s13  }
0xb: {  	s3 =	sadd.s32 s3, s2;
	s14 =	sadd.s32 s10, s0;
	s13 =	smul.u32 $0x520, s8  }
0xc: {  	s15 =	sshrl.u32 s12, $0x1;
	s8 =	smul.u32 $0x52, s8;
	s19 =	sshrl.u32 s3, $0x3  }
0xd: {  	s3 =	simm.s32 $0x1;
	s0 =	sadd.s32 s11, s0;
	s12 =	ssub.s32 s12, s15  }
0xe: {  	s20 =	sadd.s32 $0x1AE00, s14;
	s11 =	sor.u32 $0x1C03, s21;
	s21 =	simm.s32 $0x2  }
0xf: {  	[dreg:$0x5] =	wrdreg s20;
	s22 =	sor.u32 $0x10, s13;
	s23 =	sadd.s32 s1, s13  }
0x10: {  	s13 =	sadd.s32 s7, s13;
	s16 =	sadd.s32 $0x2, s8;
	s17 =	sadd.s32 $0x3, s8  }
0x11: {  	s0 =	sadd.s32 $0x2BA00, s0;
	s26 =	smax.u32 s12, $0x1;
	[dreg:$0x6] =	wrdreg s23  }
0x12: {  	s20 =	simm.s32 $0x3;
	s8 =	simm.s32 $0x0;
	[dreg:$0x7] =	wrdreg s13  }
0x13: {  	s24 =	sadd.s32 s1, s22;
	s25 =	sadd.s32 s7, s22;
	[dreg:$0xa] =	wrdreg s26  }
0x14: {  	s22 =	simm.s32 $0x80;
	s23 =	simm.s32 $0x100;
	[dreg:$0x8] =	wrdreg s24  }
0x15: {  	s0 =	sadd.s32 s10, s0;
	s26 =	simm.s32 $0x1100;
	[dreg:$0x9] =	wrdreg s25  }
0x16: {  	[dreg:$0xb] =	wrdreg s0;
	s25 =	simm.s32 $0x900;
	s0 =	simm.s32 $0x3A00  }
.LBB2_1:
0x17: {  	s10 =	rddreg [dreg:$0x5]  }
0x18: {  	[spmem:s19], [sflag:s11] =	dma.local [hbm:s10], $0xEAC  }
0x19: {  	_ =	swait.ge [sflag:s20], $0xEAC  }
0x1a: {  	[sflag:s20] =	ssyncset.done $0x0  }
0x1b: {  	s12 =	simm.s32 $0x5200;
	s13 =	rddreg [dreg:$0x4];
	[sflag:s20] =	ssyncadd.s32 $0xFFFFF154  }
0x1c: {  	[tilespmem:s12], [sflag:$0x3] =	stream.linear.gather [hbm4b:s13+s4], $0x10, $0x38;
	[tilespmem:$0xC770] =	vst v63  }
0x1d: {  	_ =	swait.ge [sflag:s20], $0x10  }
0x1e: {  	[sflag:s20] =	ssyncset.done $0x0  }
0x1f: {  	[sflag:s20] =	ssyncadd.s32 $0xFFFFFFF0  }
0x20: {  	[bflag:$0x0] =	sbarrier.arrive $0xFFFF  }
0x21: {  	s14 =	rddreg [dreg:$0x6]  }
0x22: {  	v0 =	vld [tilespmem:$0x5200];
	[tilespmem:s4], [sflag:$0x3] =	stream.linear.gather [hbm4b:s14+s4], $0x80, $0x38  }
0x23: {  	_ =	swait.ge [sflag:s20], $0x80  }
0x24: {  	[sflag:s20] =	ssyncset.done $0x0  }
0x25: {  	s15 =	rddreg [dreg:$0x7];
	[sflag:s20] =	ssyncadd.s32 $0xFFFFFF80  }
0x26: {  	[tilespmem:s22], [sflag:$0x3] =	stream.linear.gather [hbm4b:s15+s4], $0x80, $0x38;
	[tilespmem:$0xC770] =	vst v63  }
0x27: {  	_ =	swait.ge [sflag:s20], $0x80  }
0x28: {  	[sflag:s20] =	ssyncset.done $0x0  }
0x29: {  	[sflag:s20] =	ssyncadd.s32 $0xFFFFFF80  }
0x2a: {  	[tilespmem:s23], [sflag:$0x1] =	stream.indirect.gather [hbm4b:s5+s22], $0x10, s4, s22, $0xb8;
	[tilespmem:$0xC770] =	vst v63  }
0x2b: {  	_ = 	snop  }
0x2c: {  	[tilespmem:s25], [sflag:$0x1] =	stream.indirect.gather [hbm4b:s6+s22], $0x10, s22, s22, $0xb8;
	[tilespmem:$0xC770] =	vst v63  }
0x2d: {  	_ = 	snop  }
0x2e: {  	[tilespmem:s26], [sflag:$0x1] =	stream.indirect.gather [hbm4b:s9+s22], $0x30, s4, s22, $0xb8;
	[tilespmem:$0xC770] =	vst v63  }
0x2f: {  	s18 =	rddreg [dreg:$0x8]  }
0x30: {  	[tilespmem:s28], [sflag:$0x3] =	stream.linear.gather [hbm4b:s18+s4], $0x80, $0x38;
	[tilespmem:$0xC770] =	vst v63  }
0x31: {  	_ =	swait.ge [sflag:s20], $0x80  }
0x32: {  	[sflag:s20] =	ssyncset.done $0x0  }
0x33: {  	s24 =	rddreg [dreg:$0x9];
	[sflag:s20] =	ssyncadd.s32 $0xFFFFFF80  }
0x34: {  	[tilespmem:s29], [sflag:$0x3] =	stream.linear.gather [hbm4b:s24+s4], $0x80, $0x38;
	[tilespmem:$0xC770] =	vst v63  }
0x35: {  	_ =	swait.ge [sflag:s20], $0x80  }
0x36: {  	[sflag:s20] =	ssyncset.done $0x0  }
0x37: {  	[sflag:s20] =	ssyncadd.s32 $0xFFFFFF80  }
0x38: {  	[tilespmem:s30], [sflag:$0x2] =	stream.indirect.gather [hbm4b:s5+s22], $0x10, s28, s22, $0xb8;
	[tilespmem:$0xC770] =	vst v63  }
0x39: {  	_ = 	snop  }
0x3a: {  	[tilespmem:s31], [sflag:$0x2] =	stream.indirect.gather [hbm4b:s6+s22], $0x10, s29, s22, $0xb8;
	[tilespmem:$0xC770] =	vst v63  }
0x3b: {  	s10 =	simm.s32 $0x0  }
0x3c: {  	[tilespmem:s0], [sflag:$0x2] =	stream.indirect.gather [hbm4b:s9+s22], $0x30, s28, s22, $0xb8;
	[tilespmem:$0xC770] =	vst v63  }
.LBB2_2:
0x3d: {  	_ =	swait.ge [sflag:s3], $0x800  }
0x3e: {  	[sflag:s3] =	ssyncset.done $0x0  }
0x3f: {  	[sflag:s3] =	ssyncadd.s32 $0xFFFFF800  }
0x40: {  	_ =	swait.ge [sflag:s3], $0x800  }
0x41: {  	[sflag:s3] =	ssyncset.done $0x0  }
0x42: {  	[sflag:s3] =	ssyncadd.s32 $0xFFFFF800  }
0x43: {  	_ =	swait.ge [sflag:s3], $0x1800  }
0x44: {  	[sflag:s3] =	ssyncset.done $0x0  }
0x45: {  	s13 =	simm.s32 $0x120;
	[sflag:s3] =	ssyncadd.s32 $0xFFFFE800  }
0x46: {  	s14 =	simm.s32 $0x920;
	v1 =	vld [tilespmem:s13+$0xFFFFFFE0]  }
0x47: {  	v2 =	vld [tilespmem:s14+$0xFFFFFFE0];
	_ =	sdelay $0x4  }
0x48: {  	v1 =	vadd.f32 v2, v1;
	_ =	sdelay $0x1  }
0x49: {  	v2 =	vmul.f32 $2.000000030e-01, v1;
	_ =	sdelay $0x1  }
0x4a: {  	v1 =	vmax.f32 v1, v2  }
0x4b: {  	v1 =	vsub.f32 v1, v0;
	_ =	sdelay $0x1  }
0x4c: {  	v1 =	vmul.f32 $1.442695020e+00, v1;
	_ =	sdelay $0x1  }
0x4d: {  	(erf) = vpow2.f32 v1;
	_ =	sdelay $0x5  }
0x4e: {  	s12 =	simm.s32 $0x1160  }
0x4f: {  	v1 =	vld [tilespmem:s12+$0xFFFFFFA0]  }
0x50: {  	v2 =	vld [tilespmem:s12+$0xFFFFFFC0]  }
0x51: {  	v3 =	vld [tilespmem:s12+$0xFFFFFFB0];
	v4 =	vpop (erf)  }
0x52: {  	v4 =	vbroadcast v4, $0x0;
	_ =	sdelay $0x1  }
0x53: {  	v1 =	vmul.f32 v4, v1  }
0x54: {  	v2 =	vmul.f32 v4, v2  }
0x55: {  	v3 =	vmul.f32 v4, v3;
	[tilespmem:s12+$0xFFFFFFA0] =	vst v1  }
0x56: {  	[tilespmem:s12+$0xFFFFFFC0] =	vst v2  }
0x57: {  	[tilespmem:s12+$0xFFFFFFB0] =	vst v3  }
0x58: {  	v1 =	vld [tilespmem:s13+$0xFFFFFFF0]  }
0x59: {  	v2 =	vld [tilespmem:s14+$0xFFFFFFF0];
	_ =	sdelay $0x4  }
0x5a: {  	v1 =	vadd.f32 v2, v1;
	_ =	sdelay $0x1  }
0x5b: {  	v2 =	vmul.f32 $2.000000030e-01, v1;
	_ =	sdelay $0x1  }
0x5c: {  	v1 =	vmax.f32 v1, v2  }
0x5d: {  	v1 =	vsub.f32 v1, v0;
	_ =	sdelay $0x1  }
0x5e: {  	v1 =	vmul.f32 $1.442695020e+00, v1;
	_ =	sdelay $0x1  }
0x5f: {  	(erf) = vpow2.f32 v1;
	_ =	sdelay $0x6  }
0x60: {  	v1 =	vld [tilespmem:s12+$0xFFFFFFD0]  }
0x61: {  	v2 =	vld [tilespmem:s12+$0xFFFFFFF0]  }
0x62: {  	v3 =	vld [tilespmem:s12+$0xFFFFFFE0];
	v62 =	vpop (erf)  }
0x63: {  	v4 =	vbroadcast v62, $0x0;
	_ =	sdelay $0x1  }
0x64: {  	v1 =	vmul.f32 v4, v1  }
0x65: {  	v2 =	vmul.f32 v4, v2  }
0x66: {  	v3 =	vmul.f32 v4, v3;
	[tilespmem:s12+$0xFFFFFFD0] =	vst v1  }
0x67: {  	[tilespmem:s12+$0xFFFFFFF0] =	vst v2  }
0x68: {  	[tilespmem:s12+$0xFFFFFFE0] =	vst v3  }
0x69: {  	v1 =	vld [tilespmem:s13+$0x0]  }
0x6a: {  	v2 =	vld [tilespmem:s14+$0x0];
	_ =	sdelay $0x4  }
0x6b: {  	v1 =	vadd.f32 v2, v1;
	_ =	sdelay $0x1  }
0x6c: {  	v2 =	vmul.f32 $2.000000030e-01, v1;
	_ =	sdelay $0x1  }
0x6d: {  	v1 =	vmax.f32 v1, v2  }
0x6e: {  	v1 =	vsub.f32 v1, v0;
	_ =	sdelay $0x1  }
0x6f: {  	v1 =	vmul.f32 $1.442695020e+00, v1;
	_ =	sdelay $0x1  }
0x70: {  	(erf) = vpow2.f32 v1;
	_ =	sdelay $0x6  }
0x71: {  	v1 =	vld [tilespmem:s12+$0x0]  }
0x72: {  	v2 =	vld [tilespmem:s12+$0x20]  }
0x73: {  	v3 =	vld [tilespmem:s12+$0x10];
	v63 =	vpop (erf)  }
0x74: {  	v4 =	vbroadcast v63, $0x0;
	_ =	sdelay $0x1  }
0x75: {  	v1 =	vmul.f32 v4, v1  }
0x76: {  	v2 =	vmul.f32 v4, v2  }
0x77: {  	v3 =	vmul.f32 v4, v3;
	[tilespmem:s12+$0x0] =	vst v1  }
0x78: {  	[tilespmem:s12+$0x20] =	vst v2  }
0x79: {  	[tilespmem:s12+$0x10] =	vst v3  }
0x7a: {  	v1 =	vld [tilespmem:s13+$0x10]  }
0x7b: {  	v2 =	vld [tilespmem:s14+$0x10];
	_ =	sdelay $0x4  }
0x7c: {  	v1 =	vadd.f32 v2, v1;
	_ =	sdelay $0x1  }
0x7d: {  	v2 =	vmul.f32 $2.000000030e-01, v1;
	_ =	sdelay $0x1  }
0x7e: {  	v1 =	vmax.f32 v1, v2  }
0x7f: {  	v1 =	vsub.f32 v1, v0;
	_ =	sdelay $0x1  }
0x80: {  	v1 =	vmul.f32 $1.442695020e+00, v1;
	_ =	sdelay $0x1  }
0x81: {  	(erf) = vpow2.f32 v1;
	_ =	sdelay $0x3  }
0x82: {  	s15 =	simm.s32 $0x0;
	s18 =	simm.s32 $0x1220  }
.LBB2_3:
0x83: {  	s15 =	sadd.s32 $0x4, s15;
	s14 =	sadd.s32 $0x40, s14;
	s13 =	sadd.s32 $0x40, s13  }
0x84: {  	p0 =	slt.u32 s15, $0x7C;
	v1 =	vld [tilespmem:s12+$0x30]  }
0x85: {  	v2 =	vld [tilespmem:s12+$0x40]  }
0x86: {  	v3 =	vld [tilespmem:s12+$0x50]  }
0x87: {  	v4 =	vpop (erf)  }
0x88: {  	v4 =	vbroadcast v4, $0x0;
	_ =	sdelay $0x1  }
0x89: {  	v1 =	vmul.f32 v4, v1;
	v2 =	vmul.f32 v4, v2  }
0x8a: {  	v3 =	vmul.f32 v4, v3  }
0x8b: {  	[tilespmem:s12+$0x30] =	vst v1  }
0x8c: {  	[tilespmem:s12+$0x50] =	vst v3  }
0x8d: {  	[tilespmem:s12+$0x40] =	vst v2;
	s12 =	smov.u32 s18  }
0x8e: {  	v1 =	vld [tilespmem:s13+$0xFFFFFFE0]  }
0x8f: {  	v2 =	vld [tilespmem:s14+$0xFFFFFFE0];
	_ =	sdelay $0x4  }
0x90: {  	v1 =	vadd.f32 v2, v1;
	_ =	sdelay $0x1  }
0x91: {  	v2 =	vmul.f32 $2.000000030e-01, v1;
	_ =	sdelay $0x1  }
0x92: {  	v1 =	vmax.f32 v1, v2  }
0x93: {  	v1 =	vsub.f32 v1, v0;
	_ =	sdelay $0x1  }
0x94: {  	v1 =	vmul.f32 $1.442695020e+00, v1;
	_ =	sdelay $0x1  }
0x95: {  	(erf) = vpow2.f32 v1;
	_ =	sdelay $0x5  }
0x96: {  	v1 =	vld [tilespmem:s18+$0xFFFFFFB0]  }
0x97: {  	v2 =	vld [tilespmem:s18+$0xFFFFFFA0]  }
0x98: {  	v3 =	vld [tilespmem:s18+$0xFFFFFFC0]  }
0x99: {  	v4 =	vpop (erf)  }
0x9a: {  	v4 =	vbroadcast v4, $0x0;
	_ =	sdelay $0x1  }
0x9b: {  	v2 =	vmul.f32 v4, v2;
	v1 =	vmul.f32 v4, v1  }
0x9c: {  	v3 =	vmul.f32 v4, v3  }
0x9d: {  	[tilespmem:s18+$0xFFFFFFA0] =	vst v2  }
0x9e: {  	[tilespmem:s18+$0xFFFFFFC0] =	vst v3  }
0x9f: {  	[tilespmem:s18+$0xFFFFFFB0] =	vst v1  }
0xa0: {  	v1 =	vld [tilespmem:s13+$0xFFFFFFF0]  }
0xa1: {  	v2 =	vld [tilespmem:s14+$0xFFFFFFF0];
	_ =	sdelay $0x4  }
0xa2: {  	v1 =	vadd.f32 v2, v1;
	_ =	sdelay $0x1  }
0xa3: {  	v2 =	vmul.f32 $2.000000030e-01, v1;
	_ =	sdelay $0x1  }
0xa4: {  	v1 =	vmax.f32 v1, v2  }
0xa5: {  	v1 =	vsub.f32 v1, v0;
	_ =	sdelay $0x1  }
0xa6: {  	v1 =	vmul.f32 $1.442695020e+00, v1;
	_ =	sdelay $0x1  }
0xa7: {  	(erf) = vpow2.f32 v1;
	_ =	sdelay $0x5  }
0xa8: {  	v1 =	vld [tilespmem:s18+$0xFFFFFFE0]  }
0xa9: {  	v2 =	vld [tilespmem:s18+$0xFFFFFFD0]  }
0xaa: {  	v3 =	vld [tilespmem:s18+$0xFFFFFFF0]  }
0xab: {  	v4 =	vpop (erf)  }
0xac: {  	v4 =	vbroadcast v4, $0x0;
	_ =	sdelay $0x1  }
0xad: {  	v2 =	vmul.f32 v4, v2;
	v1 =	vmul.f32 v4, v1  }
0xae: {  	v3 =	vmul.f32 v4, v3  }
0xaf: {  	[tilespmem:s18+$0xFFFFFFD0] =	vst v2  }
0xb0: {  	[tilespmem:s18+$0xFFFFFFF0] =	vst v3  }
0xb1: {  	[tilespmem:s18+$0xFFFFFFE0] =	vst v1  }
0xb2: {  	v1 =	vld [tilespmem:s13+$0x0]  }
0xb3: {  	v2 =	vld [tilespmem:s14+$0x0];
	_ =	sdelay $0x4  }
0xb4: {  	v1 =	vadd.f32 v2, v1;
	_ =	sdelay $0x1  }
0xb5: {  	v2 =	vmul.f32 $2.000000030e-01, v1;
	_ =	sdelay $0x1  }
0xb6: {  	v1 =	vmax.f32 v1, v2  }
0xb7: {  	v1 =	vsub.f32 v1, v0;
	_ =	sdelay $0x1  }
0xb8: {  	v1 =	vmul.f32 $1.442695020e+00, v1;
	_ =	sdelay $0x1  }
0xb9: {  	(erf) = vpow2.f32 v1;
	_ =	sdelay $0x5  }
0xba: {  	v1 =	vld [tilespmem:s18+$0x10]  }
0xbb: {  	v2 =	vld [tilespmem:s18+$0x0]  }
0xbc: {  	v3 =	vld [tilespmem:s18+$0x20]  }
0xbd: {  	v4 =	vpop (erf)  }
0xbe: {  	v4 =	vbroadcast v4, $0x0;
	_ =	sdelay $0x1  }
0xbf: {  	v2 =	vmul.f32 v4, v2;
	v1 =	vmul.f32 v4, v1  }
0xc0: {  	v3 =	vmul.f32 v4, v3  }
0xc1: {  	[tilespmem:s18+$0x0] =	vst v2  }
0xc2: {  	[tilespmem:s18+$0x20] =	vst v3  }
0xc3: {  	[tilespmem:s18+$0x10] =	vst v1  }
0xc4: {  	v1 =	vld [tilespmem:s13+$0x10]  }
0xc5: {  	v2 =	vld [tilespmem:s14+$0x10];
	_ =	sdelay $0x4  }
0xc6: {  	v1 =	vadd.f32 v2, v1;
	_ =	sdelay $0x1  }
0xc7: {  	v2 =	vmul.f32 $2.000000030e-01, v1;
	_ =	sdelay $0x1  }
0xc8: {  	v1 =	vmax.f32 v1, v2  }
0xc9: {  	v1 =	vsub.f32 v1, v0;
	_ =	sdelay $0x1  }
0xca: {  	v1 =	vmul.f32 $1.442695020e+00, v1;
	_ =	sdelay $0x1  }
.Ltmp0:
0xcb: {  	(erf) = vpow2.f32 v1;
	(pc) =	sbr.rel @p0 .LBB2_3-.Ltmp0, $2  }
0xcc: {  	_ =	sdelay $0x2  }
0xcd: {  	s18 =	sadd.s32 $0xC0, s18  }
0xce: {  	_ =	sdelay $0x1  }
0xcf: {  	v1 =	vld [tilespmem:s12+$0x30]  }
0xd0: {  	v2 =	vld [tilespmem:s12+$0x50]  }
0xd1: {  	v3 =	vld [tilespmem:s12+$0x40];
	v4 =	vpop (erf)  }
0xd2: {  	v4 =	vbroadcast v4, $0x0;
	_ =	sdelay $0x1  }
0xd3: {  	v1 =	vmul.f32 v4, v1  }
0xd4: {  	v2 =	vmul.f32 v4, v2  }
0xd5: {  	v3 =	vmul.f32 v4, v3;
	[tilespmem:s12+$0x30] =	vst v1  }
0xd6: {  	[tilespmem:s12+$0x50] =	vst v2  }
0xd7: {  	[tilespmem:s12+$0x40] =	vst v3;
	s12 =	sshll.u32 s10, $0x1  }
0xd8: {  	[spmem:s2] =	stream.indirect.scatter.add.f32 [tilespmem:s26], [sflag:$0x3], $0x30, s22, s22, $0xb8;
	[tilespmem:$0xC770] =	vst v63  }
0xd9: {  	s13 =	smin.u32 s12, $0x4F  }
0xda: {  	_ =	swait.ge [sflag:s20], $0x1800;
	s13 =	sadd.s32 s13, s16  }
0xdb: {  	[sflag:s20] =	ssyncset.done $0x0;
	s13 =	sshll.u32 s13, $0x4  }
0xdc: {  	[sflag:s20] =	ssyncadd.s32 $0xFFFFE800;
	s14 =	sadd.s32 s1, s13  }
0xdd: {  	[tilespmem:s4], [sflag:$0x3] =	stream.linear.gather [hbm4b:s14+s4], $0x80, $0x38;
	[tilespmem:$0xC770] =	vst v63  }
0xde: {  	_ =	swait.ge [sflag:s20], $0x80  }
0xdf: {  	[sflag:s20] =	ssyncset.done $0x0  }
0xe0: {  	s13 =	sadd.s32 s7, s13;
	[sflag:s20] =	ssyncadd.s32 $0xFFFFFF80  }
0xe1: {  	[tilespmem:s22], [sflag:$0x3] =	stream.linear.gather [hbm4b:s13+s4], $0x80, $0x38;
	[tilespmem:$0xC770] =	vst v63  }
0xe2: {  	_ =	swait.ge [sflag:s20], $0x80  }
0xe3: {  	[sflag:s20] =	ssyncset.done $0x0  }
0xe4: {  	[sflag:s20] =	ssyncadd.s32 $0xFFFFFF80  }
0xe5: {  	[tilespmem:s23], [sflag:$0x1] =	stream.indirect.gather [hbm4b:s5+s22], $0x10, s4, s22, $0xb8;
	[tilespmem:$0xC770] =	vst v63  }
0xe6: {  	_ = 	snop  }
0xe7: {  	[tilespmem:s25], [sflag:$0x1] =	stream.indirect.gather [hbm4b:s6+s22], $0x10, s22, s22, $0xb8;
	[tilespmem:$0xC770] =	vst v63  }
0xe8: {  	_ = 	snop  }
0xe9: {  	[tilespmem:s26], [sflag:$0x1] =	stream.indirect.gather [hbm4b:s9+s22], $0x30, s4, s22, $0xb8;
	[tilespmem:$0xC770] =	vst v63  }
0xea: {  	_ =	swait.ge [sflag:s21], $0x800  }
0xeb: {  	[sflag:s21] =	ssyncset.done $0x0  }
0xec: {  	[sflag:s21] =	ssyncadd.s32 $0xFFFFF800  }
0xed: {  	_ =	swait.ge [sflag:s21], $0x800  }
0xee: {  	[sflag:s21] =	ssyncset.done $0x0  }
0xef: {  	[sflag:s21] =	ssyncadd.s32 $0xFFFFF800  }
0xf0: {  	_ =	swait.ge [sflag:s21], $0x1800  }
0xf1: {  	[sflag:s21] =	ssyncset.done $0x0  }
0xf2: {  	s14 =	simm.s32 $0x2A20;
	[sflag:s21] =	ssyncadd.s32 $0xFFFFE800  }
0xf3: {  	s15 =	simm.s32 $0x3220;
	v1 =	vld [tilespmem:s14+$0xFFFFFFE0]  }
0xf4: {  	v2 =	vld [tilespmem:s15+$0xFFFFFFE0];
	_ =	sdelay $0x4  }
0xf5: {  	v1 =	vadd.f32 v2, v1;
	_ =	sdelay $0x1  }
0xf6: {  	v2 =	vmul.f32 $2.000000030e-01, v1;
	_ =	sdelay $0x1  }
0xf7: {  	v1 =	vmax.f32 v1, v2  }
0xf8: {  	v1 =	vsub.f32 v1, v0;
	_ =	sdelay $0x1  }
0xf9: {  	v1 =	vmul.f32 $1.442695020e+00, v1;
	_ =	sdelay $0x1  }
0xfa: {  	(erf) = vpow2.f32 v1;
	_ =	sdelay $0x5  }
0xfb: {  	s13 =	simm.s32 $0x3A60  }
0xfc: {  	v1 =	vld [tilespmem:s13+$0xFFFFFFA0]  }
0xfd: {  	v2 =	vld [tilespmem:s13+$0xFFFFFFC0]  }
0xfe: {  	v3 =	vld [tilespmem:s13+$0xFFFFFFB0];
	v61 =	vpop (erf)  }
0xff: {  	v4 =	vbroadcast v61, $0x0;
	_ =	sdelay $0x1  }
0x100: {  	v1 =	vmul.f32 v4, v1  }
0x101: {  	v2 =	vmul.f32 v4, v2  }
0x102: {  	v3 =	vmul.f32 v4, v3;
	[tilespmem:s13+$0xFFFFFFA0] =	vst v1  }
0x103: {  	[tilespmem:s13+$0xFFFFFFC0] =	vst v2  }
0x104: {  	[tilespmem:s13+$0xFFFFFFB0] =	vst v3  }
0x105: {  	v1 =	vld [tilespmem:s14+$0xFFFFFFF0]  }
0x106: {  	v2 =	vld [tilespmem:s15+$0xFFFFFFF0];
	_ =	sdelay $0x4  }
0x107: {  	v1 =	vadd.f32 v2, v1;
	_ =	sdelay $0x1  }
0x108: {  	v2 =	vmul.f32 $2.000000030e-01, v1;
	_ =	sdelay $0x1  }
0x109: {  	v1 =	vmax.f32 v1, v2  }
0x10a: {  	v1 =	vsub.f32 v1, v0;
	_ =	sdelay $0x1  }
0x10b: {  	v1 =	vmul.f32 $1.442695020e+00, v1;
	_ =	sdelay $0x1  }
0x10c: {  	(erf) = vpow2.f32 v1;
	_ =	sdelay $0x6  }
0x10d: {  	v1 =	vld [tilespmem:s13+$0xFFFFFFD0]  }
0x10e: {  	v2 =	vld [tilespmem:s13+$0xFFFFFFF0]  }
0x10f: {  	v3 =	vld [tilespmem:s13+$0xFFFFFFE0];
	v62 =	vpop (erf)  }
0x110: {  	v4 =	vbroadcast v62, $0x0;
	_ =	sdelay $0x1  }
0x111: {  	v1 =	vmul.f32 v4, v1  }
0x112: {  	v2 =	vmul.f32 v4, v2  }
0x113: {  	v3 =	vmul.f32 v4, v3;
	[tilespmem:s13+$0xFFFFFFD0] =	vst v1  }
0x114: {  	[tilespmem:s13+$0xFFFFFFF0] =	vst v2  }
0x115: {  	[tilespmem:s13+$0xFFFFFFE0] =	vst v3  }
0x116: {  	v1 =	vld [tilespmem:s14+$0x0]  }
0x117: {  	v2 =	vld [tilespmem:s15+$0x0];
	_ =	sdelay $0x4  }
0x118: {  	v1 =	vadd.f32 v2, v1;
	_ =	sdelay $0x1  }
0x119: {  	v2 =	vmul.f32 $2.000000030e-01, v1;
	_ =	sdelay $0x1  }
0x11a: {  	v1 =	vmax.f32 v1, v2  }
0x11b: {  	v1 =	vsub.f32 v1, v0;
	_ =	sdelay $0x1  }
0x11c: {  	v1 =	vmul.f32 $1.442695020e+00, v1;
	_ =	sdelay $0x1  }
0x11d: {  	(erf) = vpow2.f32 v1;
	_ =	sdelay $0x6  }
0x11e: {  	v1 =	vld [tilespmem:s13+$0x0]  }
0x11f: {  	v2 =	vld [tilespmem:s13+$0x20]  }
0x120: {  	v3 =	vld [tilespmem:s13+$0x10];
	v63 =	vpop (erf)  }
0x121: {  	v4 =	vbroadcast v63, $0x0;
	_ =	sdelay $0x1  }
0x122: {  	v1 =	vmul.f32 v4, v1  }
0x123: {  	v2 =	vmul.f32 v4, v2  }
0x124: {  	v3 =	vmul.f32 v4, v3;
	[tilespmem:s13+$0x0] =	vst v1  }
0x125: {  	[tilespmem:s13+$0x20] =	vst v2  }
0x126: {  	[tilespmem:s13+$0x10] =	vst v3  }
0x127: {  	v1 =	vld [tilespmem:s14+$0x10]  }
0x128: {  	v2 =	vld [tilespmem:s15+$0x10];
	_ =	sdelay $0x4  }
0x129: {  	v1 =	vadd.f32 v2, v1;
	_ =	sdelay $0x1  }
0x12a: {  	v2 =	vmul.f32 $2.000000030e-01, v1;
	_ =	sdelay $0x1  }
0x12b: {  	v1 =	vmax.f32 v1, v2  }
0x12c: {  	v1 =	vsub.f32 v1, v0;
	_ =	sdelay $0x1  }
0x12d: {  	v1 =	vmul.f32 $1.442695020e+00, v1;
	_ =	sdelay $0x1  }
0x12e: {  	(erf) = vpow2.f32 v1;
	_ =	sdelay $0x3  }
0x12f: {  	s18 =	simm.s32 $0x0;
	s24 =	simm.s32 $0x3B20  }
.LBB2_5:
0x130: {  	s18 =	sadd.s32 $0x4, s18;
	s15 =	sadd.s32 $0x40, s15;
	s14 =	sadd.s32 $0x40, s14  }
0x131: {  	p0 =	slt.u32 s18, $0x7C;
	v1 =	vld [tilespmem:s13+$0x30]  }
0x132: {  	v2 =	vld [tilespmem:s13+$0x40]  }
0x133: {  	v3 =	vld [tilespmem:s13+$0x50]  }
0x134: {  	v4 =	vpop (erf)  }
0x135: {  	v4 =	vbroadcast v4, $0x0;
	_ =	sdelay $0x1  }
0x136: {  	v1 =	vmul.f32 v4, v1;
	v2 =	vmul.f32 v4, v2  }
0x137: {  	v3 =	vmul.f32 v4, v3  }
0x138: {  	[tilespmem:s13+$0x30] =	vst v1  }
0x139: {  	[tilespmem:s13+$0x50] =	vst v3  }
0x13a: {  	[tilespmem:s13+$0x40] =	vst v2;
	s13 =	smov.u32 s24  }
0x13b: {  	v1 =	vld [tilespmem:s14+$0xFFFFFFE0]  }
0x13c: {  	v2 =	vld [tilespmem:s15+$0xFFFFFFE0];
	_ =	sdelay $0x4  }
0x13d: {  	v1 =	vadd.f32 v2, v1;
	_ =	sdelay $0x1  }
0x13e: {  	v2 =	vmul.f32 $2.000000030e-01, v1;
	_ =	sdelay $0x1  }
0x13f: {  	v1 =	vmax.f32 v1, v2  }
0x140: {  	v1 =	vsub.f32 v1, v0;
	_ =	sdelay $0x1  }
0x141: {  	v1 =	vmul.f32 $1.442695020e+00, v1;
	_ =	sdelay $0x1  }
0x142: {  	(erf) = vpow2.f32 v1;
	_ =	sdelay $0x5  }
0x143: {  	v1 =	vld [tilespmem:s24+$0xFFFFFFB0]  }
0x144: {  	v2 =	vld [tilespmem:s24+$0xFFFFFFA0]  }
0x145: {  	v3 =	vld [tilespmem:s24+$0xFFFFFFC0]  }
0x146: {  	v4 =	vpop (erf)  }
0x147: {  	v4 =	vbroadcast v4, $0x0;
	_ =	sdelay $0x1  }
0x148: {  	v2 =	vmul.f32 v4, v2;
	v1 =	vmul.f32 v4, v1  }
0x149: {  	v3 =	vmul.f32 v4, v3  }
0x14a: {  	[tilespmem:s24+$0xFFFFFFA0] =	vst v2  }
0x14b: {  	[tilespmem:s24+$0xFFFFFFC0] =	vst v3  }
0x14c: {  	[tilespmem:s24+$0xFFFFFFB0] =	vst v1  }
0x14d: {  	v1 =	vld [tilespmem:s14+$0xFFFFFFF0]  }
0x14e: {  	v2 =	vld [tilespmem:s15+$0xFFFFFFF0];
	_ =	sdelay $0x4  }
0x14f: {  	v1 =	vadd.f32 v2, v1;
	_ =	sdelay $0x1  }
0x150: {  	v2 =	vmul.f32 $2.000000030e-01, v1;
	_ =	sdelay $0x1  }
0x151: {  	v1 =	vmax.f32 v1, v2  }
0x152: {  	v1 =	vsub.f32 v1, v0;
	_ =	sdelay $0x1  }
0x153: {  	v1 =	vmul.f32 $1.442695020e+00, v1;
	_ =	sdelay $0x1  }
0x154: {  	(erf) = vpow2.f32 v1;
	_ =	sdelay $0x5  }
0x155: {  	v1 =	vld [tilespmem:s24+$0xFFFFFFE0]  }
0x156: {  	v2 =	vld [tilespmem:s24+$0xFFFFFFD0]  }
0x157: {  	v3 =	vld [tilespmem:s24+$0xFFFFFFF0]  }
0x158: {  	v4 =	vpop (erf)  }
0x159: {  	v4 =	vbroadcast v4, $0x0;
	_ =	sdelay $0x1  }
0x15a: {  	v2 =	vmul.f32 v4, v2;
	v1 =	vmul.f32 v4, v1  }
0x15b: {  	v3 =	vmul.f32 v4, v3  }
0x15c: {  	[tilespmem:s24+$0xFFFFFFD0] =	vst v2  }
0x15d: {  	[tilespmem:s24+$0xFFFFFFF0] =	vst v3  }
0x15e: {  	[tilespmem:s24+$0xFFFFFFE0] =	vst v1  }
0x15f: {  	v1 =	vld [tilespmem:s14+$0x0]  }
0x160: {  	v2 =	vld [tilespmem:s15+$0x0];
	_ =	sdelay $0x4  }
0x161: {  	v1 =	vadd.f32 v2, v1;
	_ =	sdelay $0x1  }
0x162: {  	v2 =	vmul.f32 $2.000000030e-01, v1;
	_ =	sdelay $0x1  }
0x163: {  	v1 =	vmax.f32 v1, v2  }
0x164: {  	v1 =	vsub.f32 v1, v0;
	_ =	sdelay $0x1  }
0x165: {  	v1 =	vmul.f32 $1.442695020e+00, v1;
	_ =	sdelay $0x1  }
0x166: {  	(erf) = vpow2.f32 v1;
	_ =	sdelay $0x5  }
0x167: {  	v1 =	vld [tilespmem:s24+$0x10]  }
0x168: {  	v2 =	vld [tilespmem:s24+$0x0]  }
0x169: {  	v3 =	vld [tilespmem:s24+$0x20]  }
0x16a: {  	v4 =	vpop (erf)  }
0x16b: {  	v4 =	vbroadcast v4, $0x0;
	_ =	sdelay $0x1  }
0x16c: {  	v2 =	vmul.f32 v4, v2;
	v1 =	vmul.f32 v4, v1  }
0x16d: {  	v3 =	vmul.f32 v4, v3  }
0x16e: {  	[tilespmem:s24+$0x0] =	vst v2  }
0x16f: {  	[tilespmem:s24+$0x20] =	vst v3  }
0x170: {  	[tilespmem:s24+$0x10] =	vst v1  }
0x171: {  	v1 =	vld [tilespmem:s14+$0x10]  }
0x172: {  	v2 =	vld [tilespmem:s15+$0x10];
	_ =	sdelay $0x4  }
0x173: {  	v1 =	vadd.f32 v2, v1;
	_ =	sdelay $0x1  }
0x174: {  	v2 =	vmul.f32 $2.000000030e-01, v1;
	_ =	sdelay $0x1  }
0x175: {  	v1 =	vmax.f32 v1, v2  }
0x176: {  	v1 =	vsub.f32 v1, v0;
	_ =	sdelay $0x1  }
0x177: {  	v1 =	vmul.f32 $1.442695020e+00, v1;
	_ =	sdelay $0x1  }
.Ltmp1:
0x178: {  	(erf) = vpow2.f32 v1;
	(pc) =	sbr.rel @p0 .LBB2_5-.Ltmp1, $2  }
0x179: {  	_ =	sdelay $0x2  }
0x17a: {  	s24 =	sadd.s32 $0xC0, s24  }
0x17b: {  	_ =	sdelay $0x1  }
0x17c: {  	v1 =	vld [tilespmem:s13+$0x30]  }
0x17d: {  	v2 =	vld [tilespmem:s13+$0x50]  }
0x17e: {  	v3 =	vld [tilespmem:s13+$0x40];
	v4 =	vpop (erf)  }
0x17f: {  	v4 =	vbroadcast v4, $0x0;
	_ =	sdelay $0x1  }
0x180: {  	v1 =	vmul.f32 v4, v1  }
0x181: {  	v2 =	vmul.f32 v4, v2  }
0x182: {  	v3 =	vmul.f32 v4, v3;
	[tilespmem:s13+$0x30] =	vst v1  }
0x183: {  	[tilespmem:s13+$0x50] =	vst v2  }
0x184: {  	s12 =	smin.u32 s12, $0x4E;
	[tilespmem:s13+$0x40] =	vst v3  }
0x185: {  	[spmem:s2] =	stream.indirect.scatter.add.f32 [tilespmem:s0], [sflag:$0x3], $0x30, s29, s22, $0xb8;
	[tilespmem:$0xC770] =	vst v63  }
0x186: {  	s12 =	sadd.s32 s12, s17;
	_ =	swait.ge [sflag:s20], $0x1800  }
0x187: {  	s12 =	sshll.u32 s12, $0x4;
	[sflag:s20] =	ssyncset.done $0x0  }
0x188: {  	s24 =	sadd.s32 s1, s12;
	[sflag:s20] =	ssyncadd.s32 $0xFFFFE800  }
0x189: {  	[tilespmem:s28], [sflag:$0x3] =	stream.linear.gather [hbm4b:s24+s4], $0x80, $0x38;
	[tilespmem:$0xC770] =	vst v63  }
0x18a: {  	_ =	swait.ge [sflag:s20], $0x80  }
0x18b: {  	[sflag:s20] =	ssyncset.done $0x0  }
0x18c: {  	s12 =	sadd.s32 s7, s12;
	[sflag:s20] =	ssyncadd.s32 $0xFFFFFF80  }
0x18d: {  	[tilespmem:s29], [sflag:$0x3] =	stream.linear.gather [hbm4b:s12+s4], $0x80, $0x38;
	[tilespmem:$0xC770] =	vst v63  }
0x18e: {  	_ =	swait.ge [sflag:s20], $0x80  }
0x18f: {  	s10 =	sadd.s32 $0x1, s10;
	[sflag:s20] =	ssyncset.done $0x0  }
0x190: {  	p0 =	sne.s32 s10, $0x29;
	[sflag:s20] =	ssyncadd.s32 $0xFFFFFF80  }
0x191: {  	[tilespmem:s30], [sflag:$0x2] =	stream.indirect.gather [hbm4b:s5+s22], $0x10, s28, s22, $0xb8;
	[tilespmem:$0xC770] =	vst v63  }
.Ltmp2:
0x192: {  	_ = 	snop;
	(pc) =	sbr.rel @p0 .LBB2_2-.Ltmp2, $4  }
0x193: {  	_ = 	snop  }
0x194: {  	[tilespmem:s31], [sflag:$0x2] =	stream.indirect.gather [hbm4b:s6+s22], $0x10, s29, s22, $0xb8;
	[tilespmem:$0xC770] =	vst v63  }
0x195: {  	_ = 	snop  }
0x196: {  	[tilespmem:s0], [sflag:$0x2] =	stream.indirect.gather [hbm4b:s9+s22], $0x30, s28, s22, $0xb8;
	[tilespmem:$0xC770] =	vst v63  }
0x197: {  	_ =	swait.ge [sflag:s3], $0x800  }
0x198: {  	[sflag:s3] =	ssyncset.done $0x0  }
0x199: {  	[sflag:s3] =	ssyncadd.s32 $0xFFFFF800  }
0x19a: {  	_ =	swait.ge [sflag:s3], $0x800  }
0x19b: {  	[sflag:s3] =	ssyncset.done $0x0  }
0x19c: {  	[sflag:s3] =	ssyncadd.s32 $0xFFFFF800  }
0x19d: {  	_ =	swait.ge [sflag:s3], $0x1800  }
0x19e: {  	[sflag:s3] =	ssyncset.done $0x0  }
0x19f: {  	[sflag:s3] =	ssyncadd.s32 $0xFFFFE800  }
0x1a0: {  	_ =	swait.ge [sflag:s21], $0x800  }
0x1a1: {  	[sflag:s21] =	ssyncset.done $0x0  }
0x1a2: {  	[sflag:s21] =	ssyncadd.s32 $0xFFFFF800  }
0x1a3: {  	_ =	swait.ge [sflag:s21], $0x800  }
0x1a4: {  	[sflag:s21] =	ssyncset.done $0x0  }
0x1a5: {  	[sflag:s21] =	ssyncadd.s32 $0xFFFFF800  }
0x1a6: {  	_ =	swait.ge [sflag:s21], $0x1800  }
0x1a7: {  	[sflag:s21] =	ssyncset.done $0x0  }
0x1a8: {  	[sflag:s21] =	ssyncadd.s32 $0xFFFFE800  }
0x1a9: {  	[bflag:$0x0] =	sbarrier.arrive $0xFFFF  }
0x1aa: {  	s10 =	rddreg [dreg:$0xb]  }
0x1ab: {  	[hbm:s10], [sflag:s11] =	dma.local [spmem:s19], $0xEAC  }
0x1ac: {  	_ =	swait.ge [sflag:s20], $0xEAC  }
0x1ad: {  	s8 =	sadd.s32 $0x1, s8;
	s24 =	rddreg [dreg:$0xa]  }
0x1ae: {  	p0 =	sne.s32 s8, s24  }
.Ltmp3:
0x1af: {  	_ = 	snop;
	(pc) =	sbr.rel @p0 .LBB2_1-.Ltmp3, $3  }
0x1b0: {  	_ =	sdelay $0x1  }
0x1b1: {  	[sflag:s20] =	ssyncset.done $0x0  }
0x1b2: {  	[sflag:s20] =	ssyncadd.s32 $0xFFFFF154  }
0x1b3: {  	_ =	sfence.sel $0x180000  }
0x1b4: {  	[bflag:$0x0] =	sbarrier.arrive $0xFFFF  }
0x1b5: {  	_ =	strace $0x9000004A  }
0x1b6: {  	s0 =	stileid.u32;
	[bflag:$0x2] =	sbarrier.arrive $0xFFFF  }
0x1b7: {  	p0 =	sne.s32 s0, $0x0;
	s0 =	rddreg [dreg:$0x3]  }
0x1b8: {  	s0 =	sadd.s32 @!p0 $0x100000, s0  }
0x1b9: {  	[sflag:s0] =	ssyncadd.tile.s32 @!p0 $0x1;
	_ =	shalt  }
.Lfunc_end2:
_tile_overlayer_lowered:
.L_overlay_start_2:
0x1ba: {  	(tag) =	ssettag $0x2  }
0x1bb: {  	s0 =	rddreg [dreg:$0x0];
	s2 =	stileid.u32  }
0x1bc: {  	s1 =	rddreg [dreg:$0x1];
	p0 =	sne.s32 s2, $0x0  }
0x1bd: {  	s3 =	rddreg [dreg:$0x2];
	[bflag:$0x3] =	sbarrier.arrive $0xFFFF;
	s2 =	simm.s32 @!p0 $0x1C03  }
0x1be: {  	[timem:s3], [sflag:s2] =	dma.local @!p0 [hbm:s0], s1  }
0x1bf: {  	s0 =	simm.s32 @!p0 $0x3  }
0x1c0: {  	_ =	swait.ge @!p0 [sflag:s0], s1  }
0x1c1: {  	s1 =	ssub.s32 @!p0 $0x0, s1;
	[sflag:s0] =	ssyncset.done @!p0 $0x0  }
0x1c2: {  	[sflag:s0] =	ssyncadd.s32 @!p0 s1  }
0x1c3: {  	[bflag:$0x3] =	sbarrier.arrive $0xFFFF  }
0x1c4: {  	_ =	shalt  }

// kernel: kernel.7.cloned.1.call-start
scs
__scs_entry_jumppad:
0x0: {  	(pc) =	sbr.rel $0x88, $3  }
0x1: {  	(tag) =	ssettag $0x0;
	lr =	simm.s32 $0x1  }
0x2: {  	[smem:$0x3F97] =	sst lr;
	_ =	strace $0xD0000000  }
0x3: {  	_ = 	snop  }
0x4: {  	_ = 	snop  }
0x5: {  	_ = 	snop  }
0x6: {  	_ = 	snop  }
0x7: {  	_ = 	snop  }
__scs_overlays_trampoline_lowered:
0x8: {  	[smem:$0x3FA6] =	sst s0  }
0x9: {  	[smem:$0x3FA7] =	sst s1  }
0xa: {  	[smem:$0x3FA8] =	sst s2  }
0xb: {  	[smem:$0x3FA9] =	sst s3  }
0xc: {  	[smem:$0x3FAA] =	sst s4  }
0xd: {  	[smem:$0x3FAB] =	sst s5  }
0xe: {  	[smem:$0x3FAC] =	sst s6  }
0xf: {  	[smem:$0x3FAD] =	sst s7  }
0x10: {  	[smem:$0x3FAE] =	sst s8  }
0x11: {  	[smem:$0x3FAF] =	sst s9;
	s0 =	simm.s32 @!p0 $0x0  }
0x12: {  	s1 =	sld [smem:$0x3F95];
	s0 =	simm.s32 @p0 $0x1  }
0x13: {  	[smem:$0x3FB0] =	sst s0;
	s0 =	simm.s32 @!p1 $0x0  }
0x14: {  	s2 =	sld [smem:$0x3F94];
	s0 =	simm.s32 @p1 $0x1  }
0x15: {  	[smem:$0x3FB1] =	sst s0;
	s0 =	simm.s32 @!p2 $0x0  }
0x16: {  	s3 =	sld [smem:$0x3FDB];
	s0 =	simm.s32 @p2 $0x1  }
0x17: {  	s4 =	simm.s32 $0x1BF5;
	[smem:$0x3FB3] =	sst s0  }
0x18: {  	s0 =	sld [smem:$0x3F96];
	_ =	swait.ge [sflag:s4], $0x0  }
0x19: {  	s7 =	sld [smem:$0x3F97]  }
0x1a: {  	s8 =	sadd.s32 $0xFFFFE003, lr  }
0x1b: {  	s9 =	sadd.s32 $0xFFFFFEF7, lr;
	s5 =	simm.s32 $0xFFFFFFFF;
	p2 =	slt.u32 s8, $0xFFFFF086  }
0x1c: {  	p1 =	slt.u32 s9, $0xF7A;
	s5 =	simm.s32 @!p2 $0x0  }
0x1d: {  	s5 =	simm.s32 @p1 $0x1;
	p0 =	seq.s32 s7, s2  }
0x1e: {  	s7 =	smul.u32 @!p0 $0xF7A, s2;
	p2 =	seq.s32 @!p0 s5, $0x0  }
0x1f: {  	s9 =	smul.u32 $0xF7A, s1;
	s8 =	simm.s32 @!p0 $0x1BF5;
	p2 =	por !p2, p0  }
0x20: {  	[sflag:s8] =	ssyncset.s32 @!p0 $0xFFFFF086;
	s6 =	sadd.s32 @!p0 s3, s7;
	s7 =	simm.s32 @!p0 $0x108  }
0x21: {  	s3 =	sadd.s32 s3, s9;
	s6 =	sadd.s32 @!p0 $0x88, s6;
	s7 =	simm.s32 @p2 $0x1082  }
0x22: {  	[simem:s7], [sflag:s8] =	dma.local @!p0 [hbm:s6], $0xF7A  }
0x23: {  	s9 =	sor.u32 $0xD0000000, s2;
	s6 =	simm.s32 $0x108;
	_ =	swait.ge @!p0 [sflag:s8], $0x0  }
0x24: {  	s3 =	sadd.s32 $0x88, s3;
	s6 =	simm.s32 @!p1 $0x1082;
	[sflag:s4] =	ssyncset.s32 $0xFFFFF086  }
0x25: {  	[simem:s6], [sflag:s4] =	dma.local [hbm:s3], $0xF7A  }
0x26: {  	[smem:$0x3F97] =	sst s1;
	(tag) =	ssettag s2;
	_ =	strace s9  }
0x27: {  	s1 =	sld [smem:$0x3FA7]  }
0x28: {  	s2 =	sld [smem:$0x3FA8]  }
0x29: {  	s4 =	sld [smem:$0x3FAA]  }
0x2a: {  	p0 =	seq.s32 s5, $0x0;
	s5 =	sld [smem:$0x3FAB]  }
0x2b: {  	s6 =	sld [smem:$0x3FAC]  }
0x2c: {  	s7 =	sld [smem:$0x3FAD]  }
0x2d: {  	s3 =	simm.s32 $0x108;
	s8 =	sld [smem:$0x3FAE]  }
0x2e: {  	s3 =	simm.s32 @!p0 $0x1082;
	s9 =	sld [smem:$0x3FAF]  }
0x2f: {  	lr =	sadd.s32 s0, s3;
	s0 =	sld [smem:$0x3FA6]  }
0x30: {  	s3 =	sld [smem:$0x3FA9]  }
0x31: {  	[smem:$0x3FB2] =	sst s10  }
0x32: {  	s10 =	sld [smem:$0x3FB0];
	_ =	sdelay $0x3  }
0x33: {  	p0 =	seq.s32 s10, $0x1;
	s10 =	sld [smem:$0x3FB2];
	_ =	sdelay $0x3  }
0x34: {  	[smem:$0x3FB2] =	sst s10  }
0x35: {  	s10 =	sld [smem:$0x3FB1];
	_ =	sdelay $0x3  }
0x36: {  	p1 =	seq.s32 s10, $0x1;
	s10 =	sld [smem:$0x3FB2];
	_ =	sdelay $0x3  }
0x37: {  	[smem:$0x3FB2] =	sst s10  }
0x38: {  	s10 =	sld [smem:$0x3FB3]  }
0x39: {  	_ = 	snop;
	(pc) =	sbr.ind lr, $3  }
0x3a: {  	_ = 	snop  }
0x3b: {  	_ = 	snop  }
0x3c: {  	p2 =	seq.s32 s10, $0x1;
	s10 =	sld [smem:$0x3FB2]  }
0x3d: {  	_ =	shalt  }
0x3e: {  	_ =	shalt  }
0x3f: {  	_ =	shalt  }
0x40: {  	_ =	shalt  }
0x41: {  	_ =	shalt  }
0x42: {  	_ =	shalt  }
0x43: {  	_ =	shalt  }
0x44: {  	_ =	shalt  }
0x45: {  	_ =	shalt  }
0x46: {  	_ =	shalt  }
0x47: {  	_ =	shalt  }
0x48: {  	_ =	shalt  }
0x49: {  	_ =	shalt  }
0x4a: {  	_ =	shalt  }
0x4b: {  	_ =	shalt  }
0x4c: {  	_ =	shalt  }
0x4d: {  	_ =	shalt  }
0x4e: {  	_ =	shalt  }
0x4f: {  	_ =	shalt  }
0x50: {  	_ =	shalt  }
0x51: {  	_ =	shalt  }
0x52: {  	_ =	shalt  }
0x53: {  	_ =	shalt  }
0x54: {  	_ =	shalt  }
0x55: {  	_ =	shalt  }
0x56: {  	_ =	shalt  }
0x57: {  	_ =	shalt  }
0x58: {  	_ =	shalt  }
0x59: {  	_ =	shalt  }
0x5a: {  	_ =	shalt  }
0x5b: {  	_ =	shalt  }
0x5c: {  	_ =	shalt  }
0x5d: {  	_ =	shalt  }
0x5e: {  	_ =	shalt  }
0x5f: {  	_ =	shalt  }
0x60: {  	_ =	shalt  }
0x61: {  	_ =	shalt  }
0x62: {  	_ =	shalt  }
0x63: {  	_ =	shalt  }
0x64: {  	_ =	shalt  }
0x65: {  	_ =	shalt  }
0x66: {  	_ =	shalt  }
0x67: {  	_ =	shalt  }
0x68: {  	_ =	shalt  }
0x69: {  	_ =	shalt  }
0x6a: {  	_ =	shalt  }
0x6b: {  	_ =	shalt  }
0x6c: {  	_ =	shalt  }
0x6d: {  	_ =	shalt  }
0x6e: {  	_ =	shalt  }
0x6f: {  	_ =	shalt  }
0x70: {  	_ =	shalt  }
0x71: {  	_ =	shalt  }
0x72: {  	_ =	shalt  }
0x73: {  	_ =	shalt  }
0x74: {  	_ =	shalt  }
0x75: {  	_ =	shalt  }
0x76: {  	_ =	shalt  }
0x77: {  	_ =	shalt  }
0x78: {  	_ =	shalt  }
0x79: {  	_ =	shalt  }
0x7a: {  	_ =	shalt  }
0x7b: {  	_ =	shalt  }
0x7c: {  	_ =	shalt  }
0x7d: {  	_ =	shalt  }
0x7e: {  	_ =	shalt  }
0x7f: {  	_ =	shalt  }
0x80: {  	_ =	shalt  }
0x81: {  	_ =	shalt  }
0x82: {  	_ =	shalt  }
0x83: {  	_ =	shalt  }
0x84: {  	_ =	shalt  }
0x85: {  	_ =	shalt  }
0x86: {  	_ =	shalt  }
0x87: {  	_ =	shalt  }
.Lfunc_end0:
.L_simem_size_0:
called_computation_lowered:
.L_overlay_start_0:
0x88: {  	s2 =	sld [smem:$0x3FD9]  }
0x89: {  	s3 =	sld [smem:$0x3FFE];
	_ =	sdelay $0x1  }
0x8a: {  	s1 =	srdreg.scid  }
0x8b: {  	s0 =	sand.u32 $0x1, s1  }
0x8c: {  	s17 =	sshll.u32 s0, $0xA;
	s2 =	sadd.s32 s3, s2  }
0x8d: {  	s2 =	sadd.s32 s2, s17  }
0x8e: {  	[smem:$0x3FBE] =	sst s2  }
0x8f: {  	_ = 	snop  }
0x90: {  	s2 =	sld [smem:$0x3FD0];
	(tm) =	ssettm $0x1  }
0x91: {  	s18 =	sld [smem:$0x3FFB];
	_ =	sdelay $0x3  }
0x92: {  	_ =	strace s18  }
0x93: {  	s3 =	sld [smem:$0x3FFC];
	_ =	sdelay $0x3  }
0x94: {  	_ =	strace s3  }
0x95: {  	s3 =	sld [smem:$0x3FFD];
	_ =	sdelay $0x3  }
0x96: {  	_ =	strace s3  }
0x97: {  	_ =	strace $0x8FFFFFFF  }
0x98: {  	s19 =	sld [smem:$0x3FDB];
	_ =	sdelay $0x1  }
0x99: {  	s4 =	simm.s32 $_scs_section_size  }
0x9a: {  	s5 =	simm.s32 $_size__tile_overlayer_lowered;
	s6 =	simm.s32 $_tile_overlayer_lowered  }
0x9b: {  	s22 =	simm.s32 $0x1BFF;
	s21 =	sshll.u32 s6, $0x1;
	s3 =	sadd.s32 s4, s19  }
0x9c: {  	s7 =	simm.s32 $0x0;
	s20 =	sshll.u32 s5, $0x1;
	s5 =	sadd.s32 s21, s3  }
0x9d: {  	[timem:s7], [sflag:s22] =	dma.local [hbm:s5], s20  }
0x9e: {  	_ =	swait.ge [sflag:s22], s20  }
0x9f: {  	s4 =	ssub.s32 $0x0, s20;
	[sflag:s22] =	ssyncset.done $0x0  }
0xa0: {  	[sflag:s22] =	ssyncadd.s32 s4;
	_ =	sdelay $0x1  }
0xa1: {  	s23 =	simm.s32 $0x1B8B  }
0xa2: {  	_ =	swait.ge [sflag:s23], $0x1  }
0xa3: {  	[sflag:s23] =	ssyncset.done $0x0  }
0xa4: {  	s25 =	simm.s32 $0x1B8E;
	s24 =	sld [smem:$0x3FFE];
	[sflag:s23] =	ssyncadd.s32 $0xFFFFFFFF  }
0xa5: {  	s26 =	simm.s32 $execute0_lowered;
	[smem:$0x3FD2] =	sst s25  }
0xa6: {  	s5 =	sshll.u32 s26, $0x1;
	_ =	strace $0x80000046;
	[dreg:$0x1] =	wrdreg $0xFFFFFFFF  }
0xa7: {  	s28 =	simm.s32 $_size_execute0_lowered;
	s3 =	sadd.s32 s3, s5;
	[dreg:$0x0] =	wrdreg $0x0  }
0xa8: {  	s5 =	sshll.u32 s28, $0x1;
	[dreg:$0x2] =	wrdreg s3  }
0xa9: {  	[dreg:$0x3] =	wrdreg s5  }
0xaa: {  	[dreg:$0x4] =	wrdreg $0xC0  }
0xab: {  	_ =	task [dreg:s7], $0x5FFFF  }
0xac: {  	[dreg:$0x1] =	wrdreg $0xFFFFFFFF  }
0xad: {  	[dreg:$0x0] =	wrdreg $0x60  }
0xae: {  	[dreg:$0x2] =	wrdreg s24  }
0xaf: {  	[dreg:$0x3] =	wrdreg s2  }
0xb0: {  	[dreg:$0x4] =	wrdreg $0xAA100  }
0xb1: {  	[dreg:$0x5] =	wrdreg $0x9  }
0xb2: {  	_ =	task.clear_ibuf [dreg:s7], $0x6FFFF;
	_ =	strace $0x90000046  }
0xb3: {  	s29 =	simm.s32 $0x9;
	_ =	strace $0x80000048  }
0xb4: {  	_ =	swait.ge [sflag:s29], $0x1  }
0xb5: {  	[sflag:s29] =	ssyncadd.s32 $0xFFFFFFFF  }
0xb6: {  	_ =	strace $0x90000048  }
0xb7: {  	_ =	sfence  }
0xb8: {  	s30 =	sld [smem:$0x0];
	_ =	sdelay $0x2  }
0xb9: {  	s31 =	sshll.u32 s1, $0xD;
	s1 =	sshrl.u32 s1, $0x2  }
0xba: {  	s3 =	sand.u32 $0x4000, s31;
	s1 =	sadd.s32 s1, s30  }
0xbb: {  	s0 =	sor.u32 s3, s0;
	s1 =	sshll.u32 s1, $0x11  }
0xbc: {  	s0 =	sor.u32 s1, s0  }
0xbd: {  	s0 =	sadd.s32 $0x8F2B, s0  }
0xbe: {  	[sflag:s0] =	ssyncadd.remote.s32 $0x1  }
0xbf: {  	_ =	sfence.sel $0xFFFF  }
0xc0: {  	[dreg:$0x0] =	wrdreg $0xFFFFFFFF;
	(pc) =	sbr.abs _section_cstart, $3  }
0xc1: {  	[dreg:$0x1] =	wrdreg $0xFFFFFFFF  }
0xc2: {  	_ =	task.clear_ibuf [dreg:s7], $0x2FFFF;
	_ =	strace $0x9FFFFFFF  }
0xc3: {  	(tm) =	ssettm $0x7FFFFFFF  }
tec
execute0_lowered:
.L_overlay_start_1:
0x0: {  	(tag) =	ssettag $0x1  }
0x1: {  	s0 =	rddreg [dreg:$0x0]  }
0x2: {  	s1 =	rddreg [dreg:$0x1]  }
0x3: {  	s2 =	rddreg [dreg:$0x2];
	s4 =	simm.s32 $0x0;
	s16 =	stileid.u32  }
0x4: {  	s19 =	srdreg.scid;
	s28 =	simm.s32 $0x5500;
	s29 =	simm.s32 $0x5580  }
0x5: {  	s30 =	simm.s32 $0x5600;
	s31 =	simm.s32 $0x5E00;
	[smem:$0x7FF] =	sst s4  }
0x6: {  	s5 =	sadd.s32 $0x50200, s0;
	s6 =	sadd.s32 $0x55200, s0;
	s3 =	smul.u32 $0x14C90, s16  }
0x7: {  	s7 =	sadd.s32 $0x5A200, s0;
	s8 =	sadd.s32 $0x64600, s0;
	s9 =	sadd.s32 $0x1E00, s0  }
0x8: {  	s13 =	sshll.u32 s16, $0x1;
	s21 =	sshll.u32 s16, $0x6;
	_ =	strace $0x80000047  }
0x9: {  	[dreg:$0x4] =	wrdreg s8;
	s8 =	sand.u32 $0x1, s19;
	s10 =	sshrl.u32 s3, $0x3  }
0xa: {  	s11 =	smul.u32 $0x29920, s8;
	s12 =	ssub.s32 $0x2, s8;
	s8 =	sor.u32 s8, s13  }
0xb: {  	s3 =	sadd.s32 s3, s2;
	s14 =	sadd.s32 s10, s0;
	s13 =	smul.u32 $0x520, s8  }
0xc: {  	s15 =	sshrl.u32 s12, $0x1;
	s8 =	smul.u32 $0x52, s8;
	s19 =	sshrl.u32 s3, $0x3  }
0xd: {  	s3 =	simm.s32 $0x1;
	s0 =	sadd.s32 s11, s0;
	s12 =	ssub.s32 s12, s15  }
0xe: {  	v0 =	vimm.s32 $0xE40000;
	s20 =	sadd.s32 $0x64800, s14;
	s11 =	sor.u32 $0x1C03, s21;
	s21 =	simm.s32 $0x2  }
0xf: {  	v0 =	vunpack.c.l.s2.s4 v0;
	[dreg:$0x5] =	wrdreg s20;
	s22 =	sor.u32 $0x10, s13;
	s23 =	sadd.s32 s1, s13  }
0x10: {  	s13 =	sadd.s32 s7, s13;
	s16 =	sadd.s32 $0x2, s8;
	s17 =	sadd.s32 $0x3, s8  }
0x11: {  	v0 =	vunpack.c.l.s4.s8 v0;
	s0 =	sadd.s32 $0x8E200, s0;
	s26 =	smax.u32 s12, $0x1;
	[dreg:$0x6] =	wrdreg s23  }
0x12: {  	s20 =	simm.s32 $0x3;
	s8 =	simm.s32 $0x0;
	[dreg:$0x7] =	wrdreg s13  }
0x13: {  	v1 =	vimm.s32 $0x7060504;
	v0 =	vunpack.c.0.s8.s32 v0;
	s24 =	sadd.s32 s1, s22;
	s25 =	sadd.s32 s7, s22;
	[dreg:$0xa] =	wrdreg s26  }
0x14: {  	v1 =	vunpack.c.0.s8.s32 v1;
	s22 =	simm.s32 $0x80;
	s23 =	simm.s32 $0x100;
	[dreg:$0x8] =	wrdreg s24  }
0x15: {  	vm0 =	vcmask $0x3F30;
	s0 =	sadd.s32 s10, s0;
	s26 =	simm.s32 $0x1100;
	v0 =	vand.u32 $0x3, v0;
	[dreg:$0x9] =	wrdreg s25  }
0x16: {  	[dreg:$0xb] =	wrdreg s0;
	s25 =	simm.s32 $0x900;
	s0 =	simm.s32 $0x6600;
	v0 =	vsel vm0, v1, v0;
	vm0 =	vmmov $0xff  }
.LBB2_1:
0x17: {  	s10 =	rddreg [dreg:$0x5]  }
0x18: {  	[spmem:s19], [sflag:s11] =	dma.local [hbm:s10], $0x2992  }
0x19: {  	_ =	swait.ge [sflag:s20], $0x2992  }
0x1a: {  	[sflag:s20] =	ssyncset.done $0x0  }
0x1b: {  	s12 =	simm.s32 $0xAA00;
	s13 =	rddreg [dreg:$0x4];
	[sflag:s20] =	ssyncadd.s32 $0xFFFFD66E  }
0x1c: {  	[tilespmem:s12], [sflag:$0x3] =	stream.linear.gather [hbm4b:s13+s4], $0x10, $0x38;
	[tilespmem:$0x1F6A0] =	vst v63  }
0x1d: {  	_ =	swait.ge [sflag:s20], $0x10  }
0x1e: {  	[sflag:s20] =	ssyncset.done $0x0  }
0x1f: {  	[sflag:s20] =	ssyncadd.s32 $0xFFFFFFF0  }
0x20: {  	[bflag:$0x0] =	sbarrier.arrive $0xFFFF  }
0x21: {  	s14 =	rddreg [dreg:$0x6]  }
0x22: {  	v1 =	vld [tilespmem:$0xAA00];
	[tilespmem:s4], [sflag:$0x3] =	stream.linear.gather [hbm4b:s14+s4], $0x80, $0x38  }
0x23: {  	_ =	swait.ge [sflag:s20], $0x80  }
0x24: {  	[sflag:s20] =	ssyncset.done $0x0  }
0x25: {  	s15 =	rddreg [dreg:$0x7];
	[sflag:s20] =	ssyncadd.s32 $0xFFFFFF80  }
0x26: {  	[tilespmem:s22], [sflag:$0x3] =	stream.linear.gather [hbm4b:s15+s4], $0x80, $0x38;
	[tilespmem:$0x1F6A0] =	vst v63  }
0x27: {  	_ =	swait.ge [sflag:s20], $0x80  }
0x28: {  	[sflag:s20] =	ssyncset.done $0x0  }
0x29: {  	[sflag:s20] =	ssyncadd.s32 $0xFFFFFF80  }
0x2a: {  	[tilespmem:s23], [sflag:$0x1] =	stream.indirect.gather [hbm4b:s5+s22], $0x10, s4, s22, $0xb8;
	[tilespmem:$0x1F6A0] =	vst v63  }
0x2b: {  	_ = 	snop  }
0x2c: {  	[tilespmem:s25], [sflag:$0x1] =	stream.indirect.gather [hbm4b:s6+s22], $0x10, s22, s22, $0xb8;
	[tilespmem:$0x1F6A0] =	vst v63  }
0x2d: {  	_ = 	snop  }
0x2e: {  	[tilespmem:s26], [sflag:$0x1] =	stream.indirect.gather [hbm4b:s9+s22], $0x88, s4, s22, $0xb8;
	[tilespmem:$0x1F6A0] =	vst v63  }
0x2f: {  	s18 =	rddreg [dreg:$0x8]  }
0x30: {  	[tilespmem:s28], [sflag:$0x3] =	stream.linear.gather [hbm4b:s18+s4], $0x80, $0x38;
	[tilespmem:$0x1F6A0] =	vst v63  }
0x31: {  	_ =	swait.ge [sflag:s20], $0x80  }
0x32: {  	[sflag:s20] =	ssyncset.done $0x0  }
0x33: {  	s24 =	rddreg [dreg:$0x9];
	[sflag:s20] =	ssyncadd.s32 $0xFFFFFF80  }
0x34: {  	[tilespmem:s29], [sflag:$0x3] =	stream.linear.gather [hbm4b:s24+s4], $0x80, $0x38;
	[tilespmem:$0x1F6A0] =	vst v63  }
0x35: {  	_ =	swait.ge [sflag:s20], $0x80  }
0x36: {  	[sflag:s20] =	ssyncset.done $0x0  }
0x37: {  	[sflag:s20] =	ssyncadd.s32 $0xFFFFFF80  }
0x38: {  	[tilespmem:s30], [sflag:$0x2] =	stream.indirect.gather [hbm4b:s5+s22], $0x10, s28, s22, $0xb8;
	[tilespmem:$0x1F6A0] =	vst v63  }
0x39: {  	_ = 	snop  }
0x3a: {  	[tilespmem:s31], [sflag:$0x2] =	stream.indirect.gather [hbm4b:s6+s22], $0x10, s29, s22, $0xb8;
	[tilespmem:$0x1F6A0] =	vst v63  }
0x3b: {  	s10 =	simm.s32 $0x0  }
0x3c: {  	[tilespmem:s0], [sflag:$0x2] =	stream.indirect.gather [hbm4b:s9+s22], $0x88, s28, s22, $0xb8;
	[tilespmem:$0x1F6A0] =	vst v63  }
.LBB2_2:
0x3d: {  	_ =	swait.ge [sflag:s3], $0x800  }
0x3e: {  	[sflag:s3] =	ssyncset.done $0x0  }
0x3f: {  	[sflag:s3] =	ssyncadd.s32 $0xFFFFF800  }
0x40: {  	_ =	swait.ge [sflag:s3], $0x800  }
0x41: {  	[sflag:s3] =	ssyncset.done $0x0  }
0x42: {  	[sflag:s3] =	ssyncadd.s32 $0xFFFFF800  }
0x43: {  	_ =	swait.ge [sflag:s3], $0x4400  }
0x44: {  	[sflag:s3] =	ssyncset.done $0x0  }
0x45: {  	s13 =	simm.s32 $0x120;
	[sflag:s3] =	ssyncadd.s32 $0xFFFFBC00  }
0x46: {  	s14 =	simm.s32 $0x920;
	v2 =	vld [tilespmem:s13+$0xFFFFFFE0]  }
0x47: {  	v3 =	vld [tilespmem:s14+$0xFFFFFFE0];
	_ =	sdelay $0x4  }
0x48: {  	v2 =	vadd.f32 v3, v2;
	_ =	sdelay $0x1  }
0x49: {  	v3 =	vmul.f32 $2.000000030e-01, v2;
	_ =	sdelay $0x1  }
0x4a: {  	v2 =	vmax.f32 v2, v3  }
0x4b: {  	v2 =	vsub.f32 v2, v1;
	_ =	sdelay $0x1  }
0x4c: {  	v2 =	vmul.f32 $1.442695020e+00, v2;
	_ =	sdelay $0x1  }
0x4d: {  	(erf) = vpow2.f32 v2;
	_ =	sdelay $0x4  }
0x4e: {  	s12 =	simm.s32 $0x1210  }
0x4f: {  	v4 =	vld [tilespmem:s12+$0xFFFFFF20]  }
0x50: {  	v2 =	vld [tilespmem:s12+$0xFFFFFF60]  }
0x51: {  	v3 =	vld [tilespmem:s12+$0xFFFFFF00]  }
0x52: {  	v6 =	vpop (erf)  }
0x53: {  	v7 =	vld [tilespmem:s12+$0xFFFFFEF0];
	v8 =	vbroadcast v6, $0x7;
	v9 =	vbroadcast v6, $0x1  }
0x54: {  	v10 =	vld [tilespmem:s12+$0xFFFFFF10];
	v11 =	vbroadcast v6, $0x3;
	v12 =	vperm.xlane v6, v0  }
0x55: {  	v13 =	vld [tilespmem:s12+$0xFFFFFF50];
	v14 =	vbroadcast v6, $0x0;
	v2 =	vmul.f32 v2, v8  }
0x56: {  	v5 =	vld [tilespmem:s12+$0xFFFFFF30];
	v4 =	vmul.f32 v11, v4;
	v3 =	vmul.f32 v9, v3  }
0x57: {  	v8 =	vld [tilespmem:s12+$0xFFFFFF40];
	v9 =	vbroadcast v6, $0x2;
	v11 =	vbroadcast v6, $0x5;
	[tilespmem:s12+$0xFFFFFF60] =	vst v2  }
0x58: {  	v2 =	vmul.f32 v14, v7;
	[tilespmem:s12+$0xFFFFFF20] =	vst v4;
	v4 =	vbroadcast v6, $0x6;
	v7 =	vld [tilespmem:s12+$0xFFFFFF68]  }
0x59: {  	[tilespmem:s12+$0xFFFFFF00] =	vst v3;
	v3 =	vmul.f32 v9, v10;
	v6 =	vbroadcast v6, $0x4  }
0x5a: {  	[tilespmem:s12+$0xFFFFFEF0] =	vst v2;
	v2 =	vmul.f32 v13, v4  }
0x5b: {  	[tilespmem:s12+$0xFFFFFF10] =	vst v3;
	v5 =	vmul.f32 v5, v6  }
0x5c: {  	v3 =	vsel vm0, $0x3F800000, v12;
	v4 =	vmul.f32 v8, v11;
	[tilespmem:s12+$0xFFFFFF50] =	vst v2  }
0x5d: {  	[tilespmem:s12+$0xFFFFFF30] =	vst v5;
	v2 =	vmul.f32 v3, v7  }
0x5e: {  	[tilespmem:s12+$0xFFFFFF40] =	vst v4  }
0x5f: {  	[tilespmem:s12+$0xFFFFFF68] =	vst v2  }
0x60: {  	v2 =	vld [tilespmem:s13+$0xFFFFFFF0]  }
0x61: {  	v3 =	vld [tilespmem:s14+$0xFFFFFFF0];
	_ =	sdelay $0x4  }
0x62: {  	v2 =	vadd.f32 v3, v2;
	_ =	sdelay $0x1  }
0x63: {  	v3 =	vmul.f32 $2.000000030e-01, v2;
	_ =	sdelay $0x1  }
0x64: {  	v2 =	vmax.f32 v2, v3  }
0x65: {  	v2 =	vsub.f32 v2, v1;
	_ =	sdelay $0x1  }
0x66: {  	v2 =	vmul.f32 $1.442695020e+00, v2;
	_ =	sdelay $0x1  }
0x67: {  	(erf) = vpow2.f32 v2;
	_ =	sdelay $0x6  }
0x68: {  	v3 =	vld [tilespmem:s12+$0xFFFFFF78]  }
0x69: {  	v4 =	vld [tilespmem:s12+$0xFFFFFFC8]  }
0x6a: {  	v5 =	vld [tilespmem:s12+$0xFFFFFFA8];
	v6 =	vpop (erf)  }
0x6b: {  	v7 =	vld [tilespmem:s12+$0xFFFFFF98];
	v8 =	vbroadcast v6, $0x0  }
0x6c: {  	v10 =	vld [tilespmem:s12+$0xFFFFFF88];
	v9 =	vbroadcast v6, $0x1;
	v11 =	vbroadcast v6, $0x5  }
0x6d: {  	v58 =	vld [tilespmem:s12+$0xFFFFFFF0];
	v3 =	vmul.f32 v8, v3;
	v8 =	vbroadcast v6, $0x3  }
0x6e: {  	v2 =	vld [tilespmem:s12+$0xFFFFFFE8];
	v59 =	vbroadcast v6, $0x2;
	v4 =	vmul.f32 v4, v11  }
0x6f: {  	v11 =	vld [tilespmem:s12+$0xFFFFFFD8];
	[tilespmem:s12+$0xFFFFFF78] =	vst v3;
	v3 =	vmul.f32 v8, v5;
	v5 =	vperm.xlane v6, v0  }
0x70: {  	v60 =	vld [tilespmem:s12+$0xFFFFFFB8];
	v7 =	vmul.f32 v59, v7;
	[tilespmem:s12+$0xFFFFFFC8] =	vst v4  }
0x71: {  	v4 =	vmul.f32 v9, v10;
	[tilespmem:s12+$0xFFFFFFA8] =	vst v3;
	v3 =	vbroadcast v6, $0x7;
	v5 =	vsel vm0, $0x3F800000, v5  }
0x72: {  	v8 =	vbroadcast v6, $0x6;
	[tilespmem:s12+$0xFFFFFF98] =	vst v7;
	v5 =	vmul.f32 v5, v58  }
0x73: {  	v6 =	vbroadcast v6, $0x4;
	[tilespmem:s12+$0xFFFFFF88] =	vst v4;
	v2 =	vmul.f32 v2, v3  }
0x74: {  	v3 =	vmul.f32 v11, v8;
	[tilespmem:s12+$0xFFFFFFF0] =	vst v5  }
0x75: {  	v4 =	vmul.f32 v60, v6;
	[tilespmem:s12+$0xFFFFFFE8] =	vst v2  }
0x76: {  	[tilespmem:s12+$0xFFFFFFD8] =	vst v3  }
0x77: {  	[tilespmem:s12+$0xFFFFFFB8] =	vst v4  }
0x78: {  	v2 =	vld [tilespmem:s13+$0x0]  }
0x79: {  	v3 =	vld [tilespmem:s14+$0x0];
	_ =	sdelay $0x4  }
0x7a: {  	v2 =	vadd.f32 v3, v2;
	_ =	sdelay $0x1  }
0x7b: {  	v3 =	vmul.f32 $2.000000030e-01, v2;
	_ =	sdelay $0x1  }
0x7c: {  	v2 =	vmax.f32 v2, v3  }
0x7d: {  	v2 =	vsub.f32 v2, v1;
	_ =	sdelay $0x1  }
0x7e: {  	v2 =	vmul.f32 $1.442695020e+00, v2;
	_ =	sdelay $0x1  }
0x7f: {  	(erf) = vpow2.f32 v2;
	_ =	sdelay $0x6  }
0x80: {  	v3 =	vld [tilespmem:s12+$0x70]  }
0x81: {  	v2 =	vld [tilespmem:s12+$0x10]  }
0x82: {  	v5 =	vld [tilespmem:s12+$0x20];
	v6 =	vpop (erf)  }
0x83: {  	v4 =	vld [tilespmem:s12+$0x0];
	v8 =	vbroadcast v6, $0x7  }
0x84: {  	v11 =	vld [tilespmem:s12+$0x30];
	v9 =	vperm.xlane v6, v0;
	v10 =	vbroadcast v6, $0x1  }
0x85: {  	v62 =	vld [tilespmem:s12+$0x40];
	v61 =	vbroadcast v6, $0x2;
	v3 =	vmul.f32 v3, v8  }
0x86: {  	v7 =	vld [tilespmem:s12+$0x50];
	v8 =	vbroadcast v6, $0x0;
	v2 =	vmul.f32 v10, v2  }
0x87: {  	v63 =	vbroadcast v6, $0x3;
	v10 =	vld [tilespmem:s12+$0x60];
	v5 =	vmul.f32 v61, v5;
	[tilespmem:s12+$0x70] =	vst v3  }
0x88: {  	v3 =	vmul.f32 v8, v4;
	[tilespmem:s12+$0x10] =	vst v2;
	v2 =	vbroadcast v6, $0x4;
	v4 =	vld [tilespmem:s12+$0x78]  }
0x89: {  	v8 =	vbroadcast v6, $0x5;
	[tilespmem:s12+$0x20] =	vst v5;
	v5 =	vmul.f32 v63, v11  }
0x8a: {  	v6 =	vbroadcast v6, $0x6;
	[tilespmem:s12+$0x0] =	vst v3;
	v2 =	vmul.f32 v62, v2  }
0x8b: {  	v3 =	vmul.f32 v7, v8;
	[tilespmem:s12+$0x30] =	vst v5  }
0x8c: {  	v5 =	vmul.f32 v10, v6;
	[tilespmem:s12+$0x40] =	vst v2;
	v2 =	vsel vm0, $0x3F800000, v9  }
0x8d: {  	[tilespmem:s12+$0x50] =	vst v3;
	v2 =	vmul.f32 v2, v4  }
0x8e: {  	[tilespmem:s12+$0x60] =	vst v5  }
0x8f: {  	[tilespmem:s12+$0x78] =	vst v2  }
0x90: {  	v2 =	vld [tilespmem:s13+$0x10]  }
0x91: {  	v3 =	vld [tilespmem:s14+$0x10];
	_ =	sdelay $0x4  }
0x92: {  	v2 =	vadd.f32 v3, v2;
	_ =	sdelay $0x1  }
0x93: {  	v3 =	vmul.f32 $2.000000030e-01, v2;
	_ =	sdelay $0x1  }
0x94: {  	v2 =	vmax.f32 v2, v3  }
0x95: {  	v2 =	vsub.f32 v2, v1;
	_ =	sdelay $0x1  }
0x96: {  	v2 =	vmul.f32 $1.442695020e+00, v2;
	_ =	sdelay $0x1  }
0x97: {  	(erf) = vpow2.f32 v2;
	_ =	sdelay $0x4  }
0x98: {  	v8 =	vld [tilespmem:s12+$0xF8]  }
0x99: {  	v7 =	vld [tilespmem:s12+$0x98]  }
0x9a: {  	v6 =	vld [tilespmem:s12+$0xA8]  }
0x9b: {  	v9 =	vld [tilespmem:s12+$0x88]  }
0x9c: {  	v3 =	vld [tilespmem:s12+$0xC8];
	v4 =	vpop (erf)  }
0x9d: {  	s15 =	simm.s32 $0x0;
	s18 =	simm.s32 $0x1430;
	v2 =	vld [tilespmem:s12+$0xB8];
	v10 =	vbroadcast v4, $0x7;
	v5 =	vperm.xlane v4, v0  }
.LBB2_3:
0x9e: {  	s15 =	sadd.s32 $0x4, s15;
	v11 =	vbroadcast v4, $0x0;
	v12 =	vbroadcast v4, $0x1;
	s14 =	sadd.s32 $0x40, s14;
	s13 =	sadd.s32 $0x40, s13  }
0x9f: {  	v13 =	vbroadcast v4, $0x2;
	p0 =	slt.u32 s15, $0x7C;
	v14 =	vld [tilespmem:s12+$0xD8];
	v8 =	vmul.f32 v8, v10  }
0xa0: {  	v9 =	vmul.f32 v11, v9;
	v7 =	vmul.f32 v12, v7  }
0xa1: {  	v10 =	vbroadcast v4, $0x3;
	v11 =	vbroadcast v4, $0x4;
	v12 =	vld [tilespmem:s12+$0xE8];
	[tilespmem:s12+$0xF8] =	vst v8  }
0xa2: {  	v8 =	vbroadcast v4, $0x5;
	[tilespmem:s12+$0x88] =	vst v9;
	v6 =	vmul.f32 v13, v6;
	v9 =	vld [tilespmem:s12+$0x100]  }
0xa3: {  	v2 =	vmul.f32 v10, v2;
	v3 =	vmul.f32 v3, v11;
	[tilespmem:s12+$0x98] =	vst v7  }
0xa4: {  	v4 =	vbroadcast v4, $0x6;
	[tilespmem:s12+$0xA8] =	vst v6;
	v6 =	vmul.f32 v14, v8  }
0xa5: {  	v5 =	vsel vm0, $0x3F800000, v5;
	[tilespmem:s12+$0xB8] =	vst v2  }
0xa6: {  	v2 =	vld [tilespmem:s18+$0xB8];
	[tilespmem:s12+$0xC8] =	vst v3;
	v4 =	vmul.f32 v12, v4  }
0xa7: {  	v3 =	vld [tilespmem:s18+$0xC8];
	[tilespmem:s12+$0xD8] =	vst v6;
	v5 =	vmul.f32 v5, v9  }
0xa8: {  	[tilespmem:s12+$0xE8] =	vst v4  }
0xa9: {  	[tilespmem:s12+$0x100] =	vst v5;
	s12 =	smov.u32 s18  }
0xaa: {  	v4 =	vld [tilespmem:s13+$0xFFFFFFE0]  }
0xab: {  	v5 =	vld [tilespmem:s14+$0xFFFFFFE0];
	_ =	sdelay $0x4  }
0xac: {  	v4 =	vadd.f32 v5, v4;
	_ =	sdelay $0x1  }
0xad: {  	v5 =	vmul.f32 $2.000000030e-01, v4;
	_ =	sdelay $0x1  }
0xae: {  	v4 =	vmax.f32 v4, v5  }
0xaf: {  	v4 =	vsub.f32 v4, v1;
	_ =	sdelay $0x1  }
0xb0: {  	v4 =	vmul.f32 $1.442695020e+00, v4;
	_ =	sdelay $0x1  }
0xb1: {  	(erf) = vpow2.f32 v4;
	_ =	sdelay $0x5  }
0xb2: {  	v4 =	vld [tilespmem:s18+$0xFFFFFF60]  }
0xb3: {  	v5 =	vld [tilespmem:s18+$0xFFFFFF00]  }
0xb4: {  	v6 =	vld [tilespmem:s18+$0xFFFFFF30]  }
0xb5: {  	v7 =	vld [tilespmem:s18+$0xFFFFFF20];
	v8 =	vpop (erf)  }
0xb6: {  	v9 =	vbroadcast v8, $0x1;
	v10 =	vld [tilespmem:s18+$0xFFFFFF40];
	v11 =	vperm.xlane v8, v0  }
0xb7: {  	v13 =	vbroadcast v8, $0x4;
	v14 =	vbroadcast v8, $0x7;
	v12 =	vld [tilespmem:s18+$0xFFFFFEF0]  }
0xb8: {  	v15 =	vbroadcast v8, $0x3;
	v5 =	vmul.f32 v9, v5;
	v9 =	vld [tilespmem:s18+$0xFFFFFF10];
	v11 =	vsel vm0, $0x3F800000, v11  }
0xb9: {  	v4 =	vmul.f32 v4, v14;
	v6 =	vmul.f32 v6, v13;
	v13 =	vld [tilespmem:s18+$0xFFFFFF50]  }
0xba: {  	v14 =	vbroadcast v8, $0x0;
	v7 =	vmul.f32 v15, v7  }
0xbb: {  	v16 =	vbroadcast v8, $0x5;
	v15 =	vbroadcast v8, $0x2;
	[tilespmem:s18+$0xFFFFFF60] =	vst v4  }
0xbc: {  	v4 =	vmul.f32 v14, v12;
	[tilespmem:s18+$0xFFFFFF20] =	vst v7;
	v7 =	vbroadcast v8, $0x6;
	v8 =	vld [tilespmem:s18+$0xFFFFFF68]  }
0xbd: {  	[tilespmem:s18+$0xFFFFFF00] =	vst v5;
	v5 =	vmul.f32 v15, v9;
	v9 =	vmul.f32 v10, v16  }
0xbe: {  	[tilespmem:s18+$0xFFFFFEF0] =	vst v4;
	v4 =	vmul.f32 v13, v7  }
0xbf: {  	[tilespmem:s18+$0xFFFFFF10] =	vst v5  }
0xc0: {  	[tilespmem:s18+$0xFFFFFF50] =	vst v4  }
0xc1: {  	[tilespmem:s18+$0xFFFFFF40] =	vst v9;
	v4 =	vmul.f32 v11, v8  }
0xc2: {  	[tilespmem:s18+$0xFFFFFF30] =	vst v6  }
0xc3: {  	[tilespmem:s18+$0xFFFFFF68] =	vst v4  }
0xc4: {  	v4 =	vld [tilespmem:s13+$0xFFFFFFF0]  }
0xc5: {  	v5 =	vld [tilespmem:s14+$0xFFFFFFF0];
	_ =	sdelay $0x4  }
0xc6: {  	v4 =	vadd.f32 v5, v4;
	_ =	sdelay $0x1  }
0xc7: {  	v5 =	vmul.f32 $2.000000030e-01, v4;
	_ =	sdelay $0x1  }
0xc8: {  	v4 =	vmax.f32 v4, v5  }
0xc9: {  	v4 =	vsub.f32 v4, v1;
	_ =	sdelay $0x1  }
0xca: {  	v4 =	vmul.f32 $1.442695020e+00, v4;
	_ =	sdelay $0x1  }
0xcb: {  	(erf) = vpow2.f32 v4;
	_ =	sdelay $0x4  }
0xcc: {  	v4 =	vld [tilespmem:s18+$0xFFFFFFE8]  }
0xcd: {  	v5 =	vld [tilespmem:s18+$0xFFFFFFC8]  }
0xce: {  	v6 =	vld [tilespmem:s18+$0xFFFFFF78]  }
0xcf: {  	v7 =	vld [tilespmem:s18+$0xFFFFFF98]  }
0xd0: {  	v8 =	vld [tilespmem:s18+$0xFFFFFFA8];
	v9 =	vpop (erf)  }
0xd1: {  	v10 =	vbroadcast v9, $0x0;
	v11 =	vbroadcast v9, $0x1;
	v12 =	vld [tilespmem:s18+$0xFFFFFFF0]  }
0xd2: {  	v14 =	vbroadcast v9, $0x2;
	v15 =	vbroadcast v9, $0x5;
	v13 =	vld [tilespmem:s18+$0xFFFFFF88]  }
0xd3: {  	v6 =	vmul.f32 v10, v6;
	v10 =	vbroadcast v9, $0x3;
	v16 =	vld [tilespmem:s18+$0xFFFFFFB8]  }
0xd4: {  	v5 =	vmul.f32 v5, v15;
	v7 =	vmul.f32 v14, v7;
	v14 =	vld [tilespmem:s18+$0xFFFFFFD8]  }
0xd5: {  	[tilespmem:s18+$0xFFFFFF78] =	vst v6;
	v6 =	vmul.f32 v10, v8;
	v8 =	vperm.xlane v9, v0  }
0xd6: {  	v10 =	vbroadcast v9, $0x4;
	[tilespmem:s18+$0xFFFFFFC8] =	vst v5;
	v5 =	vbroadcast v9, $0x6  }
0xd7: {  	v11 =	vmul.f32 v11, v13;
	[tilespmem:s18+$0xFFFFFFA8] =	vst v6;
	v6 =	vbroadcast v9, $0x7;
	v8 =	vsel vm0, $0x3F800000, v8  }
0xd8: {  	[tilespmem:s18+$0xFFFFFF98] =	vst v7;
	v7 =	vmul.f32 v16, v10;
	v8 =	vmul.f32 v8, v12  }
0xd9: {  	[tilespmem:s18+$0xFFFFFF88] =	vst v11;
	v5 =	vmul.f32 v14, v5;
	v4 =	vmul.f32 v4, v6  }
0xda: {  	[tilespmem:s18+$0xFFFFFFF0] =	vst v8  }
0xdb: {  	[tilespmem:s18+$0xFFFFFFE8] =	vst v4  }
0xdc: {  	[tilespmem:s18+$0xFFFFFFD8] =	vst v5  }
0xdd: {  	[tilespmem:s18+$0xFFFFFFB8] =	vst v7  }
0xde: {  	v4 =	vld [tilespmem:s13+$0x0]  }
0xdf: {  	v5 =	vld [tilespmem:s14+$0x0];
	_ =	sdelay $0x4  }
0xe0: {  	v4 =	vadd.f32 v5, v4;
	_ =	sdelay $0x1  }
0xe1: {  	v5 =	vmul.f32 $2.000000030e-01, v4;
	_ =	sdelay $0x1  }
0xe2: {  	v4 =	vmax.f32 v4, v5  }
0xe3: {  	v4 =	vsub.f32 v4, v1;
	_ =	sdelay $0x1  }
0xe4: {  	v4 =	vmul.f32 $1.442695020e+00, v4;
	_ =	sdelay $0x1  }
0xe5: {  	(erf) = vpow2.f32 v4;
	_ =	sdelay $0x5  }
0xe6: {  	v4 =	vld [tilespmem:s18+$0x10]  }
0xe7: {  	v5 =	vld [tilespmem:s18+$0x70]  }
0xe8: {  	v6 =	vld [tilespmem:s18+$0x0]  }
0xe9: {  	v7 =	vld [tilespmem:s18+$0x20];
	v8 =	vpop (erf)  }
0xea: {  	v9 =	vld [tilespmem:s18+$0x50];
	v10 =	vbroadcast v8, $0x7;
	v11 =	vperm.xlane v8, v0  }
0xeb: {  	v12 =	vbroadcast v8, $0x0;
	v13 =	vbroadcast v8, $0x1;
	v14 =	vld [tilespmem:s18+$0x30]  }
0xec: {  	v15 =	vbroadcast v8, $0x2;
	v16 =	vld [tilespmem:s18+$0x40];
	v5 =	vmul.f32 v5, v10  }
0xed: {  	v4 =	vmul.f32 v13, v4;
	v6 =	vmul.f32 v12, v6;
	v10 =	vld [tilespmem:s18+$0x60]  }
0xee: {  	v12 =	vbroadcast v8, $0x3;
	v7 =	vmul.f32 v15, v7;
	[tilespmem:s18+$0x70] =	vst v5  }
0xef: {  	v5 =	vbroadcast v8, $0x5;
	[tilespmem:s18+$0x10] =	vst v4;
	v4 =	vbroadcast v8, $0x4;
	v13 =	vld [tilespmem:s18+$0x78]  }
0xf0: {  	v8 =	vbroadcast v8, $0x6;
	[tilespmem:s18+$0x20] =	vst v7;
	v7 =	vmul.f32 v12, v14  }
0xf1: {  	v5 =	vmul.f32 v9, v5;
	[tilespmem:s18+$0x0] =	vst v6;
	v4 =	vmul.f32 v16, v4  }
0xf2: {  	[tilespmem:s18+$0x30] =	vst v7;
	v6 =	vmul.f32 v10, v8  }
0xf3: {  	[tilespmem:s18+$0x40] =	vst v4;
	v4 =	vsel vm0, $0x3F800000, v11  }
0xf4: {  	[tilespmem:s18+$0x50] =	vst v5;
	v4 =	vmul.f32 v4, v13  }
0xf5: {  	[tilespmem:s18+$0x60] =	vst v6  }
0xf6: {  	[tilespmem:s18+$0x78] =	vst v4  }
0xf7: {  	v4 =	vld [tilespmem:s13+$0x10]  }
0xf8: {  	v5 =	vld [tilespmem:s14+$0x10];
	_ =	sdelay $0x4  }
0xf9: {  	v4 =	vadd.f32 v5, v4;
	_ =	sdelay $0x1  }
0xfa: {  	v5 =	vmul.f32 $2.000000030e-01, v4;
	_ =	sdelay $0x1  }
0xfb: {  	v4 =	vmax.f32 v4, v5  }
0xfc: {  	v4 =	vsub.f32 v4, v1;
	_ =	sdelay $0x1  }
0xfd: {  	v4 =	vmul.f32 $1.442695020e+00, v4;
	_ =	sdelay $0x1  }
0xfe: {  	(erf) = vpow2.f32 v4;
	_ =	sdelay $0x5  }
.Ltmp0:
0xff: {  	v8 =	vld [tilespmem:s18+$0xF8];
	(pc) =	sbr.rel @p0 .LBB2_3-.Ltmp0, $4  }
0x100: {  	v7 =	vld [tilespmem:s18+$0x98]  }
0x101: {  	v9 =	vld [tilespmem:s18+$0x88]  }
0x102: {  	v4 =	vpop (erf)  }
0x103: {  	s18 =	sadd.s32 $0x220, s18;
	v6 =	vld [tilespmem:s12+$0xA8];
	v10 =	vbroadcast v4, $0x7;
	v5 =	vperm.xlane v4, v0  }
0x104: {  	v11 =	vbroadcast v4, $0x0  }
0x105: {  	v12 =	vbroadcast v4, $0x1;
	v8 =	vmul.f32 v8, v10  }
0x106: {  	v13 =	vld [tilespmem:s12+$0xD8];
	v55 =	vbroadcast v4, $0x3;
	v9 =	vmul.f32 v11, v9  }
0x107: {  	v10 =	vbroadcast v4, $0x2;
	v11 =	vld [tilespmem:s12+$0xE8];
	v7 =	vmul.f32 v12, v7;
	[tilespmem:s12+$0xF8] =	vst v8  }
0x108: {  	v2 =	vmul.f32 v55, v2;
	v8 =	vbroadcast v4, $0x4;
	[tilespmem:s12+$0x88] =	vst v9;
	v9 =	vld [tilespmem:s12+$0x100]  }
0x109: {  	v6 =	vmul.f32 v10, v6;
	v10 =	vbroadcast v4, $0x5;
	[tilespmem:s12+$0x98] =	vst v7  }
0x10a: {  	v4 =	vbroadcast v4, $0x6;
	[tilespmem:s12+$0xB8] =	vst v2;
	v3 =	vmul.f32 v3, v8  }
0x10b: {  	[tilespmem:s12+$0xA8] =	vst v6;
	v6 =	vmul.f32 v13, v10  }
0x10c: {  	v2 =	vsel vm0, $0x3F800000, v5;
	[tilespmem:s12+$0xC8] =	vst v3;
	v3 =	vmul.f32 v11, v4  }
0x10d: {  	[tilespmem:s12+$0xD8] =	vst v6;
	v2 =	vmul.f32 v2, v9  }
0x10e: {  	[tilespmem:s12+$0xE8] =	vst v3  }
0x10f: {  	[tilespmem:s12+$0x100] =	vst v2;
	s12 =	sshll.u32 s10, $0x1  }
0x110: {  	[spmem:s2] =	stream.indirect.scatter.add.f32 [tilespmem:s26], [sflag:$0x3], $0x88, s22, s22, $0xb8;
	[tilespmem:$0x1F6A0] =	vst v63  }
0x111: {  	s13 =	smin.u32 s12, $0x4F  }
0x112: {  	_ =	swait.ge [sflag:s20], $0x4400;
	s13 =	sadd.s32 s13, s16  }
0x113: {  	[sflag:s20] =	ssyncset.done $0x0;
	s13 =	sshll.u32 s13, $0x4  }
0x114: {  	[sflag:s20] =	ssyncadd.s32 $0xFFFFBC00;
	s14 =	sadd.s32 s1, s13  }
0x115: {  	[tilespmem:s4], [sflag:$0x3] =	stream.linear.gather [hbm4b:s14+s4], $0x80, $0x38;
	[tilespmem:$0x1F6A0] =	vst v63  }
0x116: {  	_ =	swait.ge [sflag:s20], $0x80  }
0x117: {  	[sflag:s20] =	ssyncset.done $0x0  }
0x118: {  	s13 =	sadd.s32 s7, s13;
	[sflag:s20] =	ssyncadd.s32 $0xFFFFFF80  }
0x119: {  	[tilespmem:s22], [sflag:$0x3] =	stream.linear.gather [hbm4b:s13+s4], $0x80, $0x38;
	[tilespmem:$0x1F6A0] =	vst v63  }
0x11a: {  	_ =	swait.ge [sflag:s20], $0x80  }
0x11b: {  	[sflag:s20] =	ssyncset.done $0x0  }
0x11c: {  	[sflag:s20] =	ssyncadd.s32 $0xFFFFFF80  }
0x11d: {  	[tilespmem:s23], [sflag:$0x1] =	stream.indirect.gather [hbm4b:s5+s22], $0x10, s4, s22, $0xb8;
	[tilespmem:$0x1F6A0] =	vst v63  }
0x11e: {  	_ = 	snop  }
0x11f: {  	[tilespmem:s25], [sflag:$0x1] =	stream.indirect.gather [hbm4b:s6+s22], $0x10, s22, s22, $0xb8;
	[tilespmem:$0x1F6A0] =	vst v63  }
0x120: {  	_ = 	snop  }
0x121: {  	[tilespmem:s26], [sflag:$0x1] =	stream.indirect.gather [hbm4b:s9+s22], $0x88, s4, s22, $0xb8;
	[tilespmem:$0x1F6A0] =	vst v63  }
0x122: {  	_ =	swait.ge [sflag:s21], $0x800  }
0x123: {  	[sflag:s21] =	ssyncset.done $0x0  }
0x124: {  	[sflag:s21] =	ssyncadd.s32 $0xFFFFF800  }
0x125: {  	_ =	swait.ge [sflag:s21], $0x800  }
0x126: {  	[sflag:s21] =	ssyncset.done $0x0  }
0x127: {  	[sflag:s21] =	ssyncadd.s32 $0xFFFFF800  }
0x128: {  	_ =	swait.ge [sflag:s21], $0x4400  }
0x129: {  	[sflag:s21] =	ssyncset.done $0x0  }
0x12a: {  	s14 =	simm.s32 $0x5620;
	[sflag:s21] =	ssyncadd.s32 $0xFFFFBC00  }
0x12b: {  	s15 =	simm.s32 $0x5E20;
	v2 =	vld [tilespmem:s14+$0xFFFFFFE0]  }
0x12c: {  	v3 =	vld [tilespmem:s15+$0xFFFFFFE0];
	_ =	sdelay $0x4  }
0x12d: {  	v2 =	vadd.f32 v3, v2;
	_ =	sdelay $0x1  }
0x12e: {  	v3 =	vmul.f32 $2.000000030e-01, v2;
	_ =	sdelay $0x1  }
0x12f: {  	v2 =	vmax.f32 v2, v3  }
0x130: {  	v2 =	vsub.f32 v2, v1;
	_ =	sdelay $0x1  }
0x131: {  	v2 =	vmul.f32 $1.442695020e+00, v2;
	_ =	sdelay $0x1  }
0x132: {  	(erf) = vpow2.f32 v2;
	_ =	sdelay $0x4  }
0x133: {  	s13 =	simm.s32 $0x6710  }
0x134: {  	v4 =	vld [tilespmem:s13+$0xFFFFFF20]  }
0x135: {  	v2 =	vld [tilespmem:s13+$0xFFFFFF60]  }
0x136: {  	v3 =	vld [tilespmem:s13+$0xFFFFFF00]  }
0x137: {  	v6 =	vpop (erf)  }
0x138: {  	v7 =	vld [tilespmem:s13+$0xFFFFFEF0];
	v8 =	vbroadcast v6, $0x7;
	v9 =	vbroadcast v6, $0x1  }
0x139: {  	v10 =	vld [tilespmem:s13+$0xFFFFFF10];
	v11 =	vbroadcast v6, $0x3;
	v56 =	vperm.xlane v6, v0  }
0x13a: {  	v57 =	vld [tilespmem:s13+$0xFFFFFF50];
	v14 =	vbroadcast v6, $0x0;
	v2 =	vmul.f32 v2, v8  }
0x13b: {  	v5 =	vld [tilespmem:s13+$0xFFFFFF30];
	v4 =	vmul.f32 v11, v4;
	v3 =	vmul.f32 v9, v3  }
0x13c: {  	v8 =	vld [tilespmem:s13+$0xFFFFFF40];
	v9 =	vbroadcast v6, $0x2;
	v11 =	vbroadcast v6, $0x5;
	[tilespmem:s13+$0xFFFFFF60] =	vst v2  }
0x13d: {  	v2 =	vmul.f32 v14, v7;
	[tilespmem:s13+$0xFFFFFF20] =	vst v4;
	v4 =	vbroadcast v6, $0x6;
	v7 =	vld [tilespmem:s13+$0xFFFFFF68]  }
0x13e: {  	[tilespmem:s13+$0xFFFFFF00] =	vst v3;
	v3 =	vmul.f32 v9, v10;
	v6 =	vbroadcast v6, $0x4  }
0x13f: {  	[tilespmem:s13+$0xFFFFFEF0] =	vst v2;
	v2 =	vmul.f32 v57, v4  }
0x140: {  	[tilespmem:s13+$0xFFFFFF10] =	vst v3;
	v5 =	vmul.f32 v5, v6  }
0x141: {  	v3 =	vsel vm0, $0x3F800000, v56;
	v4 =	vmul.f32 v8, v11;
	[tilespmem:s13+$0xFFFFFF50] =	vst v2  }
0x142: {  	[tilespmem:s13+$0xFFFFFF30] =	vst v5;
	v2 =	vmul.f32 v3, v7  }
0x143: {  	[tilespmem:s13+$0xFFFFFF40] =	vst v4  }
0x144: {  	[tilespmem:s13+$0xFFFFFF68] =	vst v2  }
0x145: {  	v2 =	vld [tilespmem:s14+$0xFFFFFFF0]  }
0x146: {  	v3 =	vld [tilespmem:s15+$0xFFFFFFF0];
	_ =	sdelay $0x4  }
0x147: {  	v2 =	vadd.f32 v3, v2;
	_ =	sdelay $0x1  }
0x148: {  	v3 =	vmul.f32 $2.000000030e-01, v2;
	_ =	sdelay $0x1  }
0x149: {  	v2 =	vmax.f32 v2, v3  }
0x14a: {  	v2 =	vsub.f32 v2, v1;
	_ =	sdelay $0x1  }
0x14b: {  	v2 =	vmul.f32 $1.442695020e+00, v2;
	_ =	sdelay $0x1  }
0x14c: {  	(erf) = vpow2.f32 v2;
	_ =	sdelay $0x6  }
0x14d: {  	v3 =	vld [tilespmem:s13+$0xFFFFFF78]  }
0x14e: {  	v4 =	vld [tilespmem:s13+$0xFFFFFFC8]  }
0x14f: {  	v5 =	vld [tilespmem:s13+$0xFFFFFFA8];
	v6 =	vpop (erf)  }
0x150: {  	v7 =	vld [tilespmem:s13+$0xFFFFFF98];
	v8 =	vbroadcast v6, $0x0  }
0x151: {  	v10 =	vld [tilespmem:s13+$0xFFFFFF88];
	v9 =	vbroadcast v6, $0x1;
	v11 =	vbroadcast v6, $0x5  }
0x152: {  	v58 =	vld [tilespmem:s13+$0xFFFFFFF0];
	v3 =	vmul.f32 v8, v3;
	v8 =	vbroadcast v6, $0x3  }
0x153: {  	v2 =	vld [tilespmem:s13+$0xFFFFFFE8];
	v59 =	vbroadcast v6, $0x2;
	v4 =	vmul.f32 v4, v11  }
0x154: {  	v11 =	vld [tilespmem:s13+$0xFFFFFFD8];
	[tilespmem:s13+$0xFFFFFF78] =	vst v3;
	v3 =	vmul.f32 v8, v5;
	v5 =	vperm.xlane v6, v0  }
0x155: {  	v60 =	vld [tilespmem:s13+$0xFFFFFFB8];
	v7 =	vmul.f32 v59, v7;
	[tilespmem:s13+$0xFFFFFFC8] =	vst v4  }
0x156: {  	v4 =	vmul.f32 v9, v10;
	[tilespmem:s13+$0xFFFFFFA8] =	vst v3;
	v3 =	vbroadcast v6, $0x7;
	v5 =	vsel vm0, $0x3F800000, v5  }
0x157: {  	v8 =	vbroadcast v6, $0x6;
	[tilespmem:s13+$0xFFFFFF98] =	vst v7;
	v5 =	vmul.f32 v5, v58  }
0x158: {  	v6 =	vbroadcast v6, $0x4;
	[tilespmem:s13+$0xFFFFFF88] =	vst v4;
	v2 =	vmul.f32 v2, v3  }
0x159: {  	v3 =	vmul.f32 v11, v8;
	[tilespmem:s13+$0xFFFFFFF0] =	vst v5  }
0x15a: {  	v4 =	vmul.f32 v60, v6;
	[tilespmem:s13+$0xFFFFFFE8] =	vst v2  }
0x15b: {  	[tilespmem:s13+$0xFFFFFFD8] =	vst v3  }
0x15c: {  	[tilespmem:s13+$0xFFFFFFB8] =	vst v4  }
0x15d: {  	v2 =	vld [tilespmem:s14+$0x0]  }
0x15e: {  	v3 =	vld [tilespmem:s15+$0x0];
	_ =	sdelay $0x4  }
0x15f: {  	v2 =	vadd.f32 v3, v2;
	_ =	sdelay $0x1  }
0x160: {  	v3 =	vmul.f32 $2.000000030e-01, v2;
	_ =	sdelay $0x1  }
0x161: {  	v2 =	vmax.f32 v2, v3  }
0x162: {  	v2 =	vsub.f32 v2, v1;
	_ =	sdelay $0x1  }
0x163: {  	v2 =	vmul.f32 $1.442695020e+00, v2;
	_ =	sdelay $0x1  }
0x164: {  	(erf) = vpow2.f32 v2;
	_ =	sdelay $0x6  }
0x165: {  	v3 =	vld [tilespmem:s13+$0x70]  }
0x166: {  	v2 =	vld [tilespmem:s13+$0x10]  }
0x167: {  	v5 =	vld [tilespmem:s13+$0x20];
	v6 =	vpop (erf)  }
0x168: {  	v4 =	vld [tilespmem:s13+$0x0];
	v8 =	vbroadcast v6, $0x7  }
0x169: {  	v11 =	vld [tilespmem:s13+$0x30];
	v9 =	vperm.xlane v6, v0;
	v10 =	vbroadcast v6, $0x1  }
0x16a: {  	v62 =	vld [tilespmem:s13+$0x40];
	v61 =	vbroadcast v6, $0x2;
	v3 =	vmul.f32 v3, v8  }
0x16b: {  	v7 =	vld [tilespmem:s13+$0x50];
	v8 =	vbroadcast v6, $0x0;
	v2 =	vmul.f32 v10, v2  }
0x16c: {  	v63 =	vbroadcast v6, $0x3;
	v10 =	vld [tilespmem:s13+$0x60];
	v5 =	vmul.f32 v61, v5;
	[tilespmem:s13+$0x70] =	vst v3  }
0x16d: {  	v3 =	vmul.f32 v8, v4;
	[tilespmem:s13+$0x10] =	vst v2;
	v2 =	vbroadcast v6, $0x4;
	v4 =	vld [tilespmem:s13+$0x78]  }
0x16e: {  	v8 =	vbroadcast v6, $0x5;
	[tilespmem:s13+$0x20] =	vst v5;
	v5 =	vmul.f32 v63, v11  }
0x16f: {  	v6 =	vbroadcast v6, $0x6;
	[tilespmem:s13+$0x0] =	vst v3;
	v2 =	vmul.f32 v62, v2  }
0x170: {  	v3 =	vmul.f32 v7, v8;
	[tilespmem:s13+$0x30] =	vst v5  }
0x171: {  	v5 =	vmul.f32 v10, v6;
	[tilespmem:s13+$0x40] =	vst v2;
	v2 =	vsel vm0, $0x3F800000, v9  }
0x172: {  	[tilespmem:s13+$0x50] =	vst v3;
	v2 =	vmul.f32 v2, v4  }
0x173: {  	[tilespmem:s13+$0x60] =	vst v5  }
0x174: {  	[tilespmem:s13+$0x78] =	vst v2  }
0x175: {  	v2 =	vld [tilespmem:s14+$0x10]  }
0x176: {  	v3 =	vld [tilespmem:s15+$0x10];
	_ =	sdelay $0x4  }
0x177: {  	v2 =	vadd.f32 v3, v2;
	_ =	sdelay $0x1  }
0x178: {  	v3 =	vmul.f32 $2.000000030e-01, v2;
	_ =	sdelay $0x1  }
0x179: {  	v2 =	vmax.f32 v2, v3  }
0x17a: {  	v2 =	vsub.f32 v2, v1;
	_ =	sdelay $0x1  }
0x17b: {  	v2 =	vmul.f32 $1.442695020e+00, v2;
	_ =	sdelay $0x1  }
0x17c: {  	(erf) = vpow2.f32 v2;
	_ =	sdelay $0x4  }
0x17d: {  	v8 =	vld [tilespmem:s13+$0xF8]  }
0x17e: {  	v7 =	vld [tilespmem:s13+$0x98]  }
0x17f: {  	v6 =	vld [tilespmem:s13+$0xA8]  }
0x180: {  	v9 =	vld [tilespmem:s13+$0x88]  }
0x181: {  	v3 =	vld [tilespmem:s13+$0xC8];
	v4 =	vpop (erf)  }
0x182: {  	s18 =	simm.s32 $0x0;
	s24 =	simm.s32 $0x6930;
	v2 =	vld [tilespmem:s13+$0xB8];
	v10 =	vbroadcast v4, $0x7;
	v5 =	vperm.xlane v4, v0  }
.LBB2_5:
0x183: {  	s18 =	sadd.s32 $0x4, s18;
	v11 =	vbroadcast v4, $0x0;
	v12 =	vbroadcast v4, $0x1;
	s15 =	sadd.s32 $0x40, s15;
	s14 =	sadd.s32 $0x40, s14  }
0x184: {  	v13 =	vbroadcast v4, $0x2;
	p0 =	slt.u32 s18, $0x7C;
	v14 =	vld [tilespmem:s13+$0xD8];
	v8 =	vmul.f32 v8, v10  }
0x185: {  	v9 =	vmul.f32 v11, v9;
	v7 =	vmul.f32 v12, v7  }
0x186: {  	v10 =	vbroadcast v4, $0x3;
	v11 =	vbroadcast v4, $0x4;
	v12 =	vld [tilespmem:s13+$0xE8];
	[tilespmem:s13+$0xF8] =	vst v8  }
0x187: {  	v8 =	vbroadcast v4, $0x5;
	[tilespmem:s13+$0x88] =	vst v9;
	v6 =	vmul.f32 v13, v6;
	v9 =	vld [tilespmem:s13+$0x100]  }
0x188: {  	v2 =	vmul.f32 v10, v2;
	v3 =	vmul.f32 v3, v11;
	[tilespmem:s13+$0x98] =	vst v7  }
0x189: {  	v4 =	vbroadcast v4, $0x6;
	[tilespmem:s13+$0xA8] =	vst v6;
	v6 =	vmul.f32 v14, v8  }
0x18a: {  	v5 =	vsel vm0, $0x3F800000, v5;
	[tilespmem:s13+$0xB8] =	vst v2  }
0x18b: {  	v2 =	vld [tilespmem:s24+$0xB8];
	[tilespmem:s13+$0xC8] =	vst v3;
	v4 =	vmul.f32 v12, v4  }
0x18c: {  	v3 =	vld [tilespmem:s24+$0xC8];
	[tilespmem:s13+$0xD8] =	vst v6;
	v5 =	vmul.f32 v5, v9  }
0x18d: {  	[tilespmem:s13+$0xE8] =	vst v4  }
0x18e: {  	[tilespmem:s13+$0x100] =	vst v5;
	s13 =	smov.u32 s24  }
0x18f: {  	v4 =	vld [tilespmem:s14+$0xFFFFFFE0]  }
0x190: {  	v5 =	vld [tilespmem:s15+$0xFFFFFFE0];
	_ =	sdelay $0x4  }
0x191: {  	v4 =	vadd.f32 v5, v4;
	_ =	sdelay $0x1  }
0x192: {  	v5 =	vmul.f32 $2.000000030e-01, v4;
	_ =	sdelay $0x1  }
0x193: {  	v4 =	vmax.f32 v4, v5  }
0x194: {  	v4 =	vsub.f32 v4, v1;
	_ =	sdelay $0x1  }
0x195: {  	v4 =	vmul.f32 $1.442695020e+00, v4;
	_ =	sdelay $0x1  }
0x196: {  	(erf) = vpow2.f32 v4;
	_ =	sdelay $0x5  }
0x197: {  	v4 =	vld [tilespmem:s24+$0xFFFFFF60]  }
0x198: {  	v5 =	vld [tilespmem:s24+$0xFFFFFF00]  }
0x199: {  	v6 =	vld [tilespmem:s24+$0xFFFFFF30]  }
0x19a: {  	v7 =	vld [tilespmem:s24+$0xFFFFFF20];
	v8 =	vpop (erf)  }
0x19b: {  	v9 =	vbroadcast v8, $0x1;
	v10 =	vld [tilespmem:s24+$0xFFFFFF40];
	v11 =	vperm.xlane v8, v0  }
0x19c: {  	v13 =	vbroadcast v8, $0x4;
	v14 =	vbroadcast v8, $0x7;
	v12 =	vld [tilespmem:s24+$0xFFFFFEF0]  }
0x19d: {  	v15 =	vbroadcast v8, $0x3;
	v5 =	vmul.f32 v9, v5;
	v9 =	vld [tilespmem:s24+$0xFFFFFF10];
	v11 =	vsel vm0, $0x3F800000, v11  }
0x19e: {  	v4 =	vmul.f32 v4, v14;
	v6 =	vmul.f32 v6, v13;
	v13 =	vld [tilespmem:s24+$0xFFFFFF50]  }
0x19f: {  	v14 =	vbroadcast v8, $0x0;
	v7 =	vmul.f32 v15, v7  }
0x1a0: {  	v16 =	vbroadcast v8, $0x5;
	v15 =	vbroadcast v8, $0x2;
	[tilespmem:s24+$0xFFFFFF60] =	vst v4  }
0x1a1: {  	v4 =	vmul.f32 v14, v12;
	[tilespmem:s24+$0xFFFFFF20] =	vst v7;
	v7 =	vbroadcast v8, $0x6;
	v8 =	vld [tilespmem:s24+$0xFFFFFF68]  }
0x1a2: {  	[tilespmem:s24+$0xFFFFFF00] =	vst v5;
	v5 =	vmul.f32 v15, v9;
	v9 =	vmul.f32 v10, v16  }
0x1a3: {  	[tilespmem:s24+$0xFFFFFEF0] =	vst v4;
	v4 =	vmul.f32 v13, v7  }
0x1a4: {  	[tilespmem:s24+$0xFFFFFF10] =	vst v5  }
0x1a5: {  	[tilespmem:s24+$0xFFFFFF50] =	vst v4  }
0x1a6: {  	[tilespmem:s24+$0xFFFFFF40] =	vst v9;
	v4 =	vmul.f32 v11, v8  }
0x1a7: {  	[tilespmem:s24+$0xFFFFFF30] =	vst v6  }
0x1a8: {  	[tilespmem:s24+$0xFFFFFF68] =	vst v4  }
0x1a9: {  	v4 =	vld [tilespmem:s14+$0xFFFFFFF0]  }
0x1aa: {  	v5 =	vld [tilespmem:s15+$0xFFFFFFF0];
	_ =	sdelay $0x4  }
0x1ab: {  	v4 =	vadd.f32 v5, v4;
	_ =	sdelay $0x1  }
0x1ac: {  	v5 =	vmul.f32 $2.000000030e-01, v4;
	_ =	sdelay $0x1  }
0x1ad: {  	v4 =	vmax.f32 v4, v5  }
0x1ae: {  	v4 =	vsub.f32 v4, v1;
	_ =	sdelay $0x1  }
0x1af: {  	v4 =	vmul.f32 $1.442695020e+00, v4;
	_ =	sdelay $0x1  }
0x1b0: {  	(erf) = vpow2.f32 v4;
	_ =	sdelay $0x4  }
0x1b1: {  	v4 =	vld [tilespmem:s24+$0xFFFFFFE8]  }
0x1b2: {  	v5 =	vld [tilespmem:s24+$0xFFFFFFC8]  }
0x1b3: {  	v6 =	vld [tilespmem:s24+$0xFFFFFF78]  }
0x1b4: {  	v7 =	vld [tilespmem:s24+$0xFFFFFF98]  }
0x1b5: {  	v8 =	vld [tilespmem:s24+$0xFFFFFFA8];
	v9 =	vpop (erf)  }
0x1b6: {  	v10 =	vbroadcast v9, $0x0;
	v11 =	vbroadcast v9, $0x1;
	v12 =	vld [tilespmem:s24+$0xFFFFFFF0]  }
0x1b7: {  	v14 =	vbroadcast v9, $0x2;
	v15 =	vbroadcast v9, $0x5;
	v13 =	vld [tilespmem:s24+$0xFFFFFF88]  }
0x1b8: {  	v6 =	vmul.f32 v10, v6;
	v10 =	vbroadcast v9, $0x3;
	v16 =	vld [tilespmem:s24+$0xFFFFFFB8]  }
0x1b9: {  	v5 =	vmul.f32 v5, v15;
	v7 =	vmul.f32 v14, v7;
	v14 =	vld [tilespmem:s24+$0xFFFFFFD8]  }
0x1ba: {  	[tilespmem:s24+$0xFFFFFF78] =	vst v6;
	v6 =	vmul.f32 v10, v8;
	v8 =	vperm.xlane v9, v0  }
0x1bb: {  	v10 =	vbroadcast v9, $0x4;
	[tilespmem:s24+$0xFFFFFFC8] =	vst v5;
	v5 =	vbroadcast v9, $0x6  }
0x1bc: {  	v11 =	vmul.f32 v11, v13;
	[tilespmem:s24+$0xFFFFFFA8] =	vst v6;
	v6 =	vbroadcast v9, $0x7;
	v8 =	vsel vm0, $0x3F800000, v8  }
0x1bd: {  	[tilespmem:s24+$0xFFFFFF98] =	vst v7;
	v7 =	vmul.f32 v16, v10;
	v8 =	vmul.f32 v8, v12  }
0x1be: {  	[tilespmem:s24+$0xFFFFFF88] =	vst v11;
	v5 =	vmul.f32 v14, v5;
	v4 =	vmul.f32 v4, v6  }
0x1bf: {  	[tilespmem:s24+$0xFFFFFFF0] =	vst v8  }
0x1c0: {  	[tilespmem:s24+$0xFFFFFFE8] =	vst v4  }
0x1c1: {  	[tilespmem:s24+$0xFFFFFFD8] =	vst v5  }
0x1c2: {  	[tilespmem:s24+$0xFFFFFFB8] =	vst v7  }
0x1c3: {  	v4 =	vld [tilespmem:s14+$0x0]  }
0x1c4: {  	v5 =	vld [tilespmem:s15+$0x0];
	_ =	sdelay $0x4  }
0x1c5: {  	v4 =	vadd.f32 v5, v4;
	_ =	sdelay $0x1  }
0x1c6: {  	v5 =	vmul.f32 $2.000000030e-01, v4;
	_ =	sdelay $0x1  }
0x1c7: {  	v4 =	vmax.f32 v4, v5  }
0x1c8: {  	v4 =	vsub.f32 v4, v1;
	_ =	sdelay $0x1  }
0x1c9: {  	v4 =	vmul.f32 $1.442695020e+00, v4;
	_ =	sdelay $0x1  }
0x1ca: {  	(erf) = vpow2.f32 v4;
	_ =	sdelay $0x5  }
0x1cb: {  	v4 =	vld [tilespmem:s24+$0x10]  }
0x1cc: {  	v5 =	vld [tilespmem:s24+$0x70]  }
0x1cd: {  	v6 =	vld [tilespmem:s24+$0x0]  }
0x1ce: {  	v7 =	vld [tilespmem:s24+$0x20];
	v8 =	vpop (erf)  }
0x1cf: {  	v9 =	vld [tilespmem:s24+$0x50];
	v10 =	vbroadcast v8, $0x7;
	v11 =	vperm.xlane v8, v0  }
0x1d0: {  	v12 =	vbroadcast v8, $0x0;
	v13 =	vbroadcast v8, $0x1;
	v14 =	vld [tilespmem:s24+$0x30]  }
0x1d1: {  	v15 =	vbroadcast v8, $0x2;
	v16 =	vld [tilespmem:s24+$0x40];
	v5 =	vmul.f32 v5, v10  }
0x1d2: {  	v4 =	vmul.f32 v13, v4;
	v6 =	vmul.f32 v12, v6;
	v10 =	vld [tilespmem:s24+$0x60]  }
0x1d3: {  	v12 =	vbroadcast v8, $0x3;
	v7 =	vmul.f32 v15, v7;
	[tilespmem:s24+$0x70] =	vst v5  }
0x1d4: {  	v5 =	vbroadcast v8, $0x5;
	[tilespmem:s24+$0x10] =	vst v4;
	v4 =	vbroadcast v8, $0x4;
	v13 =	vld [tilespmem:s24+$0x78]  }
0x1d5: {  	v8 =	vbroadcast v8, $0x6;
	[tilespmem:s24+$0x20] =	vst v7;
	v7 =	vmul.f32 v12, v14  }
0x1d6: {  	v5 =	vmul.f32 v9, v5;
	[tilespmem:s24+$0x0] =	vst v6;
	v4 =	vmul.f32 v16, v4  }
0x1d7: {  	[tilespmem:s24+$0x30] =	vst v7;
	v6 =	vmul.f32 v10, v8  }
0x1d8: {  	[tilespmem:s24+$0x40] =	vst v4;
	v4 =	vsel vm0, $0x3F800000, v11  }
0x1d9: {  	[tilespmem:s24+$0x50] =	vst v5;
	v4 =	vmul.f32 v4, v13  }
0x1da: {  	[tilespmem:s24+$0x60] =	vst v6  }
0x1db: {  	[tilespmem:s24+$0x78] =	vst v4  }
0x1dc: {  	v4 =	vld [tilespmem:s14+$0x10]  }
0x1dd: {  	v5 =	vld [tilespmem:s15+$0x10];
	_ =	sdelay $0x4  }
0x1de: {  	v4 =	vadd.f32 v5, v4;
	_ =	sdelay $0x1  }
0x1df: {  	v5 =	vmul.f32 $2.000000030e-01, v4;
	_ =	sdelay $0x1  }
0x1e0: {  	v4 =	vmax.f32 v4, v5  }
0x1e1: {  	v4 =	vsub.f32 v4, v1;
	_ =	sdelay $0x1  }
0x1e2: {  	v4 =	vmul.f32 $1.442695020e+00, v4;
	_ =	sdelay $0x1  }
0x1e3: {  	(erf) = vpow2.f32 v4;
	_ =	sdelay $0x5  }
.Ltmp1:
0x1e4: {  	v8 =	vld [tilespmem:s24+$0xF8];
	(pc) =	sbr.rel @p0 .LBB2_5-.Ltmp1, $4  }
0x1e5: {  	v7 =	vld [tilespmem:s24+$0x98]  }
0x1e6: {  	v9 =	vld [tilespmem:s24+$0x88]  }
0x1e7: {  	v4 =	vpop (erf)  }
0x1e8: {  	s24 =	sadd.s32 $0x220, s24;
	v6 =	vld [tilespmem:s13+$0xA8];
	v10 =	vbroadcast v4, $0x7;
	v5 =	vperm.xlane v4, v0  }
0x1e9: {  	v11 =	vbroadcast v4, $0x0  }
0x1ea: {  	v12 =	vbroadcast v4, $0x1;
	v8 =	vmul.f32 v8, v10  }
0x1eb: {  	v13 =	vld [tilespmem:s13+$0xD8];
	v58 =	vbroadcast v4, $0x3;
	v9 =	vmul.f32 v11, v9  }
0x1ec: {  	v57 =	vld [tilespmem:s13+$0xE8];
	v59 =	vbroadcast v4, $0x4;
	v7 =	vmul.f32 v12, v7;
	[tilespmem:s13+$0xF8] =	vst v8  }
0x1ed: {  	v56 =	vbroadcast v4, $0x2;
	v2 =	vmul.f32 v58, v2;
	[tilespmem:s13+$0x88] =	vst v9;
	v60 =	vld [tilespmem:s13+$0x100]  }
0x1ee: {  	v61 =	vbroadcast v4, $0x5;
	v3 =	vmul.f32 v3, v59;
	[tilespmem:s13+$0x98] =	vst v7  }
0x1ef: {  	v62 =	vbroadcast v4, $0x6;
	v6 =	vmul.f32 v56, v6;
	[tilespmem:s13+$0xB8] =	vst v2  }
0x1f0: {  	[tilespmem:s13+$0xC8] =	vst v3;
	v63 =	vmul.f32 v13, v61  }
0x1f1: {  	v2 =	vsel vm0, $0x3F800000, v5;
	v3 =	vmul.f32 v57, v62;
	[tilespmem:s13+$0xA8] =	vst v6  }
0x1f2: {  	[tilespmem:s13+$0xD8] =	vst v63;
	v2 =	vmul.f32 v2, v60  }
0x1f3: {  	[tilespmem:s13+$0xE8] =	vst v3  }
0x1f4: {  	s12 =	smin.u32 s12, $0x4E;
	[tilespmem:s13+$0x100] =	vst v2  }
0x1f5: {  	[spmem:s2] =	stream.indirect.scatter.add.f32 [tilespmem:s0], [sflag:$0x3], $0x88, s29, s22, $0xb8;
	[tilespmem:$0x1F6A0] =	vst v63  }
0x1f6: {  	s12 =	sadd.s32 s12, s17;
	_ =	swait.ge [sflag:s20], $0x4400  }
0x1f7: {  	s12 =	sshll.u32 s12, $0x4;
	[sflag:s20] =	ssyncset.done $0x0  }
0x1f8: {  	s24 =	sadd.s32 s1, s12;
	[sflag:s20] =	ssyncadd.s32 $0xFFFFBC00  }
0x1f9: {  	[tilespmem:s28], [sflag:$0x3] =	stream.linear.gather [hbm4b:s24+s4], $0x80, $0x38;
	[tilespmem:$0x1F6A0] =	vst v63  }
0x1fa: {  	_ =	swait.ge [sflag:s20], $0x80  }
0x1fb: {  	[sflag:s20] =	ssyncset.done $0x0  }
0x1fc: {  	s12 =	sadd.s32 s7, s12;
	[sflag:s20] =	ssyncadd.s32 $0xFFFFFF80  }
0x1fd: {  	[tilespmem:s29], [sflag:$0x3] =	stream.linear.gather [hbm4b:s12+s4], $0x80, $0x38;
	[tilespmem:$0x1F6A0] =	vst v63  }
0x1fe: {  	_ =	swait.ge [sflag:s20], $0x80  }
0x1ff: {  	s10 =	sadd.s32 $0x1, s10;
	[sflag:s20] =	ssyncset.done $0x0  }
0x200: {  	p0 =	sne.s32 s10, $0x29;
	[sflag:s20] =	ssyncadd.s32 $0xFFFFFF80  }
0x201: {  	[tilespmem:s30], [sflag:$0x2] =	stream.indirect.gather [hbm4b:s5+s22], $0x10, s28, s22, $0xb8;
	[tilespmem:$0x1F6A0] =	vst v63  }
.Ltmp2:
0x202: {  	_ = 	snop;
	(pc) =	sbr.rel @p0 .LBB2_2-.Ltmp2, $4  }
0x203: {  	_ = 	snop  }
0x204: {  	[tilespmem:s31], [sflag:$0x2] =	stream.indirect.gather [hbm4b:s6+s22], $0x10, s29, s22, $0xb8;
	[tilespmem:$0x1F6A0] =	vst v63  }
0x205: {  	_ = 	snop  }
0x206: {  	[tilespmem:s0], [sflag:$0x2] =	stream.indirect.gather [hbm4b:s9+s22], $0x88, s28, s22, $0xb8;
	[tilespmem:$0x1F6A0] =	vst v63  }
0x207: {  	_ =	swait.ge [sflag:s3], $0x800  }
0x208: {  	[sflag:s3] =	ssyncset.done $0x0  }
0x209: {  	[sflag:s3] =	ssyncadd.s32 $0xFFFFF800  }
0x20a: {  	_ =	swait.ge [sflag:s3], $0x800  }
0x20b: {  	[sflag:s3] =	ssyncset.done $0x0  }
0x20c: {  	[sflag:s3] =	ssyncadd.s32 $0xFFFFF800  }
0x20d: {  	_ =	swait.ge [sflag:s3], $0x4400  }
0x20e: {  	[sflag:s3] =	ssyncset.done $0x0  }
0x20f: {  	[sflag:s3] =	ssyncadd.s32 $0xFFFFBC00  }
0x210: {  	_ =	swait.ge [sflag:s21], $0x800  }
0x211: {  	[sflag:s21] =	ssyncset.done $0x0  }
0x212: {  	[sflag:s21] =	ssyncadd.s32 $0xFFFFF800  }
0x213: {  	_ =	swait.ge [sflag:s21], $0x800  }
0x214: {  	[sflag:s21] =	ssyncset.done $0x0  }
0x215: {  	[sflag:s21] =	ssyncadd.s32 $0xFFFFF800  }
0x216: {  	_ =	swait.ge [sflag:s21], $0x4400  }
0x217: {  	[sflag:s21] =	ssyncset.done $0x0  }
0x218: {  	[sflag:s21] =	ssyncadd.s32 $0xFFFFBC00  }
0x219: {  	[bflag:$0x0] =	sbarrier.arrive $0xFFFF  }
0x21a: {  	s10 =	rddreg [dreg:$0xb]  }
0x21b: {  	[hbm:s10], [sflag:s11] =	dma.local [spmem:s19], $0x2992  }
0x21c: {  	_ =	swait.ge [sflag:s20], $0x2992  }
0x21d: {  	s8 =	sadd.s32 $0x1, s8;
	s24 =	rddreg [dreg:$0xa]  }
0x21e: {  	p0 =	sne.s32 s8, s24  }
.Ltmp3:
0x21f: {  	_ = 	snop;
	(pc) =	sbr.rel @p0 .LBB2_1-.Ltmp3, $3  }
0x220: {  	_ =	sdelay $0x1  }
0x221: {  	[sflag:s20] =	ssyncset.done $0x0  }
0x222: {  	[sflag:s20] =	ssyncadd.s32 $0xFFFFD66E  }
0x223: {  	_ =	sfence.sel $0x180000  }
0x224: {  	[bflag:$0x0] =	sbarrier.arrive $0xFFFF  }
0x225: {  	_ =	strace $0x90000047  }
0x226: {  	s0 =	stileid.u32;
	[bflag:$0x2] =	sbarrier.arrive $0xFFFF  }
0x227: {  	p0 =	sne.s32 s0, $0x0;
	s0 =	rddreg [dreg:$0x3]  }
0x228: {  	s0 =	sadd.s32 @!p0 $0x100000, s0  }
0x229: {  	[sflag:s0] =	ssyncadd.tile.s32 @!p0 $0x1;
	_ =	shalt  }
.Lfunc_end2:
_tile_overlayer_lowered:
.L_overlay_start_2:
0x22a: {  	(tag) =	ssettag $0x2  }
0x22b: {  	s0 =	rddreg [dreg:$0x0];
	s2 =	stileid.u32  }
0x22c: {  	s1 =	rddreg [dreg:$0x1];
	p0 =	sne.s32 s2, $0x0  }
0x22d: {  	s3 =	rddreg [dreg:$0x2];
	[bflag:$0x3] =	sbarrier.arrive $0xFFFF;
	s2 =	simm.s32 @!p0 $0x1C03  }
0x22e: {  	[timem:s3], [sflag:s2] =	dma.local @!p0 [hbm:s0], s1  }
0x22f: {  	s0 =	simm.s32 @!p0 $0x3  }
0x230: {  	_ =	swait.ge @!p0 [sflag:s0], s1  }
0x231: {  	s1 =	ssub.s32 @!p0 $0x0, s1;
	[sflag:s0] =	ssyncset.done @!p0 $0x0  }
0x232: {  	[sflag:s0] =	ssyncadd.s32 @!p0 s1  }
0x233: {  	[bflag:$0x3] =	sbarrier.arrive $0xFFFF  }
0x234: {  	_ =	shalt  }

</sc_bundles>
